<compile_context>
chip_gen: v7x
topology: tpu7x:2x2x1
jax: 0.10.2.dev20260603
libtpu: 0.0.44.dev20260713+nightly
codegen_flags: <defaults>
</compile_context>

<pallas_src>
import jax
import jax.numpy as jnp
from jax import lax
from jax.experimental import pallas as pl
from jax.experimental.pallas import tpu as pltpu
from jax.experimental.pallas import tpu_sc as plsc

N = 10000
E = 320000
D = 128
R = 32

NC = 2
NS = 16
DH = D // NC
EPW = E // NS
CHUNK = 125
NCHUNK = EPW // CHUNK
NBUF = 4
NIB = 6
MROWS = 5
ROWS_PER_TILE = 624
ZROWS = 104
REM_ROWS = N - NS * ROWS_PER_TILE
DEG_PER_TILE = 1000

_F32 = jnp.float32


def _sc_mesh():
    return plsc.VectorSubcoreMesh(
        core_axis_name="c", subcore_axis_name="s", num_cores=NC, num_subcores=NS
    )


def _make_sc_kernel(compute_deg):

    out_type = [jax.ShapeDtypeStruct((NC, N, DH), _F32)]
    if compute_deg:
        out_type.append(jax.ShapeDtypeStruct((N,), _F32))

    scratch = [
        pltpu.VMEM((NIB, 3, CHUNK), jnp.int32),
        pltpu.VMEM((NBUF, CHUNK, DH), _F32),
        pltpu.VMEM((NBUF, CHUNK, DH), _F32),
        pltpu.VMEM((ZROWS, DH), _F32),
        pltpu.SemaphoreType.DMA,
        pltpu.SemaphoreType.DMA,
        pltpu.SemaphoreType.DMA,
        pltpu.SemaphoreType.DMA,
        pltpu.VMEM_SHARED((N, DH), _F32),
    ]
    if compute_deg:
        scratch += [
            pltpu.VMEM((128,), _F32),
            pltpu.VMEM((DEG_PER_TILE,), _F32),
            pltpu.SemaphoreType.DMA,
            pltpu.VMEM_SHARED((N,), _F32),
        ]

    def body(x3_hbm, rel3_hbm, eidx_hbm, *rest):
        if compute_deg:
            (aggh_hbm, degp_hbm, idx_v, xr_v, rr_v, zbuf, sem_gi, sem_gx,
             sem_gr, sem_sc, agg_sh, ones_v, zdeg, sem_dg, deg_sh) = rest
        else:
            (aggh_hbm, idx_v, xr_v, rr_v, zbuf, sem_gi, sem_gx,
             sem_gr, sem_sc, agg_sh) = rest

        cid = lax.axis_index("c")
        sid = lax.axis_index("s")
        x_tab = x3_hbm.at[cid]
        rel_tab = rel3_hbm.at[cid]

        def idx_load(j):
            pltpu.async_copy(
                eidx_hbm.at[sid, j], idx_v.at[lax.rem(j, NIB)], sem_gi
            )

        for jj in range(NBUF + 1):
            idx_load(jj)

        zv = jnp.zeros((16,), _F32)

        def zrow(i, carry):
            for c4 in range(DH // 16):
                zbuf[i, pl.ds(c4 * 16, 16)] = zv
            return carry

        lax.fori_loop(0, ZROWS, zrow, 0)
        base = sid * ROWS_PER_TILE
        for k in range(ROWS_PER_TILE // ZROWS):
            pltpu.sync_copy(zbuf, agg_sh.at[pl.ds(base + k * ZROWS, ZROWS), :])

        @pl.when(sid == 0)
        def _():
            pltpu.sync_copy(
                zbuf.at[pl.ds(0, REM_ROWS), :],
                agg_sh.at[pl.ds(NS * ROWS_PER_TILE, REM_ROWS), :],
            )

        if compute_deg:
            ov = jnp.ones((16,), _F32)

            def fill1(i, carry):
                ones_v[pl.ds(i * 16, 16)] = ov
                return carry

            lax.fori_loop(0, 128 // 16, fill1, 0)

            def zd(i, carry):
                zdeg[pl.ds(i * 16, 16)] = zv
                return carry

            lax.fori_loop(0, DEG_PER_TILE // 16, zd, 0)

            @pl.when(sid < N // DEG_PER_TILE)
            def _():
                pltpu.sync_copy(
                    zdeg, deg_sh.at[pl.ds(sid * DEG_PER_TILE, DEG_PER_TILE)]
                )

        def idx_wait(j):
            pltpu.make_async_copy(
                eidx_hbm.at[sid, j], idx_v.at[lax.rem(j, NIB)], sem_gi
            ).wait()

        def issue_gathers(j):
            b = lax.rem(j, NBUF)
            i = lax.rem(j, NIB)
            pltpu.async_copy(x_tab.at[idx_v.at[i, 0]], xr_v.at[b], sem_gx)
            pltpu.async_copy(rel_tab.at[idx_v.at[i, 2]], rr_v.at[b], sem_gr)

        def wait_scatter(j):
            pltpu.make_async_copy(
                xr_v.at[lax.rem(j, NBUF)],
                agg_sh.at[idx_v.at[lax.rem(j, NIB), 1]],
                sem_sc,
            ).wait()

        def wait_deg(j):
            pltpu.make_async_copy(
                ones_v.at[pl.ds(0, CHUNK)],
                deg_sh.at[idx_v.at[lax.rem(j, NIB), 1]],
                sem_dg,
            ).wait()

        for jj in range(NBUF - 1):
            idx_wait(jj)
            issue_gathers(jj)

        plsc.subcore_barrier()

        def step(j, carry):
            b = lax.rem(j, NBUF)

            @pl.when(j >= 1)
            def _():
                wait_scatter(j - 1)
                if compute_deg:
                    wait_deg(j - 1)

            @pl.when(j + NBUF + 1 < NCHUNK)
            def _():
                idx_load(j + NBUF + 1)

            @pl.when(j + NBUF - 1 < NCHUNK)
            def _():
                idx_wait(j + NBUF - 1)
                issue_gathers(j + NBUF - 1)

            pltpu.make_async_copy(
                x_tab.at[idx_v.at[lax.rem(j, NIB), 0]], xr_v.at[b], sem_gx
            ).wait()
            pltpu.make_async_copy(
                rel_tab.at[idx_v.at[lax.rem(j, NIB), 2]], rr_v.at[b], sem_gr
            ).wait()

            xc = xr_v.at[b]
            rc = rr_v.at[b]

            @plsc.parallel_loop(0, CHUNK, step=1, unroll=MROWS)
            def mulrow(r):
                for c4 in range(DH // 16):
                    sl = pl.ds(c4 * 16, 16)
                    xc[r, sl] = xc[r, sl] * rc[r, sl]

            pltpu.async_copy(
                xr_v.at[b], agg_sh.at[idx_v.at[lax.rem(j, NIB), 1]], sem_sc,
                add=True,
            )
            if compute_deg:
                pltpu.async_copy(
                    ones_v.at[pl.ds(0, CHUNK)],
                    deg_sh.at[idx_v.at[lax.rem(j, NIB), 1]],
                    sem_dg, add=True,
                )
            return carry

        lax.fori_loop(0, NCHUNK, step, 0)
        wait_scatter(NCHUNK - 1)
        if compute_deg:
            wait_deg(NCHUNK - 1)

        plsc.subcore_barrier()

        for k in range(ROWS_PER_TILE // ZROWS):
            sl = pl.ds(base + k * ZROWS, ZROWS)
            pltpu.sync_copy(agg_sh.at[sl, :], aggh_hbm.at[cid, sl, :])

        @pl.when(sid == 0)
        def _():
            sl = pl.ds(NS * ROWS_PER_TILE, REM_ROWS)
            pltpu.sync_copy(agg_sh.at[sl, :], aggh_hbm.at[cid, sl, :])

        if compute_deg:
            @pl.when((cid == 0) & (sid < N // DEG_PER_TILE))
            def _():
                pltpu.sync_copy(
                    deg_sh.at[pl.ds(sid * DEG_PER_TILE, DEG_PER_TILE)], zdeg
                )
                pltpu.sync_copy(
                    zdeg, degp_hbm.at[pl.ds(sid * DEG_PER_TILE, DEG_PER_TILE)]
                )

    return pl.kernel(
        body, out_type=out_type, mesh=_sc_mesh(), scratch_types=scratch,
        compiler_params=pltpu.CompilerParams(use_tc_tiling_on_sc=False),
    )


_sc_layer_with_deg = _make_sc_kernel(compute_deg=True)
_sc_layer_no_deg = _make_sc_kernel(compute_deg=False)

BN = 1000


def _make_tc_kernel(apply_act, emit_split):

    def body(aggh_ref, degc_ref, xa_ref, xb_ref, wmsg_ref, wself_ref,
             rela_ref, relb_ref, wrel_ref, xo_ref, ro_ref):
        i = pl.program_id(0)
        inv = 1.0 / jnp.maximum(degc_ref[...], 1.0)
        h = jnp.dot(aggh_ref[0] * inv, wmsg_ref[0:DH, :],
                    preferred_element_type=_F32)
        h = h + jnp.dot(aggh_ref[1] * inv, wmsg_ref[DH:D, :],
                        preferred_element_type=_F32)
        h = h + jnp.dot(xa_ref[...], wself_ref[0:DH, :],
                        preferred_element_type=_F32)
        h = h + jnp.dot(xb_ref[...], wself_ref[DH:D, :],
                        preferred_element_type=_F32)
        if apply_act:
            h = jnp.maximum(h, 0.0)
        if emit_split:
            xo_ref[0] = h[:, 0:DH]
            xo_ref[1] = h[:, DH:D]
        else:
            xo_ref[...] = h

        @pl.when(i == 0)
        def _():
            ro = jnp.dot(rela_ref[...], wrel_ref[0:DH, :],
                         preferred_element_type=_F32)
            ro = ro + jnp.dot(relb_ref[...], wrel_ref[DH:D, :],
                              preferred_element_type=_F32)
            if apply_act:
                ro = jnp.maximum(ro, 0.0)
            if emit_split:
                for k in range(NS):
                    ro_ref[0, k * R:(k + 1) * R, :] = ro[:, 0:DH]
                    ro_ref[1, k * R:(k + 1) * R, :] = ro[:, DH:D]
            else:
                ro_ref[...] = ro

    grid = (N // BN,)
    in_specs = [
        pl.BlockSpec((NC, BN, DH), lambda i: (0, i, 0)),
        pl.BlockSpec((BN, 1), lambda i: (i, 0)),
        pl.BlockSpec((BN, DH), lambda i: (i, 0)),
        pl.BlockSpec((BN, DH), lambda i: (i, 0)),
        pl.BlockSpec((D, D), lambda i: (0, 0)),
        pl.BlockSpec((D, D), lambda i: (0, 0)),
        pl.BlockSpec((R, DH), lambda i: (0, 0)),
        pl.BlockSpec((R, DH), lambda i: (0, 0)),
        pl.BlockSpec((D, D), lambda i: (0, 0)),
    ]
    if emit_split:
        out_specs = [
            pl.BlockSpec((NC, BN, DH), lambda i: (0, i, 0)),
            pl.BlockSpec((NC, NS * R, DH), lambda i: (0, 0, 0)),
        ]
        out_shape = [
            jax.ShapeDtypeStruct((NC, N, DH), _F32),
            jax.ShapeDtypeStruct((NC, NS * R, DH), _F32),
        ]
    else:
        out_specs = [
            pl.BlockSpec((BN, D), lambda i: (i, 0)),
            pl.BlockSpec((R, D), lambda i: (0, 0)),
        ]
        out_shape = [
            jax.ShapeDtypeStruct((N, D), _F32),
            jax.ShapeDtypeStruct((R, D), _F32),
        ]
    return pl.pallas_call(
        body, grid=grid, in_specs=in_specs, out_specs=out_specs,
        out_shape=out_shape,
    )


_tc_layer1 = _make_tc_kernel(apply_act=True, emit_split=True)
_tc_layer2 = _make_tc_kernel(apply_act=False, emit_split=False)


def kernel(x, edge_index, edge_type, rel_embed, W_msg1, W_self1, W_rel1,
           W_msg2, W_self2, W_rel2):
    src = edge_index[0].reshape(NS, NCHUNK, 1, CHUNK)
    dst = edge_index[1].reshape(NS, NCHUNK, 1, CHUNK)
    et = (edge_type.reshape(NS, NCHUNK, 1, CHUNK)
          + (jnp.arange(NS, dtype=jnp.int32) * R).reshape(NS, 1, 1, 1))
    eidx = jnp.concatenate([src, dst, et], axis=2)

    x3 = x.reshape(N, NC, DH).transpose(1, 0, 2)
    rel3 = rel_embed.reshape(R, NC, DH).transpose(1, 0, 2)
    rel3_rep = jnp.broadcast_to(
        rel3[:, None], (NC, NS, R, DH)).reshape(NC, NS * R, DH)

    aggh1, degp = _sc_layer_with_deg(x3, rel3_rep, eidx)
    degc = degp.reshape(N, 1)
    x1s, r1rep = _tc_layer1(aggh1, degc, x3[0], x3[1], W_msg1, W_self1,
                            rel3[0], rel3[1], W_rel1)
    (aggh2,) = _sc_layer_no_deg(x1s, r1rep, eidx)
    x2, r2 = _tc_layer2(aggh2, degc, x1s[0], x1s[1], W_msg2, W_self2,
                        r1rep[0, 0:R], r1rep[1, 0:R], W_rel2)
    return (x2, r2)

# --- scband reference (transcript-rebuilt; emitter-appended) ---
"""Pipeline reference for scband-base-gnn-82051055223353 (READ-ONLY COPY).

The authoritative reference and input builder live on the scoring server;
editing this copy changes nothing except your own understanding.
"""

import jax, jax.numpy as jnp
import numpy as np

N = 10000
E = 320000
D = 128
R = 32


def setup_inputs(seed: int = 0) -> dict:
    key = jax.random.key(seed)
    ks = jax.random.split(key, 10)
    s = 1.0 / np.sqrt(D)
    x = jax.random.normal(ks[0], (N, D), dtype=jnp.float32)
    edge_index = jax.random.randint(ks[1], (2, E), 0, N, dtype=jnp.int32)
    edge_type = jax.random.randint(ks[2], (E,), 0, R, dtype=jnp.int32)
    rel_embed = jax.random.normal(ks[3], (R, D), dtype=jnp.float32)
    W_msg1 = jax.random.normal(ks[4], (D, D), dtype=jnp.float32) * s
    W_self1 = jax.random.normal(ks[5], (D, D), dtype=jnp.float32) * s
    W_rel1 = jax.random.normal(ks[6], (D, D), dtype=jnp.float32) * s
    W_msg2 = jax.random.normal(ks[7], (D, D), dtype=jnp.float32) * s
    W_self2 = jax.random.normal(ks[8], (D, D), dtype=jnp.float32) * s
    W_rel2 = jax.random.normal(ks[9], (D, D), dtype=jnp.float32) * s
    return {"x": x, "edge_index": edge_index, "edge_type": edge_type, "rel_embed": rel_embed,
            "W_msg1": W_msg1, "W_self1": W_self1, "W_rel1": W_rel1,
            "W_msg2": W_msg2, "W_self2": W_self2, "W_rel2": W_rel2}


def _mp_layer(x, rel, src, dst, etype, W_msg, W_self, W_rel, apply_act):
    # relational message passing: gather source node feats, modulate by relation embedding
    m = x[src] * rel[etype]
    agg = jax.ops.segment_sum(m, dst, num_segments=N)
    deg = jax.ops.segment_sum(jnp.ones((src.shape[0], 1), x.dtype), dst, num_segments=N)
    agg = agg / jnp.maximum(deg, 1.0)
    out = agg @ W_msg + x @ W_self
    rel_out = rel @ W_rel
    if apply_act:
        out = jax.nn.relu(out)
    return out, rel_out


def reference(x, edge_index, edge_type, rel_embed, W_msg1, W_self1, W_rel1, W_msg2, W_self2, W_rel2):
    src = edge_index[0]
    dst = edge_index[1]
    # layer 0 (first layer, act=relu, n_layers=2)
    x1, r1 = _mp_layer(x, rel_embed, src, dst, edge_type, W_msg1, W_self1, W_rel1, apply_act=True)
    # act_r applied between layers (i != last)
    r1 = jax.nn.relu(r1)
    # layer 1 (last layer, act=None)
    x2, r2 = _mp_layer(x1, r1, src, dst, edge_type, W_msg2, W_self2, W_rel2, apply_act=False)
    return (x2, r2)

if __name__ == "__main__":
    import jax
    _d = setup_inputs()
    print(jax.jit(kernel)(*tuple(_d.values())))

</pallas_src>

<mosaic_0001>
#map = affine_map<(d0, d1) -> (0, 0, 0)>
#map1 = affine_map<(d0, d1) -> (0, 0, 0, 0)>
#map2 = affine_map<(d0, d1) -> (0)>
module attributes {stable_mosaic.version = 14 : i64} {
  func.func @body(%arg0: i32, %arg1: i32, %arg2: memref<2x10000x64xf32, #tpu.memory_space<hbm>>, %arg3: memref<2x512x64xf32, #tpu.memory_space<hbm>>, %arg4: memref<16x160x3x125xi32, #tpu.memory_space<hbm>>, %arg5: memref<2x10000x64xf32, #tpu.memory_space<hbm>>, %arg6: memref<10000xf32, #tpu.memory_space<hbm>>, %arg7: memref<6x3x125xi32, #tpu.memory_space<vmem>>, %arg8: memref<4x125x64xf32, #tpu.memory_space<vmem>>, %arg9: memref<4x125x64xf32, #tpu.memory_space<vmem>>, %arg10: memref<104x64xf32, #tpu.memory_space<vmem>>, %arg11: memref<!tpu.dma_semaphore, #tpu.memory_space<semaphore_mem>>, %arg12: memref<!tpu.dma_semaphore, #tpu.memory_space<semaphore_mem>>, %arg13: memref<!tpu.dma_semaphore, #tpu.memory_space<semaphore_mem>>, %arg14: memref<!tpu.dma_semaphore, #tpu.memory_space<semaphore_mem>>, %arg15: memref<10000x64xf32, #tpu.memory_space<vmem_shared>>, %arg16: memref<128xf32, #tpu.memory_space<vmem>>, %arg17: memref<1000xf32, #tpu.memory_space<vmem>>, %arg18: memref<!tpu.dma_semaphore, #tpu.memory_space<semaphore_mem>>, %arg19: memref<10000xf32, #tpu.memory_space<vmem_shared>>) attributes {dimension_semantics = [#tpu.dimension_semantics<core_parallel>, #tpu.dimension_semantics<subcore_parallel>], iteration_bounds = array<i64: 2, 16>, scalar_prefetch = 0 : i64, scratch_operands = 13 : i64, tpu.core_type = #tpu.core_type<sc_vector_subcore>, window_params = [{transform_indices = #map}, {transform_indices = #map}, {transform_indices = #map1}, {transform_indices = #map}, {transform_indices = #map2}]} {
    %rem3A = arith.constant 0 : i32
    %rem3A_0 = arith.constant 6 : i32
    %rem3A_1 = arith.remsi %rem3A, %rem3A_0 : i32
    %dma_start3A = arith.constant 0 : i32
    %dma_start3A_2 = arith.constant 0 : i32
    %dma_start3A_3 = arith.constant 0 : i32
    %dma_start3A_4 = tpu.memref_slice %arg7[%rem3A_1, %dma_start3A_2, %dma_start3A_3] : memref<6x3x125xi32, #tpu.memory_space<vmem>> -> memref<1x3x125xi32, #tpu.memory_space<vmem>>
    %dma_start3A_5 = tpu.memref_squeeze %dma_start3A_4 : memref<1x3x125xi32, #tpu.memory_space<vmem>> -> memref<3x125xi32, #tpu.memory_space<vmem>>
    %dma_start3A_6 = arith.constant 0 : i32
    %dma_start3A_7 = arith.constant 0 : i32
    %dma_start3A_8 = tpu.memref_slice %arg4[%arg1, %dma_start3A, %dma_start3A_6, %dma_start3A_7] : memref<16x160x3x125xi32, #tpu.memory_space<hbm>> -> memref<1x1x3x125xi32, #tpu.memory_space<hbm>>
    %dma_start3A_9 = tpu.memref_squeeze %dma_start3A_8 : memref<1x1x3x125xi32, #tpu.memory_space<hbm>> -> memref<3x125xi32, #tpu.memory_space<hbm>>
    %dma_start3A_10 = arith.constant 0 : i32
    %dma_start3A_11 = arith.constant 0 : i32
    %dma_start3A_12 = tpu.memref_slice %arg7[%rem3A_1, %dma_start3A_10, %dma_start3A_11] : memref<6x3x125xi32, #tpu.memory_space<vmem>> -> memref<1x3x125xi32, #tpu.memory_space<vmem>>
    %dma_start3A_13 = tpu.memref_squeeze %dma_start3A_12 : memref<1x3x125xi32, #tpu.memory_space<vmem>> -> memref<3x125xi32, #tpu.memory_space<vmem>>
    %dma_start3A_14 = arith.constant 0 : i32
    %dma_start3A_15 = arith.constant 0 : i32
    %dma_start3A_16 = tpu.memref_slice %arg4[%arg1, %dma_start3A, %dma_start3A_14, %dma_start3A_15] : memref<16x160x3x125xi32, #tpu.memory_space<hbm>> -> memref<1x1x3x125xi32, #tpu.memory_space<hbm>>
    %dma_start3A_17 = tpu.memref_squeeze %dma_start3A_16 : memref<1x1x3x125xi32, #tpu.memory_space<hbm>> -> memref<3x125xi32, #tpu.memory_space<hbm>>
    tpu.enqueue_dma source(%dma_start3A_17 : memref<3x125xi32, #tpu.memory_space<hbm>>) target(%dma_start3A_13 : memref<3x125xi32, #tpu.memory_space<vmem>>) target_semaphore(%arg11 : memref<!tpu.dma_semaphore, #tpu.memory_space<semaphore_mem>>)
    %rem3A_18 = arith.constant 1 : i32
    %rem3A_19 = arith.constant 6 : i32
    %rem3A_20 = arith.remsi %rem3A_18, %rem3A_19 : i32
    %dma_start3A_21 = arith.constant 1 : i32
    %dma_start3A_22 = arith.constant 0 : i32
    %dma_start3A_23 = arith.constant 0 : i32
    %dma_start3A_24 = tpu.memref_slice %arg7[%rem3A_20, %dma_start3A_22, %dma_start3A_23] : memref<6x3x125xi32, #tpu.memory_space<vmem>> -> memref<1x3x125xi32, #tpu.memory_space<vmem>>
    %dma_start3A_25 = tpu.memref_squeeze %dma_start3A_24 : memref<1x3x125xi32, #tpu.memory_space<vmem>> -> memref<3x125xi32, #tpu.memory_space<vmem>>
    %dma_start3A_26 = arith.constant 0 : i32
    %dma_start3A_27 = arith.constant 0 : i32
    %dma_start3A_28 = tpu.memref_slice %arg4[%arg1, %dma_start3A_21, %dma_start3A_26, %dma_start3A_27] : memref<16x160x3x125xi32, #tpu.memory_space<hbm>> -> memref<1x1x3x125xi32, #tpu.memory_space<hbm>>
    %dma_start3A_29 = tpu.memref_squeeze %dma_start3A_28 : memref<1x1x3x125xi32, #tpu.memory_space<hbm>> -> memref<3x125xi32, #tpu.memory_space<hbm>>
    %dma_start3A_30 = arith.constant 0 : i32
    %dma_start3A_31 = arith.constant 0 : i32
    %dma_start3A_32 = tpu.memref_slice %arg7[%rem3A_20, %dma_start3A_30, %dma_start3A_31] : memref<6x3x125xi32, #tpu.memory_space<vmem>> -> memref<1x3x125xi32, #tpu.memory_space<vmem>>
    %dma_start3A_33 = tpu.memref_squeeze %dma_start3A_32 : memref<1x3x125xi32, #tpu.memory_space<vmem>> -> memref<3x125xi32, #tpu.memory_space<vmem>>
    %dma_start3A_34 = arith.constant 0 : i32
    %dma_start3A_35 = arith.constant 0 : i32
    %dma_start3A_36 = tpu.memref_slice %arg4[%arg1, %dma_start3A_21, %dma_start3A_34, %dma_start3A_35] : memref<16x160x3x125xi32, #tpu.memory_space<hbm>> -> memref<1x1x3x125xi32, #tpu.memory_space<hbm>>
    %dma_start3A_37 = tpu.memref_squeeze %dma_start3A_36 : memref<1x1x3x125xi32, #tpu.memory_space<hbm>> -> memref<3x125xi32, #tpu.memory_space<hbm>>
    tpu.enqueue_dma source(%dma_start3A_37 : memref<3x125xi32, #tpu.memory_space<hbm>>) target(%dma_start3A_33 : memref<3x125xi32, #tpu.memory_space<vmem>>) target_semaphore(%arg11 : memref<!tpu.dma_semaphore, #tpu.memory_space<semaphore_mem>>)
    %rem3A_38 = arith.constant 2 : i32
    %rem3A_39 = arith.constant 6 : i32
    %rem3A_40 = arith.remsi %rem3A_38, %rem3A_39 : i32
    %dma_start3A_41 = arith.constant 2 : i32
    %dma_start3A_42 = arith.constant 0 : i32
    %dma_start3A_43 = arith.constant 0 : i32
    %dma_start3A_44 = tpu.memref_slice %arg7[%rem3A_40, %dma_start3A_42, %dma_start3A_43] : memref<6x3x125xi32, #tpu.memory_space<vmem>> -> memref<1x3x125xi32, #tpu.memory_space<vmem>>
    %dma_start3A_45 = tpu.memref_squeeze %dma_start3A_44 : memref<1x3x125xi32, #tpu.memory_space<vmem>> -> memref<3x125xi32, #tpu.memory_space<vmem>>
    %dma_start3A_46 = arith.constant 0 : i32
    %dma_start3A_47 = arith.constant 0 : i32
    %dma_start3A_48 = tpu.memref_slice %arg4[%arg1, %dma_start3A_41, %dma_start3A_46, %dma_start3A_47] : memref<16x160x3x125xi32, #tpu.memory_space<hbm>> -> memref<1x1x3x125xi32, #tpu.memory_space<hbm>>
    %dma_start3A_49 = tpu.memref_squeeze %dma_start3A_48 : memref<1x1x3x125xi32, #tpu.memory_space<hbm>> -> memref<3x125xi32, #tpu.memory_space<hbm>>
    %dma_start3A_50 = arith.constant 0 : i32
    %dma_start3A_51 = arith.constant 0 : i32
    %dma_start3A_52 = tpu.memref_slice %arg7[%rem3A_40, %dma_start3A_50, %dma_start3A_51] : memref<6x3x125xi32, #tpu.memory_space<vmem>> -> memref<1x3x125xi32, #tpu.memory_space<vmem>>
    %dma_start3A_53 = tpu.memref_squeeze %dma_start3A_52 : memref<1x3x125xi32, #tpu.memory_space<vmem>> -> memref<3x125xi32, #tpu.memory_space<vmem>>
    %dma_start3A_54 = arith.constant 0 : i32
    %dma_start3A_55 = arith.constant 0 : i32
    %dma_start3A_56 = tpu.memref_slice %arg4[%arg1, %dma_start3A_41, %dma_start3A_54, %dma_start3A_55] : memref<16x160x3x125xi32, #tpu.memory_space<hbm>> -> memref<1x1x3x125xi32, #tpu.memory_space<hbm>>
    %dma_start3A_57 = tpu.memref_squeeze %dma_start3A_56 : memref<1x1x3x125xi32, #tpu.memory_space<hbm>> -> memref<3x125xi32, #tpu.memory_space<hbm>>
    tpu.enqueue_dma source(%dma_start3A_57 : memref<3x125xi32, #tpu.memory_space<hbm>>) target(%dma_start3A_53 : memref<3x125xi32, #tpu.memory_space<vmem>>) target_semaphore(%arg11 : memref<!tpu.dma_semaphore, #tpu.memory_space<semaphore_mem>>)
    %rem3A_58 = arith.constant 3 : i32
    %rem3A_59 = arith.constant 6 : i32
    %rem3A_60 = arith.remsi %rem3A_58, %rem3A_59 : i32
    %dma_start3A_61 = arith.constant 3 : i32
    %dma_start3A_62 = arith.constant 0 : i32
    %dma_start3A_63 = arith.constant 0 : i32
    %dma_start3A_64 = tpu.memref_slice %arg7[%rem3A_60, %dma_start3A_62, %dma_start3A_63] : memref<6x3x125xi32, #tpu.memory_space<vmem>> -> memref<1x3x125xi32, #tpu.memory_space<vmem>>
    %dma_start3A_65 = tpu.memref_squeeze %dma_start3A_64 : memref<1x3x125xi32, #tpu.memory_space<vmem>> -> memref<3x125xi32, #tpu.memory_space<vmem>>
    %dma_start3A_66 = arith.constant 0 : i32
    %dma_start3A_67 = arith.constant 0 : i32
    %dma_start3A_68 = tpu.memref_slice %arg4[%arg1, %dma_start3A_61, %dma_start3A_66, %dma_start3A_67] : memref<16x160x3x125xi32, #tpu.memory_space<hbm>> -> memref<1x1x3x125xi32, #tpu.memory_space<hbm>>
    %dma_start3A_69 = tpu.memref_squeeze %dma_start3A_68 : memref<1x1x3x125xi32, #tpu.memory_space<hbm>> -> memref<3x125xi32, #tpu.memory_space<hbm>>
    %dma_start3A_70 = arith.constant 0 : i32
    %dma_start3A_71 = arith.constant 0 : i32
    %dma_start3A_72 = tpu.memref_slice %arg7[%rem3A_60, %dma_start3A_70, %dma_start3A_71] : memref<6x3x125xi32, #tpu.memory_space<vmem>> -> memref<1x3x125xi32, #tpu.memory_space<vmem>>
    %dma_start3A_73 = tpu.memref_squeeze %dma_start3A_72 : memref<1x3x125xi32, #tpu.memory_space<vmem>> -> memref<3x125xi32, #tpu.memory_space<vmem>>
    %dma_start3A_74 = arith.constant 0 : i32
    %dma_start3A_75 = arith.constant 0 : i32
    %dma_start3A_76 = tpu.memref_slice %arg4[%arg1, %dma_start3A_61, %dma_start3A_74, %dma_start3A_75] : memref<16x160x3x125xi32, #tpu.memory_space<hbm>> -> memref<1x1x3x125xi32, #tpu.memory_space<hbm>>
    %dma_start3A_77 = tpu.memref_squeeze %dma_start3A_76 : memref<1x1x3x125xi32, #tpu.memory_space<hbm>> -> memref<3x125xi32, #tpu.memory_space<hbm>>
    tpu.enqueue_dma source(%dma_start3A_77 : memref<3x125xi32, #tpu.memory_space<hbm>>) target(%dma_start3A_73 : memref<3x125xi32, #tpu.memory_space<vmem>>) target_semaphore(%arg11 : memref<!tpu.dma_semaphore, #tpu.memory_space<semaphore_mem>>)
    %rem3A_78 = arith.constant 4 : i32
    %rem3A_79 = arith.constant 6 : i32
    %rem3A_80 = arith.remsi %rem3A_78, %rem3A_79 : i32
    %dma_start3A_81 = arith.constant 4 : i32
    %dma_start3A_82 = arith.constant 0 : i32
    %dma_start3A_83 = arith.constant 0 : i32
    %dma_start3A_84 = tpu.memref_slice %arg7[%rem3A_80, %dma_start3A_82, %dma_start3A_83] : memref<6x3x125xi32, #tpu.memory_space<vmem>> -> memref<1x3x125xi32, #tpu.memory_space<vmem>>
    %dma_start3A_85 = tpu.memref_squeeze %dma_start3A_84 : memref<1x3x125xi32, #tpu.memory_space<vmem>> -> memref<3x125xi32, #tpu.memory_space<vmem>>
    %dma_start3A_86 = arith.constant 0 : i32
    %dma_start3A_87 = arith.constant 0 : i32
    %dma_start3A_88 = tpu.memref_slice %arg4[%arg1, %dma_start3A_81, %dma_start3A_86, %dma_start3A_87] : memref<16x160x3x125xi32, #tpu.memory_space<hbm>> -> memref<1x1x3x125xi32, #tpu.memory_space<hbm>>
    %dma_start3A_89 = tpu.memref_squeeze %dma_start3A_88 : memref<1x1x3x125xi32, #tpu.memory_space<hbm>> -> memref<3x125xi32, #tpu.memory_space<hbm>>
    %dma_start3A_90 = arith.constant 0 : i32
    %dma_start3A_91 = arith.constant 0 : i32
    %dma_start3A_92 = tpu.memref_slice %arg7[%rem3A_80, %dma_start3A_90, %dma_start3A_91] : memref<6x3x125xi32, #tpu.memory_space<vmem>> -> memref<1x3x125xi32, #tpu.memory_space<vmem>>
    %dma_start3A_93 = tpu.memref_squeeze %dma_start3A_92 : memref<1x3x125xi32, #tpu.memory_space<vmem>> -> memref<3x125xi32, #tpu.memory_space<vmem>>
    %dma_start3A_94 = arith.constant 0 : i32
    %dma_start3A_95 = arith.constant 0 : i32
    %dma_start3A_96 = tpu.memref_slice %arg4[%arg1, %dma_start3A_81, %dma_start3A_94, %dma_start3A_95] : memref<16x160x3x125xi32, #tpu.memory_space<hbm>> -> memref<1x1x3x125xi32, #tpu.memory_space<hbm>>
    %dma_start3A_97 = tpu.memref_squeeze %dma_start3A_96 : memref<1x1x3x125xi32, #tpu.memory_space<hbm>> -> memref<3x125xi32, #tpu.memory_space<hbm>>
    tpu.enqueue_dma source(%dma_start3A_97 : memref<3x125xi32, #tpu.memory_space<hbm>>) target(%dma_start3A_93 : memref<3x125xi32, #tpu.memory_space<vmem>>) target_semaphore(%arg11 : memref<!tpu.dma_semaphore, #tpu.memory_space<semaphore_mem>>)
    %broadcast_in_dim3A = arith.constant 0.000000e+00 : f32
    %broadcast_in_dim3A_98 = vector.broadcast %broadcast_in_dim3A : f32 to vector<16xf32>
    %scan3A = arith.constant 0 : i32
    %scan3A_99 = arith.constant 0 : i32
    %scan3A_100 = arith.constant 104 : i32
    %scan3A_101 = arith.addi %scan3A_99, %scan3A_100 : i32
    %scan3A_102 = arith.constant 1 : i32
    scf.for %scan3A_362 = %scan3A_99 to %scan3A_101 step %scan3A_102  : i32 {
      %swap3A = arith.index_cast %scan3A_362 : i32 to index
      %swap3A_363 = arith.constant 0 : index
      %swap3A_364 = tpu.vector_load %arg10[%swap3A, %swap3A_363] {strides = array<i32>} : memref<104x64xf32, #tpu.memory_space<vmem>>, vector<1x16xf32>,
      %swap3A_365 = vector.shape_cast %swap3A_364 : vector<1x16xf32> to vector<16xf32>
      %swap3A_366 = vector.shape_cast %broadcast_in_dim3A_98 : vector<16xf32> to vector<1x16xf32>
      tpu.vector_store %arg10[%swap3A, %swap3A_363], %swap3A_366 {strides = array<i32>} : memref<104x64xf32, #tpu.memory_space<vmem>>, vector<1x16xf32>,
      %swap3A_367 = arith.index_cast %scan3A_362 : i32 to index
      %swap3A_368 = arith.constant 16 : index
      %swap3A_369 = tpu.vector_load %arg10[%swap3A_367, %swap3A_368] {strides = array<i32>} : memref<104x64xf32, #tpu.memory_space<vmem>>, vector<1x16xf32>,
      %swap3A_370 = vector.shape_cast %swap3A_369 : vector<1x16xf32> to vector<16xf32>
      %swap3A_371 = vector.shape_cast %broadcast_in_dim3A_98 : vector<16xf32> to vector<1x16xf32>
      tpu.vector_store %arg10[%swap3A_367, %swap3A_368], %swap3A_371 {strides = array<i32>} : memref<104x64xf32, #tpu.memory_space<vmem>>, vector<1x16xf32>,
      %swap3A_372 = arith.index_cast %scan3A_362 : i32 to index
      %swap3A_373 = arith.constant 32 : index
      %swap3A_374 = tpu.vector_load %arg10[%swap3A_372, %swap3A_373] {strides = array<i32>} : memref<104x64xf32, #tpu.memory_space<vmem>>, vector<1x16xf32>,
      %swap3A_375 = vector.shape_cast %swap3A_374 : vector<1x16xf32> to vector<16xf32>
      %swap3A_376 = vector.shape_cast %broadcast_in_dim3A_98 : vector<16xf32> to vector<1x16xf32>
      tpu.vector_store %arg10[%swap3A_372, %swap3A_373], %swap3A_376 {strides = array<i32>} : memref<104x64xf32, #tpu.memory_space<vmem>>, vector<1x16xf32>,
      %swap3A_377 = arith.index_cast %scan3A_362 : i32 to index
      %swap3A_378 = arith.constant 48 : index
      %swap3A_379 = tpu.vector_load %arg10[%swap3A_377, %swap3A_378] {strides = array<i32>} : memref<104x64xf32, #tpu.memory_space<vmem>>, vector<1x16xf32>,
      %swap3A_380 = vector.shape_cast %swap3A_379 : vector<1x16xf32> to vector<16xf32>
      %swap3A_381 = vector.shape_cast %broadcast_in_dim3A_98 : vector<16xf32> to vector<1x16xf32>
      tpu.vector_store %arg10[%swap3A_377, %swap3A_378], %swap3A_381 {strides = array<i32>} : memref<104x64xf32, #tpu.memory_space<vmem>>, vector<1x16xf32>,
    }
    %scan3A_103 = arith.constant 104 : i32
    %mul3A = arith.constant 624 : i32
    %mul3A_104 = arith.muli %arg1, %mul3A : i32
    %add3A = arith.constant 0 : i32
    %add3A_105 = arith.addi %mul3A_104, %add3A : i32
    "tpu.region"() ({
      %run_scoped3A = tpu.sem_alloc : memref<!tpu.dma_semaphore, #tpu.memory_space<semaphore_mem>>
      %dma_start3A_362 = arith.constant 0 : i32
      %dma_start3A_363 = tpu.memref_slice %arg15[%add3A_105, %dma_start3A_362] : memref<10000x64xf32, #tpu.memory_space<vmem_shared>> -> memref<104x64xf32, #tpu.memory_space<vmem_shared>>
      %dma_start3A_364 = arith.constant 0 : i32
      %dma_start3A_365 = tpu.memref_slice %arg15[%add3A_105, %dma_start3A_364] : memref<10000x64xf32, #tpu.memory_space<vmem_shared>> -> memref<104x64xf32, #tpu.memory_space<vmem_shared>>
      tpu.enqueue_dma source(%arg10 : memref<104x64xf32, #tpu.memory_space<vmem>>) target(%dma_start3A_365 : memref<104x64xf32, #tpu.memory_space<vmem_shared>>) target_semaphore(%run_scoped3A : memref<!tpu.dma_semaphore, #tpu.memory_space<semaphore_mem>>)
      %dma_wait3A_366 = arith.constant 0 : i32
      %dma_wait3A_367 = tpu.memref_slice %arg15[%add3A_105, %dma_wait3A_366] : memref<10000x64xf32, #tpu.memory_space<vmem_shared>> -> memref<104x64xf32, #tpu.memory_space<vmem_shared>>
      %dma_wait3A_368 = arith.constant 0 : i32
      %dma_wait3A_369 = tpu.memref_slice %arg15[%add3A_105, %dma_wait3A_368] : memref<10000x64xf32, #tpu.memory_space<vmem_shared>> -> memref<104x64xf32, #tpu.memory_space<vmem_shared>>
      tpu.wait_dma2 semaphore(%run_scoped3A : memref<!tpu.dma_semaphore, #tpu.memory_space<semaphore_mem>>) src(%arg10 : memref<104x64xf32, #tpu.memory_space<vmem>>) dst(%dma_wait3A_369 : memref<104x64xf32, #tpu.memory_space<vmem_shared>>)
      tpu.yield
    }) : () -> ()
    %add3A_106 = arith.constant 104 : i32
    %add3A_107 = arith.addi %mul3A_104, %add3A_106 : i32
    "tpu.region"() ({
      %run_scoped3A = tpu.sem_alloc : memref<!tpu.dma_semaphore, #tpu.memory_space<semaphore_mem>>
      %dma_start3A_362 = arith.constant 0 : i32
      %dma_start3A_363 = tpu.memref_slice %arg15[%add3A_107, %dma_start3A_362] : memref<10000x64xf32, #tpu.memory_space<vmem_shared>> -> memref<104x64xf32, #tpu.memory_space<vmem_shared>>
      %dma_start3A_364 = arith.constant 0 : i32
      %dma_start3A_365 = tpu.memref_slice %arg15[%add3A_107, %dma_start3A_364] : memref<10000x64xf32, #tpu.memory_space<vmem_shared>> -> memref<104x64xf32, #tpu.memory_space<vmem_shared>>
      tpu.enqueue_dma source(%arg10 : memref<104x64xf32, #tpu.memory_space<vmem>>) target(%dma_start3A_365 : memref<104x64xf32, #tpu.memory_space<vmem_shared>>) target_semaphore(%run_scoped3A : memref<!tpu.dma_semaphore, #tpu.memory_space<semaphore_mem>>)
      %dma_wait3A_366 = arith.constant 0 : i32
      %dma_wait3A_367 = tpu.memref_slice %arg15[%add3A_107, %dma_wait3A_366] : memref<10000x64xf32, #tpu.memory_space<vmem_shared>> -> memref<104x64xf32, #tpu.memory_space<vmem_shared>>
      %dma_wait3A_368 = arith.constant 0 : i32
      %dma_wait3A_369 = tpu.memref_slice %arg15[%add3A_107, %dma_wait3A_368] : memref<10000x64xf32, #tpu.memory_space<vmem_shared>> -> memref<104x64xf32, #tpu.memory_space<vmem_shared>>
      tpu.wait_dma2 semaphore(%run_scoped3A : memref<!tpu.dma_semaphore, #tpu.memory_space<semaphore_mem>>) src(%arg10 : memref<104x64xf32, #tpu.memory_space<vmem>>) dst(%dma_wait3A_369 : memref<104x64xf32, #tpu.memory_space<vmem_shared>>)
      tpu.yield
    }) : () -> ()
    %add3A_108 = arith.constant 208 : i32
    %add3A_109 = arith.addi %mul3A_104, %add3A_108 : i32
    "tpu.region"() ({
      %run_scoped3A = tpu.sem_alloc : memref<!tpu.dma_semaphore, #tpu.memory_space<semaphore_mem>>
      %dma_start3A_362 = arith.constant 0 : i32
      %dma_start3A_363 = tpu.memref_slice %arg15[%add3A_109, %dma_start3A_362] : memref<10000x64xf32, #tpu.memory_space<vmem_shared>> -> memref<104x64xf32, #tpu.memory_space<vmem_shared>>
      %dma_start3A_364 = arith.constant 0 : i32
      %dma_start3A_365 = tpu.memref_slice %arg15[%add3A_109, %dma_start3A_364] : memref<10000x64xf32, #tpu.memory_space<vmem_shared>> -> memref<104x64xf32, #tpu.memory_space<vmem_shared>>
      tpu.enqueue_dma source(%arg10 : memref<104x64xf32, #tpu.memory_space<vmem>>) target(%dma_start3A_365 : memref<104x64xf32, #tpu.memory_space<vmem_shared>>) target_semaphore(%run_scoped3A : memref<!tpu.dma_semaphore, #tpu.memory_space<semaphore_mem>>)
      %dma_wait3A_366 = arith.constant 0 : i32
      %dma_wait3A_367 = tpu.memref_slice %arg15[%add3A_109, %dma_wait3A_366] : memref<10000x64xf32, #tpu.memory_space<vmem_shared>> -> memref<104x64xf32, #tpu.memory_space<vmem_shared>>
      %dma_wait3A_368 = arith.constant 0 : i32
      %dma_wait3A_369 = tpu.memref_slice %arg15[%add3A_109, %dma_wait3A_368] : memref<10000x64xf32, #tpu.memory_space<vmem_shared>> -> memref<104x64xf32, #tpu.memory_space<vmem_shared>>
      tpu.wait_dma2 semaphore(%run_scoped3A : memref<!tpu.dma_semaphore, #tpu.memory_space<semaphore_mem>>) src(%arg10 : memref<104x64xf32, #tpu.memory_space<vmem>>) dst(%dma_wait3A_369 : memref<104x64xf32, #tpu.memory_space<vmem_shared>>)
      tpu.yield
    }) : () -> ()
    %add3A_110 = arith.constant 312 : i32
    %add3A_111 = arith.addi %mul3A_104, %add3A_110 : i32
    "tpu.region"() ({
      %run_scoped3A = tpu.sem_alloc : memref<!tpu.dma_semaphore, #tpu.memory_space<semaphore_mem>>
      %dma_start3A_362 = arith.constant 0 : i32
      %dma_start3A_363 = tpu.memref_slice %arg15[%add3A_111, %dma_start3A_362] : memref<10000x64xf32, #tpu.memory_space<vmem_shared>> -> memref<104x64xf32, #tpu.memory_space<vmem_shared>>
      %dma_start3A_364 = arith.constant 0 : i32
      %dma_start3A_365 = tpu.memref_slice %arg15[%add3A_111, %dma_start3A_364] : memref<10000x64xf32, #tpu.memory_space<vmem_shared>> -> memref<104x64xf32, #tpu.memory_space<vmem_shared>>
      tpu.enqueue_dma source(%arg10 : memref<104x64xf32, #tpu.memory_space<vmem>>) target(%dma_start3A_365 : memref<104x64xf32, #tpu.memory_space<vmem_shared>>) target_semaphore(%run_scoped3A : memref<!tpu.dma_semaphore, #tpu.memory_space<semaphore_mem>>)
      %dma_wait3A_366 = arith.constant 0 : i32
      %dma_wait3A_367 = tpu.memref_slice %arg15[%add3A_111, %dma_wait3A_366] : memref<10000x64xf32, #tpu.memory_space<vmem_shared>> -> memref<104x64xf32, #tpu.memory_space<vmem_shared>>
      %dma_wait3A_368 = arith.constant 0 : i32
      %dma_wait3A_369 = tpu.memref_slice %arg15[%add3A_111, %dma_wait3A_368] : memref<10000x64xf32, #tpu.memory_space<vmem_shared>> -> memref<104x64xf32, #tpu.memory_space<vmem_shared>>
      tpu.wait_dma2 semaphore(%run_scoped3A : memref<!tpu.dma_semaphore, #tpu.memory_space<semaphore_mem>>) src(%arg10 : memref<104x64xf32, #tpu.memory_space<vmem>>) dst(%dma_wait3A_369 : memref<104x64xf32, #tpu.memory_space<vmem_shared>>)
      tpu.yield
    }) : () -> ()
    %add3A_112 = arith.constant 416 : i32
    %add3A_113 = arith.addi %mul3A_104, %add3A_112 : i32
    "tpu.region"() ({
      %run_scoped3A = tpu.sem_alloc : memref<!tpu.dma_semaphore, #tpu.memory_space<semaphore_mem>>
      %dma_start3A_362 = arith.constant 0 : i32
      %dma_start3A_363 = tpu.memref_slice %arg15[%add3A_113, %dma_start3A_362] : memref<10000x64xf32, #tpu.memory_space<vmem_shared>> -> memref<104x64xf32, #tpu.memory_space<vmem_shared>>
      %dma_start3A_364 = arith.constant 0 : i32
      %dma_start3A_365 = tpu.memref_slice %arg15[%add3A_113, %dma_start3A_364] : memref<10000x64xf32, #tpu.memory_space<vmem_shared>> -> memref<104x64xf32, #tpu.memory_space<vmem_shared>>
      tpu.enqueue_dma source(%arg10 : memref<104x64xf32, #tpu.memory_space<vmem>>) target(%dma_start3A_365 : memref<104x64xf32, #tpu.memory_space<vmem_shared>>) target_semaphore(%run_scoped3A : memref<!tpu.dma_semaphore, #tpu.memory_space<semaphore_mem>>)
      %dma_wait3A_366 = arith.constant 0 : i32
      %dma_wait3A_367 = tpu.memref_slice %arg15[%add3A_113, %dma_wait3A_366] : memref<10000x64xf32, #tpu.memory_space<vmem_shared>> -> memref<104x64xf32, #tpu.memory_space<vmem_shared>>
      %dma_wait3A_368 = arith.constant 0 : i32
      %dma_wait3A_369 = tpu.memref_slice %arg15[%add3A_113, %dma_wait3A_368] : memref<10000x64xf32, #tpu.memory_space<vmem_shared>> -> memref<104x64xf32, #tpu.memory_space<vmem_shared>>
      tpu.wait_dma2 semaphore(%run_scoped3A : memref<!tpu.dma_semaphore, #tpu.memory_space<semaphore_mem>>) src(%arg10 : memref<104x64xf32, #tpu.memory_space<vmem>>) dst(%dma_wait3A_369 : memref<104x64xf32, #tpu.memory_space<vmem_shared>>)
      tpu.yield
    }) : () -> ()
    %add3A_114 = arith.constant 520 : i32
    %add3A_115 = arith.addi %mul3A_104, %add3A_114 : i32
    "tpu.region"() ({
      %run_scoped3A = tpu.sem_alloc : memref<!tpu.dma_semaphore, #tpu.memory_space<semaphore_mem>>
      %dma_start3A_362 = arith.constant 0 : i32
      %dma_start3A_363 = tpu.memref_slice %arg15[%add3A_115, %dma_start3A_362] : memref<10000x64xf32, #tpu.memory_space<vmem_shared>> -> memref<104x64xf32, #tpu.memory_space<vmem_shared>>
      %dma_start3A_364 = arith.constant 0 : i32
      %dma_start3A_365 = tpu.memref_slice %arg15[%add3A_115, %dma_start3A_364] : memref<10000x64xf32, #tpu.memory_space<vmem_shared>> -> memref<104x64xf32, #tpu.memory_space<vmem_shared>>
      tpu.enqueue_dma source(%arg10 : memref<104x64xf32, #tpu.memory_space<vmem>>) target(%dma_start3A_365 : memref<104x64xf32, #tpu.memory_space<vmem_shared>>) target_semaphore(%run_scoped3A : memref<!tpu.dma_semaphore, #tpu.memory_space<semaphore_mem>>)
      %dma_wait3A_366 = arith.constant 0 : i32
      %dma_wait3A_367 = tpu.memref_slice %arg15[%add3A_115, %dma_wait3A_366] : memref<10000x64xf32, #tpu.memory_space<vmem_shared>> -> memref<104x64xf32, #tpu.memory_space<vmem_shared>>
      %dma_wait3A_368 = arith.constant 0 : i32
      %dma_wait3A_369 = tpu.memref_slice %arg15[%add3A_115, %dma_wait3A_368] : memref<10000x64xf32, #tpu.memory_space<vmem_shared>> -> memref<104x64xf32, #tpu.memory_space<vmem_shared>>
      tpu.wait_dma2 semaphore(%run_scoped3A : memref<!tpu.dma_semaphore, #tpu.memory_space<semaphore_mem>>) src(%arg10 : memref<104x64xf32, #tpu.memory_space<vmem>>) dst(%dma_wait3A_369 : memref<104x64xf32, #tpu.memory_space<vmem_shared>>)
      tpu.yield
    }) : () -> ()
    %eq3A = arith.constant 0 : i32
    %eq3A_116 = arith.cmpi eq, %arg1, %eq3A : i32
    %convert_element_type3A = arith.extui %eq3A_116 : i1 to i32
    %cond3A = arith.constant 0 : i32
    %cond3A_117 = arith.cmpi ne, %convert_element_type3A, %cond3A : i32
    scf.if %cond3A_117 {
      "tpu.region"() ({
        %run_scoped3A = tpu.sem_alloc : memref<!tpu.dma_semaphore, #tpu.memory_space<semaphore_mem>>
        %dma_start3A_362 = arith.constant 0 : i32
        %dma_start3A_363 = arith.constant 0 : i32
        %dma_start3A_364 = tpu.memref_slice %arg10[%dma_start3A_362, %dma_start3A_363] : memref<104x64xf32, #tpu.memory_space<vmem>> -> memref<16x64xf32, #tpu.memory_space<vmem>>
        %dma_start3A_365 = arith.constant 9984 : i32
        %dma_start3A_366 = arith.constant 0 : i32
        %dma_start3A_367 = tpu.memref_slice %arg15[%dma_start3A_365, %dma_start3A_366] : memref<10000x64xf32, #tpu.memory_space<vmem_shared>> -> memref<16x64xf32, #tpu.memory_space<vmem_shared>>
        %dma_start3A_368 = arith.constant 9984 : i32
        %dma_start3A_369 = arith.constant 0 : i32
        %dma_start3A_370 = tpu.memref_slice %arg15[%dma_start3A_368, %dma_start3A_369] : memref<10000x64xf32, #tpu.memory_space<vmem_shared>> -> memref<16x64xf32, #tpu.memory_space<vmem_shared>>
        %dma_start3A_371 = arith.constant 0 : i32
        %dma_start3A_372 = arith.constant 0 : i32
        %dma_start3A_373 = tpu.memref_slice %arg10[%dma_start3A_371, %dma_start3A_372] : memref<104x64xf32, #tpu.memory_space<vmem>> -> memref<16x64xf32, #tpu.memory_space<vmem>>
        tpu.enqueue_dma source(%dma_start3A_373 : memref<16x64xf32, #tpu.memory_space<vmem>>) target(%dma_start3A_370 : memref<16x64xf32, #tpu.memory_space<vmem_shared>>) target_semaphore(%run_scoped3A : memref<!tpu.dma_semaphore, #tpu.memory_space<semaphore_mem>>)
        %dma_wait3A_374 = arith.constant 0 : i32
        %dma_wait3A_375 = arith.constant 0 : i32
        %dma_wait3A_376 = tpu.memref_slice %arg10[%dma_wait3A_374, %dma_wait3A_375] : memref<104x64xf32, #tpu.memory_space<vmem>> -> memref<16x64xf32, #tpu.memory_space<vmem>>
        %dma_wait3A_377 = arith.constant 9984 : i32
        %dma_wait3A_378 = arith.constant 0 : i32
        %dma_wait3A_379 = tpu.memref_slice %arg15[%dma_wait3A_377, %dma_wait3A_378] : memref<10000x64xf32, #tpu.memory_space<vmem_shared>> -> memref<16x64xf32, #tpu.memory_space<vmem_shared>>
        %dma_wait3A_380 = arith.constant 9984 : i32
        %dma_wait3A_381 = arith.constant 0 : i32
        %dma_wait3A_382 = tpu.memref_slice %arg15[%dma_wait3A_380, %dma_wait3A_381] : memref<10000x64xf32, #tpu.memory_space<vmem_shared>> -> memref<16x64xf32, #tpu.memory_space<vmem_shared>>
        %dma_wait3A_383 = arith.constant 0 : i32
        %dma_wait3A_384 = arith.constant 0 : i32
        %dma_wait3A_385 = tpu.memref_slice %arg10[%dma_wait3A_383, %dma_wait3A_384] : memref<104x64xf32, #tpu.memory_space<vmem>> -> memref<16x64xf32, #tpu.memory_space<vmem>>
        tpu.wait_dma2 semaphore(%run_scoped3A : memref<!tpu.dma_semaphore, #tpu.memory_space<semaphore_mem>>) src(%dma_wait3A_385 : memref<16x64xf32, #tpu.memory_space<vmem>>) dst(%dma_wait3A_382 : memref<16x64xf32, #tpu.memory_space<vmem_shared>>)
        tpu.yield
      }) : () -> ()
    } else {
    }
    %broadcast_in_dim3A_118 = arith.constant 1.000000e+00 : f32
    %broadcast_in_dim3A_119 = vector.broadcast %broadcast_in_dim3A_118 : f32 to vector<16xf32>
    %scan3A_120 = arith.constant 0 : i32
    %scan3A_121 = arith.constant 0 : i32
    %scan3A_122 = arith.constant 8 : i32
    %scan3A_123 = arith.addi %scan3A_121, %scan3A_122 : i32
    %scan3A_124 = arith.constant 1 : i32
    scf.for %scan3A_362 = %scan3A_121 to %scan3A_123 step %scan3A_124  : i32 {
      %mul3A_363 = arith.constant 16 : i32
      %mul3A_364 = arith.muli %scan3A_362, %mul3A_363 : i32
      %swap3A = arith.index_cast %mul3A_364 : i32 to index
      %swap3A_365 = tpu.vector_load %arg16[%swap3A] {strides = array<i32>} : memref<128xf32, #tpu.memory_space<vmem>>, vector<16xf32>,
      %swap3A_366 = vector.shape_cast %swap3A_365 : vector<16xf32> to vector<16xf32>
      %swap3A_367 = vector.shape_cast %broadcast_in_dim3A_119 : vector<16xf32> to vector<16xf32>
      tpu.vector_store %arg16[%swap3A], %swap3A_367 {strides = array<i32>} : memref<128xf32, #tpu.memory_space<vmem>>, vector<16xf32>,
    }
    %scan3A_125 = arith.constant 8 : i32
    %scan3A_126 = arith.constant 0 : i32
    %scan3A_127 = arith.constant 0 : i32
    %scan3A_128 = arith.constant 62 : i32
    %scan3A_129 = arith.addi %scan3A_127, %scan3A_128 : i32
    %scan3A_130 = arith.constant 1 : i32
    scf.for %scan3A_362 = %scan3A_127 to %scan3A_129 step %scan3A_130  : i32 {
      %mul3A_363 = arith.constant 16 : i32
      %mul3A_364 = arith.muli %scan3A_362, %mul3A_363 : i32
      %swap3A = arith.index_cast %mul3A_364 : i32 to index
      %swap3A_365 = tpu.vector_load %arg17[%swap3A] {strides = array<i32>} : memref<1000xf32, #tpu.memory_space<vmem>>, vector<16xf32>,
      %swap3A_366 = vector.shape_cast %swap3A_365 : vector<16xf32> to vector<16xf32>
      %swap3A_367 = vector.shape_cast %broadcast_in_dim3A_98 : vector<16xf32> to vector<16xf32>
      tpu.vector_store %arg17[%swap3A], %swap3A_367 {strides = array<i32>} : memref<1000xf32, #tpu.memory_space<vmem>>, vector<16xf32>,
    }
    %scan3A_131 = arith.constant 62 : i32
    %lt3A = arith.constant 10 : i32
    %lt3A_132 = arith.cmpi slt, %arg1, %lt3A : i32
    %convert_element_type3A_133 = arith.extui %lt3A_132 : i1 to i32
    %cond3A_134 = arith.constant 0 : i32
    %cond3A_135 = arith.cmpi ne, %convert_element_type3A_133, %cond3A_134 : i32
    scf.if %cond3A_135 {
      %mul3A_362 = arith.constant 1000 : i32
      %mul3A_363 = arith.muli %arg1, %mul3A_362 : i32
      "tpu.region"() ({
        %run_scoped3A = tpu.sem_alloc : memref<!tpu.dma_semaphore, #tpu.memory_space<semaphore_mem>>
        %dma_start3A_364 = tpu.memref_slice %arg19[%mul3A_363] : memref<10000xf32, #tpu.memory_space<vmem_shared>> -> memref<1000xf32, #tpu.memory_space<vmem_shared>>
        %dma_start3A_365 = tpu.memref_slice %arg19[%mul3A_363] : memref<10000xf32, #tpu.memory_space<vmem_shared>> -> memref<1000xf32, #tpu.memory_space<vmem_shared>>
        tpu.enqueue_dma source(%arg17 : memref<1000xf32, #tpu.memory_space<vmem>>) target(%dma_start3A_365 : memref<1000xf32, #tpu.memory_space<vmem_shared>>) target_semaphore(%run_scoped3A : memref<!tpu.dma_semaphore, #tpu.memory_space<semaphore_mem>>)
        %dma_wait3A_366 = tpu.memref_slice %arg19[%mul3A_363] : memref<10000xf32, #tpu.memory_space<vmem_shared>> -> memref<1000xf32, #tpu.memory_space<vmem_shared>>
        %dma_wait3A_367 = tpu.memref_slice %arg19[%mul3A_363] : memref<10000xf32, #tpu.memory_space<vmem_shared>> -> memref<1000xf32, #tpu.memory_space<vmem_shared>>
        tpu.wait_dma2 semaphore(%run_scoped3A : memref<!tpu.dma_semaphore, #tpu.memory_space<semaphore_mem>>) src(%arg17 : memref<1000xf32, #tpu.memory_space<vmem>>) dst(%dma_wait3A_367 : memref<1000xf32, #tpu.memory_space<vmem_shared>>)
        tpu.yield
      }) : () -> ()
    } else {
    }
    %rem3A_136 = arith.constant 0 : i32
    %rem3A_137 = arith.constant 6 : i32
    %rem3A_138 = arith.remsi %rem3A_136, %rem3A_137 : i32
    %dma_wait3A = arith.constant 0 : i32
    %dma_wait3A_139 = arith.constant 0 : i32
    %dma_wait3A_140 = arith.constant 0 : i32
    %dma_wait3A_141 = tpu.memref_slice %arg7[%rem3A_138, %dma_wait3A_139, %dma_wait3A_140] : memref<6x3x125xi32, #tpu.memory_space<vmem>> -> memref<1x3x125xi32, #tpu.memory_space<vmem>>
    %dma_wait3A_142 = tpu.memref_squeeze %dma_wait3A_141 : memref<1x3x125xi32, #tpu.memory_space<vmem>> -> memref<3x125xi32, #tpu.memory_space<vmem>>
    %dma_wait3A_143 = arith.constant 0 : i32
    %dma_wait3A_144 = arith.constant 0 : i32
    %dma_wait3A_145 = tpu.memref_slice %arg4[%arg1, %dma_wait3A, %dma_wait3A_143, %dma_wait3A_144] : memref<16x160x3x125xi32, #tpu.memory_space<hbm>> -> memref<1x1x3x125xi32, #tpu.memory_space<hbm>>
    %dma_wait3A_146 = tpu.memref_squeeze %dma_wait3A_145 : memref<1x1x3x125xi32, #tpu.memory_space<hbm>> -> memref<3x125xi32, #tpu.memory_space<hbm>>
    %dma_wait3A_147 = arith.constant 0 : i32
    %dma_wait3A_148 = arith.constant 0 : i32
    %dma_wait3A_149 = tpu.memref_slice %arg7[%rem3A_138, %dma_wait3A_147, %dma_wait3A_148] : memref<6x3x125xi32, #tpu.memory_space<vmem>> -> memref<1x3x125xi32, #tpu.memory_space<vmem>>
    %dma_wait3A_150 = tpu.memref_squeeze %dma_wait3A_149 : memref<1x3x125xi32, #tpu.memory_space<vmem>> -> memref<3x125xi32, #tpu.memory_space<vmem>>
    %dma_wait3A_151 = arith.constant 0 : i32
    %dma_wait3A_152 = arith.constant 0 : i32
    %dma_wait3A_153 = tpu.memref_slice %arg4[%arg1, %dma_wait3A, %dma_wait3A_151, %dma_wait3A_152] : memref<16x160x3x125xi32, #tpu.memory_space<hbm>> -> memref<1x1x3x125xi32, #tpu.memory_space<hbm>>
    %dma_wait3A_154 = tpu.memref_squeeze %dma_wait3A_153 : memref<1x1x3x125xi32, #tpu.memory_space<hbm>> -> memref<3x125xi32, #tpu.memory_space<hbm>>
    tpu.wait_dma2 semaphore(%arg11 : memref<!tpu.dma_semaphore, #tpu.memory_space<semaphore_mem>>) src(%dma_wait3A_154 : memref<3x125xi32, #tpu.memory_space<hbm>>) dst(%dma_wait3A_150 : memref<3x125xi32, #tpu.memory_space<vmem>>)
    %rem3A_155 = arith.constant 0 : i32
    %rem3A_156 = arith.constant 4 : i32
    %rem3A_157 = arith.remsi %rem3A_155, %rem3A_156 : i32
    %rem3A_158 = arith.constant 0 : i32
    %rem3A_159 = arith.constant 6 : i32
    %rem3A_160 = arith.remsi %rem3A_158, %rem3A_159 : i32
    %dma_start3A_161 = arith.constant 0 : i32
    %dma_start3A_162 = arith.constant 0 : i32
    %dma_start3A_163 = arith.constant 0 : i32
    %dma_start3A_164 = tpu.memref_slice %arg8[%rem3A_157, %dma_start3A_162, %dma_start3A_163] : memref<4x125x64xf32, #tpu.memory_space<vmem>> -> memref<1x125x64xf32, #tpu.memory_space<vmem>>
    %dma_start3A_165 = tpu.memref_squeeze %dma_start3A_164 : memref<1x125x64xf32, #tpu.memory_space<vmem>> -> memref<125x64xf32, #tpu.memory_space<vmem>>
    %dma_start3A_166 = arith.constant 0 : i32
    %dma_start3A_167 = tpu.memref_slice %arg7[%rem3A_160, %dma_start3A_161, %dma_start3A_166] : memref<6x3x125xi32, #tpu.memory_space<vmem>> -> memref<1x1x125xi32, #tpu.memory_space<vmem>>
    %dma_start3A_168 = tpu.memref_squeeze %dma_start3A_167 : memref<1x1x125xi32, #tpu.memory_space<vmem>> -> memref<125xi32, #tpu.memory_space<vmem>>
    %dma_start3A_169 = arith.constant 0 : i32
    %dma_start3A_170 = arith.constant 0 : i32
    %dma_start3A_171 = tpu.memref_slice %arg2[%arg0, %dma_start3A_169, %dma_start3A_170] : memref<2x10000x64xf32, #tpu.memory_space<hbm>> -> memref<1x10000x64xf32, #tpu.memory_space<hbm>>
    %dma_start3A_172 = tpu.memref_squeeze %dma_start3A_171 : memref<1x10000x64xf32, #tpu.memory_space<hbm>> -> memref<10000x64xf32, #tpu.memory_space<hbm>>
    %dma_start3A_173 = arith.constant 0 : i32
    %dma_start3A_174 = arith.constant 0 : i32
    %dma_start3A_175 = tpu.memref_slice %dma_start3A_172[%dma_start3A_173, %dma_start3A_174] : memref<10000x64xf32, #tpu.memory_space<hbm>> -> memref<10000x64xf32, #tpu.memory_space<hbm>>
    tpu.enqueue_indirect_dma source(%dma_start3A_175 : memref<10000x64xf32, #tpu.memory_space<hbm>>) target(%dma_start3A_165 : memref<125x64xf32, #tpu.memory_space<vmem>>) offsets(%dma_start3A_168 : memref<125xi32, #tpu.memory_space<vmem>>) semaphore(%arg12 : memref<!tpu.dma_semaphore, #tpu.memory_space<semaphore_mem>>)
    %dma_start3A_176 = arith.constant 2 : i32
    %dma_start3A_177 = arith.constant 0 : i32
    %dma_start3A_178 = arith.constant 0 : i32
    %dma_start3A_179 = tpu.memref_slice %arg9[%rem3A_157, %dma_start3A_177, %dma_start3A_178] : memref<4x125x64xf32, #tpu.memory_space<vmem>> -> memref<1x125x64xf32, #tpu.memory_space<vmem>>
    %dma_start3A_180 = tpu.memref_squeeze %dma_start3A_179 : memref<1x125x64xf32, #tpu.memory_space<vmem>> -> memref<125x64xf32, #tpu.memory_space<vmem>>
    %dma_start3A_181 = arith.constant 0 : i32
    %dma_start3A_182 = tpu.memref_slice %arg7[%rem3A_160, %dma_start3A_176, %dma_start3A_181] : memref<6x3x125xi32, #tpu.memory_space<vmem>> -> memref<1x1x125xi32, #tpu.memory_space<vmem>>
    %dma_start3A_183 = tpu.memref_squeeze %dma_start3A_182 : memref<1x1x125xi32, #tpu.memory_space<vmem>> -> memref<125xi32, #tpu.memory_space<vmem>>
    %dma_start3A_184 = arith.constant 0 : i32
    %dma_start3A_185 = arith.constant 0 : i32
    %dma_start3A_186 = tpu.memref_slice %arg3[%arg0, %dma_start3A_184, %dma_start3A_185] : memref<2x512x64xf32, #tpu.memory_space<hbm>> -> memref<1x512x64xf32, #tpu.memory_space<hbm>>
    %dma_start3A_187 = tpu.memref_squeeze %dma_start3A_186 : memref<1x512x64xf32, #tpu.memory_space<hbm>> -> memref<512x64xf32, #tpu.memory_space<hbm>>
    %dma_start3A_188 = arith.constant 0 : i32
    %dma_start3A_189 = arith.constant 0 : i32
    %dma_start3A_190 = tpu.memref_slice %dma_start3A_187[%dma_start3A_188, %dma_start3A_189] : memref<512x64xf32, #tpu.memory_space<hbm>> -> memref<512x64xf32, #tpu.memory_space<hbm>>
    tpu.enqueue_indirect_dma source(%dma_start3A_190 : memref<512x64xf32, #tpu.memory_space<hbm>>) target(%dma_start3A_180 : memref<125x64xf32, #tpu.memory_space<vmem>>) offsets(%dma_start3A_183 : memref<125xi32, #tpu.memory_space<vmem>>) semaphore(%arg13 : memref<!tpu.dma_semaphore, #tpu.memory_space<semaphore_mem>>)
    %rem3A_191 = arith.constant 1 : i32
    %rem3A_192 = arith.constant 6 : i32
    %rem3A_193 = arith.remsi %rem3A_191, %rem3A_192 : i32
    %dma_wait3A_194 = arith.constant 1 : i32
    %dma_wait3A_195 = arith.constant 0 : i32
    %dma_wait3A_196 = arith.constant 0 : i32
    %dma_wait3A_197 = tpu.memref_slice %arg7[%rem3A_193, %dma_wait3A_195, %dma_wait3A_196] : memref<6x3x125xi32, #tpu.memory_space<vmem>> -> memref<1x3x125xi32, #tpu.memory_space<vmem>>
    %dma_wait3A_198 = tpu.memref_squeeze %dma_wait3A_197 : memref<1x3x125xi32, #tpu.memory_space<vmem>> -> memref<3x125xi32, #tpu.memory_space<vmem>>
    %dma_wait3A_199 = arith.constant 0 : i32
    %dma_wait3A_200 = arith.constant 0 : i32
    %dma_wait3A_201 = tpu.memref_slice %arg4[%arg1, %dma_wait3A_194, %dma_wait3A_199, %dma_wait3A_200] : memref<16x160x3x125xi32, #tpu.memory_space<hbm>> -> memref<1x1x3x125xi32, #tpu.memory_space<hbm>>
    %dma_wait3A_202 = tpu.memref_squeeze %dma_wait3A_201 : memref<1x1x3x125xi32, #tpu.memory_space<hbm>> -> memref<3x125xi32, #tpu.memory_space<hbm>>
    %dma_wait3A_203 = arith.constant 0 : i32
    %dma_wait3A_204 = arith.constant 0 : i32
    %dma_wait3A_205 = tpu.memref_slice %arg7[%rem3A_193, %dma_wait3A_203, %dma_wait3A_204] : memref<6x3x125xi32, #tpu.memory_space<vmem>> -> memref<1x3x125xi32, #tpu.memory_space<vmem>>
    %dma_wait3A_206 = tpu.memref_squeeze %dma_wait3A_205 : memref<1x3x125xi32, #tpu.memory_space<vmem>> -> memref<3x125xi32, #tpu.memory_space<vmem>>
    %dma_wait3A_207 = arith.constant 0 : i32
    %dma_wait3A_208 = arith.constant 0 : i32
    %dma_wait3A_209 = tpu.memref_slice %arg4[%arg1, %dma_wait3A_194, %dma_wait3A_207, %dma_wait3A_208] : memref<16x160x3x125xi32, #tpu.memory_space<hbm>> -> memref<1x1x3x125xi32, #tpu.memory_space<hbm>>
    %dma_wait3A_210 = tpu.memref_squeeze %dma_wait3A_209 : memref<1x1x3x125xi32, #tpu.memory_space<hbm>> -> memref<3x125xi32, #tpu.memory_space<hbm>>
    tpu.wait_dma2 semaphore(%arg11 : memref<!tpu.dma_semaphore, #tpu.memory_space<semaphore_mem>>) src(%dma_wait3A_210 : memref<3x125xi32, #tpu.memory_space<hbm>>) dst(%dma_wait3A_206 : memref<3x125xi32, #tpu.memory_space<vmem>>)
    %rem3A_211 = arith.constant 1 : i32
    %rem3A_212 = arith.constant 4 : i32
    %rem3A_213 = arith.remsi %rem3A_211, %rem3A_212 : i32
    %rem3A_214 = arith.constant 1 : i32
    %rem3A_215 = arith.constant 6 : i32
    %rem3A_216 = arith.remsi %rem3A_214, %rem3A_215 : i32
    %dma_start3A_217 = arith.constant 0 : i32
    %dma_start3A_218 = arith.constant 0 : i32
    %dma_start3A_219 = arith.constant 0 : i32
    %dma_start3A_220 = tpu.memref_slice %arg8[%rem3A_213, %dma_start3A_218, %dma_start3A_219] : memref<4x125x64xf32, #tpu.memory_space<vmem>> -> memref<1x125x64xf32, #tpu.memory_space<vmem>>
    %dma_start3A_221 = tpu.memref_squeeze %dma_start3A_220 : memref<1x125x64xf32, #tpu.memory_space<vmem>> -> memref<125x64xf32, #tpu.memory_space<vmem>>
    %dma_start3A_222 = arith.constant 0 : i32
    %dma_start3A_223 = tpu.memref_slice %arg7[%rem3A_216, %dma_start3A_217, %dma_start3A_222] : memref<6x3x125xi32, #tpu.memory_space<vmem>> -> memref<1x1x125xi32, #tpu.memory_space<vmem>>
    %dma_start3A_224 = tpu.memref_squeeze %dma_start3A_223 : memref<1x1x125xi32, #tpu.memory_space<vmem>> -> memref<125xi32, #tpu.memory_space<vmem>>
    %dma_start3A_225 = arith.constant 0 : i32
    %dma_start3A_226 = arith.constant 0 : i32
    %dma_start3A_227 = tpu.memref_slice %arg2[%arg0, %dma_start3A_225, %dma_start3A_226] : memref<2x10000x64xf32, #tpu.memory_space<hbm>> -> memref<1x10000x64xf32, #tpu.memory_space<hbm>>
    %dma_start3A_228 = tpu.memref_squeeze %dma_start3A_227 : memref<1x10000x64xf32, #tpu.memory_space<hbm>> -> memref<10000x64xf32, #tpu.memory_space<hbm>>
    %dma_start3A_229 = arith.constant 0 : i32
    %dma_start3A_230 = arith.constant 0 : i32
    %dma_start3A_231 = tpu.memref_slice %dma_start3A_228[%dma_start3A_229, %dma_start3A_230] : memref<10000x64xf32, #tpu.memory_space<hbm>> -> memref<10000x64xf32, #tpu.memory_space<hbm>>
    tpu.enqueue_indirect_dma source(%dma_start3A_231 : memref<10000x64xf32, #tpu.memory_space<hbm>>) target(%dma_start3A_221 : memref<125x64xf32, #tpu.memory_space<vmem>>) offsets(%dma_start3A_224 : memref<125xi32, #tpu.memory_space<vmem>>) semaphore(%arg12 : memref<!tpu.dma_semaphore, #tpu.memory_space<semaphore_mem>>)
    %dma_start3A_232 = arith.constant 2 : i32
    %dma_start3A_233 = arith.constant 0 : i32
    %dma_start3A_234 = arith.constant 0 : i32
    %dma_start3A_235 = tpu.memref_slice %arg9[%rem3A_213, %dma_start3A_233, %dma_start3A_234] : memref<4x125x64xf32, #tpu.memory_space<vmem>> -> memref<1x125x64xf32, #tpu.memory_space<vmem>>
    %dma_start3A_236 = tpu.memref_squeeze %dma_start3A_235 : memref<1x125x64xf32, #tpu.memory_space<vmem>> -> memref<125x64xf32, #tpu.memory_space<vmem>>
    %dma_start3A_237 = arith.constant 0 : i32
    %dma_start3A_238 = tpu.memref_slice %arg7[%rem3A_216, %dma_start3A_232, %dma_start3A_237] : memref<6x3x125xi32, #tpu.memory_space<vmem>> -> memref<1x1x125xi32, #tpu.memory_space<vmem>>
    %dma_start3A_239 = tpu.memref_squeeze %dma_start3A_238 : memref<1x1x125xi32, #tpu.memory_space<vmem>> -> memref<125xi32, #tpu.memory_space<vmem>>
    %dma_start3A_240 = arith.constant 0 : i32
    %dma_start3A_241 = arith.constant 0 : i32
    %dma_start3A_242 = tpu.memref_slice %arg3[%arg0, %dma_start3A_240, %dma_start3A_241] : memref<2x512x64xf32, #tpu.memory_space<hbm>> -> memref<1x512x64xf32, #tpu.memory_space<hbm>>
    %dma_start3A_243 = tpu.memref_squeeze %dma_start3A_242 : memref<1x512x64xf32, #tpu.memory_space<hbm>> -> memref<512x64xf32, #tpu.memory_space<hbm>>
    %dma_start3A_244 = arith.constant 0 : i32
    %dma_start3A_245 = arith.constant 0 : i32
    %dma_start3A_246 = tpu.memref_slice %dma_start3A_243[%dma_start3A_244, %dma_start3A_245] : memref<512x64xf32, #tpu.memory_space<hbm>> -> memref<512x64xf32, #tpu.memory_space<hbm>>
    tpu.enqueue_indirect_dma source(%dma_start3A_246 : memref<512x64xf32, #tpu.memory_space<hbm>>) target(%dma_start3A_236 : memref<125x64xf32, #tpu.memory_space<vmem>>) offsets(%dma_start3A_239 : memref<125xi32, #tpu.memory_space<vmem>>) semaphore(%arg13 : memref<!tpu.dma_semaphore, #tpu.memory_space<semaphore_mem>>)
    %rem3A_247 = arith.constant 2 : i32
    %rem3A_248 = arith.constant 6 : i32
    %rem3A_249 = arith.remsi %rem3A_247, %rem3A_248 : i32
    %dma_wait3A_250 = arith.constant 2 : i32
    %dma_wait3A_251 = arith.constant 0 : i32
    %dma_wait3A_252 = arith.constant 0 : i32
    %dma_wait3A_253 = tpu.memref_slice %arg7[%rem3A_249, %dma_wait3A_251, %dma_wait3A_252] : memref<6x3x125xi32, #tpu.memory_space<vmem>> -> memref<1x3x125xi32, #tpu.memory_space<vmem>>
    %dma_wait3A_254 = tpu.memref_squeeze %dma_wait3A_253 : memref<1x3x125xi32, #tpu.memory_space<vmem>> -> memref<3x125xi32, #tpu.memory_space<vmem>>
    %dma_wait3A_255 = arith.constant 0 : i32
    %dma_wait3A_256 = arith.constant 0 : i32
    %dma_wait3A_257 = tpu.memref_slice %arg4[%arg1, %dma_wait3A_250, %dma_wait3A_255, %dma_wait3A_256] : memref<16x160x3x125xi32, #tpu.memory_space<hbm>> -> memref<1x1x3x125xi32, #tpu.memory_space<hbm>>
    %dma_wait3A_258 = tpu.memref_squeeze %dma_wait3A_257 : memref<1x1x3x125xi32, #tpu.memory_space<hbm>> -> memref<3x125xi32, #tpu.memory_space<hbm>>
    %dma_wait3A_259 = arith.constant 0 : i32
    %dma_wait3A_260 = arith.constant 0 : i32
    %dma_wait3A_261 = tpu.memref_slice %arg7[%rem3A_249, %dma_wait3A_259, %dma_wait3A_260] : memref<6x3x125xi32, #tpu.memory_space<vmem>> -> memref<1x3x125xi32, #tpu.memory_space<vmem>>
    %dma_wait3A_262 = tpu.memref_squeeze %dma_wait3A_261 : memref<1x3x125xi32, #tpu.memory_space<vmem>> -> memref<3x125xi32, #tpu.memory_space<vmem>>
    %dma_wait3A_263 = arith.constant 0 : i32
    %dma_wait3A_264 = arith.constant 0 : i32
    %dma_wait3A_265 = tpu.memref_slice %arg4[%arg1, %dma_wait3A_250, %dma_wait3A_263, %dma_wait3A_264] : memref<16x160x3x125xi32, #tpu.memory_space<hbm>> -> memref<1x1x3x125xi32, #tpu.memory_space<hbm>>
    %dma_wait3A_266 = tpu.memref_squeeze %dma_wait3A_265 : memref<1x1x3x125xi32, #tpu.memory_space<hbm>> -> memref<3x125xi32, #tpu.memory_space<hbm>>
    tpu.wait_dma2 semaphore(%arg11 : memref<!tpu.dma_semaphore, #tpu.memory_space<semaphore_mem>>) src(%dma_wait3A_266 : memref<3x125xi32, #tpu.memory_space<hbm>>) dst(%dma_wait3A_262 : memref<3x125xi32, #tpu.memory_space<vmem>>)
    %rem3A_267 = arith.constant 2 : i32
    %rem3A_268 = arith.constant 4 : i32
    %rem3A_269 = arith.remsi %rem3A_267, %rem3A_268 : i32
    %rem3A_270 = arith.constant 2 : i32
    %rem3A_271 = arith.constant 6 : i32
    %rem3A_272 = arith.remsi %rem3A_270, %rem3A_271 : i32
    %dma_start3A_273 = arith.constant 0 : i32
    %dma_start3A_274 = arith.constant 0 : i32
    %dma_start3A_275 = arith.constant 0 : i32
    %dma_start3A_276 = tpu.memref_slice %arg8[%rem3A_269, %dma_start3A_274, %dma_start3A_275] : memref<4x125x64xf32, #tpu.memory_space<vmem>> -> memref<1x125x64xf32, #tpu.memory_space<vmem>>
    %dma_start3A_277 = tpu.memref_squeeze %dma_start3A_276 : memref<1x125x64xf32, #tpu.memory_space<vmem>> -> memref<125x64xf32, #tpu.memory_space<vmem>>
    %dma_start3A_278 = arith.constant 0 : i32
    %dma_start3A_279 = tpu.memref_slice %arg7[%rem3A_272, %dma_start3A_273, %dma_start3A_278] : memref<6x3x125xi32, #tpu.memory_space<vmem>> -> memref<1x1x125xi32, #tpu.memory_space<vmem>>
    %dma_start3A_280 = tpu.memref_squeeze %dma_start3A_279 : memref<1x1x125xi32, #tpu.memory_space<vmem>> -> memref<125xi32, #tpu.memory_space<vmem>>
    %dma_start3A_281 = arith.constant 0 : i32
    %dma_start3A_282 = arith.constant 0 : i32
    %dma_start3A_283 = tpu.memref_slice %arg2[%arg0, %dma_start3A_281, %dma_start3A_282] : memref<2x10000x64xf32, #tpu.memory_space<hbm>> -> memref<1x10000x64xf32, #tpu.memory_space<hbm>>
    %dma_start3A_284 = tpu.memref_squeeze %dma_start3A_283 : memref<1x10000x64xf32, #tpu.memory_space<hbm>> -> memref<10000x64xf32, #tpu.memory_space<hbm>>
    %dma_start3A_285 = arith.constant 0 : i32
    %dma_start3A_286 = arith.constant 0 : i32
    %dma_start3A_287 = tpu.memref_slice %dma_start3A_284[%dma_start3A_285, %dma_start3A_286] : memref<10000x64xf32, #tpu.memory_space<hbm>> -> memref<10000x64xf32, #tpu.memory_space<hbm>>
    tpu.enqueue_indirect_dma source(%dma_start3A_287 : memref<10000x64xf32, #tpu.memory_space<hbm>>) target(%dma_start3A_277 : memref<125x64xf32, #tpu.memory_space<vmem>>) offsets(%dma_start3A_280 : memref<125xi32, #tpu.memory_space<vmem>>) semaphore(%arg12 : memref<!tpu.dma_semaphore, #tpu.memory_space<semaphore_mem>>)
    %dma_start3A_288 = arith.constant 2 : i32
    %dma_start3A_289 = arith.constant 0 : i32
    %dma_start3A_290 = arith.constant 0 : i32
    %dma_start3A_291 = tpu.memref_slice %arg9[%rem3A_269, %dma_start3A_289, %dma_start3A_290] : memref<4x125x64xf32, #tpu.memory_space<vmem>> -> memref<1x125x64xf32, #tpu.memory_space<vmem>>
    %dma_start3A_292 = tpu.memref_squeeze %dma_start3A_291 : memref<1x125x64xf32, #tpu.memory_space<vmem>> -> memref<125x64xf32, #tpu.memory_space<vmem>>
    %dma_start3A_293 = arith.constant 0 : i32
    %dma_start3A_294 = tpu.memref_slice %arg7[%rem3A_272, %dma_start3A_288, %dma_start3A_293] : memref<6x3x125xi32, #tpu.memory_space<vmem>> -> memref<1x1x125xi32, #tpu.memory_space<vmem>>
    %dma_start3A_295 = tpu.memref_squeeze %dma_start3A_294 : memref<1x1x125xi32, #tpu.memory_space<vmem>> -> memref<125xi32, #tpu.memory_space<vmem>>
    %dma_start3A_296 = arith.constant 0 : i32
    %dma_start3A_297 = arith.constant 0 : i32
    %dma_start3A_298 = tpu.memref_slice %arg3[%arg0, %dma_start3A_296, %dma_start3A_297] : memref<2x512x64xf32, #tpu.memory_space<hbm>> -> memref<1x512x64xf32, #tpu.memory_space<hbm>>
    %dma_start3A_299 = tpu.memref_squeeze %dma_start3A_298 : memref<1x512x64xf32, #tpu.memory_space<hbm>> -> memref<512x64xf32, #tpu.memory_space<hbm>>
    %dma_start3A_300 = arith.constant 0 : i32
    %dma_start3A_301 = arith.constant 0 : i32
    %dma_start3A_302 = tpu.memref_slice %dma_start3A_299[%dma_start3A_300, %dma_start3A_301] : memref<512x64xf32, #tpu.memory_space<hbm>> -> memref<512x64xf32, #tpu.memory_space<hbm>>
    tpu.enqueue_indirect_dma source(%dma_start3A_302 : memref<512x64xf32, #tpu.memory_space<hbm>>) target(%dma_start3A_292 : memref<125x64xf32, #tpu.memory_space<vmem>>) offsets(%dma_start3A_295 : memref<125xi32, #tpu.memory_space<vmem>>) semaphore(%arg13 : memref<!tpu.dma_semaphore, #tpu.memory_space<semaphore_mem>>)
    %barrier3A = arith.constant 0 : index
    tpu.barrier barrier_id(%barrier3A)
    %scan3A_303 = arith.constant 0 : i32
    %scan3A_304 = arith.constant 0 : i32
    %scan3A_305 = arith.constant 160 : i32
    %scan3A_306 = arith.addi %scan3A_304, %scan3A_305 : i32
    %scan3A_307 = arith.constant 1 : i32
    scf.for %scan3A_362 = %scan3A_304 to %scan3A_306 step %scan3A_307  : i32 {
      %rem3A_363 = arith.constant 4 : i32
      %rem3A_364 = arith.remsi %scan3A_362, %rem3A_363 : i32
      %ge3A = arith.constant 1 : i32
      %ge3A_365 = arith.cmpi sge, %scan3A_362, %ge3A : i32
      %convert_element_type3A_366 = arith.extui %ge3A_365 : i1 to i32
      %cond3A_367 = arith.constant 0 : i32
      %cond3A_368 = arith.cmpi ne, %convert_element_type3A_366, %cond3A_367 : i32
      scf.if %cond3A_368 {
        %sub3A_445 = arith.constant 1 : i32
        %sub3A_446 = arith.subi %scan3A_362, %sub3A_445 : i32
        %rem3A_447 = arith.constant 4 : i32
        %rem3A_448 = arith.remsi %sub3A_446, %rem3A_447 : i32
        %rem3A_449 = arith.constant 6 : i32
        %rem3A_450 = arith.remsi %sub3A_446, %rem3A_449 : i32
        %dma_wait3A_451 = arith.constant 1 : i32
        %dma_wait3A_452 = arith.constant 0 : i32
        %dma_wait3A_453 = arith.constant 0 : i32
        %dma_wait3A_454 = tpu.memref_slice %arg8[%rem3A_448, %dma_wait3A_452, %dma_wait3A_453] : memref<4x125x64xf32, #tpu.memory_space<vmem>> -> memref<1x125x64xf32, #tpu.memory_space<vmem>>
        %dma_wait3A_455 = tpu.memref_squeeze %dma_wait3A_454 : memref<1x125x64xf32, #tpu.memory_space<vmem>> -> memref<125x64xf32, #tpu.memory_space<vmem>>
        %dma_wait3A_456 = arith.constant 0 : i32
        %dma_wait3A_457 = tpu.memref_slice %arg7[%rem3A_450, %dma_wait3A_451, %dma_wait3A_456] : memref<6x3x125xi32, #tpu.memory_space<vmem>> -> memref<1x1x125xi32, #tpu.memory_space<vmem>>
        %dma_wait3A_458 = tpu.memref_squeeze %dma_wait3A_457 : memref<1x1x125xi32, #tpu.memory_space<vmem>> -> memref<125xi32, #tpu.memory_space<vmem>>
        %dma_wait3A_459 = arith.constant 0 : i32
        %dma_wait3A_460 = arith.constant 0 : i32
        %dma_wait3A_461 = tpu.memref_slice %arg15[%dma_wait3A_459, %dma_wait3A_460] : memref<10000x64xf32, #tpu.memory_space<vmem_shared>> -> memref<10000x64xf32, #tpu.memory_space<vmem_shared>>
        tpu.wait_indirect_dma semaphore(%arg14 : memref<!tpu.dma_semaphore, #tpu.memory_space<semaphore_mem>>) src(%dma_wait3A_455 : memref<125x64xf32, #tpu.memory_space<vmem>>) dst(%dma_wait3A_461 : memref<10000x64xf32, #tpu.memory_space<vmem_shared>>)
        %sub3A_462 = arith.constant 1 : i32
        %sub3A_463 = arith.subi %scan3A_362, %sub3A_462 : i32
        %rem3A_464 = arith.constant 6 : i32
        %rem3A_465 = arith.remsi %sub3A_463, %rem3A_464 : i32
        %dma_wait3A_466 = arith.constant 1 : i32
        %dma_wait3A_467 = arith.constant 0 : i32
        %dma_wait3A_468 = tpu.memref_slice %arg16[%dma_wait3A_467] : memref<128xf32, #tpu.memory_space<vmem>> -> memref<125xf32, #tpu.memory_space<vmem>>
        %dma_wait3A_469 = arith.constant 0 : i32
        %dma_wait3A_470 = tpu.memref_slice %arg7[%rem3A_465, %dma_wait3A_466, %dma_wait3A_469] : memref<6x3x125xi32, #tpu.memory_space<vmem>> -> memref<1x1x125xi32, #tpu.memory_space<vmem>>
        %dma_wait3A_471 = tpu.memref_squeeze %dma_wait3A_470 : memref<1x1x125xi32, #tpu.memory_space<vmem>> -> memref<125xi32, #tpu.memory_space<vmem>>
        %dma_wait3A_472 = arith.constant 0 : i32
        %dma_wait3A_473 = tpu.memref_slice %arg19[%dma_wait3A_472] : memref<10000xf32, #tpu.memory_space<vmem_shared>> -> memref<10000xf32, #tpu.memory_space<vmem_shared>>
        tpu.wait_indirect_dma semaphore(%arg18 : memref<!tpu.dma_semaphore, #tpu.memory_space<semaphore_mem>>) src(%dma_wait3A_468 : memref<125xf32, #tpu.memory_space<vmem>>) dst(%dma_wait3A_473 : memref<10000xf32, #tpu.memory_space<vmem_shared>>)
      } else {
      }
      %add3A_369 = arith.constant 4 : i32
      %add3A_370 = arith.addi %scan3A_362, %add3A_369 : i32
      %add3A_371 = arith.constant 1 : i32
      %add3A_372 = arith.addi %add3A_370, %add3A_371 : i32
      %lt3A_373 = arith.constant 160 : i32
      %lt3A_374 = arith.cmpi slt, %add3A_372, %lt3A_373 : i32
      %convert_element_type3A_375 = arith.extui %lt3A_374 : i1 to i32
      %cond3A_376 = arith.constant 0 : i32
      %cond3A_377 = arith.cmpi ne, %convert_element_type3A_375, %cond3A_376 : i32
      scf.if %cond3A_377 {
        %add3A_445 = arith.constant 4 : i32
        %add3A_446 = arith.addi %scan3A_362, %add3A_445 : i32
        %add3A_447 = arith.constant 1 : i32
        %add3A_448 = arith.addi %add3A_446, %add3A_447 : i32
        %rem3A_449 = arith.constant 6 : i32
        %rem3A_450 = arith.remsi %add3A_448, %rem3A_449 : i32
        %dma_start3A_451 = arith.constant 0 : i32
        %dma_start3A_452 = arith.constant 0 : i32
        %dma_start3A_453 = tpu.memref_slice %arg7[%rem3A_450, %dma_start3A_451, %dma_start3A_452] : memref<6x3x125xi32, #tpu.memory_space<vmem>> -> memref<1x3x125xi32, #tpu.memory_space<vmem>>
        %dma_start3A_454 = tpu.memref_squeeze %dma_start3A_453 : memref<1x3x125xi32, #tpu.memory_space<vmem>> -> memref<3x125xi32, #tpu.memory_space<vmem>>
        %dma_start3A_455 = arith.constant 0 : i32
        %dma_start3A_456 = arith.constant 0 : i32
        %dma_start3A_457 = tpu.memref_slice %arg4[%arg1, %add3A_448, %dma_start3A_455, %dma_start3A_456] : memref<16x160x3x125xi32, #tpu.memory_space<hbm>> -> memref<1x1x3x125xi32, #tpu.memory_space<hbm>>
        %dma_start3A_458 = tpu.memref_squeeze %dma_start3A_457 : memref<1x1x3x125xi32, #tpu.memory_space<hbm>> -> memref<3x125xi32, #tpu.memory_space<hbm>>
        %dma_start3A_459 = arith.constant 0 : i32
        %dma_start3A_460 = arith.constant 0 : i32
        %dma_start3A_461 = tpu.memref_slice %arg7[%rem3A_450, %dma_start3A_459, %dma_start3A_460] : memref<6x3x125xi32, #tpu.memory_space<vmem>> -> memref<1x3x125xi32, #tpu.memory_space<vmem>>
        %dma_start3A_462 = tpu.memref_squeeze %dma_start3A_461 : memref<1x3x125xi32, #tpu.memory_space<vmem>> -> memref<3x125xi32, #tpu.memory_space<vmem>>
        %dma_start3A_463 = arith.constant 0 : i32
        %dma_start3A_464 = arith.constant 0 : i32
        %dma_start3A_465 = tpu.memref_slice %arg4[%arg1, %add3A_448, %dma_start3A_463, %dma_start3A_464] : memref<16x160x3x125xi32, #tpu.memory_space<hbm>> -> memref<1x1x3x125xi32, #tpu.memory_space<hbm>>
        %dma_start3A_466 = tpu.memref_squeeze %dma_start3A_465 : memref<1x1x3x125xi32, #tpu.memory_space<hbm>> -> memref<3x125xi32, #tpu.memory_space<hbm>>
        tpu.enqueue_dma source(%dma_start3A_466 : memref<3x125xi32, #tpu.memory_space<hbm>>) target(%dma_start3A_462 : memref<3x125xi32, #tpu.memory_space<vmem>>) target_semaphore(%arg11 : memref<!tpu.dma_semaphore, #tpu.memory_space<semaphore_mem>>)
      } else {
      }
      %add3A_378 = arith.constant 4 : i32
      %add3A_379 = arith.addi %scan3A_362, %add3A_378 : i32
      %sub3A = arith.constant 1 : i32
      %sub3A_380 = arith.subi %add3A_379, %sub3A : i32
      %lt3A_381 = arith.constant 160 : i32
      %lt3A_382 = arith.cmpi slt, %sub3A_380, %lt3A_381 : i32
      %convert_element_type3A_383 = arith.extui %lt3A_382 : i1 to i32
      %cond3A_384 = arith.constant 0 : i32
      %cond3A_385 = arith.cmpi ne, %convert_element_type3A_383, %cond3A_384 : i32
      scf.if %cond3A_385 {
        %add3A_445 = arith.constant 4 : i32
        %add3A_446 = arith.addi %scan3A_362, %add3A_445 : i32
        %sub3A_447 = arith.constant 1 : i32
        %sub3A_448 = arith.subi %add3A_446, %sub3A_447 : i32
        %rem3A_449 = arith.constant 6 : i32
        %rem3A_450 = arith.remsi %sub3A_448, %rem3A_449 : i32
        %dma_wait3A_451 = arith.constant 0 : i32
        %dma_wait3A_452 = arith.constant 0 : i32
        %dma_wait3A_453 = tpu.memref_slice %arg7[%rem3A_450, %dma_wait3A_451, %dma_wait3A_452] : memref<6x3x125xi32, #tpu.memory_space<vmem>> -> memref<1x3x125xi32, #tpu.memory_space<vmem>>
        %dma_wait3A_454 = tpu.memref_squeeze %dma_wait3A_453 : memref<1x3x125xi32, #tpu.memory_space<vmem>> -> memref<3x125xi32, #tpu.memory_space<vmem>>
        %dma_wait3A_455 = arith.constant 0 : i32
        %dma_wait3A_456 = arith.constant 0 : i32
        %dma_wait3A_457 = tpu.memref_slice %arg4[%arg1, %sub3A_448, %dma_wait3A_455, %dma_wait3A_456] : memref<16x160x3x125xi32, #tpu.memory_space<hbm>> -> memref<1x1x3x125xi32, #tpu.memory_space<hbm>>
        %dma_wait3A_458 = tpu.memref_squeeze %dma_wait3A_457 : memref<1x1x3x125xi32, #tpu.memory_space<hbm>> -> memref<3x125xi32, #tpu.memory_space<hbm>>
        %dma_wait3A_459 = arith.constant 0 : i32
        %dma_wait3A_460 = arith.constant 0 : i32
        %dma_wait3A_461 = tpu.memref_slice %arg7[%rem3A_450, %dma_wait3A_459, %dma_wait3A_460] : memref<6x3x125xi32, #tpu.memory_space<vmem>> -> memref<1x3x125xi32, #tpu.memory_space<vmem>>
        %dma_wait3A_462 = tpu.memref_squeeze %dma_wait3A_461 : memref<1x3x125xi32, #tpu.memory_space<vmem>> -> memref<3x125xi32, #tpu.memory_space<vmem>>
        %dma_wait3A_463 = arith.constant 0 : i32
        %dma_wait3A_464 = arith.constant 0 : i32
        %dma_wait3A_465 = tpu.memref_slice %arg4[%arg1, %sub3A_448, %dma_wait3A_463, %dma_wait3A_464] : memref<16x160x3x125xi32, #tpu.memory_space<hbm>> -> memref<1x1x3x125xi32, #tpu.memory_space<hbm>>
        %dma_wait3A_466 = tpu.memref_squeeze %dma_wait3A_465 : memref<1x1x3x125xi32, #tpu.memory_space<hbm>> -> memref<3x125xi32, #tpu.memory_space<hbm>>
        tpu.wait_dma2 semaphore(%arg11 : memref<!tpu.dma_semaphore, #tpu.memory_space<semaphore_mem>>) src(%dma_wait3A_466 : memref<3x125xi32, #tpu.memory_space<hbm>>) dst(%dma_wait3A_462 : memref<3x125xi32, #tpu.memory_space<vmem>>)
        %add3A_467 = arith.constant 4 : i32
        %add3A_468 = arith.addi %scan3A_362, %add3A_467 : i32
        %sub3A_469 = arith.constant 1 : i32
        %sub3A_470 = arith.subi %add3A_468, %sub3A_469 : i32
        %rem3A_471 = arith.constant 4 : i32
        %rem3A_472 = arith.remsi %sub3A_470, %rem3A_471 : i32
        %rem3A_473 = arith.constant 6 : i32
        %rem3A_474 = arith.remsi %sub3A_470, %rem3A_473 : i32
        %dma_start3A_475 = arith.constant 0 : i32
        %dma_start3A_476 = arith.constant 0 : i32
        %dma_start3A_477 = arith.constant 0 : i32
        %dma_start3A_478 = tpu.memref_slice %arg8[%rem3A_472, %dma_start3A_476, %dma_start3A_477] : memref<4x125x64xf32, #tpu.memory_space<vmem>> -> memref<1x125x64xf32, #tpu.memory_space<vmem>>
        %dma_start3A_479 = tpu.memref_squeeze %dma_start3A_478 : memref<1x125x64xf32, #tpu.memory_space<vmem>> -> memref<125x64xf32, #tpu.memory_space<vmem>>
        %dma_start3A_480 = arith.constant 0 : i32
        %dma_start3A_481 = tpu.memref_slice %arg7[%rem3A_474, %dma_start3A_475, %dma_start3A_480] : memref<6x3x125xi32, #tpu.memory_space<vmem>> -> memref<1x1x125xi32, #tpu.memory_space<vmem>>
        %dma_start3A_482 = tpu.memref_squeeze %dma_start3A_481 : memref<1x1x125xi32, #tpu.memory_space<vmem>> -> memref<125xi32, #tpu.memory_space<vmem>>
        %dma_start3A_483 = arith.constant 0 : i32
        %dma_start3A_484 = arith.constant 0 : i32
        %dma_start3A_485 = tpu.memref_slice %arg2[%arg0, %dma_start3A_483, %dma_start3A_484] : memref<2x10000x64xf32, #tpu.memory_space<hbm>> -> memref<1x10000x64xf32, #tpu.memory_space<hbm>>
        %dma_start3A_486 = tpu.memref_squeeze %dma_start3A_485 : memref<1x10000x64xf32, #tpu.memory_space<hbm>> -> memref<10000x64xf32, #tpu.memory_space<hbm>>
        %dma_start3A_487 = arith.constant 0 : i32
        %dma_start3A_488 = arith.constant 0 : i32
        %dma_start3A_489 = tpu.memref_slice %dma_start3A_486[%dma_start3A_487, %dma_start3A_488] : memref<10000x64xf32, #tpu.memory_space<hbm>> -> memref<10000x64xf32, #tpu.memory_space<hbm>>
        tpu.enqueue_indirect_dma source(%dma_start3A_489 : memref<10000x64xf32, #tpu.memory_space<hbm>>) target(%dma_start3A_479 : memref<125x64xf32, #tpu.memory_space<vmem>>) offsets(%dma_start3A_482 : memref<125xi32, #tpu.memory_space<vmem>>) semaphore(%arg12 : memref<!tpu.dma_semaphore, #tpu.memory_space<semaphore_mem>>)
        %dma_start3A_490 = arith.constant 2 : i32
        %dma_start3A_491 = arith.constant 0 : i32
        %dma_start3A_492 = arith.constant 0 : i32
        %dma_start3A_493 = tpu.memref_slice %arg9[%rem3A_472, %dma_start3A_491, %dma_start3A_492] : memref<4x125x64xf32, #tpu.memory_space<vmem>> -> memref<1x125x64xf32, #tpu.memory_space<vmem>>
        %dma_start3A_494 = tpu.memref_squeeze %dma_start3A_493 : memref<1x125x64xf32, #tpu.memory_space<vmem>> -> memref<125x64xf32, #tpu.memory_space<vmem>>
        %dma_start3A_495 = arith.constant 0 : i32
        %dma_start3A_496 = tpu.memref_slice %arg7[%rem3A_474, %dma_start3A_490, %dma_start3A_495] : memref<6x3x125xi32, #tpu.memory_space<vmem>> -> memref<1x1x125xi32, #tpu.memory_space<vmem>>
        %dma_start3A_497 = tpu.memref_squeeze %dma_start3A_496 : memref<1x1x125xi32, #tpu.memory_space<vmem>> -> memref<125xi32, #tpu.memory_space<vmem>>
        %dma_start3A_498 = arith.constant 0 : i32
        %dma_start3A_499 = arith.constant 0 : i32
        %dma_start3A_500 = tpu.memref_slice %arg3[%arg0, %dma_start3A_498, %dma_start3A_499] : memref<2x512x64xf32, #tpu.memory_space<hbm>> -> memref<1x512x64xf32, #tpu.memory_space<hbm>>
        %dma_start3A_501 = tpu.memref_squeeze %dma_start3A_500 : memref<1x512x64xf32, #tpu.memory_space<hbm>> -> memref<512x64xf32, #tpu.memory_space<hbm>>
        %dma_start3A_502 = arith.constant 0 : i32
        %dma_start3A_503 = arith.constant 0 : i32
        %dma_start3A_504 = tpu.memref_slice %dma_start3A_501[%dma_start3A_502, %dma_start3A_503] : memref<512x64xf32, #tpu.memory_space<hbm>> -> memref<512x64xf32, #tpu.memory_space<hbm>>
        tpu.enqueue_indirect_dma source(%dma_start3A_504 : memref<512x64xf32, #tpu.memory_space<hbm>>) target(%dma_start3A_494 : memref<125x64xf32, #tpu.memory_space<vmem>>) offsets(%dma_start3A_497 : memref<125xi32, #tpu.memory_space<vmem>>) semaphore(%arg13 : memref<!tpu.dma_semaphore, #tpu.memory_space<semaphore_mem>>)
      } else {
      }
      %rem3A_386 = arith.constant 6 : i32
      %rem3A_387 = arith.remsi %scan3A_362, %rem3A_386 : i32
      %dma_wait3A_388 = arith.constant 0 : i32
      %dma_wait3A_389 = arith.constant 0 : i32
      %dma_wait3A_390 = arith.constant 0 : i32
      %dma_wait3A_391 = tpu.memref_slice %arg8[%rem3A_364, %dma_wait3A_389, %dma_wait3A_390] : memref<4x125x64xf32, #tpu.memory_space<vmem>> -> memref<1x125x64xf32, #tpu.memory_space<vmem>>
      %dma_wait3A_392 = tpu.memref_squeeze %dma_wait3A_391 : memref<1x125x64xf32, #tpu.memory_space<vmem>> -> memref<125x64xf32, #tpu.memory_space<vmem>>
      %dma_wait3A_393 = arith.constant 0 : i32
      %dma_wait3A_394 = tpu.memref_slice %arg7[%rem3A_387, %dma_wait3A_388, %dma_wait3A_393] : memref<6x3x125xi32, #tpu.memory_space<vmem>> -> memref<1x1x125xi32, #tpu.memory_space<vmem>>
      %dma_wait3A_395 = tpu.memref_squeeze %dma_wait3A_394 : memref<1x1x125xi32, #tpu.memory_space<vmem>> -> memref<125xi32, #tpu.memory_space<vmem>>
      %dma_wait3A_396 = arith.constant 0 : i32
      %dma_wait3A_397 = arith.constant 0 : i32
      %dma_wait3A_398 = tpu.memref_slice %arg2[%arg0, %dma_wait3A_396, %dma_wait3A_397] : memref<2x10000x64xf32, #tpu.memory_space<hbm>> -> memref<1x10000x64xf32, #tpu.memory_space<hbm>>
      %dma_wait3A_399 = tpu.memref_squeeze %dma_wait3A_398 : memref<1x10000x64xf32, #tpu.memory_space<hbm>> -> memref<10000x64xf32, #tpu.memory_space<hbm>>
      %dma_wait3A_400 = arith.constant 0 : i32
      %dma_wait3A_401 = arith.constant 0 : i32
      %dma_wait3A_402 = tpu.memref_slice %dma_wait3A_399[%dma_wait3A_400, %dma_wait3A_401] : memref<10000x64xf32, #tpu.memory_space<hbm>> -> memref<10000x64xf32, #tpu.memory_space<hbm>>
      tpu.wait_indirect_dma semaphore(%arg12 : memref<!tpu.dma_semaphore, #tpu.memory_space<semaphore_mem>>) src(%dma_wait3A_402 : memref<10000x64xf32, #tpu.memory_space<hbm>>) dst(%dma_wait3A_392 : memref<125x64xf32, #tpu.memory_space<vmem>>)
      %rem3A_403 = arith.constant 6 : i32
      %rem3A_404 = arith.remsi %scan3A_362, %rem3A_403 : i32
      %dma_wait3A_405 = arith.constant 2 : i32
      %dma_wait3A_406 = arith.constant 0 : i32
      %dma_wait3A_407 = arith.constant 0 : i32
      %dma_wait3A_408 = tpu.memref_slice %arg9[%rem3A_364, %dma_wait3A_406, %dma_wait3A_407] : memref<4x125x64xf32, #tpu.memory_space<vmem>> -> memref<1x125x64xf32, #tpu.memory_space<vmem>>
      %dma_wait3A_409 = tpu.memref_squeeze %dma_wait3A_408 : memref<1x125x64xf32, #tpu.memory_space<vmem>> -> memref<125x64xf32, #tpu.memory_space<vmem>>
      %dma_wait3A_410 = arith.constant 0 : i32
      %dma_wait3A_411 = tpu.memref_slice %arg7[%rem3A_404, %dma_wait3A_405, %dma_wait3A_410] : memref<6x3x125xi32, #tpu.memory_space<vmem>> -> memref<1x1x125xi32, #tpu.memory_space<vmem>>
      %dma_wait3A_412 = tpu.memref_squeeze %dma_wait3A_411 : memref<1x1x125xi32, #tpu.memory_space<vmem>> -> memref<125xi32, #tpu.memory_space<vmem>>
      %dma_wait3A_413 = arith.constant 0 : i32
      %dma_wait3A_414 = arith.constant 0 : i32
      %dma_wait3A_415 = tpu.memref_slice %arg3[%arg0, %dma_wait3A_413, %dma_wait3A_414] : memref<2x512x64xf32, #tpu.memory_space<hbm>> -> memref<1x512x64xf32, #tpu.memory_space<hbm>>
      %dma_wait3A_416 = tpu.memref_squeeze %dma_wait3A_415 : memref<1x512x64xf32, #tpu.memory_space<hbm>> -> memref<512x64xf32, #tpu.memory_space<hbm>>
      %dma_wait3A_417 = arith.constant 0 : i32
      %dma_wait3A_418 = arith.constant 0 : i32
      %dma_wait3A_419 = tpu.memref_slice %dma_wait3A_416[%dma_wait3A_417, %dma_wait3A_418] : memref<512x64xf32, #tpu.memory_space<hbm>> -> memref<512x64xf32, #tpu.memory_space<hbm>>
      tpu.wait_indirect_dma semaphore(%arg13 : memref<!tpu.dma_semaphore, #tpu.memory_space<semaphore_mem>>) src(%dma_wait3A_419 : memref<512x64xf32, #tpu.memory_space<hbm>>) dst(%dma_wait3A_409 : memref<125x64xf32, #tpu.memory_space<vmem>>)
      %parallel_loop3A = arith.constant 0 : i32
      %parallel_loop3A_420 = arith.constant 125 : i32
      %parallel_loop3A_421 = arith.constant 1 : i32
      scf.for %parallel_loop3A_445 = %parallel_loop3A to %parallel_loop3A_420 step %parallel_loop3A_421  : i32 {
        %parallel_loop3A_446 = arith.constant 0 : i32
        %parallel_loop3A_447 = arith.constant 0 : i32
        %parallel_loop3A_448 = tpu.memref_slice %arg8[%rem3A_364, %parallel_loop3A_446, %parallel_loop3A_447] : memref<4x125x64xf32, #tpu.memory_space<vmem>> -> memref<1x125x64xf32, #tpu.memory_space<vmem>>
        %parallel_loop3A_449 = tpu.memref_squeeze %parallel_loop3A_448 : memref<1x125x64xf32, #tpu.memory_space<vmem>> -> memref<125x64xf32, #tpu.memory_space<vmem>>
        %parallel_loop3A_450 = arith.index_cast %parallel_loop3A_445 : i32 to index
        %parallel_loop3A_451 = arith.constant 0 : index
        %parallel_loop3A_452 = tpu.vector_load %parallel_loop3A_449[%parallel_loop3A_450, %parallel_loop3A_451] {strides = array<i32>} : memref<125x64xf32, #tpu.memory_space<vmem>>, vector<1x16xf32>,
        %parallel_loop3A_453 = vector.shape_cast %parallel_loop3A_452 : vector<1x16xf32> to vector<16xf32>
        %parallel_loop3A_454 = arith.constant 0 : i32
        %parallel_loop3A_455 = arith.constant 0 : i32
        %parallel_loop3A_456 = tpu.memref_slice %arg9[%rem3A_364, %parallel_loop3A_454, %parallel_loop3A_455] : memref<4x125x64xf32, #tpu.memory_space<vmem>> -> memref<1x125x64xf32, #tpu.memory_space<vmem>>
        %parallel_loop3A_457 = tpu.memref_squeeze %parallel_loop3A_456 : memref<1x125x64xf32, #tpu.memory_space<vmem>> -> memref<125x64xf32, #tpu.memory_space<vmem>>
        %parallel_loop3A_458 = arith.index_cast %parallel_loop3A_445 : i32 to index
        %parallel_loop3A_459 = arith.constant 0 : index
        %parallel_loop3A_460 = tpu.vector_load %parallel_loop3A_457[%parallel_loop3A_458, %parallel_loop3A_459] {strides = array<i32>} : memref<125x64xf32, #tpu.memory_space<vmem>>, vector<1x16xf32>,
        %parallel_loop3A_461 = vector.shape_cast %parallel_loop3A_460 : vector<1x16xf32> to vector<16xf32>
        %parallel_loop3A_462 = arith.mulf %parallel_loop3A_453, %parallel_loop3A_461 : vector<16xf32>
        %parallel_loop3A_463 = arith.constant 0 : i32
        %parallel_loop3A_464 = arith.constant 0 : i32
        %parallel_loop3A_465 = tpu.memref_slice %arg8[%rem3A_364, %parallel_loop3A_463, %parallel_loop3A_464] : memref<4x125x64xf32, #tpu.memory_space<vmem>> -> memref<1x125x64xf32, #tpu.memory_space<vmem>>
        %parallel_loop3A_466 = tpu.memref_squeeze %parallel_loop3A_465 : memref<1x125x64xf32, #tpu.memory_space<vmem>> -> memref<125x64xf32, #tpu.memory_space<vmem>>
        %parallel_loop3A_467 = arith.index_cast %parallel_loop3A_445 : i32 to index
        %parallel_loop3A_468 = arith.constant 0 : index
        %parallel_loop3A_469 = tpu.vector_load %parallel_loop3A_466[%parallel_loop3A_467, %parallel_loop3A_468] {strides = array<i32>} : memref<125x64xf32, #tpu.memory_space<vmem>>, vector<1x16xf32>,
        %parallel_loop3A_470 = vector.shape_cast %parallel_loop3A_469 : vector<1x16xf32> to vector<16xf32>
        %parallel_loop3A_471 = vector.shape_cast %parallel_loop3A_462 : vector<16xf32> to vector<1x16xf32>
        tpu.vector_store %parallel_loop3A_466[%parallel_loop3A_467, %parallel_loop3A_468], %parallel_loop3A_471 {strides = array<i32>} : memref<125x64xf32, #tpu.memory_space<vmem>>, vector<1x16xf32>,
        %parallel_loop3A_472 = arith.constant 0 : i32
        %parallel_loop3A_473 = arith.constant 0 : i32
        %parallel_loop3A_474 = tpu.memref_slice %arg8[%rem3A_364, %parallel_loop3A_472, %parallel_loop3A_473] : memref<4x125x64xf32, #tpu.memory_space<vmem>> -> memref<1x125x64xf32, #tpu.memory_space<vmem>>
        %parallel_loop3A_475 = tpu.memref_squeeze %parallel_loop3A_474 : memref<1x125x64xf32, #tpu.memory_space<vmem>> -> memref<125x64xf32, #tpu.memory_space<vmem>>
        %parallel_loop3A_476 = arith.index_cast %parallel_loop3A_445 : i32 to index
        %parallel_loop3A_477 = arith.constant 16 : index
        %parallel_loop3A_478 = tpu.vector_load %parallel_loop3A_475[%parallel_loop3A_476, %parallel_loop3A_477] {strides = array<i32>} : memref<125x64xf32, #tpu.memory_space<vmem>>, vector<1x16xf32>,
        %parallel_loop3A_479 = vector.shape_cast %parallel_loop3A_478 : vector<1x16xf32> to vector<16xf32>
        %parallel_loop3A_480 = arith.constant 0 : i32
        %parallel_loop3A_481 = arith.constant 0 : i32
        %parallel_loop3A_482 = tpu.memref_slice %arg9[%rem3A_364, %parallel_loop3A_480, %parallel_loop3A_481] : memref<4x125x64xf32, #tpu.memory_space<vmem>> -> memref<1x125x64xf32, #tpu.memory_space<vmem>>
        %parallel_loop3A_483 = tpu.memref_squeeze %parallel_loop3A_482 : memref<1x125x64xf32, #tpu.memory_space<vmem>> -> memref<125x64xf32, #tpu.memory_space<vmem>>
        %parallel_loop3A_484 = arith.index_cast %parallel_loop3A_445 : i32 to index
        %parallel_loop3A_485 = arith.constant 16 : index
        %parallel_loop3A_486 = tpu.vector_load %parallel_loop3A_483[%parallel_loop3A_484, %parallel_loop3A_485] {strides = array<i32>} : memref<125x64xf32, #tpu.memory_space<vmem>>, vector<1x16xf32>,
        %parallel_loop3A_487 = vector.shape_cast %parallel_loop3A_486 : vector<1x16xf32> to vector<16xf32>
        %parallel_loop3A_488 = arith.mulf %parallel_loop3A_479, %parallel_loop3A_487 : vector<16xf32>
        %parallel_loop3A_489 = arith.constant 0 : i32
        %parallel_loop3A_490 = arith.constant 0 : i32
        %parallel_loop3A_491 = tpu.memref_slice %arg8[%rem3A_364, %parallel_loop3A_489, %parallel_loop3A_490] : memref<4x125x64xf32, #tpu.memory_space<vmem>> -> memref<1x125x64xf32, #tpu.memory_space<vmem>>
        %parallel_loop3A_492 = tpu.memref_squeeze %parallel_loop3A_491 : memref<1x125x64xf32, #tpu.memory_space<vmem>> -> memref<125x64xf32, #tpu.memory_space<vmem>>
        %parallel_loop3A_493 = arith.index_cast %parallel_loop3A_445 : i32 to index
        %parallel_loop3A_494 = arith.constant 16 : index
        %parallel_loop3A_495 = tpu.vector_load %parallel_loop3A_492[%parallel_loop3A_493, %parallel_loop3A_494] {strides = array<i32>} : memref<125x64xf32, #tpu.memory_space<vmem>>, vector<1x16xf32>,
        %parallel_loop3A_496 = vector.shape_cast %parallel_loop3A_495 : vector<1x16xf32> to vector<16xf32>
        %parallel_loop3A_497 = vector.shape_cast %parallel_loop3A_488 : vector<16xf32> to vector<1x16xf32>
        tpu.vector_store %parallel_loop3A_492[%parallel_loop3A_493, %parallel_loop3A_494], %parallel_loop3A_497 {strides = array<i32>} : memref<125x64xf32, #tpu.memory_space<vmem>>, vector<1x16xf32>,
        %parallel_loop3A_498 = arith.constant 0 : i32
        %parallel_loop3A_499 = arith.constant 0 : i32
        %parallel_loop3A_500 = tpu.memref_slice %arg8[%rem3A_364, %parallel_loop3A_498, %parallel_loop3A_499] : memref<4x125x64xf32, #tpu.memory_space<vmem>> -> memref<1x125x64xf32, #tpu.memory_space<vmem>>
        %parallel_loop3A_501 = tpu.memref_squeeze %parallel_loop3A_500 : memref<1x125x64xf32, #tpu.memory_space<vmem>> -> memref<125x64xf32, #tpu.memory_space<vmem>>
        %parallel_loop3A_502 = arith.index_cast %parallel_loop3A_445 : i32 to index
        %parallel_loop3A_503 = arith.constant 32 : index
        %parallel_loop3A_504 = tpu.vector_load %parallel_loop3A_501[%parallel_loop3A_502, %parallel_loop3A_503] {strides = array<i32>} : memref<125x64xf32, #tpu.memory_space<vmem>>, vector<1x16xf32>,
        %parallel_loop3A_505 = vector.shape_cast %parallel_loop3A_504 : vector<1x16xf32> to vector<16xf32>
        %parallel_loop3A_506 = arith.constant 0 : i32
        %parallel_loop3A_507 = arith.constant 0 : i32
        %parallel_loop3A_508 = tpu.memref_slice %arg9[%rem3A_364, %parallel_loop3A_506, %parallel_loop3A_507] : memref<4x125x64xf32, #tpu.memory_space<vmem>> -> memref<1x125x64xf32, #tpu.memory_space<vmem>>
        %parallel_loop3A_509 = tpu.memref_squeeze %parallel_loop3A_508 : memref<1x125x64xf32, #tpu.memory_space<vmem>> -> memref<125x64xf32, #tpu.memory_space<vmem>>
        %parallel_loop3A_510 = arith.index_cast %parallel_loop3A_445 : i32 to index
        %parallel_loop3A_511 = arith.constant 32 : index
        %parallel_loop3A_512 = tpu.vector_load %parallel_loop3A_509[%parallel_loop3A_510, %parallel_loop3A_511] {strides = array<i32>} : memref<125x64xf32, #tpu.memory_space<vmem>>, vector<1x16xf32>,
        %parallel_loop3A_513 = vector.shape_cast %parallel_loop3A_512 : vector<1x16xf32> to vector<16xf32>
        %parallel_loop3A_514 = arith.mulf %parallel_loop3A_505, %parallel_loop3A_513 : vector<16xf32>
        %parallel_loop3A_515 = arith.constant 0 : i32
        %parallel_loop3A_516 = arith.constant 0 : i32
        %parallel_loop3A_517 = tpu.memref_slice %arg8[%rem3A_364, %parallel_loop3A_515, %parallel_loop3A_516] : memref<4x125x64xf32, #tpu.memory_space<vmem>> -> memref<1x125x64xf32, #tpu.memory_space<vmem>>
        %parallel_loop3A_518 = tpu.memref_squeeze %parallel_loop3A_517 : memref<1x125x64xf32, #tpu.memory_space<vmem>> -> memref<125x64xf32, #tpu.memory_space<vmem>>
        %parallel_loop3A_519 = arith.index_cast %parallel_loop3A_445 : i32 to index
        %parallel_loop3A_520 = arith.constant 32 : index
        %parallel_loop3A_521 = tpu.vector_load %parallel_loop3A_518[%parallel_loop3A_519, %parallel_loop3A_520] {strides = array<i32>} : memref<125x64xf32, #tpu.memory_space<vmem>>, vector<1x16xf32>,
        %parallel_loop3A_522 = vector.shape_cast %parallel_loop3A_521 : vector<1x16xf32> to vector<16xf32>
        %parallel_loop3A_523 = vector.shape_cast %parallel_loop3A_514 : vector<16xf32> to vector<1x16xf32>
        tpu.vector_store %parallel_loop3A_518[%parallel_loop3A_519, %parallel_loop3A_520], %parallel_loop3A_523 {strides = array<i32>} : memref<125x64xf32, #tpu.memory_space<vmem>>, vector<1x16xf32>,
        %parallel_loop3A_524 = arith.constant 0 : i32
        %parallel_loop3A_525 = arith.constant 0 : i32
        %parallel_loop3A_526 = tpu.memref_slice %arg8[%rem3A_364, %parallel_loop3A_524, %parallel_loop3A_525] : memref<4x125x64xf32, #tpu.memory_space<vmem>> -> memref<1x125x64xf32, #tpu.memory_space<vmem>>
        %parallel_loop3A_527 = tpu.memref_squeeze %parallel_loop3A_526 : memref<1x125x64xf32, #tpu.memory_space<vmem>> -> memref<125x64xf32, #tpu.memory_space<vmem>>
        %parallel_loop3A_528 = arith.index_cast %parallel_loop3A_445 : i32 to index
        %parallel_loop3A_529 = arith.constant 48 : index
        %parallel_loop3A_530 = tpu.vector_load %parallel_loop3A_527[%parallel_loop3A_528, %parallel_loop3A_529] {strides = array<i32>} : memref<125x64xf32, #tpu.memory_space<vmem>>, vector<1x16xf32>,
        %parallel_loop3A_531 = vector.shape_cast %parallel_loop3A_530 : vector<1x16xf32> to vector<16xf32>
        %parallel_loop3A_532 = arith.constant 0 : i32
        %parallel_loop3A_533 = arith.constant 0 : i32
        %parallel_loop3A_534 = tpu.memref_slice %arg9[%rem3A_364, %parallel_loop3A_532, %parallel_loop3A_533] : memref<4x125x64xf32, #tpu.memory_space<vmem>> -> memref<1x125x64xf32, #tpu.memory_space<vmem>>
        %parallel_loop3A_535 = tpu.memref_squeeze %parallel_loop3A_534 : memref<1x125x64xf32, #tpu.memory_space<vmem>> -> memref<125x64xf32, #tpu.memory_space<vmem>>
        %parallel_loop3A_536 = arith.index_cast %parallel_loop3A_445 : i32 to index
        %parallel_loop3A_537 = arith.constant 48 : index
        %parallel_loop3A_538 = tpu.vector_load %parallel_loop3A_535[%parallel_loop3A_536, %parallel_loop3A_537] {strides = array<i32>} : memref<125x64xf32, #tpu.memory_space<vmem>>, vector<1x16xf32>,
        %parallel_loop3A_539 = vector.shape_cast %parallel_loop3A_538 : vector<1x16xf32> to vector<16xf32>
        %parallel_loop3A_540 = arith.mulf %parallel_loop3A_531, %parallel_loop3A_539 : vector<16xf32>
        %parallel_loop3A_541 = arith.constant 0 : i32
        %parallel_loop3A_542 = arith.constant 0 : i32
        %parallel_loop3A_543 = tpu.memref_slice %arg8[%rem3A_364, %parallel_loop3A_541, %parallel_loop3A_542] : memref<4x125x64xf32, #tpu.memory_space<vmem>> -> memref<1x125x64xf32, #tpu.memory_space<vmem>>
        %parallel_loop3A_544 = tpu.memref_squeeze %parallel_loop3A_543 : memref<1x125x64xf32, #tpu.memory_space<vmem>> -> memref<125x64xf32, #tpu.memory_space<vmem>>
        %parallel_loop3A_545 = arith.index_cast %parallel_loop3A_445 : i32 to index
        %parallel_loop3A_546 = arith.constant 48 : index
        %parallel_loop3A_547 = tpu.vector_load %parallel_loop3A_544[%parallel_loop3A_545, %parallel_loop3A_546] {strides = array<i32>} : memref<125x64xf32, #tpu.memory_space<vmem>>, vector<1x16xf32>,
        %parallel_loop3A_548 = vector.shape_cast %parallel_loop3A_547 : vector<1x16xf32> to vector<16xf32>
        %parallel_loop3A_549 = vector.shape_cast %parallel_loop3A_540 : vector<16xf32> to vector<1x16xf32>
        tpu.vector_store %parallel_loop3A_544[%parallel_loop3A_545, %parallel_loop3A_546], %parallel_loop3A_549 {strides = array<i32>} : memref<125x64xf32, #tpu.memory_space<vmem>>, vector<1x16xf32>,
      } {sc.loop_unroll_factor = 5 : i64, sc.parallel_access}
      %rem3A_422 = arith.constant 6 : i32
      %rem3A_423 = arith.remsi %scan3A_362, %rem3A_422 : i32
      %dma_start3A_424 = arith.constant 1 : i32
      %dma_start3A_425 = arith.constant 0 : i32
      %dma_start3A_426 = arith.constant 0 : i32
      %dma_start3A_427 = tpu.memref_slice %arg8[%rem3A_364, %dma_start3A_425, %dma_start3A_426] : memref<4x125x64xf32, #tpu.memory_space<vmem>> -> memref<1x125x64xf32, #tpu.memory_space<vmem>>
      %dma_start3A_428 = tpu.memref_squeeze %dma_start3A_427 : memref<1x125x64xf32, #tpu.memory_space<vmem>> -> memref<125x64xf32, #tpu.memory_space<vmem>>
      %dma_start3A_429 = arith.constant 0 : i32
      %dma_start3A_430 = tpu.memref_slice %arg7[%rem3A_423, %dma_start3A_424, %dma_start3A_429] : memref<6x3x125xi32, #tpu.memory_space<vmem>> -> memref<1x1x125xi32, #tpu.memory_space<vmem>>
      %dma_start3A_431 = tpu.memref_squeeze %dma_start3A_430 : memref<1x1x125xi32, #tpu.memory_space<vmem>> -> memref<125xi32, #tpu.memory_space<vmem>>
      %dma_start3A_432 = arith.constant 0 : i32
      %dma_start3A_433 = arith.constant 0 : i32
      %dma_start3A_434 = tpu.memref_slice %arg15[%dma_start3A_432, %dma_start3A_433] : memref<10000x64xf32, #tpu.memory_space<vmem_shared>> -> memref<10000x64xf32, #tpu.memory_space<vmem_shared>>
      tpu.enqueue_indirect_dma source(%dma_start3A_428 : memref<125x64xf32, #tpu.memory_space<vmem>>) target(%dma_start3A_434 : memref<10000x64xf32, #tpu.memory_space<vmem_shared>>) offsets(%dma_start3A_431 : memref<125xi32, #tpu.memory_space<vmem>>) semaphore(%arg14 : memref<!tpu.dma_semaphore, #tpu.memory_space<semaphore_mem>>) {add = true}
      %rem3A_435 = arith.constant 6 : i32
      %rem3A_436 = arith.remsi %scan3A_362, %rem3A_435 : i32
      %dma_start3A_437 = arith.constant 1 : i32
      %dma_start3A_438 = arith.constant 0 : i32
      %dma_start3A_439 = tpu.memref_slice %arg16[%dma_start3A_438] : memref<128xf32, #tpu.memory_space<vmem>> -> memref<125xf32, #tpu.memory_space<vmem>>
      %dma_start3A_440 = arith.constant 0 : i32
      %dma_start3A_441 = tpu.memref_slice %arg7[%rem3A_436, %dma_start3A_437, %dma_start3A_440] : memref<6x3x125xi32, #tpu.memory_space<vmem>> -> memref<1x1x125xi32, #tpu.memory_space<vmem>>
      %dma_start3A_442 = tpu.memref_squeeze %dma_start3A_441 : memref<1x1x125xi32, #tpu.memory_space<vmem>> -> memref<125xi32, #tpu.memory_space<vmem>>
      %dma_start3A_443 = arith.constant 0 : i32
      %dma_start3A_444 = tpu.memref_slice %arg19[%dma_start3A_443] : memref<10000xf32, #tpu.memory_space<vmem_shared>> -> memref<10000xf32, #tpu.memory_space<vmem_shared>>
      tpu.enqueue_indirect_dma source(%dma_start3A_439 : memref<125xf32, #tpu.memory_space<vmem>>) target(%dma_start3A_444 : memref<10000xf32, #tpu.memory_space<vmem_shared>>) offsets(%dma_start3A_442 : memref<125xi32, #tpu.memory_space<vmem>>) semaphore(%arg18 : memref<!tpu.dma_semaphore, #tpu.memory_space<semaphore_mem>>) {add = true}
    }
    %scan3A_308 = arith.constant 160 : i32
    %rem3A_309 = arith.constant 159 : i32
    %rem3A_310 = arith.constant 4 : i32
    %rem3A_311 = arith.remsi %rem3A_309, %rem3A_310 : i32
    %rem3A_312 = arith.constant 159 : i32
    %rem3A_313 = arith.constant 6 : i32
    %rem3A_314 = arith.remsi %rem3A_312, %rem3A_313 : i32
    %dma_wait3A_315 = arith.constant 1 : i32
    %dma_wait3A_316 = arith.constant 0 : i32
    %dma_wait3A_317 = arith.constant 0 : i32
    %dma_wait3A_318 = tpu.memref_slice %arg8[%rem3A_311, %dma_wait3A_316, %dma_wait3A_317] : memref<4x125x64xf32, #tpu.memory_space<vmem>> -> memref<1x125x64xf32, #tpu.memory_space<vmem>>
    %dma_wait3A_319 = tpu.memref_squeeze %dma_wait3A_318 : memref<1x125x64xf32, #tpu.memory_space<vmem>> -> memref<125x64xf32, #tpu.memory_space<vmem>>
    %dma_wait3A_320 = arith.constant 0 : i32
    %dma_wait3A_321 = tpu.memref_slice %arg7[%rem3A_314, %dma_wait3A_315, %dma_wait3A_320] : memref<6x3x125xi32, #tpu.memory_space<vmem>> -> memref<1x1x125xi32, #tpu.memory_space<vmem>>
    %dma_wait3A_322 = tpu.memref_squeeze %dma_wait3A_321 : memref<1x1x125xi32, #tpu.memory_space<vmem>> -> memref<125xi32, #tpu.memory_space<vmem>>
    %dma_wait3A_323 = arith.constant 0 : i32
    %dma_wait3A_324 = arith.constant 0 : i32
    %dma_wait3A_325 = tpu.memref_slice %arg15[%dma_wait3A_323, %dma_wait3A_324] : memref<10000x64xf32, #tpu.memory_space<vmem_shared>> -> memref<10000x64xf32, #tpu.memory_space<vmem_shared>>
    tpu.wait_indirect_dma semaphore(%arg14 : memref<!tpu.dma_semaphore, #tpu.memory_space<semaphore_mem>>) src(%dma_wait3A_319 : memref<125x64xf32, #tpu.memory_space<vmem>>) dst(%dma_wait3A_325 : memref<10000x64xf32, #tpu.memory_space<vmem_shared>>)
    %rem3A_326 = arith.constant 159 : i32
    %rem3A_327 = arith.constant 6 : i32
    %rem3A_328 = arith.remsi %rem3A_326, %rem3A_327 : i32
    %dma_wait3A_329 = arith.constant 1 : i32
    %dma_wait3A_330 = arith.constant 0 : i32
    %dma_wait3A_331 = tpu.memref_slice %arg16[%dma_wait3A_330] : memref<128xf32, #tpu.memory_space<vmem>> -> memref<125xf32, #tpu.memory_space<vmem>>
    %dma_wait3A_332 = arith.constant 0 : i32
    %dma_wait3A_333 = tpu.memref_slice %arg7[%rem3A_328, %dma_wait3A_329, %dma_wait3A_332] : memref<6x3x125xi32, #tpu.memory_space<vmem>> -> memref<1x1x125xi32, #tpu.memory_space<vmem>>
    %dma_wait3A_334 = tpu.memref_squeeze %dma_wait3A_333 : memref<1x1x125xi32, #tpu.memory_space<vmem>> -> memref<125xi32, #tpu.memory_space<vmem>>
    %dma_wait3A_335 = arith.constant 0 : i32
    %dma_wait3A_336 = tpu.memref_slice %arg19[%dma_wait3A_335] : memref<10000xf32, #tpu.memory_space<vmem_shared>> -> memref<10000xf32, #tpu.memory_space<vmem_shared>>
    tpu.wait_indirect_dma semaphore(%arg18 : memref<!tpu.dma_semaphore, #tpu.memory_space<semaphore_mem>>) src(%dma_wait3A_331 : memref<125xf32, #tpu.memory_space<vmem>>) dst(%dma_wait3A_336 : memref<10000xf32, #tpu.memory_space<vmem_shared>>)
    %barrier3A_337 = arith.constant 0 : index
    tpu.barrier barrier_id(%barrier3A_337)
    %add3A_338 = arith.constant 0 : i32
    %add3A_339 = arith.addi %mul3A_104, %add3A_338 : i32
    "tpu.region"() ({
      %run_scoped3A = tpu.sem_alloc : memref<!tpu.dma_semaphore, #tpu.memory_space<semaphore_mem>>
      %dma_start3A_362 = arith.constant 0 : i32
      %dma_start3A_363 = tpu.memref_slice %arg5[%arg0, %add3A_339, %dma_start3A_362] : memref<2x10000x64xf32, #tpu.memory_space<hbm>> -> memref<1x104x64xf32, #tpu.memory_space<hbm>>
      %dma_start3A_364 = tpu.memref_squeeze %dma_start3A_363 : memref<1x104x64xf32, #tpu.memory_space<hbm>> -> memref<104x64xf32, #tpu.memory_space<hbm>>
      %dma_start3A_365 = arith.constant 0 : i32
      %dma_start3A_366 = tpu.memref_slice %arg15[%add3A_339, %dma_start3A_365] : memref<10000x64xf32, #tpu.memory_space<vmem_shared>> -> memref<104x64xf32, #tpu.memory_space<vmem_shared>>
      tpu.enqueue_dma source(%dma_start3A_366 : memref<104x64xf32, #tpu.memory_space<vmem_shared>>) target(%dma_start3A_364 : memref<104x64xf32, #tpu.memory_space<hbm>>) target_semaphore(%run_scoped3A : memref<!tpu.dma_semaphore, #tpu.memory_space<semaphore_mem>>)
      %dma_wait3A_367 = arith.constant 0 : i32
      %dma_wait3A_368 = tpu.memref_slice %arg5[%arg0, %add3A_339, %dma_wait3A_367] : memref<2x10000x64xf32, #tpu.memory_space<hbm>> -> memref<1x104x64xf32, #tpu.memory_space<hbm>>
      %dma_wait3A_369 = tpu.memref_squeeze %dma_wait3A_368 : memref<1x104x64xf32, #tpu.memory_space<hbm>> -> memref<104x64xf32, #tpu.memory_space<hbm>>
      %dma_wait3A_370 = arith.constant 0 : i32
      %dma_wait3A_371 = tpu.memref_slice %arg15[%add3A_339, %dma_wait3A_370] : memref<10000x64xf32, #tpu.memory_space<vmem_shared>> -> memref<104x64xf32, #tpu.memory_space<vmem_shared>>
      tpu.wait_dma2 semaphore(%run_scoped3A : memref<!tpu.dma_semaphore, #tpu.memory_space<semaphore_mem>>) src(%dma_wait3A_371 : memref<104x64xf32, #tpu.memory_space<vmem_shared>>) dst(%dma_wait3A_369 : memref<104x64xf32, #tpu.memory_space<hbm>>)
      tpu.yield
    }) : () -> ()
    %add3A_340 = arith.constant 104 : i32
    %add3A_341 = arith.addi %mul3A_104, %add3A_340 : i32
    "tpu.region"() ({
      %run_scoped3A = tpu.sem_alloc : memref<!tpu.dma_semaphore, #tpu.memory_space<semaphore_mem>>
      %dma_start3A_362 = arith.constant 0 : i32
      %dma_start3A_363 = tpu.memref_slice %arg5[%arg0, %add3A_341, %dma_start3A_362] : memref<2x10000x64xf32, #tpu.memory_space<hbm>> -> memref<1x104x64xf32, #tpu.memory_space<hbm>>
      %dma_start3A_364 = tpu.memref_squeeze %dma_start3A_363 : memref<1x104x64xf32, #tpu.memory_space<hbm>> -> memref<104x64xf32, #tpu.memory_space<hbm>>
      %dma_start3A_365 = arith.constant 0 : i32
      %dma_start3A_366 = tpu.memref_slice %arg15[%add3A_341, %dma_start3A_365] : memref<10000x64xf32, #tpu.memory_space<vmem_shared>> -> memref<104x64xf32, #tpu.memory_space<vmem_shared>>
      tpu.enqueue_dma source(%dma_start3A_366 : memref<104x64xf32, #tpu.memory_space<vmem_shared>>) target(%dma_start3A_364 : memref<104x64xf32, #tpu.memory_space<hbm>>) target_semaphore(%run_scoped3A : memref<!tpu.dma_semaphore, #tpu.memory_space<semaphore_mem>>)
      %dma_wait3A_367 = arith.constant 0 : i32
      %dma_wait3A_368 = tpu.memref_slice %arg5[%arg0, %add3A_341, %dma_wait3A_367] : memref<2x10000x64xf32, #tpu.memory_space<hbm>> -> memref<1x104x64xf32, #tpu.memory_space<hbm>>
      %dma_wait3A_369 = tpu.memref_squeeze %dma_wait3A_368 : memref<1x104x64xf32, #tpu.memory_space<hbm>> -> memref<104x64xf32, #tpu.memory_space<hbm>>
      %dma_wait3A_370 = arith.constant 0 : i32
      %dma_wait3A_371 = tpu.memref_slice %arg15[%add3A_341, %dma_wait3A_370] : memref<10000x64xf32, #tpu.memory_space<vmem_shared>> -> memref<104x64xf32, #tpu.memory_space<vmem_shared>>
      tpu.wait_dma2 semaphore(%run_scoped3A : memref<!tpu.dma_semaphore, #tpu.memory_space<semaphore_mem>>) src(%dma_wait3A_371 : memref<104x64xf32, #tpu.memory_space<vmem_shared>>) dst(%dma_wait3A_369 : memref<104x64xf32, #tpu.memory_space<hbm>>)
      tpu.yield
    }) : () -> ()
    %add3A_342 = arith.constant 208 : i32
    %add3A_343 = arith.addi %mul3A_104, %add3A_342 : i32
    "tpu.region"() ({
      %run_scoped3A = tpu.sem_alloc : memref<!tpu.dma_semaphore, #tpu.memory_space<semaphore_mem>>
      %dma_start3A_362 = arith.constant 0 : i32
      %dma_start3A_363 = tpu.memref_slice %arg5[%arg0, %add3A_343, %dma_start3A_362] : memref<2x10000x64xf32, #tpu.memory_space<hbm>> -> memref<1x104x64xf32, #tpu.memory_space<hbm>>
      %dma_start3A_364 = tpu.memref_squeeze %dma_start3A_363 : memref<1x104x64xf32, #tpu.memory_space<hbm>> -> memref<104x64xf32, #tpu.memory_space<hbm>>
      %dma_start3A_365 = arith.constant 0 : i32
      %dma_start3A_366 = tpu.memref_slice %arg15[%add3A_343, %dma_start3A_365] : memref<10000x64xf32, #tpu.memory_space<vmem_shared>> -> memref<104x64xf32, #tpu.memory_space<vmem_shared>>
      tpu.enqueue_dma source(%dma_start3A_366 : memref<104x64xf32, #tpu.memory_space<vmem_shared>>) target(%dma_start3A_364 : memref<104x64xf32, #tpu.memory_space<hbm>>) target_semaphore(%run_scoped3A : memref<!tpu.dma_semaphore, #tpu.memory_space<semaphore_mem>>)
      %dma_wait3A_367 = arith.constant 0 : i32
      %dma_wait3A_368 = tpu.memref_slice %arg5[%arg0, %add3A_343, %dma_wait3A_367] : memref<2x10000x64xf32, #tpu.memory_space<hbm>> -> memref<1x104x64xf32, #tpu.memory_space<hbm>>
      %dma_wait3A_369 = tpu.memref_squeeze %dma_wait3A_368 : memref<1x104x64xf32, #tpu.memory_space<hbm>> -> memref<104x64xf32, #tpu.memory_space<hbm>>
      %dma_wait3A_370 = arith.constant 0 : i32
      %dma_wait3A_371 = tpu.memref_slice %arg15[%add3A_343, %dma_wait3A_370] : memref<10000x64xf32, #tpu.memory_space<vmem_shared>> -> memref<104x64xf32, #tpu.memory_space<vmem_shared>>
      tpu.wait_dma2 semaphore(%run_scoped3A : memref<!tpu.dma_semaphore, #tpu.memory_space<semaphore_mem>>) src(%dma_wait3A_371 : memref<104x64xf32, #tpu.memory_space<vmem_shared>>) dst(%dma_wait3A_369 : memref<104x64xf32, #tpu.memory_space<hbm>>)
      tpu.yield
    }) : () -> ()
    %add3A_344 = arith.constant 312 : i32
    %add3A_345 = arith.addi %mul3A_104, %add3A_344 : i32
    "tpu.region"() ({
      %run_scoped3A = tpu.sem_alloc : memref<!tpu.dma_semaphore, #tpu.memory_space<semaphore_mem>>
      %dma_start3A_362 = arith.constant 0 : i32
      %dma_start3A_363 = tpu.memref_slice %arg5[%arg0, %add3A_345, %dma_start3A_362] : memref<2x10000x64xf32, #tpu.memory_space<hbm>> -> memref<1x104x64xf32, #tpu.memory_space<hbm>>
      %dma_start3A_364 = tpu.memref_squeeze %dma_start3A_363 : memref<1x104x64xf32, #tpu.memory_space<hbm>> -> memref<104x64xf32, #tpu.memory_space<hbm>>
      %dma_start3A_365 = arith.constant 0 : i32
      %dma_start3A_366 = tpu.memref_slice %arg15[%add3A_345, %dma_start3A_365] : memref<10000x64xf32, #tpu.memory_space<vmem_shared>> -> memref<104x64xf32, #tpu.memory_space<vmem_shared>>
      tpu.enqueue_dma source(%dma_start3A_366 : memref<104x64xf32, #tpu.memory_space<vmem_shared>>) target(%dma_start3A_364 : memref<104x64xf32, #tpu.memory_space<hbm>>) target_semaphore(%run_scoped3A : memref<!tpu.dma_semaphore, #tpu.memory_space<semaphore_mem>>)
      %dma_wait3A_367 = arith.constant 0 : i32
      %dma_wait3A_368 = tpu.memref_slice %arg5[%arg0, %add3A_345, %dma_wait3A_367] : memref<2x10000x64xf32, #tpu.memory_space<hbm>> -> memref<1x104x64xf32, #tpu.memory_space<hbm>>
      %dma_wait3A_369 = tpu.memref_squeeze %dma_wait3A_368 : memref<1x104x64xf32, #tpu.memory_space<hbm>> -> memref<104x64xf32, #tpu.memory_space<hbm>>
      %dma_wait3A_370 = arith.constant 0 : i32
      %dma_wait3A_371 = tpu.memref_slice %arg15[%add3A_345, %dma_wait3A_370] : memref<10000x64xf32, #tpu.memory_space<vmem_shared>> -> memref<104x64xf32, #tpu.memory_space<vmem_shared>>
      tpu.wait_dma2 semaphore(%run_scoped3A : memref<!tpu.dma_semaphore, #tpu.memory_space<semaphore_mem>>) src(%dma_wait3A_371 : memref<104x64xf32, #tpu.memory_space<vmem_shared>>) dst(%dma_wait3A_369 : memref<104x64xf32, #tpu.memory_space<hbm>>)
      tpu.yield
    }) : () -> ()
    %add3A_346 = arith.constant 416 : i32
    %add3A_347 = arith.addi %mul3A_104, %add3A_346 : i32
    "tpu.region"() ({
      %run_scoped3A = tpu.sem_alloc : memref<!tpu.dma_semaphore, #tpu.memory_space<semaphore_mem>>
      %dma_start3A_362 = arith.constant 0 : i32
      %dma_start3A_363 = tpu.memref_slice %arg5[%arg0, %add3A_347, %dma_start3A_362] : memref<2x10000x64xf32, #tpu.memory_space<hbm>> -> memref<1x104x64xf32, #tpu.memory_space<hbm>>
      %dma_start3A_364 = tpu.memref_squeeze %dma_start3A_363 : memref<1x104x64xf32, #tpu.memory_space<hbm>> -> memref<104x64xf32, #tpu.memory_space<hbm>>
      %dma_start3A_365 = arith.constant 0 : i32
      %dma_start3A_366 = tpu.memref_slice %arg15[%add3A_347, %dma_start3A_365] : memref<10000x64xf32, #tpu.memory_space<vmem_shared>> -> memref<104x64xf32, #tpu.memory_space<vmem_shared>>
      tpu.enqueue_dma source(%dma_start3A_366 : memref<104x64xf32, #tpu.memory_space<vmem_shared>>) target(%dma_start3A_364 : memref<104x64xf32, #tpu.memory_space<hbm>>) target_semaphore(%run_scoped3A : memref<!tpu.dma_semaphore, #tpu.memory_space<semaphore_mem>>)
      %dma_wait3A_367 = arith.constant 0 : i32
      %dma_wait3A_368 = tpu.memref_slice %arg5[%arg0, %add3A_347, %dma_wait3A_367] : memref<2x10000x64xf32, #tpu.memory_space<hbm>> -> memref<1x104x64xf32, #tpu.memory_space<hbm>>
      %dma_wait3A_369 = tpu.memref_squeeze %dma_wait3A_368 : memref<1x104x64xf32, #tpu.memory_space<hbm>> -> memref<104x64xf32, #tpu.memory_space<hbm>>
      %dma_wait3A_370 = arith.constant 0 : i32
      %dma_wait3A_371 = tpu.memref_slice %arg15[%add3A_347, %dma_wait3A_370] : memref<10000x64xf32, #tpu.memory_space<vmem_shared>> -> memref<104x64xf32, #tpu.memory_space<vmem_shared>>
      tpu.wait_dma2 semaphore(%run_scoped3A : memref<!tpu.dma_semaphore, #tpu.memory_space<semaphore_mem>>) src(%dma_wait3A_371 : memref<104x64xf32, #tpu.memory_space<vmem_shared>>) dst(%dma_wait3A_369 : memref<104x64xf32, #tpu.memory_space<hbm>>)
      tpu.yield
    }) : () -> ()
    %add3A_348 = arith.constant 520 : i32
    %add3A_349 = arith.addi %mul3A_104, %add3A_348 : i32
    "tpu.region"() ({
      %run_scoped3A = tpu.sem_alloc : memref<!tpu.dma_semaphore, #tpu.memory_space<semaphore_mem>>
      %dma_start3A_362 = arith.constant 0 : i32
      %dma_start3A_363 = tpu.memref_slice %arg5[%arg0, %add3A_349, %dma_start3A_362] : memref<2x10000x64xf32, #tpu.memory_space<hbm>> -> memref<1x104x64xf32, #tpu.memory_space<hbm>>
      %dma_start3A_364 = tpu.memref_squeeze %dma_start3A_363 : memref<1x104x64xf32, #tpu.memory_space<hbm>> -> memref<104x64xf32, #tpu.memory_space<hbm>>
      %dma_start3A_365 = arith.constant 0 : i32
      %dma_start3A_366 = tpu.memref_slice %arg15[%add3A_349, %dma_start3A_365] : memref<10000x64xf32, #tpu.memory_space<vmem_shared>> -> memref<104x64xf32, #tpu.memory_space<vmem_shared>>
      tpu.enqueue_dma source(%dma_start3A_366 : memref<104x64xf32, #tpu.memory_space<vmem_shared>>) target(%dma_start3A_364 : memref<104x64xf32, #tpu.memory_space<hbm>>) target_semaphore(%run_scoped3A : memref<!tpu.dma_semaphore, #tpu.memory_space<semaphore_mem>>)
      %dma_wait3A_367 = arith.constant 0 : i32
      %dma_wait3A_368 = tpu.memref_slice %arg5[%arg0, %add3A_349, %dma_wait3A_367] : memref<2x10000x64xf32, #tpu.memory_space<hbm>> -> memref<1x104x64xf32, #tpu.memory_space<hbm>>
      %dma_wait3A_369 = tpu.memref_squeeze %dma_wait3A_368 : memref<1x104x64xf32, #tpu.memory_space<hbm>> -> memref<104x64xf32, #tpu.memory_space<hbm>>
      %dma_wait3A_370 = arith.constant 0 : i32
      %dma_wait3A_371 = tpu.memref_slice %arg15[%add3A_349, %dma_wait3A_370] : memref<10000x64xf32, #tpu.memory_space<vmem_shared>> -> memref<104x64xf32, #tpu.memory_space<vmem_shared>>
      tpu.wait_dma2 semaphore(%run_scoped3A : memref<!tpu.dma_semaphore, #tpu.memory_space<semaphore_mem>>) src(%dma_wait3A_371 : memref<104x64xf32, #tpu.memory_space<vmem_shared>>) dst(%dma_wait3A_369 : memref<104x64xf32, #tpu.memory_space<hbm>>)
      tpu.yield
    }) : () -> ()
    %eq3A_350 = arith.constant 0 : i32
    %eq3A_351 = arith.cmpi eq, %arg1, %eq3A_350 : i32
    %convert_element_type3A_352 = arith.extui %eq3A_351 : i1 to i32
    %cond3A_353 = arith.constant 0 : i32
    %cond3A_354 = arith.cmpi ne, %convert_element_type3A_352, %cond3A_353 : i32
    scf.if %cond3A_354 {
      "tpu.region"() ({
        %run_scoped3A = tpu.sem_alloc : memref<!tpu.dma_semaphore, #tpu.memory_space<semaphore_mem>>
        %dma_start3A_362 = arith.constant 9984 : i32
        %dma_start3A_363 = arith.constant 0 : i32
        %dma_start3A_364 = tpu.memref_slice %arg5[%arg0, %dma_start3A_362, %dma_start3A_363] : memref<2x10000x64xf32, #tpu.memory_space<hbm>> -> memref<1x16x64xf32, #tpu.memory_space<hbm>>
        %dma_start3A_365 = tpu.memref_squeeze %dma_start3A_364 : memref<1x16x64xf32, #tpu.memory_space<hbm>> -> memref<16x64xf32, #tpu.memory_space<hbm>>
        %dma_start3A_366 = arith.constant 9984 : i32
        %dma_start3A_367 = arith.constant 0 : i32
        %dma_start3A_368 = tpu.memref_slice %arg15[%dma_start3A_366, %dma_start3A_367] : memref<10000x64xf32, #tpu.memory_space<vmem_shared>> -> memref<16x64xf32, #tpu.memory_space<vmem_shared>>
        tpu.enqueue_dma source(%dma_start3A_368 : memref<16x64xf32, #tpu.memory_space<vmem_shared>>) target(%dma_start3A_365 : memref<16x64xf32, #tpu.memory_space<hbm>>) target_semaphore(%run_scoped3A : memref<!tpu.dma_semaphore, #tpu.memory_space<semaphore_mem>>)
        %dma_wait3A_369 = arith.constant 9984 : i32
        %dma_wait3A_370 = arith.constant 0 : i32
        %dma_wait3A_371 = tpu.memref_slice %arg5[%arg0, %dma_wait3A_369, %dma_wait3A_370] : memref<2x10000x64xf32, #tpu.memory_space<hbm>> -> memref<1x16x64xf32, #tpu.memory_space<hbm>>
        %dma_wait3A_372 = tpu.memref_squeeze %dma_wait3A_371 : memref<1x16x64xf32, #tpu.memory_space<hbm>> -> memref<16x64xf32, #tpu.memory_space<hbm>>
        %dma_wait3A_373 = arith.constant 9984 : i32
        %dma_wait3A_374 = arith.constant 0 : i32
        %dma_wait3A_375 = tpu.memref_slice %arg15[%dma_wait3A_373, %dma_wait3A_374] : memref<10000x64xf32, #tpu.memory_space<vmem_shared>> -> memref<16x64xf32, #tpu.memory_space<vmem_shared>>
        tpu.wait_dma2 semaphore(%run_scoped3A : memref<!tpu.dma_semaphore, #tpu.memory_space<semaphore_mem>>) src(%dma_wait3A_375 : memref<16x64xf32, #tpu.memory_space<vmem_shared>>) dst(%dma_wait3A_372 : memref<16x64xf32, #tpu.memory_space<hbm>>)
        tpu.yield
      }) : () -> ()
    } else {
    }
    %eq3A_355 = arith.constant 0 : i32
    %eq3A_356 = arith.cmpi eq, %arg0, %eq3A_355 : i32
    %lt3A_357 = arith.constant 10 : i32
    %lt3A_358 = arith.cmpi slt, %arg1, %lt3A_357 : i32
    %and3A = arith.andi %eq3A_356, %lt3A_358 : i1
    %convert_element_type3A_359 = arith.extui %and3A : i1 to i32
    %cond3A_360 = arith.constant 0 : i32
    %cond3A_361 = arith.cmpi ne, %convert_element_type3A_359, %cond3A_360 : i32
    scf.if %cond3A_361 {
      %mul3A_362 = arith.constant 1000 : i32
      %mul3A_363 = arith.muli %arg1, %mul3A_362 : i32
      "tpu.region"() ({
        %run_scoped3A = tpu.sem_alloc : memref<!tpu.dma_semaphore, #tpu.memory_space<semaphore_mem>>
        %dma_start3A_366 = tpu.memref_slice %arg19[%mul3A_363] : memref<10000xf32, #tpu.memory_space<vmem_shared>> -> memref<1000xf32, #tpu.memory_space<vmem_shared>>
        %dma_start3A_367 = tpu.memref_slice %arg19[%mul3A_363] : memref<10000xf32, #tpu.memory_space<vmem_shared>> -> memref<1000xf32, #tpu.memory_space<vmem_shared>>
        tpu.enqueue_dma source(%dma_start3A_367 : memref<1000xf32, #tpu.memory_space<vmem_shared>>) target(%arg17 : memref<1000xf32, #tpu.memory_space<vmem>>) target_semaphore(%run_scoped3A : memref<!tpu.dma_semaphore, #tpu.memory_space<semaphore_mem>>)
        %dma_wait3A_368 = tpu.memref_slice %arg19[%mul3A_363] : memref<10000xf32, #tpu.memory_space<vmem_shared>> -> memref<1000xf32, #tpu.memory_space<vmem_shared>>
        %dma_wait3A_369 = tpu.memref_slice %arg19[%mul3A_363] : memref<10000xf32, #tpu.memory_space<vmem_shared>> -> memref<1000xf32, #tpu.memory_space<vmem_shared>>
        tpu.wait_dma2 semaphore(%run_scoped3A : memref<!tpu.dma_semaphore, #tpu.memory_space<semaphore_mem>>) src(%dma_wait3A_369 : memref<1000xf32, #tpu.memory_space<vmem_shared>>) dst(%arg17 : memref<1000xf32, #tpu.memory_space<vmem>>)
        tpu.yield
      }) : () -> ()
      %mul3A_364 = arith.constant 1000 : i32
      %mul3A_365 = arith.muli %arg1, %mul3A_364 : i32
      "tpu.region"() ({
        %run_scoped3A = tpu.sem_alloc : memref<!tpu.dma_semaphore, #tpu.memory_space<semaphore_mem>>
        %dma_start3A_366 = tpu.memref_slice %arg6[%mul3A_365] : memref<10000xf32, #tpu.memory_space<hbm>> -> memref<1000xf32, #tpu.memory_space<hbm>>
        %dma_start3A_367 = tpu.memref_slice %arg6[%mul3A_365] : memref<10000xf32, #tpu.memory_space<hbm>> -> memref<1000xf32, #tpu.memory_space<hbm>>
        tpu.enqueue_dma source(%arg17 : memref<1000xf32, #tpu.memory_space<vmem>>) target(%dma_start3A_367 : memref<1000xf32, #tpu.memory_space<hbm>>) target_semaphore(%run_scoped3A : memref<!tpu.dma_semaphore, #tpu.memory_space<semaphore_mem>>)
        %dma_wait3A_368 = tpu.memref_slice %arg6[%mul3A_365] : memref<10000xf32, #tpu.memory_space<hbm>> -> memref<1000xf32, #tpu.memory_space<hbm>>
        %dma_wait3A_369 = tpu.memref_slice %arg6[%mul3A_365] : memref<10000xf32, #tpu.memory_space<hbm>> -> memref<1000xf32, #tpu.memory_space<hbm>>
        tpu.wait_dma2 semaphore(%run_scoped3A : memref<!tpu.dma_semaphore, #tpu.memory_space<semaphore_mem>>) src(%arg17 : memref<1000xf32, #tpu.memory_space<vmem>>) dst(%dma_wait3A_369 : memref<1000xf32, #tpu.memory_space<hbm>>)
        tpu.yield
      }) : () -> ()
    } else {
    }
    return
  }
}

#map = affine_map<(d0, d1) -> (0, 0, 0)>
#map1 = affine_map<(d0, d1) -> (0, 0, 0, 0)>
module attributes {stable_mosaic.version = 14 : i64} {
  func.func @body(%arg0: i32, %arg1: i32, %arg2: memref<2x10000x64xf32, #tpu.memory_space<hbm>>, %arg3: memref<2x512x64xf32, #tpu.memory_space<hbm>>, %arg4: memref<16x160x3x125xi32, #tpu.memory_space<hbm>>, %arg5: memref<2x10000x64xf32, #tpu.memory_space<hbm>>, %arg6: memref<6x3x125xi32, #tpu.memory_space<vmem>>, %arg7: memref<4x125x64xf32, #tpu.memory_space<vmem>>, %arg8: memref<4x125x64xf32, #tpu.memory_space<vmem>>, %arg9: memref<104x64xf32, #tpu.memory_space<vmem>>, %arg10: memref<!tpu.dma_semaphore, #tpu.memory_space<semaphore_mem>>, %arg11: memref<!tpu.dma_semaphore, #tpu.memory_space<semaphore_mem>>, %arg12: memref<!tpu.dma_semaphore, #tpu.memory_space<semaphore_mem>>, %arg13: memref<!tpu.dma_semaphore, #tpu.memory_space<semaphore_mem>>, %arg14: memref<10000x64xf32, #tpu.memory_space<vmem_shared>>) attributes {dimension_semantics = [#tpu.dimension_semantics<core_parallel>, #tpu.dimension_semantics<subcore_parallel>], iteration_bounds = array<i64: 2, 16>, scalar_prefetch = 0 : i64, scratch_operands = 9 : i64, tpu.core_type = #tpu.core_type<sc_vector_subcore>, window_params = [{transform_indices = #map}, {transform_indices = #map}, {transform_indices = #map1}, {transform_indices = #map}]} {
    %rem3A = arith.constant 0 : i32
    %rem3A_0 = arith.constant 6 : i32
    %rem3A_1 = arith.remsi %rem3A, %rem3A_0 : i32
    %dma_start3A = arith.constant 0 : i32
    %dma_start3A_2 = arith.constant 0 : i32
    %dma_start3A_3 = arith.constant 0 : i32
    %dma_start3A_4 = tpu.memref_slice %arg6[%rem3A_1, %dma_start3A_2, %dma_start3A_3] : memref<6x3x125xi32, #tpu.memory_space<vmem>> -> memref<1x3x125xi32, #tpu.memory_space<vmem>>
    %dma_start3A_5 = tpu.memref_squeeze %dma_start3A_4 : memref<1x3x125xi32, #tpu.memory_space<vmem>> -> memref<3x125xi32, #tpu.memory_space<vmem>>
    %dma_start3A_6 = arith.constant 0 : i32
    %dma_start3A_7 = arith.constant 0 : i32
    %dma_start3A_8 = tpu.memref_slice %arg4[%arg1, %dma_start3A, %dma_start3A_6, %dma_start3A_7] : memref<16x160x3x125xi32, #tpu.memory_space<hbm>> -> memref<1x1x3x125xi32, #tpu.memory_space<hbm>>
    %dma_start3A_9 = tpu.memref_squeeze %dma_start3A_8 : memref<1x1x3x125xi32, #tpu.memory_space<hbm>> -> memref<3x125xi32, #tpu.memory_space<hbm>>
    %dma_start3A_10 = arith.constant 0 : i32
    %dma_start3A_11 = arith.constant 0 : i32
    %dma_start3A_12 = tpu.memref_slice %arg6[%rem3A_1, %dma_start3A_10, %dma_start3A_11] : memref<6x3x125xi32, #tpu.memory_space<vmem>> -> memref<1x3x125xi32, #tpu.memory_space<vmem>>
    %dma_start3A_13 = tpu.memref_squeeze %dma_start3A_12 : memref<1x3x125xi32, #tpu.memory_space<vmem>> -> memref<3x125xi32, #tpu.memory_space<vmem>>
    %dma_start3A_14 = arith.constant 0 : i32
    %dma_start3A_15 = arith.constant 0 : i32
    %dma_start3A_16 = tpu.memref_slice %arg4[%arg1, %dma_start3A, %dma_start3A_14, %dma_start3A_15] : memref<16x160x3x125xi32, #tpu.memory_space<hbm>> -> memref<1x1x3x125xi32, #tpu.memory_space<hbm>>
    %dma_start3A_17 = tpu.memref_squeeze %dma_start3A_16 : memref<1x1x3x125xi32, #tpu.memory_space<hbm>> -> memref<3x125xi32, #tpu.memory_space<hbm>>
    tpu.enqueue_dma source(%dma_start3A_17 : memref<3x125xi32, #tpu.memory_space<hbm>>) target(%dma_start3A_13 : memref<3x125xi32, #tpu.memory_space<vmem>>) target_semaphore(%arg10 : memref<!tpu.dma_semaphore, #tpu.memory_space<semaphore_mem>>)
    %rem3A_18 = arith.constant 1 : i32
    %rem3A_19 = arith.constant 6 : i32
    %rem3A_20 = arith.remsi %rem3A_18, %rem3A_19 : i32
    %dma_start3A_21 = arith.constant 1 : i32
    %dma_start3A_22 = arith.constant 0 : i32
    %dma_start3A_23 = arith.constant 0 : i32
    %dma_start3A_24 = tpu.memref_slice %arg6[%rem3A_20, %dma_start3A_22, %dma_start3A_23] : memref<6x3x125xi32, #tpu.memory_space<vmem>> -> memref<1x3x125xi32, #tpu.memory_space<vmem>>
    %dma_start3A_25 = tpu.memref_squeeze %dma_start3A_24 : memref<1x3x125xi32, #tpu.memory_space<vmem>> -> memref<3x125xi32, #tpu.memory_space<vmem>>
    %dma_start3A_26 = arith.constant 0 : i32
    %dma_start3A_27 = arith.constant 0 : i32
    %dma_start3A_28 = tpu.memref_slice %arg4[%arg1, %dma_start3A_21, %dma_start3A_26, %dma_start3A_27] : memref<16x160x3x125xi32, #tpu.memory_space<hbm>> -> memref<1x1x3x125xi32, #tpu.memory_space<hbm>>
    %dma_start3A_29 = tpu.memref_squeeze %dma_start3A_28 : memref<1x1x3x125xi32, #tpu.memory_space<hbm>> -> memref<3x125xi32, #tpu.memory_space<hbm>>
    %dma_start3A_30 = arith.constant 0 : i32
    %dma_start3A_31 = arith.constant 0 : i32
    %dma_start3A_32 = tpu.memref_slice %arg6[%rem3A_20, %dma_start3A_30, %dma_start3A_31] : memref<6x3x125xi32, #tpu.memory_space<vmem>> -> memref<1x3x125xi32, #tpu.memory_space<vmem>>
    %dma_start3A_33 = tpu.memref_squeeze %dma_start3A_32 : memref<1x3x125xi32, #tpu.memory_space<vmem>> -> memref<3x125xi32, #tpu.memory_space<vmem>>
    %dma_start3A_34 = arith.constant 0 : i32
    %dma_start3A_35 = arith.constant 0 : i32
    %dma_start3A_36 = tpu.memref_slice %arg4[%arg1, %dma_start3A_21, %dma_start3A_34, %dma_start3A_35] : memref<16x160x3x125xi32, #tpu.memory_space<hbm>> -> memref<1x1x3x125xi32, #tpu.memory_space<hbm>>
    %dma_start3A_37 = tpu.memref_squeeze %dma_start3A_36 : memref<1x1x3x125xi32, #tpu.memory_space<hbm>> -> memref<3x125xi32, #tpu.memory_space<hbm>>
    tpu.enqueue_dma source(%dma_start3A_37 : memref<3x125xi32, #tpu.memory_space<hbm>>) target(%dma_start3A_33 : memref<3x125xi32, #tpu.memory_space<vmem>>) target_semaphore(%arg10 : memref<!tpu.dma_semaphore, #tpu.memory_space<semaphore_mem>>)
    %rem3A_38 = arith.constant 2 : i32
    %rem3A_39 = arith.constant 6 : i32
    %rem3A_40 = arith.remsi %rem3A_38, %rem3A_39 : i32
    %dma_start3A_41 = arith.constant 2 : i32
    %dma_start3A_42 = arith.constant 0 : i32
    %dma_start3A_43 = arith.constant 0 : i32
    %dma_start3A_44 = tpu.memref_slice %arg6[%rem3A_40, %dma_start3A_42, %dma_start3A_43] : memref<6x3x125xi32, #tpu.memory_space<vmem>> -> memref<1x3x125xi32, #tpu.memory_space<vmem>>
    %dma_start3A_45 = tpu.memref_squeeze %dma_start3A_44 : memref<1x3x125xi32, #tpu.memory_space<vmem>> -> memref<3x125xi32, #tpu.memory_space<vmem>>
    %dma_start3A_46 = arith.constant 0 : i32
    %dma_start3A_47 = arith.constant 0 : i32
    %dma_start3A_48 = tpu.memref_slice %arg4[%arg1, %dma_start3A_41, %dma_start3A_46, %dma_start3A_47] : memref<16x160x3x125xi32, #tpu.memory_space<hbm>> -> memref<1x1x3x125xi32, #tpu.memory_space<hbm>>
    %dma_start3A_49 = tpu.memref_squeeze %dma_start3A_48 : memref<1x1x3x125xi32, #tpu.memory_space<hbm>> -> memref<3x125xi32, #tpu.memory_space<hbm>>
    %dma_start3A_50 = arith.constant 0 : i32
    %dma_start3A_51 = arith.constant 0 : i32
    %dma_start3A_52 = tpu.memref_slice %arg6[%rem3A_40, %dma_start3A_50, %dma_start3A_51] : memref<6x3x125xi32, #tpu.memory_space<vmem>> -> memref<1x3x125xi32, #tpu.memory_space<vmem>>
    %dma_start3A_53 = tpu.memref_squeeze %dma_start3A_52 : memref<1x3x125xi32, #tpu.memory_space<vmem>> -> memref<3x125xi32, #tpu.memory_space<vmem>>
    %dma_start3A_54 = arith.constant 0 : i32
    %dma_start3A_55 = arith.constant 0 : i32
    %dma_start3A_56 = tpu.memref_slice %arg4[%arg1, %dma_start3A_41, %dma_start3A_54, %dma_start3A_55] : memref<16x160x3x125xi32, #tpu.memory_space<hbm>> -> memref<1x1x3x125xi32, #tpu.memory_space<hbm>>
    %dma_start3A_57 = tpu.memref_squeeze %dma_start3A_56 : memref<1x1x3x125xi32, #tpu.memory_space<hbm>> -> memref<3x125xi32, #tpu.memory_space<hbm>>
    tpu.enqueue_dma source(%dma_start3A_57 : memref<3x125xi32, #tpu.memory_space<hbm>>) target(%dma_start3A_53 : memref<3x125xi32, #tpu.memory_space<vmem>>) target_semaphore(%arg10 : memref<!tpu.dma_semaphore, #tpu.memory_space<semaphore_mem>>)
    %rem3A_58 = arith.constant 3 : i32
    %rem3A_59 = arith.constant 6 : i32
    %rem3A_60 = arith.remsi %rem3A_58, %rem3A_59 : i32
    %dma_start3A_61 = arith.constant 3 : i32
    %dma_start3A_62 = arith.constant 0 : i32
    %dma_start3A_63 = arith.constant 0 : i32
    %dma_start3A_64 = tpu.memref_slice %arg6[%rem3A_60, %dma_start3A_62, %dma_start3A_63] : memref<6x3x125xi32, #tpu.memory_space<vmem>> -> memref<1x3x125xi32, #tpu.memory_space<vmem>>
    %dma_start3A_65 = tpu.memref_squeeze %dma_start3A_64 : memref<1x3x125xi32, #tpu.memory_space<vmem>> -> memref<3x125xi32, #tpu.memory_space<vmem>>
    %dma_start3A_66 = arith.constant 0 : i32
    %dma_start3A_67 = arith.constant 0 : i32
    %dma_start3A_68 = tpu.memref_slice %arg4[%arg1, %dma_start3A_61, %dma_start3A_66, %dma_start3A_67] : memref<16x160x3x125xi32, #tpu.memory_space<hbm>> -> memref<1x1x3x125xi32, #tpu.memory_space<hbm>>
    %dma_start3A_69 = tpu.memref_squeeze %dma_start3A_68 : memref<1x1x3x125xi32, #tpu.memory_space<hbm>> -> memref<3x125xi32, #tpu.memory_space<hbm>>
    %dma_start3A_70 = arith.constant 0 : i32
    %dma_start3A_71 = arith.constant 0 : i32
    %dma_start3A_72 = tpu.memref_slice %arg6[%rem3A_60, %dma_start3A_70, %dma_start3A_71] : memref<6x3x125xi32, #tpu.memory_space<vmem>> -> memref<1x3x125xi32, #tpu.memory_space<vmem>>
    %dma_start3A_73 = tpu.memref_squeeze %dma_start3A_72 : memref<1x3x125xi32, #tpu.memory_space<vmem>> -> memref<3x125xi32, #tpu.memory_space<vmem>>
    %dma_start3A_74 = arith.constant 0 : i32
    %dma_start3A_75 = arith.constant 0 : i32
    %dma_start3A_76 = tpu.memref_slice %arg4[%arg1, %dma_start3A_61, %dma_start3A_74, %dma_start3A_75] : memref<16x160x3x125xi32, #tpu.memory_space<hbm>> -> memref<1x1x3x125xi32, #tpu.memory_space<hbm>>
    %dma_start3A_77 = tpu.memref_squeeze %dma_start3A_76 : memref<1x1x3x125xi32, #tpu.memory_space<hbm>> -> memref<3x125xi32, #tpu.memory_space<hbm>>
    tpu.enqueue_dma source(%dma_start3A_77 : memref<3x125xi32, #tpu.memory_space<hbm>>) target(%dma_start3A_73 : memref<3x125xi32, #tpu.memory_space<vmem>>) target_semaphore(%arg10 : memref<!tpu.dma_semaphore, #tpu.memory_space<semaphore_mem>>)
    %rem3A_78 = arith.constant 4 : i32
    %rem3A_79 = arith.constant 6 : i32
    %rem3A_80 = arith.remsi %rem3A_78, %rem3A_79 : i32
    %dma_start3A_81 = arith.constant 4 : i32
    %dma_start3A_82 = arith.constant 0 : i32
    %dma_start3A_83 = arith.constant 0 : i32
    %dma_start3A_84 = tpu.memref_slice %arg6[%rem3A_80, %dma_start3A_82, %dma_start3A_83] : memref<6x3x125xi32, #tpu.memory_space<vmem>> -> memref<1x3x125xi32, #tpu.memory_space<vmem>>
    %dma_start3A_85 = tpu.memref_squeeze %dma_start3A_84 : memref<1x3x125xi32, #tpu.memory_space<vmem>> -> memref<3x125xi32, #tpu.memory_space<vmem>>
    %dma_start3A_86 = arith.constant 0 : i32
    %dma_start3A_87 = arith.constant 0 : i32
    %dma_start3A_88 = tpu.memref_slice %arg4[%arg1, %dma_start3A_81, %dma_start3A_86, %dma_start3A_87] : memref<16x160x3x125xi32, #tpu.memory_space<hbm>> -> memref<1x1x3x125xi32, #tpu.memory_space<hbm>>
    %dma_start3A_89 = tpu.memref_squeeze %dma_start3A_88 : memref<1x1x3x125xi32, #tpu.memory_space<hbm>> -> memref<3x125xi32, #tpu.memory_space<hbm>>
    %dma_start3A_90 = arith.constant 0 : i32
    %dma_start3A_91 = arith.constant 0 : i32
    %dma_start3A_92 = tpu.memref_slice %arg6[%rem3A_80, %dma_start3A_90, %dma_start3A_91] : memref<6x3x125xi32, #tpu.memory_space<vmem>> -> memref<1x3x125xi32, #tpu.memory_space<vmem>>
    %dma_start3A_93 = tpu.memref_squeeze %dma_start3A_92 : memref<1x3x125xi32, #tpu.memory_space<vmem>> -> memref<3x125xi32, #tpu.memory_space<vmem>>
    %dma_start3A_94 = arith.constant 0 : i32
    %dma_start3A_95 = arith.constant 0 : i32
    %dma_start3A_96 = tpu.memref_slice %arg4[%arg1, %dma_start3A_81, %dma_start3A_94, %dma_start3A_95] : memref<16x160x3x125xi32, #tpu.memory_space<hbm>> -> memref<1x1x3x125xi32, #tpu.memory_space<hbm>>
    %dma_start3A_97 = tpu.memref_squeeze %dma_start3A_96 : memref<1x1x3x125xi32, #tpu.memory_space<hbm>> -> memref<3x125xi32, #tpu.memory_space<hbm>>
    tpu.enqueue_dma source(%dma_start3A_97 : memref<3x125xi32, #tpu.memory_space<hbm>>) target(%dma_start3A_93 : memref<3x125xi32, #tpu.memory_space<vmem>>) target_semaphore(%arg10 : memref<!tpu.dma_semaphore, #tpu.memory_space<semaphore_mem>>)
    %broadcast_in_dim3A = arith.constant 0.000000e+00 : f32
    %broadcast_in_dim3A_98 = vector.broadcast %broadcast_in_dim3A : f32 to vector<16xf32>
    %scan3A = arith.constant 0 : i32
    %scan3A_99 = arith.constant 0 : i32
    %scan3A_100 = arith.constant 104 : i32
    %scan3A_101 = arith.addi %scan3A_99, %scan3A_100 : i32
    %scan3A_102 = arith.constant 1 : i32
    scf.for %scan3A_326 = %scan3A_99 to %scan3A_101 step %scan3A_102  : i32 {
      %swap3A = arith.index_cast %scan3A_326 : i32 to index
      %swap3A_327 = arith.constant 0 : index
      %swap3A_328 = tpu.vector_load %arg9[%swap3A, %swap3A_327] {strides = array<i32>} : memref<104x64xf32, #tpu.memory_space<vmem>>, vector<1x16xf32>,
      %swap3A_329 = vector.shape_cast %swap3A_328 : vector<1x16xf32> to vector<16xf32>
      %swap3A_330 = vector.shape_cast %broadcast_in_dim3A_98 : vector<16xf32> to vector<1x16xf32>
      tpu.vector_store %arg9[%swap3A, %swap3A_327], %swap3A_330 {strides = array<i32>} : memref<104x64xf32, #tpu.memory_space<vmem>>, vector<1x16xf32>,
      %swap3A_331 = arith.index_cast %scan3A_326 : i32 to index
      %swap3A_332 = arith.constant 16 : index
      %swap3A_333 = tpu.vector_load %arg9[%swap3A_331, %swap3A_332] {strides = array<i32>} : memref<104x64xf32, #tpu.memory_space<vmem>>, vector<1x16xf32>,
      %swap3A_334 = vector.shape_cast %swap3A_333 : vector<1x16xf32> to vector<16xf32>
      %swap3A_335 = vector.shape_cast %broadcast_in_dim3A_98 : vector<16xf32> to vector<1x16xf32>
      tpu.vector_store %arg9[%swap3A_331, %swap3A_332], %swap3A_335 {strides = array<i32>} : memref<104x64xf32, #tpu.memory_space<vmem>>, vector<1x16xf32>,
      %swap3A_336 = arith.index_cast %scan3A_326 : i32 to index
      %swap3A_337 = arith.constant 32 : index
      %swap3A_338 = tpu.vector_load %arg9[%swap3A_336, %swap3A_337] {strides = array<i32>} : memref<104x64xf32, #tpu.memory_space<vmem>>, vector<1x16xf32>,
      %swap3A_339 = vector.shape_cast %swap3A_338 : vector<1x16xf32> to vector<16xf32>
      %swap3A_340 = vector.shape_cast %broadcast_in_dim3A_98 : vector<16xf32> to vector<1x16xf32>
      tpu.vector_store %arg9[%swap3A_336, %swap3A_337], %swap3A_340 {strides = array<i32>} : memref<104x64xf32, #tpu.memory_space<vmem>>, vector<1x16xf32>,
      %swap3A_341 = arith.index_cast %scan3A_326 : i32 to index
      %swap3A_342 = arith.constant 48 : index
      %swap3A_343 = tpu.vector_load %arg9[%swap3A_341, %swap3A_342] {strides = array<i32>} : memref<104x64xf32, #tpu.memory_space<vmem>>, vector<1x16xf32>,
      %swap3A_344 = vector.shape_cast %swap3A_343 : vector<1x16xf32> to vector<16xf32>
      %swap3A_345 = vector.shape_cast %broadcast_in_dim3A_98 : vector<16xf32> to vector<1x16xf32>
      tpu.vector_store %arg9[%swap3A_341, %swap3A_342], %swap3A_345 {strides = array<i32>} : memref<104x64xf32, #tpu.memory_space<vmem>>, vector<1x16xf32>,
    }
    %scan3A_103 = arith.constant 104 : i32
    %mul3A = arith.constant 624 : i32
    %mul3A_104 = arith.muli %arg1, %mul3A : i32
    %add3A = arith.constant 0 : i32
    %add3A_105 = arith.addi %mul3A_104, %add3A : i32
    "tpu.region"() ({
      %run_scoped3A = tpu.sem_alloc : memref<!tpu.dma_semaphore, #tpu.memory_space<semaphore_mem>>
      %dma_start3A_326 = arith.constant 0 : i32
      %dma_start3A_327 = tpu.memref_slice %arg14[%add3A_105, %dma_start3A_326] : memref<10000x64xf32, #tpu.memory_space<vmem_shared>> -> memref<104x64xf32, #tpu.memory_space<vmem_shared>>
      %dma_start3A_328 = arith.constant 0 : i32
      %dma_start3A_329 = tpu.memref_slice %arg14[%add3A_105, %dma_start3A_328] : memref<10000x64xf32, #tpu.memory_space<vmem_shared>> -> memref<104x64xf32, #tpu.memory_space<vmem_shared>>
      tpu.enqueue_dma source(%arg9 : memref<104x64xf32, #tpu.memory_space<vmem>>) target(%dma_start3A_329 : memref<104x64xf32, #tpu.memory_space<vmem_shared>>) target_semaphore(%run_scoped3A : memref<!tpu.dma_semaphore, #tpu.memory_space<semaphore_mem>>)
      %dma_wait3A_330 = arith.constant 0 : i32
      %dma_wait3A_331 = tpu.memref_slice %arg14[%add3A_105, %dma_wait3A_330] : memref<10000x64xf32, #tpu.memory_space<vmem_shared>> -> memref<104x64xf32, #tpu.memory_space<vmem_shared>>
      %dma_wait3A_332 = arith.constant 0 : i32
      %dma_wait3A_333 = tpu.memref_slice %arg14[%add3A_105, %dma_wait3A_332] : memref<10000x64xf32, #tpu.memory_space<vmem_shared>> -> memref<104x64xf32, #tpu.memory_space<vmem_shared>>
      tpu.wait_dma2 semaphore(%run_scoped3A : memref<!tpu.dma_semaphore, #tpu.memory_space<semaphore_mem>>) src(%arg9 : memref<104x64xf32, #tpu.memory_space<vmem>>) dst(%dma_wait3A_333 : memref<104x64xf32, #tpu.memory_space<vmem_shared>>)
      tpu.yield
    }) : () -> ()
    %add3A_106 = arith.constant 104 : i32
    %add3A_107 = arith.addi %mul3A_104, %add3A_106 : i32
    "tpu.region"() ({
      %run_scoped3A = tpu.sem_alloc : memref<!tpu.dma_semaphore, #tpu.memory_space<semaphore_mem>>
      %dma_start3A_326 = arith.constant 0 : i32
      %dma_start3A_327 = tpu.memref_slice %arg14[%add3A_107, %dma_start3A_326] : memref<10000x64xf32, #tpu.memory_space<vmem_shared>> -> memref<104x64xf32, #tpu.memory_space<vmem_shared>>
      %dma_start3A_328 = arith.constant 0 : i32
      %dma_start3A_329 = tpu.memref_slice %arg14[%add3A_107, %dma_start3A_328] : memref<10000x64xf32, #tpu.memory_space<vmem_shared>> -> memref<104x64xf32, #tpu.memory_space<vmem_shared>>
      tpu.enqueue_dma source(%arg9 : memref<104x64xf32, #tpu.memory_space<vmem>>) target(%dma_start3A_329 : memref<104x64xf32, #tpu.memory_space<vmem_shared>>) target_semaphore(%run_scoped3A : memref<!tpu.dma_semaphore, #tpu.memory_space<semaphore_mem>>)
      %dma_wait3A_330 = arith.constant 0 : i32
      %dma_wait3A_331 = tpu.memref_slice %arg14[%add3A_107, %dma_wait3A_330] : memref<10000x64xf32, #tpu.memory_space<vmem_shared>> -> memref<104x64xf32, #tpu.memory_space<vmem_shared>>
      %dma_wait3A_332 = arith.constant 0 : i32
      %dma_wait3A_333 = tpu.memref_slice %arg14[%add3A_107, %dma_wait3A_332] : memref<10000x64xf32, #tpu.memory_space<vmem_shared>> -> memref<104x64xf32, #tpu.memory_space<vmem_shared>>
      tpu.wait_dma2 semaphore(%run_scoped3A : memref<!tpu.dma_semaphore, #tpu.memory_space<semaphore_mem>>) src(%arg9 : memref<104x64xf32, #tpu.memory_space<vmem>>) dst(%dma_wait3A_333 : memref<104x64xf32, #tpu.memory_space<vmem_shared>>)
      tpu.yield
    }) : () -> ()
    %add3A_108 = arith.constant 208 : i32
    %add3A_109 = arith.addi %mul3A_104, %add3A_108 : i32
    "tpu.region"() ({
      %run_scoped3A = tpu.sem_alloc : memref<!tpu.dma_semaphore, #tpu.memory_space<semaphore_mem>>
      %dma_start3A_326 = arith.constant 0 : i32
      %dma_start3A_327 = tpu.memref_slice %arg14[%add3A_109, %dma_start3A_326] : memref<10000x64xf32, #tpu.memory_space<vmem_shared>> -> memref<104x64xf32, #tpu.memory_space<vmem_shared>>
      %dma_start3A_328 = arith.constant 0 : i32
      %dma_start3A_329 = tpu.memref_slice %arg14[%add3A_109, %dma_start3A_328] : memref<10000x64xf32, #tpu.memory_space<vmem_shared>> -> memref<104x64xf32, #tpu.memory_space<vmem_shared>>
      tpu.enqueue_dma source(%arg9 : memref<104x64xf32, #tpu.memory_space<vmem>>) target(%dma_start3A_329 : memref<104x64xf32, #tpu.memory_space<vmem_shared>>) target_semaphore(%run_scoped3A : memref<!tpu.dma_semaphore, #tpu.memory_space<semaphore_mem>>)
      %dma_wait3A_330 = arith.constant 0 : i32
      %dma_wait3A_331 = tpu.memref_slice %arg14[%add3A_109, %dma_wait3A_330] : memref<10000x64xf32, #tpu.memory_space<vmem_shared>> -> memref<104x64xf32, #tpu.memory_space<vmem_shared>>
      %dma_wait3A_332 = arith.constant 0 : i32
      %dma_wait3A_333 = tpu.memref_slice %arg14[%add3A_109, %dma_wait3A_332] : memref<10000x64xf32, #tpu.memory_space<vmem_shared>> -> memref<104x64xf32, #tpu.memory_space<vmem_shared>>
      tpu.wait_dma2 semaphore(%run_scoped3A : memref<!tpu.dma_semaphore, #tpu.memory_space<semaphore_mem>>) src(%arg9 : memref<104x64xf32, #tpu.memory_space<vmem>>) dst(%dma_wait3A_333 : memref<104x64xf32, #tpu.memory_space<vmem_shared>>)
      tpu.yield
    }) : () -> ()
    %add3A_110 = arith.constant 312 : i32
    %add3A_111 = arith.addi %mul3A_104, %add3A_110 : i32
    "tpu.region"() ({
      %run_scoped3A = tpu.sem_alloc : memref<!tpu.dma_semaphore, #tpu.memory_space<semaphore_mem>>
      %dma_start3A_326 = arith.constant 0 : i32
      %dma_start3A_327 = tpu.memref_slice %arg14[%add3A_111, %dma_start3A_326] : memref<10000x64xf32, #tpu.memory_space<vmem_shared>> -> memref<104x64xf32, #tpu.memory_space<vmem_shared>>
      %dma_start3A_328 = arith.constant 0 : i32
      %dma_start3A_329 = tpu.memref_slice %arg14[%add3A_111, %dma_start3A_328] : memref<10000x64xf32, #tpu.memory_space<vmem_shared>> -> memref<104x64xf32, #tpu.memory_space<vmem_shared>>
      tpu.enqueue_dma source(%arg9 : memref<104x64xf32, #tpu.memory_space<vmem>>) target(%dma_start3A_329 : memref<104x64xf32, #tpu.memory_space<vmem_shared>>) target_semaphore(%run_scoped3A : memref<!tpu.dma_semaphore, #tpu.memory_space<semaphore_mem>>)
      %dma_wait3A_330 = arith.constant 0 : i32
      %dma_wait3A_331 = tpu.memref_slice %arg14[%add3A_111, %dma_wait3A_330] : memref<10000x64xf32, #tpu.memory_space<vmem_shared>> -> memref<104x64xf32, #tpu.memory_space<vmem_shared>>
      %dma_wait3A_332 = arith.constant 0 : i32
      %dma_wait3A_333 = tpu.memref_slice %arg14[%add3A_111, %dma_wait3A_332] : memref<10000x64xf32, #tpu.memory_space<vmem_shared>> -> memref<104x64xf32, #tpu.memory_space<vmem_shared>>
      tpu.wait_dma2 semaphore(%run_scoped3A : memref<!tpu.dma_semaphore, #tpu.memory_space<semaphore_mem>>) src(%arg9 : memref<104x64xf32, #tpu.memory_space<vmem>>) dst(%dma_wait3A_333 : memref<104x64xf32, #tpu.memory_space<vmem_shared>>)
      tpu.yield
    }) : () -> ()
    %add3A_112 = arith.constant 416 : i32
    %add3A_113 = arith.addi %mul3A_104, %add3A_112 : i32
    "tpu.region"() ({
      %run_scoped3A = tpu.sem_alloc : memref<!tpu.dma_semaphore, #tpu.memory_space<semaphore_mem>>
      %dma_start3A_326 = arith.constant 0 : i32
      %dma_start3A_327 = tpu.memref_slice %arg14[%add3A_113, %dma_start3A_326] : memref<10000x64xf32, #tpu.memory_space<vmem_shared>> -> memref<104x64xf32, #tpu.memory_space<vmem_shared>>
      %dma_start3A_328 = arith.constant 0 : i32
      %dma_start3A_329 = tpu.memref_slice %arg14[%add3A_113, %dma_start3A_328] : memref<10000x64xf32, #tpu.memory_space<vmem_shared>> -> memref<104x64xf32, #tpu.memory_space<vmem_shared>>
      tpu.enqueue_dma source(%arg9 : memref<104x64xf32, #tpu.memory_space<vmem>>) target(%dma_start3A_329 : memref<104x64xf32, #tpu.memory_space<vmem_shared>>) target_semaphore(%run_scoped3A : memref<!tpu.dma_semaphore, #tpu.memory_space<semaphore_mem>>)
      %dma_wait3A_330 = arith.constant 0 : i32
      %dma_wait3A_331 = tpu.memref_slice %arg14[%add3A_113, %dma_wait3A_330] : memref<10000x64xf32, #tpu.memory_space<vmem_shared>> -> memref<104x64xf32, #tpu.memory_space<vmem_shared>>
      %dma_wait3A_332 = arith.constant 0 : i32
      %dma_wait3A_333 = tpu.memref_slice %arg14[%add3A_113, %dma_wait3A_332] : memref<10000x64xf32, #tpu.memory_space<vmem_shared>> -> memref<104x64xf32, #tpu.memory_space<vmem_shared>>
      tpu.wait_dma2 semaphore(%run_scoped3A : memref<!tpu.dma_semaphore, #tpu.memory_space<semaphore_mem>>) src(%arg9 : memref<104x64xf32, #tpu.memory_space<vmem>>) dst(%dma_wait3A_333 : memref<104x64xf32, #tpu.memory_space<vmem_shared>>)
      tpu.yield
    }) : () -> ()
    %add3A_114 = arith.constant 520 : i32
    %add3A_115 = arith.addi %mul3A_104, %add3A_114 : i32
    "tpu.region"() ({
      %run_scoped3A = tpu.sem_alloc : memref<!tpu.dma_semaphore, #tpu.memory_space<semaphore_mem>>
      %dma_start3A_326 = arith.constant 0 : i32
      %dma_start3A_327 = tpu.memref_slice %arg14[%add3A_115, %dma_start3A_326] : memref<10000x64xf32, #tpu.memory_space<vmem_shared>> -> memref<104x64xf32, #tpu.memory_space<vmem_shared>>
      %dma_start3A_328 = arith.constant 0 : i32
      %dma_start3A_329 = tpu.memref_slice %arg14[%add3A_115, %dma_start3A_328] : memref<10000x64xf32, #tpu.memory_space<vmem_shared>> -> memref<104x64xf32, #tpu.memory_space<vmem_shared>>
      tpu.enqueue_dma source(%arg9 : memref<104x64xf32, #tpu.memory_space<vmem>>) target(%dma_start3A_329 : memref<104x64xf32, #tpu.memory_space<vmem_shared>>) target_semaphore(%run_scoped3A : memref<!tpu.dma_semaphore, #tpu.memory_space<semaphore_mem>>)
      %dma_wait3A_330 = arith.constant 0 : i32
      %dma_wait3A_331 = tpu.memref_slice %arg14[%add3A_115, %dma_wait3A_330] : memref<10000x64xf32, #tpu.memory_space<vmem_shared>> -> memref<104x64xf32, #tpu.memory_space<vmem_shared>>
      %dma_wait3A_332 = arith.constant 0 : i32
      %dma_wait3A_333 = tpu.memref_slice %arg14[%add3A_115, %dma_wait3A_332] : memref<10000x64xf32, #tpu.memory_space<vmem_shared>> -> memref<104x64xf32, #tpu.memory_space<vmem_shared>>
      tpu.wait_dma2 semaphore(%run_scoped3A : memref<!tpu.dma_semaphore, #tpu.memory_space<semaphore_mem>>) src(%arg9 : memref<104x64xf32, #tpu.memory_space<vmem>>) dst(%dma_wait3A_333 : memref<104x64xf32, #tpu.memory_space<vmem_shared>>)
      tpu.yield
    }) : () -> ()
    %eq3A = arith.constant 0 : i32
    %eq3A_116 = arith.cmpi eq, %arg1, %eq3A : i32
    %convert_element_type3A = arith.extui %eq3A_116 : i1 to i32
    %cond3A = arith.constant 0 : i32
    %cond3A_117 = arith.cmpi ne, %convert_element_type3A, %cond3A : i32
    scf.if %cond3A_117 {
      "tpu.region"() ({
        %run_scoped3A = tpu.sem_alloc : memref<!tpu.dma_semaphore, #tpu.memory_space<semaphore_mem>>
        %dma_start3A_326 = arith.constant 0 : i32
        %dma_start3A_327 = arith.constant 0 : i32
        %dma_start3A_328 = tpu.memref_slice %arg9[%dma_start3A_326, %dma_start3A_327] : memref<104x64xf32, #tpu.memory_space<vmem>> -> memref<16x64xf32, #tpu.memory_space<vmem>>
        %dma_start3A_329 = arith.constant 9984 : i32
        %dma_start3A_330 = arith.constant 0 : i32
        %dma_start3A_331 = tpu.memref_slice %arg14[%dma_start3A_329, %dma_start3A_330] : memref<10000x64xf32, #tpu.memory_space<vmem_shared>> -> memref<16x64xf32, #tpu.memory_space<vmem_shared>>
        %dma_start3A_332 = arith.constant 9984 : i32
        %dma_start3A_333 = arith.constant 0 : i32
        %dma_start3A_334 = tpu.memref_slice %arg14[%dma_start3A_332, %dma_start3A_333] : memref<10000x64xf32, #tpu.memory_space<vmem_shared>> -> memref<16x64xf32, #tpu.memory_space<vmem_shared>>
        %dma_start3A_335 = arith.constant 0 : i32
        %dma_start3A_336 = arith.constant 0 : i32
        %dma_start3A_337 = tpu.memref_slice %arg9[%dma_start3A_335, %dma_start3A_336] : memref<104x64xf32, #tpu.memory_space<vmem>> -> memref<16x64xf32, #tpu.memory_space<vmem>>
        tpu.enqueue_dma source(%dma_start3A_337 : memref<16x64xf32, #tpu.memory_space<vmem>>) target(%dma_start3A_334 : memref<16x64xf32, #tpu.memory_space<vmem_shared>>) target_semaphore(%run_scoped3A : memref<!tpu.dma_semaphore, #tpu.memory_space<semaphore_mem>>)
        %dma_wait3A_338 = arith.constant 0 : i32
        %dma_wait3A_339 = arith.constant 0 : i32
        %dma_wait3A_340 = tpu.memref_slice %arg9[%dma_wait3A_338, %dma_wait3A_339] : memref<104x64xf32, #tpu.memory_space<vmem>> -> memref<16x64xf32, #tpu.memory_space<vmem>>
        %dma_wait3A_341 = arith.constant 9984 : i32
        %dma_wait3A_342 = arith.constant 0 : i32
        %dma_wait3A_343 = tpu.memref_slice %arg14[%dma_wait3A_341, %dma_wait3A_342] : memref<10000x64xf32, #tpu.memory_space<vmem_shared>> -> memref<16x64xf32, #tpu.memory_space<vmem_shared>>
        %dma_wait3A_344 = arith.constant 9984 : i32
        %dma_wait3A_345 = arith.constant 0 : i32
        %dma_wait3A_346 = tpu.memref_slice %arg14[%dma_wait3A_344, %dma_wait3A_345] : memref<10000x64xf32, #tpu.memory_space<vmem_shared>> -> memref<16x64xf32, #tpu.memory_space<vmem_shared>>
        %dma_wait3A_347 = arith.constant 0 : i32
        %dma_wait3A_348 = arith.constant 0 : i32
        %dma_wait3A_349 = tpu.memref_slice %arg9[%dma_wait3A_347, %dma_wait3A_348] : memref<104x64xf32, #tpu.memory_space<vmem>> -> memref<16x64xf32, #tpu.memory_space<vmem>>
        tpu.wait_dma2 semaphore(%run_scoped3A : memref<!tpu.dma_semaphore, #tpu.memory_space<semaphore_mem>>) src(%dma_wait3A_349 : memref<16x64xf32, #tpu.memory_space<vmem>>) dst(%dma_wait3A_346 : memref<16x64xf32, #tpu.memory_space<vmem_shared>>)
        tpu.yield
      }) : () -> ()
    } else {
    }
    %rem3A_118 = arith.constant 0 : i32
    %rem3A_119 = arith.constant 6 : i32
    %rem3A_120 = arith.remsi %rem3A_118, %rem3A_119 : i32
    %dma_wait3A = arith.constant 0 : i32
    %dma_wait3A_121 = arith.constant 0 : i32
    %dma_wait3A_122 = arith.constant 0 : i32
    %dma_wait3A_123 = tpu.memref_slice %arg6[%rem3A_120, %dma_wait3A_121, %dma_wait3A_122] : memref<6x3x125xi32, #tpu.memory_space<vmem>> -> memref<1x3x125xi32, #tpu.memory_space<vmem>>
    %dma_wait3A_124 = tpu.memref_squeeze %dma_wait3A_123 : memref<1x3x125xi32, #tpu.memory_space<vmem>> -> memref<3x125xi32, #tpu.memory_space<vmem>>
    %dma_wait3A_125 = arith.constant 0 : i32
    %dma_wait3A_126 = arith.constant 0 : i32
    %dma_wait3A_127 = tpu.memref_slice %arg4[%arg1, %dma_wait3A, %dma_wait3A_125, %dma_wait3A_126] : memref<16x160x3x125xi32, #tpu.memory_space<hbm>> -> memref<1x1x3x125xi32, #tpu.memory_space<hbm>>
    %dma_wait3A_128 = tpu.memref_squeeze %dma_wait3A_127 : memref<1x1x3x125xi32, #tpu.memory_space<hbm>> -> memref<3x125xi32, #tpu.memory_space<hbm>>
    %dma_wait3A_129 = arith.constant 0 : i32
    %dma_wait3A_130 = arith.constant 0 : i32
    %dma_wait3A_131 = tpu.memref_slice %arg6[%rem3A_120, %dma_wait3A_129, %dma_wait3A_130] : memref<6x3x125xi32, #tpu.memory_space<vmem>> -> memref<1x3x125xi32, #tpu.memory_space<vmem>>
    %dma_wait3A_132 = tpu.memref_squeeze %dma_wait3A_131 : memref<1x3x125xi32, #tpu.memory_space<vmem>> -> memref<3x125xi32, #tpu.memory_space<vmem>>
    %dma_wait3A_133 = arith.constant 0 : i32
    %dma_wait3A_134 = arith.constant 0 : i32
    %dma_wait3A_135 = tpu.memref_slice %arg4[%arg1, %dma_wait3A, %dma_wait3A_133, %dma_wait3A_134] : memref<16x160x3x125xi32, #tpu.memory_space<hbm>> -> memref<1x1x3x125xi32, #tpu.memory_space<hbm>>
    %dma_wait3A_136 = tpu.memref_squeeze %dma_wait3A_135 : memref<1x1x3x125xi32, #tpu.memory_space<hbm>> -> memref<3x125xi32, #tpu.memory_space<hbm>>
    tpu.wait_dma2 semaphore(%arg10 : memref<!tpu.dma_semaphore, #tpu.memory_space<semaphore_mem>>) src(%dma_wait3A_136 : memref<3x125xi32, #tpu.memory_space<hbm>>) dst(%dma_wait3A_132 : memref<3x125xi32, #tpu.memory_space<vmem>>)
    %rem3A_137 = arith.constant 0 : i32
    %rem3A_138 = arith.constant 4 : i32
    %rem3A_139 = arith.remsi %rem3A_137, %rem3A_138 : i32
    %rem3A_140 = arith.constant 0 : i32
    %rem3A_141 = arith.constant 6 : i32
    %rem3A_142 = arith.remsi %rem3A_140, %rem3A_141 : i32
    %dma_start3A_143 = arith.constant 0 : i32
    %dma_start3A_144 = arith.constant 0 : i32
    %dma_start3A_145 = arith.constant 0 : i32
    %dma_start3A_146 = tpu.memref_slice %arg7[%rem3A_139, %dma_start3A_144, %dma_start3A_145] : memref<4x125x64xf32, #tpu.memory_space<vmem>> -> memref<1x125x64xf32, #tpu.memory_space<vmem>>
    %dma_start3A_147 = tpu.memref_squeeze %dma_start3A_146 : memref<1x125x64xf32, #tpu.memory_space<vmem>> -> memref<125x64xf32, #tpu.memory_space<vmem>>
    %dma_start3A_148 = arith.constant 0 : i32
    %dma_start3A_149 = tpu.memref_slice %arg6[%rem3A_142, %dma_start3A_143, %dma_start3A_148] : memref<6x3x125xi32, #tpu.memory_space<vmem>> -> memref<1x1x125xi32, #tpu.memory_space<vmem>>
    %dma_start3A_150 = tpu.memref_squeeze %dma_start3A_149 : memref<1x1x125xi32, #tpu.memory_space<vmem>> -> memref<125xi32, #tpu.memory_space<vmem>>
    %dma_start3A_151 = arith.constant 0 : i32
    %dma_start3A_152 = arith.constant 0 : i32
    %dma_start3A_153 = tpu.memref_slice %arg2[%arg0, %dma_start3A_151, %dma_start3A_152] : memref<2x10000x64xf32, #tpu.memory_space<hbm>> -> memref<1x10000x64xf32, #tpu.memory_space<hbm>>
    %dma_start3A_154 = tpu.memref_squeeze %dma_start3A_153 : memref<1x10000x64xf32, #tpu.memory_space<hbm>> -> memref<10000x64xf32, #tpu.memory_space<hbm>>
    %dma_start3A_155 = arith.constant 0 : i32
    %dma_start3A_156 = arith.constant 0 : i32
    %dma_start3A_157 = tpu.memref_slice %dma_start3A_154[%dma_start3A_155, %dma_start3A_156] : memref<10000x64xf32, #tpu.memory_space<hbm>> -> memref<10000x64xf32, #tpu.memory_space<hbm>>
    tpu.enqueue_indirect_dma source(%dma_start3A_157 : memref<10000x64xf32, #tpu.memory_space<hbm>>) target(%dma_start3A_147 : memref<125x64xf32, #tpu.memory_space<vmem>>) offsets(%dma_start3A_150 : memref<125xi32, #tpu.memory_space<vmem>>) semaphore(%arg11 : memref<!tpu.dma_semaphore, #tpu.memory_space<semaphore_mem>>)
    %dma_start3A_158 = arith.constant 2 : i32
    %dma_start3A_159 = arith.constant 0 : i32
    %dma_start3A_160 = arith.constant 0 : i32
    %dma_start3A_161 = tpu.memref_slice %arg8[%rem3A_139, %dma_start3A_159, %dma_start3A_160] : memref<4x125x64xf32, #tpu.memory_space<vmem>> -> memref<1x125x64xf32, #tpu.memory_space<vmem>>
    %dma_start3A_162 = tpu.memref_squeeze %dma_start3A_161 : memref<1x125x64xf32, #tpu.memory_space<vmem>> -> memref<125x64xf32, #tpu.memory_space<vmem>>
    %dma_start3A_163 = arith.constant 0 : i32
    %dma_start3A_164 = tpu.memref_slice %arg6[%rem3A_142, %dma_start3A_158, %dma_start3A_163] : memref<6x3x125xi32, #tpu.memory_space<vmem>> -> memref<1x1x125xi32, #tpu.memory_space<vmem>>
    %dma_start3A_165 = tpu.memref_squeeze %dma_start3A_164 : memref<1x1x125xi32, #tpu.memory_space<vmem>> -> memref<125xi32, #tpu.memory_space<vmem>>
    %dma_start3A_166 = arith.constant 0 : i32
    %dma_start3A_167 = arith.constant 0 : i32
    %dma_start3A_168 = tpu.memref_slice %arg3[%arg0, %dma_start3A_166, %dma_start3A_167] : memref<2x512x64xf32, #tpu.memory_space<hbm>> -> memref<1x512x64xf32, #tpu.memory_space<hbm>>
    %dma_start3A_169 = tpu.memref_squeeze %dma_start3A_168 : memref<1x512x64xf32, #tpu.memory_space<hbm>> -> memref<512x64xf32, #tpu.memory_space<hbm>>
    %dma_start3A_170 = arith.constant 0 : i32
    %dma_start3A_171 = arith.constant 0 : i32
    %dma_start3A_172 = tpu.memref_slice %dma_start3A_169[%dma_start3A_170, %dma_start3A_171] : memref<512x64xf32, #tpu.memory_space<hbm>> -> memref<512x64xf32, #tpu.memory_space<hbm>>
    tpu.enqueue_indirect_dma source(%dma_start3A_172 : memref<512x64xf32, #tpu.memory_space<hbm>>) target(%dma_start3A_162 : memref<125x64xf32, #tpu.memory_space<vmem>>) offsets(%dma_start3A_165 : memref<125xi32, #tpu.memory_space<vmem>>) semaphore(%arg12 : memref<!tpu.dma_semaphore, #tpu.memory_space<semaphore_mem>>)
    %rem3A_173 = arith.constant 1 : i32
    %rem3A_174 = arith.constant 6 : i32
    %rem3A_175 = arith.remsi %rem3A_173, %rem3A_174 : i32
    %dma_wait3A_176 = arith.constant 1 : i32
    %dma_wait3A_177 = arith.constant 0 : i32
    %dma_wait3A_178 = arith.constant 0 : i32
    %dma_wait3A_179 = tpu.memref_slice %arg6[%rem3A_175, %dma_wait3A_177, %dma_wait3A_178] : memref<6x3x125xi32, #tpu.memory_space<vmem>> -> memref<1x3x125xi32, #tpu.memory_space<vmem>>
    %dma_wait3A_180 = tpu.memref_squeeze %dma_wait3A_179 : memref<1x3x125xi32, #tpu.memory_space<vmem>> -> memref<3x125xi32, #tpu.memory_space<vmem>>
    %dma_wait3A_181 = arith.constant 0 : i32
    %dma_wait3A_182 = arith.constant 0 : i32
    %dma_wait3A_183 = tpu.memref_slice %arg4[%arg1, %dma_wait3A_176, %dma_wait3A_181, %dma_wait3A_182] : memref<16x160x3x125xi32, #tpu.memory_space<hbm>> -> memref<1x1x3x125xi32, #tpu.memory_space<hbm>>
    %dma_wait3A_184 = tpu.memref_squeeze %dma_wait3A_183 : memref<1x1x3x125xi32, #tpu.memory_space<hbm>> -> memref<3x125xi32, #tpu.memory_space<hbm>>
    %dma_wait3A_185 = arith.constant 0 : i32
    %dma_wait3A_186 = arith.constant 0 : i32
    %dma_wait3A_187 = tpu.memref_slice %arg6[%rem3A_175, %dma_wait3A_185, %dma_wait3A_186] : memref<6x3x125xi32, #tpu.memory_space<vmem>> -> memref<1x3x125xi32, #tpu.memory_space<vmem>>
    %dma_wait3A_188 = tpu.memref_squeeze %dma_wait3A_187 : memref<1x3x125xi32, #tpu.memory_space<vmem>> -> memref<3x125xi32, #tpu.memory_space<vmem>>
    %dma_wait3A_189 = arith.constant 0 : i32
    %dma_wait3A_190 = arith.constant 0 : i32
    %dma_wait3A_191 = tpu.memref_slice %arg4[%arg1, %dma_wait3A_176, %dma_wait3A_189, %dma_wait3A_190] : memref<16x160x3x125xi32, #tpu.memory_space<hbm>> -> memref<1x1x3x125xi32, #tpu.memory_space<hbm>>
    %dma_wait3A_192 = tpu.memref_squeeze %dma_wait3A_191 : memref<1x1x3x125xi32, #tpu.memory_space<hbm>> -> memref<3x125xi32, #tpu.memory_space<hbm>>
    tpu.wait_dma2 semaphore(%arg10 : memref<!tpu.dma_semaphore, #tpu.memory_space<semaphore_mem>>) src(%dma_wait3A_192 : memref<3x125xi32, #tpu.memory_space<hbm>>) dst(%dma_wait3A_188 : memref<3x125xi32, #tpu.memory_space<vmem>>)
    %rem3A_193 = arith.constant 1 : i32
    %rem3A_194 = arith.constant 4 : i32
    %rem3A_195 = arith.remsi %rem3A_193, %rem3A_194 : i32
    %rem3A_196 = arith.constant 1 : i32
    %rem3A_197 = arith.constant 6 : i32
    %rem3A_198 = arith.remsi %rem3A_196, %rem3A_197 : i32
    %dma_start3A_199 = arith.constant 0 : i32
    %dma_start3A_200 = arith.constant 0 : i32
    %dma_start3A_201 = arith.constant 0 : i32
    %dma_start3A_202 = tpu.memref_slice %arg7[%rem3A_195, %dma_start3A_200, %dma_start3A_201] : memref<4x125x64xf32, #tpu.memory_space<vmem>> -> memref<1x125x64xf32, #tpu.memory_space<vmem>>
    %dma_start3A_203 = tpu.memref_squeeze %dma_start3A_202 : memref<1x125x64xf32, #tpu.memory_space<vmem>> -> memref<125x64xf32, #tpu.memory_space<vmem>>
    %dma_start3A_204 = arith.constant 0 : i32
    %dma_start3A_205 = tpu.memref_slice %arg6[%rem3A_198, %dma_start3A_199, %dma_start3A_204] : memref<6x3x125xi32, #tpu.memory_space<vmem>> -> memref<1x1x125xi32, #tpu.memory_space<vmem>>
    %dma_start3A_206 = tpu.memref_squeeze %dma_start3A_205 : memref<1x1x125xi32, #tpu.memory_space<vmem>> -> memref<125xi32, #tpu.memory_space<vmem>>
    %dma_start3A_207 = arith.constant 0 : i32
    %dma_start3A_208 = arith.constant 0 : i32
    %dma_start3A_209 = tpu.memref_slice %arg2[%arg0, %dma_start3A_207, %dma_start3A_208] : memref<2x10000x64xf32, #tpu.memory_space<hbm>> -> memref<1x10000x64xf32, #tpu.memory_space<hbm>>
    %dma_start3A_210 = tpu.memref_squeeze %dma_start3A_209 : memref<1x10000x64xf32, #tpu.memory_space<hbm>> -> memref<10000x64xf32, #tpu.memory_space<hbm>>
    %dma_start3A_211 = arith.constant 0 : i32
    %dma_start3A_212 = arith.constant 0 : i32
    %dma_start3A_213 = tpu.memref_slice %dma_start3A_210[%dma_start3A_211, %dma_start3A_212] : memref<10000x64xf32, #tpu.memory_space<hbm>> -> memref<10000x64xf32, #tpu.memory_space<hbm>>
    tpu.enqueue_indirect_dma source(%dma_start3A_213 : memref<10000x64xf32, #tpu.memory_space<hbm>>) target(%dma_start3A_203 : memref<125x64xf32, #tpu.memory_space<vmem>>) offsets(%dma_start3A_206 : memref<125xi32, #tpu.memory_space<vmem>>) semaphore(%arg11 : memref<!tpu.dma_semaphore, #tpu.memory_space<semaphore_mem>>)
    %dma_start3A_214 = arith.constant 2 : i32
    %dma_start3A_215 = arith.constant 0 : i32
    %dma_start3A_216 = arith.constant 0 : i32
    %dma_start3A_217 = tpu.memref_slice %arg8[%rem3A_195, %dma_start3A_215, %dma_start3A_216] : memref<4x125x64xf32, #tpu.memory_space<vmem>> -> memref<1x125x64xf32, #tpu.memory_space<vmem>>
    %dma_start3A_218 = tpu.memref_squeeze %dma_start3A_217 : memref<1x125x64xf32, #tpu.memory_space<vmem>> -> memref<125x64xf32, #tpu.memory_space<vmem>>
    %dma_start3A_219 = arith.constant 0 : i32
    %dma_start3A_220 = tpu.memref_slice %arg6[%rem3A_198, %dma_start3A_214, %dma_start3A_219] : memref<6x3x125xi32, #tpu.memory_space<vmem>> -> memref<1x1x125xi32, #tpu.memory_space<vmem>>
    %dma_start3A_221 = tpu.memref_squeeze %dma_start3A_220 : memref<1x1x125xi32, #tpu.memory_space<vmem>> -> memref<125xi32, #tpu.memory_space<vmem>>
    %dma_start3A_222 = arith.constant 0 : i32
    %dma_start3A_223 = arith.constant 0 : i32
    %dma_start3A_224 = tpu.memref_slice %arg3[%arg0, %dma_start3A_222, %dma_start3A_223] : memref<2x512x64xf32, #tpu.memory_space<hbm>> -> memref<1x512x64xf32, #tpu.memory_space<hbm>>
    %dma_start3A_225 = tpu.memref_squeeze %dma_start3A_224 : memref<1x512x64xf32, #tpu.memory_space<hbm>> -> memref<512x64xf32, #tpu.memory_space<hbm>>
    %dma_start3A_226 = arith.constant 0 : i32
    %dma_start3A_227 = arith.constant 0 : i32
    %dma_start3A_228 = tpu.memref_slice %dma_start3A_225[%dma_start3A_226, %dma_start3A_227] : memref<512x64xf32, #tpu.memory_space<hbm>> -> memref<512x64xf32, #tpu.memory_space<hbm>>
    tpu.enqueue_indirect_dma source(%dma_start3A_228 : memref<512x64xf32, #tpu.memory_space<hbm>>) target(%dma_start3A_218 : memref<125x64xf32, #tpu.memory_space<vmem>>) offsets(%dma_start3A_221 : memref<125xi32, #tpu.memory_space<vmem>>) semaphore(%arg12 : memref<!tpu.dma_semaphore, #tpu.memory_space<semaphore_mem>>)
    %rem3A_229 = arith.constant 2 : i32
    %rem3A_230 = arith.constant 6 : i32
    %rem3A_231 = arith.remsi %rem3A_229, %rem3A_230 : i32
    %dma_wait3A_232 = arith.constant 2 : i32
    %dma_wait3A_233 = arith.constant 0 : i32
    %dma_wait3A_234 = arith.constant 0 : i32
    %dma_wait3A_235 = tpu.memref_slice %arg6[%rem3A_231, %dma_wait3A_233, %dma_wait3A_234] : memref<6x3x125xi32, #tpu.memory_space<vmem>> -> memref<1x3x125xi32, #tpu.memory_space<vmem>>
    %dma_wait3A_236 = tpu.memref_squeeze %dma_wait3A_235 : memref<1x3x125xi32, #tpu.memory_space<vmem>> -> memref<3x125xi32, #tpu.memory_space<vmem>>
    %dma_wait3A_237 = arith.constant 0 : i32
    %dma_wait3A_238 = arith.constant 0 : i32
    %dma_wait3A_239 = tpu.memref_slice %arg4[%arg1, %dma_wait3A_232, %dma_wait3A_237, %dma_wait3A_238] : memref<16x160x3x125xi32, #tpu.memory_space<hbm>> -> memref<1x1x3x125xi32, #tpu.memory_space<hbm>>
    %dma_wait3A_240 = tpu.memref_squeeze %dma_wait3A_239 : memref<1x1x3x125xi32, #tpu.memory_space<hbm>> -> memref<3x125xi32, #tpu.memory_space<hbm>>
    %dma_wait3A_241 = arith.constant 0 : i32
    %dma_wait3A_242 = arith.constant 0 : i32
    %dma_wait3A_243 = tpu.memref_slice %arg6[%rem3A_231, %dma_wait3A_241, %dma_wait3A_242] : memref<6x3x125xi32, #tpu.memory_space<vmem>> -> memref<1x3x125xi32, #tpu.memory_space<vmem>>
    %dma_wait3A_244 = tpu.memref_squeeze %dma_wait3A_243 : memref<1x3x125xi32, #tpu.memory_space<vmem>> -> memref<3x125xi32, #tpu.memory_space<vmem>>
    %dma_wait3A_245 = arith.constant 0 : i32
    %dma_wait3A_246 = arith.constant 0 : i32
    %dma_wait3A_247 = tpu.memref_slice %arg4[%arg1, %dma_wait3A_232, %dma_wait3A_245, %dma_wait3A_246] : memref<16x160x3x125xi32, #tpu.memory_space<hbm>> -> memref<1x1x3x125xi32, #tpu.memory_space<hbm>>
    %dma_wait3A_248 = tpu.memref_squeeze %dma_wait3A_247 : memref<1x1x3x125xi32, #tpu.memory_space<hbm>> -> memref<3x125xi32, #tpu.memory_space<hbm>>
    tpu.wait_dma2 semaphore(%arg10 : memref<!tpu.dma_semaphore, #tpu.memory_space<semaphore_mem>>) src(%dma_wait3A_248 : memref<3x125xi32, #tpu.memory_space<hbm>>) dst(%dma_wait3A_244 : memref<3x125xi32, #tpu.memory_space<vmem>>)
    %rem3A_249 = arith.constant 2 : i32
    %rem3A_250 = arith.constant 4 : i32
    %rem3A_251 = arith.remsi %rem3A_249, %rem3A_250 : i32
    %rem3A_252 = arith.constant 2 : i32
    %rem3A_253 = arith.constant 6 : i32
    %rem3A_254 = arith.remsi %rem3A_252, %rem3A_253 : i32
    %dma_start3A_255 = arith.constant 0 : i32
    %dma_start3A_256 = arith.constant 0 : i32
    %dma_start3A_257 = arith.constant 0 : i32
    %dma_start3A_258 = tpu.memref_slice %arg7[%rem3A_251, %dma_start3A_256, %dma_start3A_257] : memref<4x125x64xf32, #tpu.memory_space<vmem>> -> memref<1x125x64xf32, #tpu.memory_space<vmem>>
    %dma_start3A_259 = tpu.memref_squeeze %dma_start3A_258 : memref<1x125x64xf32, #tpu.memory_space<vmem>> -> memref<125x64xf32, #tpu.memory_space<vmem>>
    %dma_start3A_260 = arith.constant 0 : i32
    %dma_start3A_261 = tpu.memref_slice %arg6[%rem3A_254, %dma_start3A_255, %dma_start3A_260] : memref<6x3x125xi32, #tpu.memory_space<vmem>> -> memref<1x1x125xi32, #tpu.memory_space<vmem>>
    %dma_start3A_262 = tpu.memref_squeeze %dma_start3A_261 : memref<1x1x125xi32, #tpu.memory_space<vmem>> -> memref<125xi32, #tpu.memory_space<vmem>>
    %dma_start3A_263 = arith.constant 0 : i32
    %dma_start3A_264 = arith.constant 0 : i32
    %dma_start3A_265 = tpu.memref_slice %arg2[%arg0, %dma_start3A_263, %dma_start3A_264] : memref<2x10000x64xf32, #tpu.memory_space<hbm>> -> memref<1x10000x64xf32, #tpu.memory_space<hbm>>
    %dma_start3A_266 = tpu.memref_squeeze %dma_start3A_265 : memref<1x10000x64xf32, #tpu.memory_space<hbm>> -> memref<10000x64xf32, #tpu.memory_space<hbm>>
    %dma_start3A_267 = arith.constant 0 : i32
    %dma_start3A_268 = arith.constant 0 : i32
    %dma_start3A_269 = tpu.memref_slice %dma_start3A_266[%dma_start3A_267, %dma_start3A_268] : memref<10000x64xf32, #tpu.memory_space<hbm>> -> memref<10000x64xf32, #tpu.memory_space<hbm>>
    tpu.enqueue_indirect_dma source(%dma_start3A_269 : memref<10000x64xf32, #tpu.memory_space<hbm>>) target(%dma_start3A_259 : memref<125x64xf32, #tpu.memory_space<vmem>>) offsets(%dma_start3A_262 : memref<125xi32, #tpu.memory_space<vmem>>) semaphore(%arg11 : memref<!tpu.dma_semaphore, #tpu.memory_space<semaphore_mem>>)
    %dma_start3A_270 = arith.constant 2 : i32
    %dma_start3A_271 = arith.constant 0 : i32
    %dma_start3A_272 = arith.constant 0 : i32
    %dma_start3A_273 = tpu.memref_slice %arg8[%rem3A_251, %dma_start3A_271, %dma_start3A_272] : memref<4x125x64xf32, #tpu.memory_space<vmem>> -> memref<1x125x64xf32, #tpu.memory_space<vmem>>
    %dma_start3A_274 = tpu.memref_squeeze %dma_start3A_273 : memref<1x125x64xf32, #tpu.memory_space<vmem>> -> memref<125x64xf32, #tpu.memory_space<vmem>>
    %dma_start3A_275 = arith.constant 0 : i32
    %dma_start3A_276 = tpu.memref_slice %arg6[%rem3A_254, %dma_start3A_270, %dma_start3A_275] : memref<6x3x125xi32, #tpu.memory_space<vmem>> -> memref<1x1x125xi32, #tpu.memory_space<vmem>>
    %dma_start3A_277 = tpu.memref_squeeze %dma_start3A_276 : memref<1x1x125xi32, #tpu.memory_space<vmem>> -> memref<125xi32, #tpu.memory_space<vmem>>
    %dma_start3A_278 = arith.constant 0 : i32
    %dma_start3A_279 = arith.constant 0 : i32
    %dma_start3A_280 = tpu.memref_slice %arg3[%arg0, %dma_start3A_278, %dma_start3A_279] : memref<2x512x64xf32, #tpu.memory_space<hbm>> -> memref<1x512x64xf32, #tpu.memory_space<hbm>>
    %dma_start3A_281 = tpu.memref_squeeze %dma_start3A_280 : memref<1x512x64xf32, #tpu.memory_space<hbm>> -> memref<512x64xf32, #tpu.memory_space<hbm>>
    %dma_start3A_282 = arith.constant 0 : i32
    %dma_start3A_283 = arith.constant 0 : i32
    %dma_start3A_284 = tpu.memref_slice %dma_start3A_281[%dma_start3A_282, %dma_start3A_283] : memref<512x64xf32, #tpu.memory_space<hbm>> -> memref<512x64xf32, #tpu.memory_space<hbm>>
    tpu.enqueue_indirect_dma source(%dma_start3A_284 : memref<512x64xf32, #tpu.memory_space<hbm>>) target(%dma_start3A_274 : memref<125x64xf32, #tpu.memory_space<vmem>>) offsets(%dma_start3A_277 : memref<125xi32, #tpu.memory_space<vmem>>) semaphore(%arg12 : memref<!tpu.dma_semaphore, #tpu.memory_space<semaphore_mem>>)
    %barrier3A = arith.constant 0 : index
    tpu.barrier barrier_id(%barrier3A)
    %scan3A_285 = arith.constant 0 : i32
    %scan3A_286 = arith.constant 0 : i32
    %scan3A_287 = arith.constant 160 : i32
    %scan3A_288 = arith.addi %scan3A_286, %scan3A_287 : i32
    %scan3A_289 = arith.constant 1 : i32
    scf.for %scan3A_326 = %scan3A_286 to %scan3A_288 step %scan3A_289  : i32 {
      %rem3A_327 = arith.constant 4 : i32
      %rem3A_328 = arith.remsi %scan3A_326, %rem3A_327 : i32
      %ge3A = arith.constant 1 : i32
      %ge3A_329 = arith.cmpi sge, %scan3A_326, %ge3A : i32
      %convert_element_type3A_330 = arith.extui %ge3A_329 : i1 to i32
      %cond3A_331 = arith.constant 0 : i32
      %cond3A_332 = arith.cmpi ne, %convert_element_type3A_330, %cond3A_331 : i32
      scf.if %cond3A_332 {
        %sub3A_398 = arith.constant 1 : i32
        %sub3A_399 = arith.subi %scan3A_326, %sub3A_398 : i32
        %rem3A_400 = arith.constant 4 : i32
        %rem3A_401 = arith.remsi %sub3A_399, %rem3A_400 : i32
        %rem3A_402 = arith.constant 6 : i32
        %rem3A_403 = arith.remsi %sub3A_399, %rem3A_402 : i32
        %dma_wait3A_404 = arith.constant 1 : i32
        %dma_wait3A_405 = arith.constant 0 : i32
        %dma_wait3A_406 = arith.constant 0 : i32
        %dma_wait3A_407 = tpu.memref_slice %arg7[%rem3A_401, %dma_wait3A_405, %dma_wait3A_406] : memref<4x125x64xf32, #tpu.memory_space<vmem>> -> memref<1x125x64xf32, #tpu.memory_space<vmem>>
        %dma_wait3A_408 = tpu.memref_squeeze %dma_wait3A_407 : memref<1x125x64xf32, #tpu.memory_space<vmem>> -> memref<125x64xf32, #tpu.memory_space<vmem>>
        %dma_wait3A_409 = arith.constant 0 : i32
        %dma_wait3A_410 = tpu.memref_slice %arg6[%rem3A_403, %dma_wait3A_404, %dma_wait3A_409] : memref<6x3x125xi32, #tpu.memory_space<vmem>> -> memref<1x1x125xi32, #tpu.memory_space<vmem>>
        %dma_wait3A_411 = tpu.memref_squeeze %dma_wait3A_410 : memref<1x1x125xi32, #tpu.memory_space<vmem>> -> memref<125xi32, #tpu.memory_space<vmem>>
        %dma_wait3A_412 = arith.constant 0 : i32
        %dma_wait3A_413 = arith.constant 0 : i32
        %dma_wait3A_414 = tpu.memref_slice %arg14[%dma_wait3A_412, %dma_wait3A_413] : memref<10000x64xf32, #tpu.memory_space<vmem_shared>> -> memref<10000x64xf32, #tpu.memory_space<vmem_shared>>
        tpu.wait_indirect_dma semaphore(%arg13 : memref<!tpu.dma_semaphore, #tpu.memory_space<semaphore_mem>>) src(%dma_wait3A_408 : memref<125x64xf32, #tpu.memory_space<vmem>>) dst(%dma_wait3A_414 : memref<10000x64xf32, #tpu.memory_space<vmem_shared>>)
      } else {
      }
      %add3A_333 = arith.constant 4 : i32
      %add3A_334 = arith.addi %scan3A_326, %add3A_333 : i32
      %add3A_335 = arith.constant 1 : i32
      %add3A_336 = arith.addi %add3A_334, %add3A_335 : i32
      %lt3A = arith.constant 160 : i32
      %lt3A_337 = arith.cmpi slt, %add3A_336, %lt3A : i32
      %convert_element_type3A_338 = arith.extui %lt3A_337 : i1 to i32
      %cond3A_339 = arith.constant 0 : i32
      %cond3A_340 = arith.cmpi ne, %convert_element_type3A_338, %cond3A_339 : i32
      scf.if %cond3A_340 {
        %add3A_398 = arith.constant 4 : i32
        %add3A_399 = arith.addi %scan3A_326, %add3A_398 : i32
        %add3A_400 = arith.constant 1 : i32
        %add3A_401 = arith.addi %add3A_399, %add3A_400 : i32
        %rem3A_402 = arith.constant 6 : i32
        %rem3A_403 = arith.remsi %add3A_401, %rem3A_402 : i32
        %dma_start3A_404 = arith.constant 0 : i32
        %dma_start3A_405 = arith.constant 0 : i32
        %dma_start3A_406 = tpu.memref_slice %arg6[%rem3A_403, %dma_start3A_404, %dma_start3A_405] : memref<6x3x125xi32, #tpu.memory_space<vmem>> -> memref<1x3x125xi32, #tpu.memory_space<vmem>>
        %dma_start3A_407 = tpu.memref_squeeze %dma_start3A_406 : memref<1x3x125xi32, #tpu.memory_space<vmem>> -> memref<3x125xi32, #tpu.memory_space<vmem>>
        %dma_start3A_408 = arith.constant 0 : i32
        %dma_start3A_409 = arith.constant 0 : i32
        %dma_start3A_410 = tpu.memref_slice %arg4[%arg1, %add3A_401, %dma_start3A_408, %dma_start3A_409] : memref<16x160x3x125xi32, #tpu.memory_space<hbm>> -> memref<1x1x3x125xi32, #tpu.memory_space<hbm>>
        %dma_start3A_411 = tpu.memref_squeeze %dma_start3A_410 : memref<1x1x3x125xi32, #tpu.memory_space<hbm>> -> memref<3x125xi32, #tpu.memory_space<hbm>>
        %dma_start3A_412 = arith.constant 0 : i32
        %dma_start3A_413 = arith.constant 0 : i32
        %dma_start3A_414 = tpu.memref_slice %arg6[%rem3A_403, %dma_start3A_412, %dma_start3A_413] : memref<6x3x125xi32, #tpu.memory_space<vmem>> -> memref<1x3x125xi32, #tpu.memory_space<vmem>>
        %dma_start3A_415 = tpu.memref_squeeze %dma_start3A_414 : memref<1x3x125xi32, #tpu.memory_space<vmem>> -> memref<3x125xi32, #tpu.memory_space<vmem>>
        %dma_start3A_416 = arith.constant 0 : i32
        %dma_start3A_417 = arith.constant 0 : i32
        %dma_start3A_418 = tpu.memref_slice %arg4[%arg1, %add3A_401, %dma_start3A_416, %dma_start3A_417] : memref<16x160x3x125xi32, #tpu.memory_space<hbm>> -> memref<1x1x3x125xi32, #tpu.memory_space<hbm>>
        %dma_start3A_419 = tpu.memref_squeeze %dma_start3A_418 : memref<1x1x3x125xi32, #tpu.memory_space<hbm>> -> memref<3x125xi32, #tpu.memory_space<hbm>>
        tpu.enqueue_dma source(%dma_start3A_419 : memref<3x125xi32, #tpu.memory_space<hbm>>) target(%dma_start3A_415 : memref<3x125xi32, #tpu.memory_space<vmem>>) target_semaphore(%arg10 : memref<!tpu.dma_semaphore, #tpu.memory_space<semaphore_mem>>)
      } else {
      }
      %add3A_341 = arith.constant 4 : i32
      %add3A_342 = arith.addi %scan3A_326, %add3A_341 : i32
      %sub3A = arith.constant 1 : i32
      %sub3A_343 = arith.subi %add3A_342, %sub3A : i32
      %lt3A_344 = arith.constant 160 : i32
      %lt3A_345 = arith.cmpi slt, %sub3A_343, %lt3A_344 : i32
      %convert_element_type3A_346 = arith.extui %lt3A_345 : i1 to i32
      %cond3A_347 = arith.constant 0 : i32
      %cond3A_348 = arith.cmpi ne, %convert_element_type3A_346, %cond3A_347 : i32
      scf.if %cond3A_348 {
        %add3A_398 = arith.constant 4 : i32
        %add3A_399 = arith.addi %scan3A_326, %add3A_398 : i32
        %sub3A_400 = arith.constant 1 : i32
        %sub3A_401 = arith.subi %add3A_399, %sub3A_400 : i32
        %rem3A_402 = arith.constant 6 : i32
        %rem3A_403 = arith.remsi %sub3A_401, %rem3A_402 : i32
        %dma_wait3A_404 = arith.constant 0 : i32
        %dma_wait3A_405 = arith.constant 0 : i32
        %dma_wait3A_406 = tpu.memref_slice %arg6[%rem3A_403, %dma_wait3A_404, %dma_wait3A_405] : memref<6x3x125xi32, #tpu.memory_space<vmem>> -> memref<1x3x125xi32, #tpu.memory_space<vmem>>
        %dma_wait3A_407 = tpu.memref_squeeze %dma_wait3A_406 : memref<1x3x125xi32, #tpu.memory_space<vmem>> -> memref<3x125xi32, #tpu.memory_space<vmem>>
        %dma_wait3A_408 = arith.constant 0 : i32
        %dma_wait3A_409 = arith.constant 0 : i32
        %dma_wait3A_410 = tpu.memref_slice %arg4[%arg1, %sub3A_401, %dma_wait3A_408, %dma_wait3A_409] : memref<16x160x3x125xi32, #tpu.memory_space<hbm>> -> memref<1x1x3x125xi32, #tpu.memory_space<hbm>>
        %dma_wait3A_411 = tpu.memref_squeeze %dma_wait3A_410 : memref<1x1x3x125xi32, #tpu.memory_space<hbm>> -> memref<3x125xi32, #tpu.memory_space<hbm>>
        %dma_wait3A_412 = arith.constant 0 : i32
        %dma_wait3A_413 = arith.constant 0 : i32
        %dma_wait3A_414 = tpu.memref_slice %arg6[%rem3A_403, %dma_wait3A_412, %dma_wait3A_413] : memref<6x3x125xi32, #tpu.memory_space<vmem>> -> memref<1x3x125xi32, #tpu.memory_space<vmem>>
        %dma_wait3A_415 = tpu.memref_squeeze %dma_wait3A_414 : memref<1x3x125xi32, #tpu.memory_space<vmem>> -> memref<3x125xi32, #tpu.memory_space<vmem>>
        %dma_wait3A_416 = arith.constant 0 : i32
        %dma_wait3A_417 = arith.constant 0 : i32
        %dma_wait3A_418 = tpu.memref_slice %arg4[%arg1, %sub3A_401, %dma_wait3A_416, %dma_wait3A_417] : memref<16x160x3x125xi32, #tpu.memory_space<hbm>> -> memref<1x1x3x125xi32, #tpu.memory_space<hbm>>
        %dma_wait3A_419 = tpu.memref_squeeze %dma_wait3A_418 : memref<1x1x3x125xi32, #tpu.memory_space<hbm>> -> memref<3x125xi32, #tpu.memory_space<hbm>>
        tpu.wait_dma2 semaphore(%arg10 : memref<!tpu.dma_semaphore, #tpu.memory_space<semaphore_mem>>) src(%dma_wait3A_419 : memref<3x125xi32, #tpu.memory_space<hbm>>) dst(%dma_wait3A_415 : memref<3x125xi32, #tpu.memory_space<vmem>>)
        %add3A_420 = arith.constant 4 : i32
        %add3A_421 = arith.addi %scan3A_326, %add3A_420 : i32
        %sub3A_422 = arith.constant 1 : i32
        %sub3A_423 = arith.subi %add3A_421, %sub3A_422 : i32
        %rem3A_424 = arith.constant 4 : i32
        %rem3A_425 = arith.remsi %sub3A_423, %rem3A_424 : i32
        %rem3A_426 = arith.constant 6 : i32
        %rem3A_427 = arith.remsi %sub3A_423, %rem3A_426 : i32
        %dma_start3A_428 = arith.constant 0 : i32
        %dma_start3A_429 = arith.constant 0 : i32
        %dma_start3A_430 = arith.constant 0 : i32
        %dma_start3A_431 = tpu.memref_slice %arg7[%rem3A_425, %dma_start3A_429, %dma_start3A_430] : memref<4x125x64xf32, #tpu.memory_space<vmem>> -> memref<1x125x64xf32, #tpu.memory_space<vmem>>
        %dma_start3A_432 = tpu.memref_squeeze %dma_start3A_431 : memref<1x125x64xf32, #tpu.memory_space<vmem>> -> memref<125x64xf32, #tpu.memory_space<vmem>>
        %dma_start3A_433 = arith.constant 0 : i32
        %dma_start3A_434 = tpu.memref_slice %arg6[%rem3A_427, %dma_start3A_428, %dma_start3A_433] : memref<6x3x125xi32, #tpu.memory_space<vmem>> -> memref<1x1x125xi32, #tpu.memory_space<vmem>>
        %dma_start3A_435 = tpu.memref_squeeze %dma_start3A_434 : memref<1x1x125xi32, #tpu.memory_space<vmem>> -> memref<125xi32, #tpu.memory_space<vmem>>
        %dma_start3A_436 = arith.constant 0 : i32
        %dma_start3A_437 = arith.constant 0 : i32
        %dma_start3A_438 = tpu.memref_slice %arg2[%arg0, %dma_start3A_436, %dma_start3A_437] : memref<2x10000x64xf32, #tpu.memory_space<hbm>> -> memref<1x10000x64xf32, #tpu.memory_space<hbm>>
        %dma_start3A_439 = tpu.memref_squeeze %dma_start3A_438 : memref<1x10000x64xf32, #tpu.memory_space<hbm>> -> memref<10000x64xf32, #tpu.memory_space<hbm>>
        %dma_start3A_440 = arith.constant 0 : i32
        %dma_start3A_441 = arith.constant 0 : i32
        %dma_start3A_442 = tpu.memref_slice %dma_start3A_439[%dma_start3A_440, %dma_start3A_441] : memref<10000x64xf32, #tpu.memory_space<hbm>> -> memref<10000x64xf32, #tpu.memory_space<hbm>>
        tpu.enqueue_indirect_dma source(%dma_start3A_442 : memref<10000x64xf32, #tpu.memory_space<hbm>>) target(%dma_start3A_432 : memref<125x64xf32, #tpu.memory_space<vmem>>) offsets(%dma_start3A_435 : memref<125xi32, #tpu.memory_space<vmem>>) semaphore(%arg11 : memref<!tpu.dma_semaphore, #tpu.memory_space<semaphore_mem>>)
        %dma_start3A_443 = arith.constant 2 : i32
        %dma_start3A_444 = arith.constant 0 : i32
        %dma_start3A_445 = arith.constant 0 : i32
        %dma_start3A_446 = tpu.memref_slice %arg8[%rem3A_425, %dma_start3A_444, %dma_start3A_445] : memref<4x125x64xf32, #tpu.memory_space<vmem>> -> memref<1x125x64xf32, #tpu.memory_space<vmem>>
        %dma_start3A_447 = tpu.memref_squeeze %dma_start3A_446 : memref<1x125x64xf32, #tpu.memory_space<vmem>> -> memref<125x64xf32, #tpu.memory_space<vmem>>
        %dma_start3A_448 = arith.constant 0 : i32
        %dma_start3A_449 = tpu.memref_slice %arg6[%rem3A_427, %dma_start3A_443, %dma_start3A_448] : memref<6x3x125xi32, #tpu.memory_space<vmem>> -> memref<1x1x125xi32, #tpu.memory_space<vmem>>
        %dma_start3A_450 = tpu.memref_squeeze %dma_start3A_449 : memref<1x1x125xi32, #tpu.memory_space<vmem>> -> memref<125xi32, #tpu.memory_space<vmem>>
        %dma_start3A_451 = arith.constant 0 : i32
        %dma_start3A_452 = arith.constant 0 : i32
        %dma_start3A_453 = tpu.memref_slice %arg3[%arg0, %dma_start3A_451, %dma_start3A_452] : memref<2x512x64xf32, #tpu.memory_space<hbm>> -> memref<1x512x64xf32, #tpu.memory_space<hbm>>
        %dma_start3A_454 = tpu.memref_squeeze %dma_start3A_453 : memref<1x512x64xf32, #tpu.memory_space<hbm>> -> memref<512x64xf32, #tpu.memory_space<hbm>>
        %dma_start3A_455 = arith.constant 0 : i32
        %dma_start3A_456 = arith.constant 0 : i32
        %dma_start3A_457 = tpu.memref_slice %dma_start3A_454[%dma_start3A_455, %dma_start3A_456] : memref<512x64xf32, #tpu.memory_space<hbm>> -> memref<512x64xf32, #tpu.memory_space<hbm>>
        tpu.enqueue_indirect_dma source(%dma_start3A_457 : memref<512x64xf32, #tpu.memory_space<hbm>>) target(%dma_start3A_447 : memref<125x64xf32, #tpu.memory_space<vmem>>) offsets(%dma_start3A_450 : memref<125xi32, #tpu.memory_space<vmem>>) semaphore(%arg12 : memref<!tpu.dma_semaphore, #tpu.memory_space<semaphore_mem>>)
      } else {
      }
      %rem3A_349 = arith.constant 6 : i32
      %rem3A_350 = arith.remsi %scan3A_326, %rem3A_349 : i32
      %dma_wait3A_351 = arith.constant 0 : i32
      %dma_wait3A_352 = arith.constant 0 : i32
      %dma_wait3A_353 = arith.constant 0 : i32
      %dma_wait3A_354 = tpu.memref_slice %arg7[%rem3A_328, %dma_wait3A_352, %dma_wait3A_353] : memref<4x125x64xf32, #tpu.memory_space<vmem>> -> memref<1x125x64xf32, #tpu.memory_space<vmem>>
      %dma_wait3A_355 = tpu.memref_squeeze %dma_wait3A_354 : memref<1x125x64xf32, #tpu.memory_space<vmem>> -> memref<125x64xf32, #tpu.memory_space<vmem>>
      %dma_wait3A_356 = arith.constant 0 : i32
      %dma_wait3A_357 = tpu.memref_slice %arg6[%rem3A_350, %dma_wait3A_351, %dma_wait3A_356] : memref<6x3x125xi32, #tpu.memory_space<vmem>> -> memref<1x1x125xi32, #tpu.memory_space<vmem>>
      %dma_wait3A_358 = tpu.memref_squeeze %dma_wait3A_357 : memref<1x1x125xi32, #tpu.memory_space<vmem>> -> memref<125xi32, #tpu.memory_space<vmem>>
      %dma_wait3A_359 = arith.constant 0 : i32
      %dma_wait3A_360 = arith.constant 0 : i32
      %dma_wait3A_361 = tpu.memref_slice %arg2[%arg0, %dma_wait3A_359, %dma_wait3A_360] : memref<2x10000x64xf32, #tpu.memory_space<hbm>> -> memref<1x10000x64xf32, #tpu.memory_space<hbm>>
      %dma_wait3A_362 = tpu.memref_squeeze %dma_wait3A_361 : memref<1x10000x64xf32, #tpu.memory_space<hbm>> -> memref<10000x64xf32, #tpu.memory_space<hbm>>
      %dma_wait3A_363 = arith.constant 0 : i32
      %dma_wait3A_364 = arith.constant 0 : i32
      %dma_wait3A_365 = tpu.memref_slice %dma_wait3A_362[%dma_wait3A_363, %dma_wait3A_364] : memref<10000x64xf32, #tpu.memory_space<hbm>> -> memref<10000x64xf32, #tpu.memory_space<hbm>>
      tpu.wait_indirect_dma semaphore(%arg11 : memref<!tpu.dma_semaphore, #tpu.memory_space<semaphore_mem>>) src(%dma_wait3A_365 : memref<10000x64xf32, #tpu.memory_space<hbm>>) dst(%dma_wait3A_355 : memref<125x64xf32, #tpu.memory_space<vmem>>)
      %rem3A_366 = arith.constant 6 : i32
      %rem3A_367 = arith.remsi %scan3A_326, %rem3A_366 : i32
      %dma_wait3A_368 = arith.constant 2 : i32
      %dma_wait3A_369 = arith.constant 0 : i32
      %dma_wait3A_370 = arith.constant 0 : i32
      %dma_wait3A_371 = tpu.memref_slice %arg8[%rem3A_328, %dma_wait3A_369, %dma_wait3A_370] : memref<4x125x64xf32, #tpu.memory_space<vmem>> -> memref<1x125x64xf32, #tpu.memory_space<vmem>>
      %dma_wait3A_372 = tpu.memref_squeeze %dma_wait3A_371 : memref<1x125x64xf32, #tpu.memory_space<vmem>> -> memref<125x64xf32, #tpu.memory_space<vmem>>
      %dma_wait3A_373 = arith.constant 0 : i32
      %dma_wait3A_374 = tpu.memref_slice %arg6[%rem3A_367, %dma_wait3A_368, %dma_wait3A_373] : memref<6x3x125xi32, #tpu.memory_space<vmem>> -> memref<1x1x125xi32, #tpu.memory_space<vmem>>
      %dma_wait3A_375 = tpu.memref_squeeze %dma_wait3A_374 : memref<1x1x125xi32, #tpu.memory_space<vmem>> -> memref<125xi32, #tpu.memory_space<vmem>>
      %dma_wait3A_376 = arith.constant 0 : i32
      %dma_wait3A_377 = arith.constant 0 : i32
      %dma_wait3A_378 = tpu.memref_slice %arg3[%arg0, %dma_wait3A_376, %dma_wait3A_377] : memref<2x512x64xf32, #tpu.memory_space<hbm>> -> memref<1x512x64xf32, #tpu.memory_space<hbm>>
      %dma_wait3A_379 = tpu.memref_squeeze %dma_wait3A_378 : memref<1x512x64xf32, #tpu.memory_space<hbm>> -> memref<512x64xf32, #tpu.memory_space<hbm>>
      %dma_wait3A_380 = arith.constant 0 : i32
      %dma_wait3A_381 = arith.constant 0 : i32
      %dma_wait3A_382 = tpu.memref_slice %dma_wait3A_379[%dma_wait3A_380, %dma_wait3A_381] : memref<512x64xf32, #tpu.memory_space<hbm>> -> memref<512x64xf32, #tpu.memory_space<hbm>>
      tpu.wait_indirect_dma semaphore(%arg12 : memref<!tpu.dma_semaphore, #tpu.memory_space<semaphore_mem>>) src(%dma_wait3A_382 : memref<512x64xf32, #tpu.memory_space<hbm>>) dst(%dma_wait3A_372 : memref<125x64xf32, #tpu.memory_space<vmem>>)
      %parallel_loop3A = arith.constant 0 : i32
      %parallel_loop3A_383 = arith.constant 125 : i32
      %parallel_loop3A_384 = arith.constant 1 : i32
      scf.for %parallel_loop3A_398 = %parallel_loop3A to %parallel_loop3A_383 step %parallel_loop3A_384  : i32 {
        %parallel_loop3A_399 = arith.constant 0 : i32
        %parallel_loop3A_400 = arith.constant 0 : i32
        %parallel_loop3A_401 = tpu.memref_slice %arg7[%rem3A_328, %parallel_loop3A_399, %parallel_loop3A_400] : memref<4x125x64xf32, #tpu.memory_space<vmem>> -> memref<1x125x64xf32, #tpu.memory_space<vmem>>
        %parallel_loop3A_402 = tpu.memref_squeeze %parallel_loop3A_401 : memref<1x125x64xf32, #tpu.memory_space<vmem>> -> memref<125x64xf32, #tpu.memory_space<vmem>>
        %parallel_loop3A_403 = arith.index_cast %parallel_loop3A_398 : i32 to index
        %parallel_loop3A_404 = arith.constant 0 : index
        %parallel_loop3A_405 = tpu.vector_load %parallel_loop3A_402[%parallel_loop3A_403, %parallel_loop3A_404] {strides = array<i32>} : memref<125x64xf32, #tpu.memory_space<vmem>>, vector<1x16xf32>,
        %parallel_loop3A_406 = vector.shape_cast %parallel_loop3A_405 : vector<1x16xf32> to vector<16xf32>
        %parallel_loop3A_407 = arith.constant 0 : i32
        %parallel_loop3A_408 = arith.constant 0 : i32
        %parallel_loop3A_409 = tpu.memref_slice %arg8[%rem3A_328, %parallel_loop3A_407, %parallel_loop3A_408] : memref<4x125x64xf32, #tpu.memory_space<vmem>> -> memref<1x125x64xf32, #tpu.memory_space<vmem>>
        %parallel_loop3A_410 = tpu.memref_squeeze %parallel_loop3A_409 : memref<1x125x64xf32, #tpu.memory_space<vmem>> -> memref<125x64xf32, #tpu.memory_space<vmem>>
        %parallel_loop3A_411 = arith.index_cast %parallel_loop3A_398 : i32 to index
        %parallel_loop3A_412 = arith.constant 0 : index
        %parallel_loop3A_413 = tpu.vector_load %parallel_loop3A_410[%parallel_loop3A_411, %parallel_loop3A_412] {strides = array<i32>} : memref<125x64xf32, #tpu.memory_space<vmem>>, vector<1x16xf32>,
        %parallel_loop3A_414 = vector.shape_cast %parallel_loop3A_413 : vector<1x16xf32> to vector<16xf32>
        %parallel_loop3A_415 = arith.mulf %parallel_loop3A_406, %parallel_loop3A_414 : vector<16xf32>
        %parallel_loop3A_416 = arith.constant 0 : i32
        %parallel_loop3A_417 = arith.constant 0 : i32
        %parallel_loop3A_418 = tpu.memref_slice %arg7[%rem3A_328, %parallel_loop3A_416, %parallel_loop3A_417] : memref<4x125x64xf32, #tpu.memory_space<vmem>> -> memref<1x125x64xf32, #tpu.memory_space<vmem>>
        %parallel_loop3A_419 = tpu.memref_squeeze %parallel_loop3A_418 : memref<1x125x64xf32, #tpu.memory_space<vmem>> -> memref<125x64xf32, #tpu.memory_space<vmem>>
        %parallel_loop3A_420 = arith.index_cast %parallel_loop3A_398 : i32 to index
        %parallel_loop3A_421 = arith.constant 0 : index
        %parallel_loop3A_422 = tpu.vector_load %parallel_loop3A_419[%parallel_loop3A_420, %parallel_loop3A_421] {strides = array<i32>} : memref<125x64xf32, #tpu.memory_space<vmem>>, vector<1x16xf32>,
        %parallel_loop3A_423 = vector.shape_cast %parallel_loop3A_422 : vector<1x16xf32> to vector<16xf32>
        %parallel_loop3A_424 = vector.shape_cast %parallel_loop3A_415 : vector<16xf32> to vector<1x16xf32>
        tpu.vector_store %parallel_loop3A_419[%parallel_loop3A_420, %parallel_loop3A_421], %parallel_loop3A_424 {strides = array<i32>} : memref<125x64xf32, #tpu.memory_space<vmem>>, vector<1x16xf32>,
        %parallel_loop3A_425 = arith.constant 0 : i32
        %parallel_loop3A_426 = arith.constant 0 : i32
        %parallel_loop3A_427 = tpu.memref_slice %arg7[%rem3A_328, %parallel_loop3A_425, %parallel_loop3A_426] : memref<4x125x64xf32, #tpu.memory_space<vmem>> -> memref<1x125x64xf32, #tpu.memory_space<vmem>>
        %parallel_loop3A_428 = tpu.memref_squeeze %parallel_loop3A_427 : memref<1x125x64xf32, #tpu.memory_space<vmem>> -> memref<125x64xf32, #tpu.memory_space<vmem>>
        %parallel_loop3A_429 = arith.index_cast %parallel_loop3A_398 : i32 to index
        %parallel_loop3A_430 = arith.constant 16 : index
        %parallel_loop3A_431 = tpu.vector_load %parallel_loop3A_428[%parallel_loop3A_429, %parallel_loop3A_430] {strides = array<i32>} : memref<125x64xf32, #tpu.memory_space<vmem>>, vector<1x16xf32>,
        %parallel_loop3A_432 = vector.shape_cast %parallel_loop3A_431 : vector<1x16xf32> to vector<16xf32>
        %parallel_loop3A_433 = arith.constant 0 : i32
        %parallel_loop3A_434 = arith.constant 0 : i32
        %parallel_loop3A_435 = tpu.memref_slice %arg8[%rem3A_328, %parallel_loop3A_433, %parallel_loop3A_434] : memref<4x125x64xf32, #tpu.memory_space<vmem>> -> memref<1x125x64xf32, #tpu.memory_space<vmem>>
        %parallel_loop3A_436 = tpu.memref_squeeze %parallel_loop3A_435 : memref<1x125x64xf32, #tpu.memory_space<vmem>> -> memref<125x64xf32, #tpu.memory_space<vmem>>
        %parallel_loop3A_437 = arith.index_cast %parallel_loop3A_398 : i32 to index
        %parallel_loop3A_438 = arith.constant 16 : index
        %parallel_loop3A_439 = tpu.vector_load %parallel_loop3A_436[%parallel_loop3A_437, %parallel_loop3A_438] {strides = array<i32>} : memref<125x64xf32, #tpu.memory_space<vmem>>, vector<1x16xf32>,
        %parallel_loop3A_440 = vector.shape_cast %parallel_loop3A_439 : vector<1x16xf32> to vector<16xf32>
        %parallel_loop3A_441 = arith.mulf %parallel_loop3A_432, %parallel_loop3A_440 : vector<16xf32>
        %parallel_loop3A_442 = arith.constant 0 : i32
        %parallel_loop3A_443 = arith.constant 0 : i32
        %parallel_loop3A_444 = tpu.memref_slice %arg7[%rem3A_328, %parallel_loop3A_442, %parallel_loop3A_443] : memref<4x125x64xf32, #tpu.memory_space<vmem>> -> memref<1x125x64xf32, #tpu.memory_space<vmem>>
        %parallel_loop3A_445 = tpu.memref_squeeze %parallel_loop3A_444 : memref<1x125x64xf32, #tpu.memory_space<vmem>> -> memref<125x64xf32, #tpu.memory_space<vmem>>
        %parallel_loop3A_446 = arith.index_cast %parallel_loop3A_398 : i32 to index
        %parallel_loop3A_447 = arith.constant 16 : index
        %parallel_loop3A_448 = tpu.vector_load %parallel_loop3A_445[%parallel_loop3A_446, %parallel_loop3A_447] {strides = array<i32>} : memref<125x64xf32, #tpu.memory_space<vmem>>, vector<1x16xf32>,
        %parallel_loop3A_449 = vector.shape_cast %parallel_loop3A_448 : vector<1x16xf32> to vector<16xf32>
        %parallel_loop3A_450 = vector.shape_cast %parallel_loop3A_441 : vector<16xf32> to vector<1x16xf32>
        tpu.vector_store %parallel_loop3A_445[%parallel_loop3A_446, %parallel_loop3A_447], %parallel_loop3A_450 {strides = array<i32>} : memref<125x64xf32, #tpu.memory_space<vmem>>, vector<1x16xf32>,
        %parallel_loop3A_451 = arith.constant 0 : i32
        %parallel_loop3A_452 = arith.constant 0 : i32
        %parallel_loop3A_453 = tpu.memref_slice %arg7[%rem3A_328, %parallel_loop3A_451, %parallel_loop3A_452] : memref<4x125x64xf32, #tpu.memory_space<vmem>> -> memref<1x125x64xf32, #tpu.memory_space<vmem>>
        %parallel_loop3A_454 = tpu.memref_squeeze %parallel_loop3A_453 : memref<1x125x64xf32, #tpu.memory_space<vmem>> -> memref<125x64xf32, #tpu.memory_space<vmem>>
        %parallel_loop3A_455 = arith.index_cast %parallel_loop3A_398 : i32 to index
        %parallel_loop3A_456 = arith.constant 32 : index
        %parallel_loop3A_457 = tpu.vector_load %parallel_loop3A_454[%parallel_loop3A_455, %parallel_loop3A_456] {strides = array<i32>} : memref<125x64xf32, #tpu.memory_space<vmem>>, vector<1x16xf32>,
        %parallel_loop3A_458 = vector.shape_cast %parallel_loop3A_457 : vector<1x16xf32> to vector<16xf32>
        %parallel_loop3A_459 = arith.constant 0 : i32
        %parallel_loop3A_460 = arith.constant 0 : i32
        %parallel_loop3A_461 = tpu.memref_slice %arg8[%rem3A_328, %parallel_loop3A_459, %parallel_loop3A_460] : memref<4x125x64xf32, #tpu.memory_space<vmem>> -> memref<1x125x64xf32, #tpu.memory_space<vmem>>
        %parallel_loop3A_462 = tpu.memref_squeeze %parallel_loop3A_461 : memref<1x125x64xf32, #tpu.memory_space<vmem>> -> memref<125x64xf32, #tpu.memory_space<vmem>>
        %parallel_loop3A_463 = arith.index_cast %parallel_loop3A_398 : i32 to index
        %parallel_loop3A_464 = arith.constant 32 : index
        %parallel_loop3A_465 = tpu.vector_load %parallel_loop3A_462[%parallel_loop3A_463, %parallel_loop3A_464] {strides = array<i32>} : memref<125x64xf32, #tpu.memory_space<vmem>>, vector<1x16xf32>,
        %parallel_loop3A_466 = vector.shape_cast %parallel_loop3A_465 : vector<1x16xf32> to vector<16xf32>
        %parallel_loop3A_467 = arith.mulf %parallel_loop3A_458, %parallel_loop3A_466 : vector<16xf32>
        %parallel_loop3A_468 = arith.constant 0 : i32
        %parallel_loop3A_469 = arith.constant 0 : i32
        %parallel_loop3A_470 = tpu.memref_slice %arg7[%rem3A_328, %parallel_loop3A_468, %parallel_loop3A_469] : memref<4x125x64xf32, #tpu.memory_space<vmem>> -> memref<1x125x64xf32, #tpu.memory_space<vmem>>
        %parallel_loop3A_471 = tpu.memref_squeeze %parallel_loop3A_470 : memref<1x125x64xf32, #tpu.memory_space<vmem>> -> memref<125x64xf32, #tpu.memory_space<vmem>>
        %parallel_loop3A_472 = arith.index_cast %parallel_loop3A_398 : i32 to index
        %parallel_loop3A_473 = arith.constant 32 : index
        %parallel_loop3A_474 = tpu.vector_load %parallel_loop3A_471[%parallel_loop3A_472, %parallel_loop3A_473] {strides = array<i32>} : memref<125x64xf32, #tpu.memory_space<vmem>>, vector<1x16xf32>,
        %parallel_loop3A_475 = vector.shape_cast %parallel_loop3A_474 : vector<1x16xf32> to vector<16xf32>
        %parallel_loop3A_476 = vector.shape_cast %parallel_loop3A_467 : vector<16xf32> to vector<1x16xf32>
        tpu.vector_store %parallel_loop3A_471[%parallel_loop3A_472, %parallel_loop3A_473], %parallel_loop3A_476 {strides = array<i32>} : memref<125x64xf32, #tpu.memory_space<vmem>>, vector<1x16xf32>,
        %parallel_loop3A_477 = arith.constant 0 : i32
        %parallel_loop3A_478 = arith.constant 0 : i32
        %parallel_loop3A_479 = tpu.memref_slice %arg7[%rem3A_328, %parallel_loop3A_477, %parallel_loop3A_478] : memref<4x125x64xf32, #tpu.memory_space<vmem>> -> memref<1x125x64xf32, #tpu.memory_space<vmem>>
        %parallel_loop3A_480 = tpu.memref_squeeze %parallel_loop3A_479 : memref<1x125x64xf32, #tpu.memory_space<vmem>> -> memref<125x64xf32, #tpu.memory_space<vmem>>
        %parallel_loop3A_481 = arith.index_cast %parallel_loop3A_398 : i32 to index
        %parallel_loop3A_482 = arith.constant 48 : index
        %parallel_loop3A_483 = tpu.vector_load %parallel_loop3A_480[%parallel_loop3A_481, %parallel_loop3A_482] {strides = array<i32>} : memref<125x64xf32, #tpu.memory_space<vmem>>, vector<1x16xf32>,
        %parallel_loop3A_484 = vector.shape_cast %parallel_loop3A_483 : vector<1x16xf32> to vector<16xf32>
        %parallel_loop3A_485 = arith.constant 0 : i32
        %parallel_loop3A_486 = arith.constant 0 : i32
        %parallel_loop3A_487 = tpu.memref_slice %arg8[%rem3A_328, %parallel_loop3A_485, %parallel_loop3A_486] : memref<4x125x64xf32, #tpu.memory_space<vmem>> -> memref<1x125x64xf32, #tpu.memory_space<vmem>>
        %parallel_loop3A_488 = tpu.memref_squeeze %parallel_loop3A_487 : memref<1x125x64xf32, #tpu.memory_space<vmem>> -> memref<125x64xf32, #tpu.memory_space<vmem>>
        %parallel_loop3A_489 = arith.index_cast %parallel_loop3A_398 : i32 to index
        %parallel_loop3A_490 = arith.constant 48 : index
        %parallel_loop3A_491 = tpu.vector_load %parallel_loop3A_488[%parallel_loop3A_489, %parallel_loop3A_490] {strides = array<i32>} : memref<125x64xf32, #tpu.memory_space<vmem>>, vector<1x16xf32>,
        %parallel_loop3A_492 = vector.shape_cast %parallel_loop3A_491 : vector<1x16xf32> to vector<16xf32>
        %parallel_loop3A_493 = arith.mulf %parallel_loop3A_484, %parallel_loop3A_492 : vector<16xf32>
        %parallel_loop3A_494 = arith.constant 0 : i32
        %parallel_loop3A_495 = arith.constant 0 : i32
        %parallel_loop3A_496 = tpu.memref_slice %arg7[%rem3A_328, %parallel_loop3A_494, %parallel_loop3A_495] : memref<4x125x64xf32, #tpu.memory_space<vmem>> -> memref<1x125x64xf32, #tpu.memory_space<vmem>>
        %parallel_loop3A_497 = tpu.memref_squeeze %parallel_loop3A_496 : memref<1x125x64xf32, #tpu.memory_space<vmem>> -> memref<125x64xf32, #tpu.memory_space<vmem>>
        %parallel_loop3A_498 = arith.index_cast %parallel_loop3A_398 : i32 to index
        %parallel_loop3A_499 = arith.constant 48 : index
        %parallel_loop3A_500 = tpu.vector_load %parallel_loop3A_497[%parallel_loop3A_498, %parallel_loop3A_499] {strides = array<i32>} : memref<125x64xf32, #tpu.memory_space<vmem>>, vector<1x16xf32>,
        %parallel_loop3A_501 = vector.shape_cast %parallel_loop3A_500 : vector<1x16xf32> to vector<16xf32>
        %parallel_loop3A_502 = vector.shape_cast %parallel_loop3A_493 : vector<16xf32> to vector<1x16xf32>
        tpu.vector_store %parallel_loop3A_497[%parallel_loop3A_498, %parallel_loop3A_499], %parallel_loop3A_502 {strides = array<i32>} : memref<125x64xf32, #tpu.memory_space<vmem>>, vector<1x16xf32>,
      } {sc.loop_unroll_factor = 5 : i64, sc.parallel_access}
      %rem3A_385 = arith.constant 6 : i32
      %rem3A_386 = arith.remsi %scan3A_326, %rem3A_385 : i32
      %dma_start3A_387 = arith.constant 1 : i32
      %dma_start3A_388 = arith.constant 0 : i32
      %dma_start3A_389 = arith.constant 0 : i32
      %dma_start3A_390 = tpu.memref_slice %arg7[%rem3A_328, %dma_start3A_388, %dma_start3A_389] : memref<4x125x64xf32, #tpu.memory_space<vmem>> -> memref<1x125x64xf32, #tpu.memory_space<vmem>>
      %dma_start3A_391 = tpu.memref_squeeze %dma_start3A_390 : memref<1x125x64xf32, #tpu.memory_space<vmem>> -> memref<125x64xf32, #tpu.memory_space<vmem>>
      %dma_start3A_392 = arith.constant 0 : i32
      %dma_start3A_393 = tpu.memref_slice %arg6[%rem3A_386, %dma_start3A_387, %dma_start3A_392] : memref<6x3x125xi32, #tpu.memory_space<vmem>> -> memref<1x1x125xi32, #tpu.memory_space<vmem>>
      %dma_start3A_394 = tpu.memref_squeeze %dma_start3A_393 : memref<1x1x125xi32, #tpu.memory_space<vmem>> -> memref<125xi32, #tpu.memory_space<vmem>>
      %dma_start3A_395 = arith.constant 0 : i32
      %dma_start3A_396 = arith.constant 0 : i32
      %dma_start3A_397 = tpu.memref_slice %arg14[%dma_start3A_395, %dma_start3A_396] : memref<10000x64xf32, #tpu.memory_space<vmem_shared>> -> memref<10000x64xf32, #tpu.memory_space<vmem_shared>>
      tpu.enqueue_indirect_dma source(%dma_start3A_391 : memref<125x64xf32, #tpu.memory_space<vmem>>) target(%dma_start3A_397 : memref<10000x64xf32, #tpu.memory_space<vmem_shared>>) offsets(%dma_start3A_394 : memref<125xi32, #tpu.memory_space<vmem>>) semaphore(%arg13 : memref<!tpu.dma_semaphore, #tpu.memory_space<semaphore_mem>>) {add = true}
    }
    %scan3A_290 = arith.constant 160 : i32
    %rem3A_291 = arith.constant 159 : i32
    %rem3A_292 = arith.constant 4 : i32
    %rem3A_293 = arith.remsi %rem3A_291, %rem3A_292 : i32
    %rem3A_294 = arith.constant 159 : i32
    %rem3A_295 = arith.constant 6 : i32
    %rem3A_296 = arith.remsi %rem3A_294, %rem3A_295 : i32
    %dma_wait3A_297 = arith.constant 1 : i32
    %dma_wait3A_298 = arith.constant 0 : i32
    %dma_wait3A_299 = arith.constant 0 : i32
    %dma_wait3A_300 = tpu.memref_slice %arg7[%rem3A_293, %dma_wait3A_298, %dma_wait3A_299] : memref<4x125x64xf32, #tpu.memory_space<vmem>> -> memref<1x125x64xf32, #tpu.memory_space<vmem>>
    %dma_wait3A_301 = tpu.memref_squeeze %dma_wait3A_300 : memref<1x125x64xf32, #tpu.memory_space<vmem>> -> memref<125x64xf32, #tpu.memory_space<vmem>>
    %dma_wait3A_302 = arith.constant 0 : i32
    %dma_wait3A_303 = tpu.memref_slice %arg6[%rem3A_296, %dma_wait3A_297, %dma_wait3A_302] : memref<6x3x125xi32, #tpu.memory_space<vmem>> -> memref<1x1x125xi32, #tpu.memory_space<vmem>>
    %dma_wait3A_304 = tpu.memref_squeeze %dma_wait3A_303 : memref<1x1x125xi32, #tpu.memory_space<vmem>> -> memref<125xi32, #tpu.memory_space<vmem>>
    %dma_wait3A_305 = arith.constant 0 : i32
    %dma_wait3A_306 = arith.constant 0 : i32
    %dma_wait3A_307 = tpu.memref_slice %arg14[%dma_wait3A_305, %dma_wait3A_306] : memref<10000x64xf32, #tpu.memory_space<vmem_shared>> -> memref<10000x64xf32, #tpu.memory_space<vmem_shared>>
    tpu.wait_indirect_dma semaphore(%arg13 : memref<!tpu.dma_semaphore, #tpu.memory_space<semaphore_mem>>) src(%dma_wait3A_301 : memref<125x64xf32, #tpu.memory_space<vmem>>) dst(%dma_wait3A_307 : memref<10000x64xf32, #tpu.memory_space<vmem_shared>>)
    %barrier3A_308 = arith.constant 0 : index
    tpu.barrier barrier_id(%barrier3A_308)
    %add3A_309 = arith.constant 0 : i32
    %add3A_310 = arith.addi %mul3A_104, %add3A_309 : i32
    "tpu.region"() ({
      %run_scoped3A = tpu.sem_alloc : memref<!tpu.dma_semaphore, #tpu.memory_space<semaphore_mem>>
      %dma_start3A_326 = arith.constant 0 : i32
      %dma_start3A_327 = tpu.memref_slice %arg5[%arg0, %add3A_310, %dma_start3A_326] : memref<2x10000x64xf32, #tpu.memory_space<hbm>> -> memref<1x104x64xf32, #tpu.memory_space<hbm>>
      %dma_start3A_328 = tpu.memref_squeeze %dma_start3A_327 : memref<1x104x64xf32, #tpu.memory_space<hbm>> -> memref<104x64xf32, #tpu.memory_space<hbm>>
      %dma_start3A_329 = arith.constant 0 : i32
      %dma_start3A_330 = tpu.memref_slice %arg14[%add3A_310, %dma_start3A_329] : memref<10000x64xf32, #tpu.memory_space<vmem_shared>> -> memref<104x64xf32, #tpu.memory_space<vmem_shared>>
      tpu.enqueue_dma source(%dma_start3A_330 : memref<104x64xf32, #tpu.memory_space<vmem_shared>>) target(%dma_start3A_328 : memref<104x64xf32, #tpu.memory_space<hbm>>) target_semaphore(%run_scoped3A : memref<!tpu.dma_semaphore, #tpu.memory_space<semaphore_mem>>)
      %dma_wait3A_331 = arith.constant 0 : i32
      %dma_wait3A_332 = tpu.memref_slice %arg5[%arg0, %add3A_310, %dma_wait3A_331] : memref<2x10000x64xf32, #tpu.memory_space<hbm>> -> memref<1x104x64xf32, #tpu.memory_space<hbm>>
      %dma_wait3A_333 = tpu.memref_squeeze %dma_wait3A_332 : memref<1x104x64xf32, #tpu.memory_space<hbm>> -> memref<104x64xf32, #tpu.memory_space<hbm>>
      %dma_wait3A_334 = arith.constant 0 : i32
      %dma_wait3A_335 = tpu.memref_slice %arg14[%add3A_310, %dma_wait3A_334] : memref<10000x64xf32, #tpu.memory_space<vmem_shared>> -> memref<104x64xf32, #tpu.memory_space<vmem_shared>>
      tpu.wait_dma2 semaphore(%run_scoped3A : memref<!tpu.dma_semaphore, #tpu.memory_space<semaphore_mem>>) src(%dma_wait3A_335 : memref<104x64xf32, #tpu.memory_space<vmem_shared>>) dst(%dma_wait3A_333 : memref<104x64xf32, #tpu.memory_space<hbm>>)
      tpu.yield
    }) : () -> ()
    %add3A_311 = arith.constant 104 : i32
    %add3A_312 = arith.addi %mul3A_104, %add3A_311 : i32
    "tpu.region"() ({
      %run_scoped3A = tpu.sem_alloc : memref<!tpu.dma_semaphore, #tpu.memory_space<semaphore_mem>>
      %dma_start3A_326 = arith.constant 0 : i32
      %dma_start3A_327 = tpu.memref_slice %arg5[%arg0, %add3A_312, %dma_start3A_326] : memref<2x10000x64xf32, #tpu.memory_space<hbm>> -> memref<1x104x64xf32, #tpu.memory_space<hbm>>
      %dma_start3A_328 = tpu.memref_squeeze %dma_start3A_327 : memref<1x104x64xf32, #tpu.memory_space<hbm>> -> memref<104x64xf32, #tpu.memory_space<hbm>>
      %dma_start3A_329 = arith.constant 0 : i32
      %dma_start3A_330 = tpu.memref_slice %arg14[%add3A_312, %dma_start3A_329] : memref<10000x64xf32, #tpu.memory_space<vmem_shared>> -> memref<104x64xf32, #tpu.memory_space<vmem_shared>>
      tpu.enqueue_dma source(%dma_start3A_330 : memref<104x64xf32, #tpu.memory_space<vmem_shared>>) target(%dma_start3A_328 : memref<104x64xf32, #tpu.memory_space<hbm>>) target_semaphore(%run_scoped3A : memref<!tpu.dma_semaphore, #tpu.memory_space<semaphore_mem>>)
      %dma_wait3A_331 = arith.constant 0 : i32
      %dma_wait3A_332 = tpu.memref_slice %arg5[%arg0, %add3A_312, %dma_wait3A_331] : memref<2x10000x64xf32, #tpu.memory_space<hbm>> -> memref<1x104x64xf32, #tpu.memory_space<hbm>>
      %dma_wait3A_333 = tpu.memref_squeeze %dma_wait3A_332 : memref<1x104x64xf32, #tpu.memory_space<hbm>> -> memref<104x64xf32, #tpu.memory_space<hbm>>
      %dma_wait3A_334 = arith.constant 0 : i32
      %dma_wait3A_335 = tpu.memref_slice %arg14[%add3A_312, %dma_wait3A_334] : memref<10000x64xf32, #tpu.memory_space<vmem_shared>> -> memref<104x64xf32, #tpu.memory_space<vmem_shared>>
      tpu.wait_dma2 semaphore(%run_scoped3A : memref<!tpu.dma_semaphore, #tpu.memory_space<semaphore_mem>>) src(%dma_wait3A_335 : memref<104x64xf32, #tpu.memory_space<vmem_shared>>) dst(%dma_wait3A_333 : memref<104x64xf32, #tpu.memory_space<hbm>>)
      tpu.yield
    }) : () -> ()
    %add3A_313 = arith.constant 208 : i32
    %add3A_314 = arith.addi %mul3A_104, %add3A_313 : i32
    "tpu.region"() ({
      %run_scoped3A = tpu.sem_alloc : memref<!tpu.dma_semaphore, #tpu.memory_space<semaphore_mem>>
      %dma_start3A_326 = arith.constant 0 : i32
      %dma_start3A_327 = tpu.memref_slice %arg5[%arg0, %add3A_314, %dma_start3A_326] : memref<2x10000x64xf32, #tpu.memory_space<hbm>> -> memref<1x104x64xf32, #tpu.memory_space<hbm>>
      %dma_start3A_328 = tpu.memref_squeeze %dma_start3A_327 : memref<1x104x64xf32, #tpu.memory_space<hbm>> -> memref<104x64xf32, #tpu.memory_space<hbm>>
      %dma_start3A_329 = arith.constant 0 : i32
      %dma_start3A_330 = tpu.memref_slice %arg14[%add3A_314, %dma_start3A_329] : memref<10000x64xf32, #tpu.memory_space<vmem_shared>> -> memref<104x64xf32, #tpu.memory_space<vmem_shared>>
      tpu.enqueue_dma source(%dma_start3A_330 : memref<104x64xf32, #tpu.memory_space<vmem_shared>>) target(%dma_start3A_328 : memref<104x64xf32, #tpu.memory_space<hbm>>) target_semaphore(%run_scoped3A : memref<!tpu.dma_semaphore, #tpu.memory_space<semaphore_mem>>)
      %dma_wait3A_331 = arith.constant 0 : i32
      %dma_wait3A_332 = tpu.memref_slice %arg5[%arg0, %add3A_314, %dma_wait3A_331] : memref<2x10000x64xf32, #tpu.memory_space<hbm>> -> memref<1x104x64xf32, #tpu.memory_space<hbm>>
      %dma_wait3A_333 = tpu.memref_squeeze %dma_wait3A_332 : memref<1x104x64xf32, #tpu.memory_space<hbm>> -> memref<104x64xf32, #tpu.memory_space<hbm>>
      %dma_wait3A_334 = arith.constant 0 : i32
      %dma_wait3A_335 = tpu.memref_slice %arg14[%add3A_314, %dma_wait3A_334] : memref<10000x64xf32, #tpu.memory_space<vmem_shared>> -> memref<104x64xf32, #tpu.memory_space<vmem_shared>>
      tpu.wait_dma2 semaphore(%run_scoped3A : memref<!tpu.dma_semaphore, #tpu.memory_space<semaphore_mem>>) src(%dma_wait3A_335 : memref<104x64xf32, #tpu.memory_space<vmem_shared>>) dst(%dma_wait3A_333 : memref<104x64xf32, #tpu.memory_space<hbm>>)
      tpu.yield
    }) : () -> ()
    %add3A_315 = arith.constant 312 : i32
    %add3A_316 = arith.addi %mul3A_104, %add3A_315 : i32
    "tpu.region"() ({
      %run_scoped3A = tpu.sem_alloc : memref<!tpu.dma_semaphore, #tpu.memory_space<semaphore_mem>>
      %dma_start3A_326 = arith.constant 0 : i32
      %dma_start3A_327 = tpu.memref_slice %arg5[%arg0, %add3A_316, %dma_start3A_326] : memref<2x10000x64xf32, #tpu.memory_space<hbm>> -> memref<1x104x64xf32, #tpu.memory_space<hbm>>
      %dma_start3A_328 = tpu.memref_squeeze %dma_start3A_327 : memref<1x104x64xf32, #tpu.memory_space<hbm>> -> memref<104x64xf32, #tpu.memory_space<hbm>>
      %dma_start3A_329 = arith.constant 0 : i32
      %dma_start3A_330 = tpu.memref_slice %arg14[%add3A_316, %dma_start3A_329] : memref<10000x64xf32, #tpu.memory_space<vmem_shared>> -> memref<104x64xf32, #tpu.memory_space<vmem_shared>>
      tpu.enqueue_dma source(%dma_start3A_330 : memref<104x64xf32, #tpu.memory_space<vmem_shared>>) target(%dma_start3A_328 : memref<104x64xf32, #tpu.memory_space<hbm>>) target_semaphore(%run_scoped3A : memref<!tpu.dma_semaphore, #tpu.memory_space<semaphore_mem>>)
      %dma_wait3A_331 = arith.constant 0 : i32
      %dma_wait3A_332 = tpu.memref_slice %arg5[%arg0, %add3A_316, %dma_wait3A_331] : memref<2x10000x64xf32, #tpu.memory_space<hbm>> -> memref<1x104x64xf32, #tpu.memory_space<hbm>>
      %dma_wait3A_333 = tpu.memref_squeeze %dma_wait3A_332 : memref<1x104x64xf32, #tpu.memory_space<hbm>> -> memref<104x64xf32, #tpu.memory_space<hbm>>
      %dma_wait3A_334 = arith.constant 0 : i32
      %dma_wait3A_335 = tpu.memref_slice %arg14[%add3A_316, %dma_wait3A_334] : memref<10000x64xf32, #tpu.memory_space<vmem_shared>> -> memref<104x64xf32, #tpu.memory_space<vmem_shared>>
      tpu.wait_dma2 semaphore(%run_scoped3A : memref<!tpu.dma_semaphore, #tpu.memory_space<semaphore_mem>>) src(%dma_wait3A_335 : memref<104x64xf32, #tpu.memory_space<vmem_shared>>) dst(%dma_wait3A_333 : memref<104x64xf32, #tpu.memory_space<hbm>>)
      tpu.yield
    }) : () -> ()
    %add3A_317 = arith.constant 416 : i32
    %add3A_318 = arith.addi %mul3A_104, %add3A_317 : i32
    "tpu.region"() ({
      %run_scoped3A = tpu.sem_alloc : memref<!tpu.dma_semaphore, #tpu.memory_space<semaphore_mem>>
      %dma_start3A_326 = arith.constant 0 : i32
      %dma_start3A_327 = tpu.memref_slice %arg5[%arg0, %add3A_318, %dma_start3A_326] : memref<2x10000x64xf32, #tpu.memory_space<hbm>> -> memref<1x104x64xf32, #tpu.memory_space<hbm>>
      %dma_start3A_328 = tpu.memref_squeeze %dma_start3A_327 : memref<1x104x64xf32, #tpu.memory_space<hbm>> -> memref<104x64xf32, #tpu.memory_space<hbm>>
      %dma_start3A_329 = arith.constant 0 : i32
      %dma_start3A_330 = tpu.memref_slice %arg14[%add3A_318, %dma_start3A_329] : memref<10000x64xf32, #tpu.memory_space<vmem_shared>> -> memref<104x64xf32, #tpu.memory_space<vmem_shared>>
      tpu.enqueue_dma source(%dma_start3A_330 : memref<104x64xf32, #tpu.memory_space<vmem_shared>>) target(%dma_start3A_328 : memref<104x64xf32, #tpu.memory_space<hbm>>) target_semaphore(%run_scoped3A : memref<!tpu.dma_semaphore, #tpu.memory_space<semaphore_mem>>)
      %dma_wait3A_331 = arith.constant 0 : i32
      %dma_wait3A_332 = tpu.memref_slice %arg5[%arg0, %add3A_318, %dma_wait3A_331] : memref<2x10000x64xf32, #tpu.memory_space<hbm>> -> memref<1x104x64xf32, #tpu.memory_space<hbm>>
      %dma_wait3A_333 = tpu.memref_squeeze %dma_wait3A_332 : memref<1x104x64xf32, #tpu.memory_space<hbm>> -> memref<104x64xf32, #tpu.memory_space<hbm>>
      %dma_wait3A_334 = arith.constant 0 : i32
      %dma_wait3A_335 = tpu.memref_slice %arg14[%add3A_318, %dma_wait3A_334] : memref<10000x64xf32, #tpu.memory_space<vmem_shared>> -> memref<104x64xf32, #tpu.memory_space<vmem_shared>>
      tpu.wait_dma2 semaphore(%run_scoped3A : memref<!tpu.dma_semaphore, #tpu.memory_space<semaphore_mem>>) src(%dma_wait3A_335 : memref<104x64xf32, #tpu.memory_space<vmem_shared>>) dst(%dma_wait3A_333 : memref<104x64xf32, #tpu.memory_space<hbm>>)
      tpu.yield
    }) : () -> ()
    %add3A_319 = arith.constant 520 : i32
    %add3A_320 = arith.addi %mul3A_104, %add3A_319 : i32
    "tpu.region"() ({
      %run_scoped3A = tpu.sem_alloc : memref<!tpu.dma_semaphore, #tpu.memory_space<semaphore_mem>>
      %dma_start3A_326 = arith.constant 0 : i32
      %dma_start3A_327 = tpu.memref_slice %arg5[%arg0, %add3A_320, %dma_start3A_326] : memref<2x10000x64xf32, #tpu.memory_space<hbm>> -> memref<1x104x64xf32, #tpu.memory_space<hbm>>
      %dma_start3A_328 = tpu.memref_squeeze %dma_start3A_327 : memref<1x104x64xf32, #tpu.memory_space<hbm>> -> memref<104x64xf32, #tpu.memory_space<hbm>>
      %dma_start3A_329 = arith.constant 0 : i32
      %dma_start3A_330 = tpu.memref_slice %arg14[%add3A_320, %dma_start3A_329] : memref<10000x64xf32, #tpu.memory_space<vmem_shared>> -> memref<104x64xf32, #tpu.memory_space<vmem_shared>>
      tpu.enqueue_dma source(%dma_start3A_330 : memref<104x64xf32, #tpu.memory_space<vmem_shared>>) target(%dma_start3A_328 : memref<104x64xf32, #tpu.memory_space<hbm>>) target_semaphore(%run_scoped3A : memref<!tpu.dma_semaphore, #tpu.memory_space<semaphore_mem>>)
      %dma_wait3A_331 = arith.constant 0 : i32
      %dma_wait3A_332 = tpu.memref_slice %arg5[%arg0, %add3A_320, %dma_wait3A_331] : memref<2x10000x64xf32, #tpu.memory_space<hbm>> -> memref<1x104x64xf32, #tpu.memory_space<hbm>>
      %dma_wait3A_333 = tpu.memref_squeeze %dma_wait3A_332 : memref<1x104x64xf32, #tpu.memory_space<hbm>> -> memref<104x64xf32, #tpu.memory_space<hbm>>
      %dma_wait3A_334 = arith.constant 0 : i32
      %dma_wait3A_335 = tpu.memref_slice %arg14[%add3A_320, %dma_wait3A_334] : memref<10000x64xf32, #tpu.memory_space<vmem_shared>> -> memref<104x64xf32, #tpu.memory_space<vmem_shared>>
      tpu.wait_dma2 semaphore(%run_scoped3A : memref<!tpu.dma_semaphore, #tpu.memory_space<semaphore_mem>>) src(%dma_wait3A_335 : memref<104x64xf32, #tpu.memory_space<vmem_shared>>) dst(%dma_wait3A_333 : memref<104x64xf32, #tpu.memory_space<hbm>>)
      tpu.yield
    }) : () -> ()
    %eq3A_321 = arith.constant 0 : i32
    %eq3A_322 = arith.cmpi eq, %arg1, %eq3A_321 : i32
    %convert_element_type3A_323 = arith.extui %eq3A_322 : i1 to i32
    %cond3A_324 = arith.constant 0 : i32
    %cond3A_325 = arith.cmpi ne, %convert_element_type3A_323, %cond3A_324 : i32
    scf.if %cond3A_325 {
      "tpu.region"() ({
        %run_scoped3A = tpu.sem_alloc : memref<!tpu.dma_semaphore, #tpu.memory_space<semaphore_mem>>
        %dma_start3A_326 = arith.constant 9984 : i32
        %dma_start3A_327 = arith.constant 0 : i32
        %dma_start3A_328 = tpu.memref_slice %arg5[%arg0, %dma_start3A_326, %dma_start3A_327] : memref<2x10000x64xf32, #tpu.memory_space<hbm>> -> memref<1x16x64xf32, #tpu.memory_space<hbm>>
        %dma_start3A_329 = tpu.memref_squeeze %dma_start3A_328 : memref<1x16x64xf32, #tpu.memory_space<hbm>> -> memref<16x64xf32, #tpu.memory_space<hbm>>
        %dma_start3A_330 = arith.constant 9984 : i32
        %dma_start3A_331 = arith.constant 0 : i32
        %dma_start3A_332 = tpu.memref_slice %arg14[%dma_start3A_330, %dma_start3A_331] : memref<10000x64xf32, #tpu.memory_space<vmem_shared>> -> memref<16x64xf32, #tpu.memory_space<vmem_shared>>
        tpu.enqueue_dma source(%dma_start3A_332 : memref<16x64xf32, #tpu.memory_space<vmem_shared>>) target(%dma_start3A_329 : memref<16x64xf32, #tpu.memory_space<hbm>>) target_semaphore(%run_scoped3A : memref<!tpu.dma_semaphore, #tpu.memory_space<semaphore_mem>>)
        %dma_wait3A_333 = arith.constant 9984 : i32
        %dma_wait3A_334 = arith.constant 0 : i32
        %dma_wait3A_335 = tpu.memref_slice %arg5[%arg0, %dma_wait3A_333, %dma_wait3A_334] : memref<2x10000x64xf32, #tpu.memory_space<hbm>> -> memref<1x16x64xf32, #tpu.memory_space<hbm>>
        %dma_wait3A_336 = tpu.memref_squeeze %dma_wait3A_335 : memref<1x16x64xf32, #tpu.memory_space<hbm>> -> memref<16x64xf32, #tpu.memory_space<hbm>>
        %dma_wait3A_337 = arith.constant 9984 : i32
        %dma_wait3A_338 = arith.constant 0 : i32
        %dma_wait3A_339 = tpu.memref_slice %arg14[%dma_wait3A_337, %dma_wait3A_338] : memref<10000x64xf32, #tpu.memory_space<vmem_shared>> -> memref<16x64xf32, #tpu.memory_space<vmem_shared>>
        tpu.wait_dma2 semaphore(%run_scoped3A : memref<!tpu.dma_semaphore, #tpu.memory_space<semaphore_mem>>) src(%dma_wait3A_339 : memref<16x64xf32, #tpu.memory_space<vmem_shared>>) dst(%dma_wait3A_336 : memref<16x64xf32, #tpu.memory_space<hbm>>)
        tpu.yield
      }) : () -> ()
    } else {
    }
    return
  }
}

module attributes {stable_mosaic.version = 14 : i64} {
  func.func @body(%arg0: i32, %arg1: memref<2x1000x64xf32, #tpu.memory_space<vmem>>, %arg2: memref<1000x1xf32, #tpu.memory_space<vmem>>, %arg3: memref<1000x64xf32, #tpu.memory_space<vmem>>, %arg4: memref<1000x64xf32, #tpu.memory_space<vmem>>, %arg5: memref<128x128xf32, #tpu.memory_space<vmem>>, %arg6: memref<128x128xf32, #tpu.memory_space<vmem>>, %arg7: memref<32x64xf32, #tpu.memory_space<vmem>>, %arg8: memref<32x64xf32, #tpu.memory_space<vmem>>, %arg9: memref<128x128xf32, #tpu.memory_space<vmem>>, %arg10: memref<2x1000x64xf32, #tpu.memory_space<vmem>>, %arg11: memref<2x512x64xf32, #tpu.memory_space<vmem>>) attributes {dimension_semantics = [#tpu.dimension_semantics<arbitrary>], iteration_bounds = array<i64: 10>, scalar_prefetch = 0 : i64, scratch_operands = 0 : i64, tpu.core_type = #tpu.core_type<tc>, window_params = [{transform_indices = @transform_0, window_bounds = array<i64: 2, 1000, 64>}, {transform_indices = @transform_1, window_bounds = array<i64: 1000, 1>}, {transform_indices = @transform_2, window_bounds = array<i64: 1000, 64>}, {transform_indices = @transform_3, window_bounds = array<i64: 1000, 64>}, {pipeline_mode = #tpu.pipeline_mode<synchronous>, transform_indices = @transform_4, window_bounds = array<i64: 128, 128>}, {pipeline_mode = #tpu.pipeline_mode<synchronous>, transform_indices = @transform_5, window_bounds = array<i64: 128, 128>}, {pipeline_mode = #tpu.pipeline_mode<synchronous>, transform_indices = @transform_6, window_bounds = array<i64: 32, 64>}, {pipeline_mode = #tpu.pipeline_mode<synchronous>, transform_indices = @transform_7, window_bounds = array<i64: 32, 64>}, {pipeline_mode = #tpu.pipeline_mode<synchronous>, transform_indices = @transform_8, window_bounds = array<i64: 128, 128>}, {transform_indices = @transform_9, window_bounds = array<i64: 2, 1000, 64>}, {pipeline_mode = #tpu.pipeline_mode<synchronous>, transform_indices = @transform_10, window_bounds = array<i64: 2, 512, 64>}]} {
    %get3A = arith.constant 0 : index
    %get3A_0 = arith.constant 0 : index
    %get3A_1 = vector.load %arg2[%get3A, %get3A_0] : memref<1000x1xf32, #tpu.memory_space<vmem>>, vector<1000x1xf32>
    %max3A = arith.constant 1.000000e+00 : f32
    %max3A_2 = vector.broadcast %max3A : f32 to vector<1000x1xf32>
    %max3A_3 = arith.maximumf %get3A_1, %max3A_2 : vector<1000x1xf32>
    %div3A = arith.constant 1.000000e+00 : f32
    %div3A_4 = vector.broadcast %div3A : f32 to vector<1000x1xf32>
    %div3A_5 = arith.divf %div3A_4, %max3A_3 : vector<1000x1xf32>
    %get3A_6 = arith.constant 0 : index
    %get3A_7 = arith.constant 0 : index
    %get3A_8 = arith.constant 0 : index
    %get3A_9 = vector.load %arg1[%get3A_6, %get3A_7, %get3A_8] : memref<2x1000x64xf32, #tpu.memory_space<vmem>>, vector<1x1000x64xf32>
    %get3A_10 = vector.shape_cast %get3A_9 : vector<1x1000x64xf32> to vector<1000x64xf32>
    %mul3A = vector.broadcast %div3A_5 : vector<1000x1xf32> to vector<1000x64xf32>
    %mul3A_11 = arith.mulf %get3A_10, %mul3A : vector<1000x64xf32>
    %get3A_12 = arith.constant 0 : index
    %get3A_13 = arith.constant 0 : index
    %get3A_14 = vector.load %arg5[%get3A_12, %get3A_13] : memref<128x128xf32, #tpu.memory_space<vmem>>, vector<64x128xf32>
    %dot_general3A = arith.constant dense<0.000000e+00> : vector<1000x128xf32>
    %dot_general3A_15 = tpu.matmul %mul3A_11, %get3A_14, %dot_general3A {dimension_numbers = #tpu.dot_dimension_numbers<[1], [0], [0], [1], [0, 0, 1, 1], [], []>, transpose_lhs_hint = false} : vector<1000x64xf32>, vector<64x128xf32>, vector<1000x128xf32> -> vector<1000x128xf32>
    %get3A_16 = arith.constant 1 : index
    %get3A_17 = arith.constant 0 : index
    %get3A_18 = arith.constant 0 : index
    %get3A_19 = vector.load %arg1[%get3A_16, %get3A_17, %get3A_18] : memref<2x1000x64xf32, #tpu.memory_space<vmem>>, vector<1x1000x64xf32>
    %get3A_20 = vector.shape_cast %get3A_19 : vector<1x1000x64xf32> to vector<1000x64xf32>
    %mul3A_21 = vector.broadcast %div3A_5 : vector<1000x1xf32> to vector<1000x64xf32>
    %mul3A_22 = arith.mulf %get3A_20, %mul3A_21 : vector<1000x64xf32>
    %get3A_23 = arith.constant 64 : index
    %get3A_24 = arith.constant 0 : index
    %get3A_25 = vector.load %arg5[%get3A_23, %get3A_24] : memref<128x128xf32, #tpu.memory_space<vmem>>, vector<64x128xf32>
    %dot_general3A_26 = arith.constant dense<0.000000e+00> : vector<1000x128xf32>
    %dot_general3A_27 = tpu.matmul %mul3A_22, %get3A_25, %dot_general3A_26 {dimension_numbers = #tpu.dot_dimension_numbers<[1], [0], [0], [1], [0, 0, 1, 1], [], []>, transpose_lhs_hint = false} : vector<1000x64xf32>, vector<64x128xf32>, vector<1000x128xf32> -> vector<1000x128xf32>
    %add3A = arith.addf %dot_general3A_15, %dot_general3A_27 : vector<1000x128xf32>
    %get3A_28 = arith.constant 0 : index
    %get3A_29 = arith.constant 0 : index
    %get3A_30 = vector.load %arg3[%get3A_28, %get3A_29] : memref<1000x64xf32, #tpu.memory_space<vmem>>, vector<1000x64xf32>
    %get3A_31 = arith.constant 0 : index
    %get3A_32 = arith.constant 0 : index
    %get3A_33 = vector.load %arg6[%get3A_31, %get3A_32] : memref<128x128xf32, #tpu.memory_space<vmem>>, vector<64x128xf32>
    %dot_general3A_34 = arith.constant dense<0.000000e+00> : vector<1000x128xf32>
    %dot_general3A_35 = tpu.matmul %get3A_30, %get3A_33, %dot_general3A_34 {dimension_numbers = #tpu.dot_dimension_numbers<[1], [0], [0], [1], [0, 0, 1, 1], [], []>, transpose_lhs_hint = false} : vector<1000x64xf32>, vector<64x128xf32>, vector<1000x128xf32> -> vector<1000x128xf32>
    %add3A_36 = arith.addf %add3A, %dot_general3A_35 : vector<1000x128xf32>
    %get3A_37 = arith.constant 0 : index
    %get3A_38 = arith.constant 0 : index
    %get3A_39 = vector.load %arg4[%get3A_37, %get3A_38] : memref<1000x64xf32, #tpu.memory_space<vmem>>, vector<1000x64xf32>
    %get3A_40 = arith.constant 64 : index
    %get3A_41 = arith.constant 0 : index
    %get3A_42 = vector.load %arg6[%get3A_40, %get3A_41] : memref<128x128xf32, #tpu.memory_space<vmem>>, vector<64x128xf32>
    %dot_general3A_43 = arith.constant dense<0.000000e+00> : vector<1000x128xf32>
    %dot_general3A_44 = tpu.matmul %get3A_39, %get3A_42, %dot_general3A_43 {dimension_numbers = #tpu.dot_dimension_numbers<[1], [0], [0], [1], [0, 0, 1, 1], [], []>, transpose_lhs_hint = false} : vector<1000x64xf32>, vector<64x128xf32>, vector<1000x128xf32> -> vector<1000x128xf32>
    %add3A_45 = arith.addf %add3A_36, %dot_general3A_44 : vector<1000x128xf32>
    %max3A_46 = arith.constant 0.000000e+00 : f32
    %max3A_47 = vector.broadcast %max3A_46 : f32 to vector<1000x128xf32>
    %max3A_48 = arith.maximumf %add3A_45, %max3A_47 : vector<1000x128xf32>
    %slice3A = vector.extract_strided_slice %max3A_48 {offsets = [0, 0], sizes = [1000, 64], strides = [1, 1]} : vector<1000x128xf32> to vector<1000x64xf32>
    %swap3A = arith.constant 0 : index
    %swap3A_49 = arith.constant 0 : index
    %swap3A_50 = arith.constant 0 : index
    %swap3A_51 = vector.load %arg10[%swap3A, %swap3A_49, %swap3A_50] : memref<2x1000x64xf32, #tpu.memory_space<vmem>>, vector<1x1000x64xf32>
    %swap3A_52 = vector.shape_cast %swap3A_51 : vector<1x1000x64xf32> to vector<1000x64xf32>
    %swap3A_53 = vector.shape_cast %slice3A : vector<1000x64xf32> to vector<1x1000x64xf32>
    tpu.vector_store %arg10[%swap3A, %swap3A_49, %swap3A_50], %swap3A_53 {strides = array<i32>} : memref<2x1000x64xf32, #tpu.memory_space<vmem>>, vector<1x1000x64xf32>,
    %slice3A_54 = vector.extract_strided_slice %max3A_48 {offsets = [0, 64], sizes = [1000, 64], strides = [1, 1]} : vector<1000x128xf32> to vector<1000x64xf32>
    %swap3A_55 = arith.constant 1 : index
    %swap3A_56 = arith.constant 0 : index
    %swap3A_57 = arith.constant 0 : index
    %swap3A_58 = vector.load %arg10[%swap3A_55, %swap3A_56, %swap3A_57] : memref<2x1000x64xf32, #tpu.memory_space<vmem>>, vector<1x1000x64xf32>
    %swap3A_59 = vector.shape_cast %swap3A_58 : vector<1x1000x64xf32> to vector<1000x64xf32>
    %swap3A_60 = vector.shape_cast %slice3A_54 : vector<1000x64xf32> to vector<1x1000x64xf32>
    tpu.vector_store %arg10[%swap3A_55, %swap3A_56, %swap3A_57], %swap3A_60 {strides = array<i32>} : memref<2x1000x64xf32, #tpu.memory_space<vmem>>, vector<1x1000x64xf32>,
    %eq3A = arith.constant 0 : i32
    %eq3A_61 = arith.cmpi eq, %arg0, %eq3A : i32
    %convert_element_type3A = arith.extui %eq3A_61 : i1 to i32
    %cond3A = arith.constant 0 : i32
    %cond3A_62 = arith.cmpi ne, %convert_element_type3A, %cond3A : i32
    scf.if %cond3A_62 {
      %get3A_63 = arith.constant 0 : index
      %get3A_64 = arith.constant 0 : index
      %get3A_65 = vector.load %arg7[%get3A_63, %get3A_64] : memref<32x64xf32, #tpu.memory_space<vmem>>, vector<32x64xf32>
      %get3A_66 = arith.constant 0 : index
      %get3A_67 = arith.constant 0 : index
      %get3A_68 = vector.load %arg9[%get3A_66, %get3A_67] : memref<128x128xf32, #tpu.memory_space<vmem>>, vector<64x128xf32>
      %dot_general3A_69 = arith.constant dense<0.000000e+00> : vector<32x128xf32>
      %dot_general3A_70 = tpu.matmul %get3A_65, %get3A_68, %dot_general3A_69 {dimension_numbers = #tpu.dot_dimension_numbers<[1], [0], [0], [1], [0, 0, 1, 1], [], []>, transpose_lhs_hint = false} : vector<32x64xf32>, vector<64x128xf32>, vector<32x128xf32> -> vector<32x128xf32>
      %get3A_71 = arith.constant 0 : index
      %get3A_72 = arith.constant 0 : index
      %get3A_73 = vector.load %arg8[%get3A_71, %get3A_72] : memref<32x64xf32, #tpu.memory_space<vmem>>, vector<32x64xf32>
      %get3A_74 = arith.constant 64 : index
      %get3A_75 = arith.constant 0 : index
      %get3A_76 = vector.load %arg9[%get3A_74, %get3A_75] : memref<128x128xf32, #tpu.memory_space<vmem>>, vector<64x128xf32>
      %dot_general3A_77 = arith.constant dense<0.000000e+00> : vector<32x128xf32>
      %dot_general3A_78 = tpu.matmul %get3A_73, %get3A_76, %dot_general3A_77 {dimension_numbers = #tpu.dot_dimension_numbers<[1], [0], [0], [1], [0, 0, 1, 1], [], []>, transpose_lhs_hint = false} : vector<32x64xf32>, vector<64x128xf32>, vector<32x128xf32> -> vector<32x128xf32>
      %add3A_79 = arith.addf %dot_general3A_70, %dot_general3A_78 : vector<32x128xf32>
      %max3A_80 = arith.constant 0.000000e+00 : f32
      %max3A_81 = vector.broadcast %max3A_80 : f32 to vector<32x128xf32>
      %max3A_82 = arith.maximumf %add3A_79, %max3A_81 : vector<32x128xf32>
      %slice3A_83 = vector.extract_strided_slice %max3A_82 {offsets = [0, 0], sizes = [32, 64], strides = [1, 1]} : vector<32x128xf32> to vector<32x64xf32>
      %swap3A_84 = arith.constant 0 : index
      %swap3A_85 = arith.constant 0 : index
      %swap3A_86 = arith.constant 0 : index
      %swap3A_87 = vector.load %arg11[%swap3A_84, %swap3A_85, %swap3A_86] : memref<2x512x64xf32, #tpu.memory_space<vmem>>, vector<1x32x64xf32>
      %swap3A_88 = vector.shape_cast %swap3A_87 : vector<1x32x64xf32> to vector<32x64xf32>
      %swap3A_89 = vector.shape_cast %slice3A_83 : vector<32x64xf32> to vector<1x32x64xf32>
      tpu.vector_store %arg11[%swap3A_84, %swap3A_85, %swap3A_86], %swap3A_89 {strides = array<i32>} : memref<2x512x64xf32, #tpu.memory_space<vmem>>, vector<1x32x64xf32>,
      %slice3A_90 = vector.extract_strided_slice %max3A_82 {offsets = [0, 64], sizes = [32, 64], strides = [1, 1]} : vector<32x128xf32> to vector<32x64xf32>
      %swap3A_91 = arith.constant 1 : index
      %swap3A_92 = arith.constant 0 : index
      %swap3A_93 = arith.constant 0 : index
      %swap3A_94 = vector.load %arg11[%swap3A_91, %swap3A_92, %swap3A_93] : memref<2x512x64xf32, #tpu.memory_space<vmem>>, vector<1x32x64xf32>
      %swap3A_95 = vector.shape_cast %swap3A_94 : vector<1x32x64xf32> to vector<32x64xf32>
      %swap3A_96 = vector.shape_cast %slice3A_90 : vector<32x64xf32> to vector<1x32x64xf32>
      tpu.vector_store %arg11[%swap3A_91, %swap3A_92, %swap3A_93], %swap3A_96 {strides = array<i32>} : memref<2x512x64xf32, #tpu.memory_space<vmem>>, vector<1x32x64xf32>,
      %slice3A_97 = vector.extract_strided_slice %max3A_82 {offsets = [0, 0], sizes = [32, 64], strides = [1, 1]} : vector<32x128xf32> to vector<32x64xf32>
      %swap3A_98 = arith.constant 0 : index
      %swap3A_99 = arith.constant 32 : index
      %swap3A_100 = arith.constant 0 : index
      %swap3A_101 = vector.load %arg11[%swap3A_98, %swap3A_99, %swap3A_100] : memref<2x512x64xf32, #tpu.memory_space<vmem>>, vector<1x32x64xf32>
      %swap3A_102 = vector.shape_cast %swap3A_101 : vector<1x32x64xf32> to vector<32x64xf32>
      %swap3A_103 = vector.shape_cast %slice3A_97 : vector<32x64xf32> to vector<1x32x64xf32>
      tpu.vector_store %arg11[%swap3A_98, %swap3A_99, %swap3A_100], %swap3A_103 {strides = array<i32>} : memref<2x512x64xf32, #tpu.memory_space<vmem>>, vector<1x32x64xf32>,
      %slice3A_104 = vector.extract_strided_slice %max3A_82 {offsets = [0, 64], sizes = [32, 64], strides = [1, 1]} : vector<32x128xf32> to vector<32x64xf32>
      %swap3A_105 = arith.constant 1 : index
      %swap3A_106 = arith.constant 32 : index
      %swap3A_107 = arith.constant 0 : index
      %swap3A_108 = vector.load %arg11[%swap3A_105, %swap3A_106, %swap3A_107] : memref<2x512x64xf32, #tpu.memory_space<vmem>>, vector<1x32x64xf32>
      %swap3A_109 = vector.shape_cast %swap3A_108 : vector<1x32x64xf32> to vector<32x64xf32>
      %swap3A_110 = vector.shape_cast %slice3A_104 : vector<32x64xf32> to vector<1x32x64xf32>
      tpu.vector_store %arg11[%swap3A_105, %swap3A_106, %swap3A_107], %swap3A_110 {strides = array<i32>} : memref<2x512x64xf32, #tpu.memory_space<vmem>>, vector<1x32x64xf32>,
      %slice3A_111 = vector.extract_strided_slice %max3A_82 {offsets = [0, 0], sizes = [32, 64], strides = [1, 1]} : vector<32x128xf32> to vector<32x64xf32>
      %swap3A_112 = arith.constant 0 : index
      %swap3A_113 = arith.constant 64 : index
      %swap3A_114 = arith.constant 0 : index
      %swap3A_115 = vector.load %arg11[%swap3A_112, %swap3A_113, %swap3A_114] : memref<2x512x64xf32, #tpu.memory_space<vmem>>, vector<1x32x64xf32>
      %swap3A_116 = vector.shape_cast %swap3A_115 : vector<1x32x64xf32> to vector<32x64xf32>
      %swap3A_117 = vector.shape_cast %slice3A_111 : vector<32x64xf32> to vector<1x32x64xf32>
      tpu.vector_store %arg11[%swap3A_112, %swap3A_113, %swap3A_114], %swap3A_117 {strides = array<i32>} : memref<2x512x64xf32, #tpu.memory_space<vmem>>, vector<1x32x64xf32>,
      %slice3A_118 = vector.extract_strided_slice %max3A_82 {offsets = [0, 64], sizes = [32, 64], strides = [1, 1]} : vector<32x128xf32> to vector<32x64xf32>
      %swap3A_119 = arith.constant 1 : index
      %swap3A_120 = arith.constant 64 : index
      %swap3A_121 = arith.constant 0 : index
      %swap3A_122 = vector.load %arg11[%swap3A_119, %swap3A_120, %swap3A_121] : memref<2x512x64xf32, #tpu.memory_space<vmem>>, vector<1x32x64xf32>
      %swap3A_123 = vector.shape_cast %swap3A_122 : vector<1x32x64xf32> to vector<32x64xf32>
      %swap3A_124 = vector.shape_cast %slice3A_118 : vector<32x64xf32> to vector<1x32x64xf32>
      tpu.vector_store %arg11[%swap3A_119, %swap3A_120, %swap3A_121], %swap3A_124 {strides = array<i32>} : memref<2x512x64xf32, #tpu.memory_space<vmem>>, vector<1x32x64xf32>,
      %slice3A_125 = vector.extract_strided_slice %max3A_82 {offsets = [0, 0], sizes = [32, 64], strides = [1, 1]} : vector<32x128xf32> to vector<32x64xf32>
      %swap3A_126 = arith.constant 0 : index
      %swap3A_127 = arith.constant 96 : index
      %swap3A_128 = arith.constant 0 : index
      %swap3A_129 = vector.load %arg11[%swap3A_126, %swap3A_127, %swap3A_128] : memref<2x512x64xf32, #tpu.memory_space<vmem>>, vector<1x32x64xf32>
      %swap3A_130 = vector.shape_cast %swap3A_129 : vector<1x32x64xf32> to vector<32x64xf32>
      %swap3A_131 = vector.shape_cast %slice3A_125 : vector<32x64xf32> to vector<1x32x64xf32>
      tpu.vector_store %arg11[%swap3A_126, %swap3A_127, %swap3A_128], %swap3A_131 {strides = array<i32>} : memref<2x512x64xf32, #tpu.memory_space<vmem>>, vector<1x32x64xf32>,
      %slice3A_132 = vector.extract_strided_slice %max3A_82 {offsets = [0, 64], sizes = [32, 64], strides = [1, 1]} : vector<32x128xf32> to vector<32x64xf32>
      %swap3A_133 = arith.constant 1 : index
      %swap3A_134 = arith.constant 96 : index
      %swap3A_135 = arith.constant 0 : index
      %swap3A_136 = vector.load %arg11[%swap3A_133, %swap3A_134, %swap3A_135] : memref<2x512x64xf32, #tpu.memory_space<vmem>>, vector<1x32x64xf32>
      %swap3A_137 = vector.shape_cast %swap3A_136 : vector<1x32x64xf32> to vector<32x64xf32>
      %swap3A_138 = vector.shape_cast %slice3A_132 : vector<32x64xf32> to vector<1x32x64xf32>
      tpu.vector_store %arg11[%swap3A_133, %swap3A_134, %swap3A_135], %swap3A_138 {strides = array<i32>} : memref<2x512x64xf32, #tpu.memory_space<vmem>>, vector<1x32x64xf32>,
      %slice3A_139 = vector.extract_strided_slice %max3A_82 {offsets = [0, 0], sizes = [32, 64], strides = [1, 1]} : vector<32x128xf32> to vector<32x64xf32>
      %swap3A_140 = arith.constant 0 : index
      %swap3A_141 = arith.constant 128 : index
      %swap3A_142 = arith.constant 0 : index
      %swap3A_143 = vector.load %arg11[%swap3A_140, %swap3A_141, %swap3A_142] : memref<2x512x64xf32, #tpu.memory_space<vmem>>, vector<1x32x64xf32>
      %swap3A_144 = vector.shape_cast %swap3A_143 : vector<1x32x64xf32> to vector<32x64xf32>
      %swap3A_145 = vector.shape_cast %slice3A_139 : vector<32x64xf32> to vector<1x32x64xf32>
      tpu.vector_store %arg11[%swap3A_140, %swap3A_141, %swap3A_142], %swap3A_145 {strides = array<i32>} : memref<2x512x64xf32, #tpu.memory_space<vmem>>, vector<1x32x64xf32>,
      %slice3A_146 = vector.extract_strided_slice %max3A_82 {offsets = [0, 64], sizes = [32, 64], strides = [1, 1]} : vector<32x128xf32> to vector<32x64xf32>
      %swap3A_147 = arith.constant 1 : index
      %swap3A_148 = arith.constant 128 : index
      %swap3A_149 = arith.constant 0 : index
      %swap3A_150 = vector.load %arg11[%swap3A_147, %swap3A_148, %swap3A_149] : memref<2x512x64xf32, #tpu.memory_space<vmem>>, vector<1x32x64xf32>
      %swap3A_151 = vector.shape_cast %swap3A_150 : vector<1x32x64xf32> to vector<32x64xf32>
      %swap3A_152 = vector.shape_cast %slice3A_146 : vector<32x64xf32> to vector<1x32x64xf32>
      tpu.vector_store %arg11[%swap3A_147, %swap3A_148, %swap3A_149], %swap3A_152 {strides = array<i32>} : memref<2x512x64xf32, #tpu.memory_space<vmem>>, vector<1x32x64xf32>,
      %slice3A_153 = vector.extract_strided_slice %max3A_82 {offsets = [0, 0], sizes = [32, 64], strides = [1, 1]} : vector<32x128xf32> to vector<32x64xf32>
      %swap3A_154 = arith.constant 0 : index
      %swap3A_155 = arith.constant 160 : index
      %swap3A_156 = arith.constant 0 : index
      %swap3A_157 = vector.load %arg11[%swap3A_154, %swap3A_155, %swap3A_156] : memref<2x512x64xf32, #tpu.memory_space<vmem>>, vector<1x32x64xf32>
      %swap3A_158 = vector.shape_cast %swap3A_157 : vector<1x32x64xf32> to vector<32x64xf32>
      %swap3A_159 = vector.shape_cast %slice3A_153 : vector<32x64xf32> to vector<1x32x64xf32>
      tpu.vector_store %arg11[%swap3A_154, %swap3A_155, %swap3A_156], %swap3A_159 {strides = array<i32>} : memref<2x512x64xf32, #tpu.memory_space<vmem>>, vector<1x32x64xf32>,
      %slice3A_160 = vector.extract_strided_slice %max3A_82 {offsets = [0, 64], sizes = [32, 64], strides = [1, 1]} : vector<32x128xf32> to vector<32x64xf32>
      %swap3A_161 = arith.constant 1 : index
      %swap3A_162 = arith.constant 160 : index
      %swap3A_163 = arith.constant 0 : index
      %swap3A_164 = vector.load %arg11[%swap3A_161, %swap3A_162, %swap3A_163] : memref<2x512x64xf32, #tpu.memory_space<vmem>>, vector<1x32x64xf32>
      %swap3A_165 = vector.shape_cast %swap3A_164 : vector<1x32x64xf32> to vector<32x64xf32>
      %swap3A_166 = vector.shape_cast %slice3A_160 : vector<32x64xf32> to vector<1x32x64xf32>
      tpu.vector_store %arg11[%swap3A_161, %swap3A_162, %swap3A_163], %swap3A_166 {strides = array<i32>} : memref<2x512x64xf32, #tpu.memory_space<vmem>>, vector<1x32x64xf32>,
      %slice3A_167 = vector.extract_strided_slice %max3A_82 {offsets = [0, 0], sizes = [32, 64], strides = [1, 1]} : vector<32x128xf32> to vector<32x64xf32>
      %swap3A_168 = arith.constant 0 : index
      %swap3A_169 = arith.constant 192 : index
      %swap3A_170 = arith.constant 0 : index
      %swap3A_171 = vector.load %arg11[%swap3A_168, %swap3A_169, %swap3A_170] : memref<2x512x64xf32, #tpu.memory_space<vmem>>, vector<1x32x64xf32>
      %swap3A_172 = vector.shape_cast %swap3A_171 : vector<1x32x64xf32> to vector<32x64xf32>
      %swap3A_173 = vector.shape_cast %slice3A_167 : vector<32x64xf32> to vector<1x32x64xf32>
      tpu.vector_store %arg11[%swap3A_168, %swap3A_169, %swap3A_170], %swap3A_173 {strides = array<i32>} : memref<2x512x64xf32, #tpu.memory_space<vmem>>, vector<1x32x64xf32>,
      %slice3A_174 = vector.extract_strided_slice %max3A_82 {offsets = [0, 64], sizes = [32, 64], strides = [1, 1]} : vector<32x128xf32> to vector<32x64xf32>
      %swap3A_175 = arith.constant 1 : index
      %swap3A_176 = arith.constant 192 : index
      %swap3A_177 = arith.constant 0 : index
      %swap3A_178 = vector.load %arg11[%swap3A_175, %swap3A_176, %swap3A_177] : memref<2x512x64xf32, #tpu.memory_space<vmem>>, vector<1x32x64xf32>
      %swap3A_179 = vector.shape_cast %swap3A_178 : vector<1x32x64xf32> to vector<32x64xf32>
      %swap3A_180 = vector.shape_cast %slice3A_174 : vector<32x64xf32> to vector<1x32x64xf32>
      tpu.vector_store %arg11[%swap3A_175, %swap3A_176, %swap3A_177], %swap3A_180 {strides = array<i32>} : memref<2x512x64xf32, #tpu.memory_space<vmem>>, vector<1x32x64xf32>,
      %slice3A_181 = vector.extract_strided_slice %max3A_82 {offsets = [0, 0], sizes = [32, 64], strides = [1, 1]} : vector<32x128xf32> to vector<32x64xf32>
      %swap3A_182 = arith.constant 0 : index
      %swap3A_183 = arith.constant 224 : index
      %swap3A_184 = arith.constant 0 : index
      %swap3A_185 = vector.load %arg11[%swap3A_182, %swap3A_183, %swap3A_184] : memref<2x512x64xf32, #tpu.memory_space<vmem>>, vector<1x32x64xf32>
      %swap3A_186 = vector.shape_cast %swap3A_185 : vector<1x32x64xf32> to vector<32x64xf32>
      %swap3A_187 = vector.shape_cast %slice3A_181 : vector<32x64xf32> to vector<1x32x64xf32>
      tpu.vector_store %arg11[%swap3A_182, %swap3A_183, %swap3A_184], %swap3A_187 {strides = array<i32>} : memref<2x512x64xf32, #tpu.memory_space<vmem>>, vector<1x32x64xf32>,
      %slice3A_188 = vector.extract_strided_slice %max3A_82 {offsets = [0, 64], sizes = [32, 64], strides = [1, 1]} : vector<32x128xf32> to vector<32x64xf32>
      %swap3A_189 = arith.constant 1 : index
      %swap3A_190 = arith.constant 224 : index
      %swap3A_191 = arith.constant 0 : index
      %swap3A_192 = vector.load %arg11[%swap3A_189, %swap3A_190, %swap3A_191] : memref<2x512x64xf32, #tpu.memory_space<vmem>>, vector<1x32x64xf32>
      %swap3A_193 = vector.shape_cast %swap3A_192 : vector<1x32x64xf32> to vector<32x64xf32>
      %swap3A_194 = vector.shape_cast %slice3A_188 : vector<32x64xf32> to vector<1x32x64xf32>
      tpu.vector_store %arg11[%swap3A_189, %swap3A_190, %swap3A_191], %swap3A_194 {strides = array<i32>} : memref<2x512x64xf32, #tpu.memory_space<vmem>>, vector<1x32x64xf32>,
      %slice3A_195 = vector.extract_strided_slice %max3A_82 {offsets = [0, 0], sizes = [32, 64], strides = [1, 1]} : vector<32x128xf32> to vector<32x64xf32>
      %swap3A_196 = arith.constant 0 : index
      %swap3A_197 = arith.constant 256 : index
      %swap3A_198 = arith.constant 0 : index
      %swap3A_199 = vector.load %arg11[%swap3A_196, %swap3A_197, %swap3A_198] : memref<2x512x64xf32, #tpu.memory_space<vmem>>, vector<1x32x64xf32>
      %swap3A_200 = vector.shape_cast %swap3A_199 : vector<1x32x64xf32> to vector<32x64xf32>
      %swap3A_201 = vector.shape_cast %slice3A_195 : vector<32x64xf32> to vector<1x32x64xf32>
      tpu.vector_store %arg11[%swap3A_196, %swap3A_197, %swap3A_198], %swap3A_201 {strides = array<i32>} : memref<2x512x64xf32, #tpu.memory_space<vmem>>, vector<1x32x64xf32>,
      %slice3A_202 = vector.extract_strided_slice %max3A_82 {offsets = [0, 64], sizes = [32, 64], strides = [1, 1]} : vector<32x128xf32> to vector<32x64xf32>
      %swap3A_203 = arith.constant 1 : index
      %swap3A_204 = arith.constant 256 : index
      %swap3A_205 = arith.constant 0 : index
      %swap3A_206 = vector.load %arg11[%swap3A_203, %swap3A_204, %swap3A_205] : memref<2x512x64xf32, #tpu.memory_space<vmem>>, vector<1x32x64xf32>
      %swap3A_207 = vector.shape_cast %swap3A_206 : vector<1x32x64xf32> to vector<32x64xf32>
      %swap3A_208 = vector.shape_cast %slice3A_202 : vector<32x64xf32> to vector<1x32x64xf32>
      tpu.vector_store %arg11[%swap3A_203, %swap3A_204, %swap3A_205], %swap3A_208 {strides = array<i32>} : memref<2x512x64xf32, #tpu.memory_space<vmem>>, vector<1x32x64xf32>,
      %slice3A_209 = vector.extract_strided_slice %max3A_82 {offsets = [0, 0], sizes = [32, 64], strides = [1, 1]} : vector<32x128xf32> to vector<32x64xf32>
      %swap3A_210 = arith.constant 0 : index
      %swap3A_211 = arith.constant 288 : index
      %swap3A_212 = arith.constant 0 : index
      %swap3A_213 = vector.load %arg11[%swap3A_210, %swap3A_211, %swap3A_212] : memref<2x512x64xf32, #tpu.memory_space<vmem>>, vector<1x32x64xf32>
      %swap3A_214 = vector.shape_cast %swap3A_213 : vector<1x32x64xf32> to vector<32x64xf32>
      %swap3A_215 = vector.shape_cast %slice3A_209 : vector<32x64xf32> to vector<1x32x64xf32>
      tpu.vector_store %arg11[%swap3A_210, %swap3A_211, %swap3A_212], %swap3A_215 {strides = array<i32>} : memref<2x512x64xf32, #tpu.memory_space<vmem>>, vector<1x32x64xf32>,
      %slice3A_216 = vector.extract_strided_slice %max3A_82 {offsets = [0, 64], sizes = [32, 64], strides = [1, 1]} : vector<32x128xf32> to vector<32x64xf32>
      %swap3A_217 = arith.constant 1 : index
      %swap3A_218 = arith.constant 288 : index
      %swap3A_219 = arith.constant 0 : index
      %swap3A_220 = vector.load %arg11[%swap3A_217, %swap3A_218, %swap3A_219] : memref<2x512x64xf32, #tpu.memory_space<vmem>>, vector<1x32x64xf32>
      %swap3A_221 = vector.shape_cast %swap3A_220 : vector<1x32x64xf32> to vector<32x64xf32>
      %swap3A_222 = vector.shape_cast %slice3A_216 : vector<32x64xf32> to vector<1x32x64xf32>
      tpu.vector_store %arg11[%swap3A_217, %swap3A_218, %swap3A_219], %swap3A_222 {strides = array<i32>} : memref<2x512x64xf32, #tpu.memory_space<vmem>>, vector<1x32x64xf32>,
      %slice3A_223 = vector.extract_strided_slice %max3A_82 {offsets = [0, 0], sizes = [32, 64], strides = [1, 1]} : vector<32x128xf32> to vector<32x64xf32>
      %swap3A_224 = arith.constant 0 : index
      %swap3A_225 = arith.constant 320 : index
      %swap3A_226 = arith.constant 0 : index
      %swap3A_227 = vector.load %arg11[%swap3A_224, %swap3A_225, %swap3A_226] : memref<2x512x64xf32, #tpu.memory_space<vmem>>, vector<1x32x64xf32>
      %swap3A_228 = vector.shape_cast %swap3A_227 : vector<1x32x64xf32> to vector<32x64xf32>
      %swap3A_229 = vector.shape_cast %slice3A_223 : vector<32x64xf32> to vector<1x32x64xf32>
      tpu.vector_store %arg11[%swap3A_224, %swap3A_225, %swap3A_226], %swap3A_229 {strides = array<i32>} : memref<2x512x64xf32, #tpu.memory_space<vmem>>, vector<1x32x64xf32>,
      %slice3A_230 = vector.extract_strided_slice %max3A_82 {offsets = [0, 64], sizes = [32, 64], strides = [1, 1]} : vector<32x128xf32> to vector<32x64xf32>
      %swap3A_231 = arith.constant 1 : index
      %swap3A_232 = arith.constant 320 : index
      %swap3A_233 = arith.constant 0 : index
      %swap3A_234 = vector.load %arg11[%swap3A_231, %swap3A_232, %swap3A_233] : memref<2x512x64xf32, #tpu.memory_space<vmem>>, vector<1x32x64xf32>
      %swap3A_235 = vector.shape_cast %swap3A_234 : vector<1x32x64xf32> to vector<32x64xf32>
      %swap3A_236 = vector.shape_cast %slice3A_230 : vector<32x64xf32> to vector<1x32x64xf32>
      tpu.vector_store %arg11[%swap3A_231, %swap3A_232, %swap3A_233], %swap3A_236 {strides = array<i32>} : memref<2x512x64xf32, #tpu.memory_space<vmem>>, vector<1x32x64xf32>,
      %slice3A_237 = vector.extract_strided_slice %max3A_82 {offsets = [0, 0], sizes = [32, 64], strides = [1, 1]} : vector<32x128xf32> to vector<32x64xf32>
      %swap3A_238 = arith.constant 0 : index
      %swap3A_239 = arith.constant 352 : index
      %swap3A_240 = arith.constant 0 : index
      %swap3A_241 = vector.load %arg11[%swap3A_238, %swap3A_239, %swap3A_240] : memref<2x512x64xf32, #tpu.memory_space<vmem>>, vector<1x32x64xf32>
      %swap3A_242 = vector.shape_cast %swap3A_241 : vector<1x32x64xf32> to vector<32x64xf32>
      %swap3A_243 = vector.shape_cast %slice3A_237 : vector<32x64xf32> to vector<1x32x64xf32>
      tpu.vector_store %arg11[%swap3A_238, %swap3A_239, %swap3A_240], %swap3A_243 {strides = array<i32>} : memref<2x512x64xf32, #tpu.memory_space<vmem>>, vector<1x32x64xf32>,
      %slice3A_244 = vector.extract_strided_slice %max3A_82 {offsets = [0, 64], sizes = [32, 64], strides = [1, 1]} : vector<32x128xf32> to vector<32x64xf32>
      %swap3A_245 = arith.constant 1 : index
      %swap3A_246 = arith.constant 352 : index
      %swap3A_247 = arith.constant 0 : index
      %swap3A_248 = vector.load %arg11[%swap3A_245, %swap3A_246, %swap3A_247] : memref<2x512x64xf32, #tpu.memory_space<vmem>>, vector<1x32x64xf32>
      %swap3A_249 = vector.shape_cast %swap3A_248 : vector<1x32x64xf32> to vector<32x64xf32>
      %swap3A_250 = vector.shape_cast %slice3A_244 : vector<32x64xf32> to vector<1x32x64xf32>
      tpu.vector_store %arg11[%swap3A_245, %swap3A_246, %swap3A_247], %swap3A_250 {strides = array<i32>} : memref<2x512x64xf32, #tpu.memory_space<vmem>>, vector<1x32x64xf32>,
      %slice3A_251 = vector.extract_strided_slice %max3A_82 {offsets = [0, 0], sizes = [32, 64], strides = [1, 1]} : vector<32x128xf32> to vector<32x64xf32>
      %swap3A_252 = arith.constant 0 : index
      %swap3A_253 = arith.constant 384 : index
      %swap3A_254 = arith.constant 0 : index
      %swap3A_255 = vector.load %arg11[%swap3A_252, %swap3A_253, %swap3A_254] : memref<2x512x64xf32, #tpu.memory_space<vmem>>, vector<1x32x64xf32>
      %swap3A_256 = vector.shape_cast %swap3A_255 : vector<1x32x64xf32> to vector<32x64xf32>
      %swap3A_257 = vector.shape_cast %slice3A_251 : vector<32x64xf32> to vector<1x32x64xf32>
      tpu.vector_store %arg11[%swap3A_252, %swap3A_253, %swap3A_254], %swap3A_257 {strides = array<i32>} : memref<2x512x64xf32, #tpu.memory_space<vmem>>, vector<1x32x64xf32>,
      %slice3A_258 = vector.extract_strided_slice %max3A_82 {offsets = [0, 64], sizes = [32, 64], strides = [1, 1]} : vector<32x128xf32> to vector<32x64xf32>
      %swap3A_259 = arith.constant 1 : index
      %swap3A_260 = arith.constant 384 : index
      %swap3A_261 = arith.constant 0 : index
      %swap3A_262 = vector.load %arg11[%swap3A_259, %swap3A_260, %swap3A_261] : memref<2x512x64xf32, #tpu.memory_space<vmem>>, vector<1x32x64xf32>
      %swap3A_263 = vector.shape_cast %swap3A_262 : vector<1x32x64xf32> to vector<32x64xf32>
      %swap3A_264 = vector.shape_cast %slice3A_258 : vector<32x64xf32> to vector<1x32x64xf32>
      tpu.vector_store %arg11[%swap3A_259, %swap3A_260, %swap3A_261], %swap3A_264 {strides = array<i32>} : memref<2x512x64xf32, #tpu.memory_space<vmem>>, vector<1x32x64xf32>,
      %slice3A_265 = vector.extract_strided_slice %max3A_82 {offsets = [0, 0], sizes = [32, 64], strides = [1, 1]} : vector<32x128xf32> to vector<32x64xf32>
      %swap3A_266 = arith.constant 0 : index
      %swap3A_267 = arith.constant 416 : index
      %swap3A_268 = arith.constant 0 : index
      %swap3A_269 = vector.load %arg11[%swap3A_266, %swap3A_267, %swap3A_268] : memref<2x512x64xf32, #tpu.memory_space<vmem>>, vector<1x32x64xf32>
      %swap3A_270 = vector.shape_cast %swap3A_269 : vector<1x32x64xf32> to vector<32x64xf32>
      %swap3A_271 = vector.shape_cast %slice3A_265 : vector<32x64xf32> to vector<1x32x64xf32>
      tpu.vector_store %arg11[%swap3A_266, %swap3A_267, %swap3A_268], %swap3A_271 {strides = array<i32>} : memref<2x512x64xf32, #tpu.memory_space<vmem>>, vector<1x32x64xf32>,
      %slice3A_272 = vector.extract_strided_slice %max3A_82 {offsets = [0, 64], sizes = [32, 64], strides = [1, 1]} : vector<32x128xf32> to vector<32x64xf32>
      %swap3A_273 = arith.constant 1 : index
      %swap3A_274 = arith.constant 416 : index
      %swap3A_275 = arith.constant 0 : index
      %swap3A_276 = vector.load %arg11[%swap3A_273, %swap3A_274, %swap3A_275] : memref<2x512x64xf32, #tpu.memory_space<vmem>>, vector<1x32x64xf32>
      %swap3A_277 = vector.shape_cast %swap3A_276 : vector<1x32x64xf32> to vector<32x64xf32>
      %swap3A_278 = vector.shape_cast %slice3A_272 : vector<32x64xf32> to vector<1x32x64xf32>
      tpu.vector_store %arg11[%swap3A_273, %swap3A_274, %swap3A_275], %swap3A_278 {strides = array<i32>} : memref<2x512x64xf32, #tpu.memory_space<vmem>>, vector<1x32x64xf32>,
      %slice3A_279 = vector.extract_strided_slice %max3A_82 {offsets = [0, 0], sizes = [32, 64], strides = [1, 1]} : vector<32x128xf32> to vector<32x64xf32>
      %swap3A_280 = arith.constant 0 : index
      %swap3A_281 = arith.constant 448 : index
      %swap3A_282 = arith.constant 0 : index
      %swap3A_283 = vector.load %arg11[%swap3A_280, %swap3A_281, %swap3A_282] : memref<2x512x64xf32, #tpu.memory_space<vmem>>, vector<1x32x64xf32>
      %swap3A_284 = vector.shape_cast %swap3A_283 : vector<1x32x64xf32> to vector<32x64xf32>
      %swap3A_285 = vector.shape_cast %slice3A_279 : vector<32x64xf32> to vector<1x32x64xf32>
      tpu.vector_store %arg11[%swap3A_280, %swap3A_281, %swap3A_282], %swap3A_285 {strides = array<i32>} : memref<2x512x64xf32, #tpu.memory_space<vmem>>, vector<1x32x64xf32>,
      %slice3A_286 = vector.extract_strided_slice %max3A_82 {offsets = [0, 64], sizes = [32, 64], strides = [1, 1]} : vector<32x128xf32> to vector<32x64xf32>
      %swap3A_287 = arith.constant 1 : index
      %swap3A_288 = arith.constant 448 : index
      %swap3A_289 = arith.constant 0 : index
      %swap3A_290 = vector.load %arg11[%swap3A_287, %swap3A_288, %swap3A_289] : memref<2x512x64xf32, #tpu.memory_space<vmem>>, vector<1x32x64xf32>
      %swap3A_291 = vector.shape_cast %swap3A_290 : vector<1x32x64xf32> to vector<32x64xf32>
      %swap3A_292 = vector.shape_cast %slice3A_286 : vector<32x64xf32> to vector<1x32x64xf32>
      tpu.vector_store %arg11[%swap3A_287, %swap3A_288, %swap3A_289], %swap3A_292 {strides = array<i32>} : memref<2x512x64xf32, #tpu.memory_space<vmem>>, vector<1x32x64xf32>,
      %slice3A_293 = vector.extract_strided_slice %max3A_82 {offsets = [0, 0], sizes = [32, 64], strides = [1, 1]} : vector<32x128xf32> to vector<32x64xf32>
      %swap3A_294 = arith.constant 0 : index
      %swap3A_295 = arith.constant 480 : index
      %swap3A_296 = arith.constant 0 : index
      %swap3A_297 = vector.load %arg11[%swap3A_294, %swap3A_295, %swap3A_296] : memref<2x512x64xf32, #tpu.memory_space<vmem>>, vector<1x32x64xf32>
      %swap3A_298 = vector.shape_cast %swap3A_297 : vector<1x32x64xf32> to vector<32x64xf32>
      %swap3A_299 = vector.shape_cast %slice3A_293 : vector<32x64xf32> to vector<1x32x64xf32>
      tpu.vector_store %arg11[%swap3A_294, %swap3A_295, %swap3A_296], %swap3A_299 {strides = array<i32>} : memref<2x512x64xf32, #tpu.memory_space<vmem>>, vector<1x32x64xf32>,
      %slice3A_300 = vector.extract_strided_slice %max3A_82 {offsets = [0, 64], sizes = [32, 64], strides = [1, 1]} : vector<32x128xf32> to vector<32x64xf32>
      %swap3A_301 = arith.constant 1 : index
      %swap3A_302 = arith.constant 480 : index
      %swap3A_303 = arith.constant 0 : index
      %swap3A_304 = vector.load %arg11[%swap3A_301, %swap3A_302, %swap3A_303] : memref<2x512x64xf32, #tpu.memory_space<vmem>>, vector<1x32x64xf32>
      %swap3A_305 = vector.shape_cast %swap3A_304 : vector<1x32x64xf32> to vector<32x64xf32>
      %swap3A_306 = vector.shape_cast %slice3A_300 : vector<32x64xf32> to vector<1x32x64xf32>
      tpu.vector_store %arg11[%swap3A_301, %swap3A_302, %swap3A_303], %swap3A_306 {strides = array<i32>} : memref<2x512x64xf32, #tpu.memory_space<vmem>>, vector<1x32x64xf32>,
    } else {
    }
    return
  }
  func.func @transform_0(%arg0: i32) -> (i32, i32, i32) {
    %c0_i32 = arith.constant 0 : i32
    %c0_i32_0 = arith.constant 0 : i32
    %c0_i32_1 = arith.constant 0 : i32
    return %c0_i32, %arg0, %c0_i32_0 : i32, i32, i32
  }
  func.func @transform_1(%arg0: i32) -> (i32, i32) {
    %c0_i32 = arith.constant 0 : i32
    %c0_i32_0 = arith.constant 0 : i32
    return %arg0, %c0_i32 : i32, i32
  }
  func.func @transform_2(%arg0: i32) -> (i32, i32) {
    %c0_i32 = arith.constant 0 : i32
    %c0_i32_0 = arith.constant 0 : i32
    return %arg0, %c0_i32 : i32, i32
  }
  func.func @transform_3(%arg0: i32) -> (i32, i32) {
    %c0_i32 = arith.constant 0 : i32
    %c0_i32_0 = arith.constant 0 : i32
    return %arg0, %c0_i32 : i32, i32
  }
  func.func @transform_4(%arg0: i32) -> (i32, i32) {
    %c0_i32 = arith.constant 0 : i32
    %c0_i32_0 = arith.constant 0 : i32
    %c0_i32_1 = arith.constant 0 : i32
    return %c0_i32, %c0_i32_0 : i32, i32
  }
  func.func @transform_5(%arg0: i32) -> (i32, i32) {
    %c0_i32 = arith.constant 0 : i32
    %c0_i32_0 = arith.constant 0 : i32
    %c0_i32_1 = arith.constant 0 : i32
    return %c0_i32, %c0_i32_0 : i32, i32
  }
  func.func @transform_6(%arg0: i32) -> (i32, i32) {
    %c0_i32 = arith.constant 0 : i32
    %c0_i32_0 = arith.constant 0 : i32
    %c0_i32_1 = arith.constant 0 : i32
    return %c0_i32, %c0_i32_0 : i32, i32
  }
  func.func @transform_7(%arg0: i32) -> (i32, i32) {
    %c0_i32 = arith.constant 0 : i32
    %c0_i32_0 = arith.constant 0 : i32
    %c0_i32_1 = arith.constant 0 : i32
    return %c0_i32, %c0_i32_0 : i32, i32
  }
  func.func @transform_8(%arg0: i32) -> (i32, i32) {
    %c0_i32 = arith.constant 0 : i32
    %c0_i32_0 = arith.constant 0 : i32
    %c0_i32_1 = arith.constant 0 : i32
    return %c0_i32, %c0_i32_0 : i32, i32
  }
  func.func @transform_9(%arg0: i32) -> (i32, i32, i32) {
    %c0_i32 = arith.constant 0 : i32
    %c0_i32_0 = arith.constant 0 : i32
    %c0_i32_1 = arith.constant 0 : i32
    return %c0_i32, %arg0, %c0_i32_0 : i32, i32, i32
  }
  func.func @transform_10(%arg0: i32) -> (i32, i32, i32) {
    %c0_i32 = arith.constant 0 : i32
    %c0_i32_0 = arith.constant 0 : i32
    %c0_i32_1 = arith.constant 0 : i32
    %c0_i32_2 = arith.constant 0 : i32
    return %c0_i32, %c0_i32_0, %c0_i32_1 : i32, i32, i32
  }
}

module attributes {stable_mosaic.version = 14 : i64} {
  func.func @body(%arg0: i32, %arg1: memref<2x1000x64xf32, #tpu.memory_space<vmem>>, %arg2: memref<1000x1xf32, #tpu.memory_space<vmem>>, %arg3: memref<1000x64xf32, #tpu.memory_space<vmem>>, %arg4: memref<1000x64xf32, #tpu.memory_space<vmem>>, %arg5: memref<128x128xf32, #tpu.memory_space<vmem>>, %arg6: memref<128x128xf32, #tpu.memory_space<vmem>>, %arg7: memref<32x64xf32, #tpu.memory_space<vmem>>, %arg8: memref<32x64xf32, #tpu.memory_space<vmem>>, %arg9: memref<128x128xf32, #tpu.memory_space<vmem>>, %arg10: memref<1000x128xf32, #tpu.memory_space<vmem>>, %arg11: memref<32x128xf32, #tpu.memory_space<vmem>>) attributes {dimension_semantics = [#tpu.dimension_semantics<arbitrary>], iteration_bounds = array<i64: 10>, scalar_prefetch = 0 : i64, scratch_operands = 0 : i64, tpu.core_type = #tpu.core_type<tc>, window_params = [{transform_indices = @transform_0, window_bounds = array<i64: 2, 1000, 64>}, {transform_indices = @transform_1, window_bounds = array<i64: 1000, 1>}, {transform_indices = @transform_2, window_bounds = array<i64: 1000, 64>}, {transform_indices = @transform_3, window_bounds = array<i64: 1000, 64>}, {pipeline_mode = #tpu.pipeline_mode<synchronous>, transform_indices = @transform_4, window_bounds = array<i64: 128, 128>}, {pipeline_mode = #tpu.pipeline_mode<synchronous>, transform_indices = @transform_5, window_bounds = array<i64: 128, 128>}, {pipeline_mode = #tpu.pipeline_mode<synchronous>, transform_indices = @transform_6, window_bounds = array<i64: 32, 64>}, {pipeline_mode = #tpu.pipeline_mode<synchronous>, transform_indices = @transform_7, window_bounds = array<i64: 32, 64>}, {pipeline_mode = #tpu.pipeline_mode<synchronous>, transform_indices = @transform_8, window_bounds = array<i64: 128, 128>}, {transform_indices = @transform_9, window_bounds = array<i64: 1000, 128>}, {pipeline_mode = #tpu.pipeline_mode<synchronous>, transform_indices = @transform_10, window_bounds = array<i64: 32, 128>}]} {
    %get3A = arith.constant 0 : index
    %get3A_0 = arith.constant 0 : index
    %get3A_1 = vector.load %arg2[%get3A, %get3A_0] : memref<1000x1xf32, #tpu.memory_space<vmem>>, vector<1000x1xf32>
    %max3A = arith.constant 1.000000e+00 : f32
    %max3A_2 = vector.broadcast %max3A : f32 to vector<1000x1xf32>
    %max3A_3 = arith.maximumf %get3A_1, %max3A_2 : vector<1000x1xf32>
    %div3A = arith.constant 1.000000e+00 : f32
    %div3A_4 = vector.broadcast %div3A : f32 to vector<1000x1xf32>
    %div3A_5 = arith.divf %div3A_4, %max3A_3 : vector<1000x1xf32>
    %get3A_6 = arith.constant 0 : index
    %get3A_7 = arith.constant 0 : index
    %get3A_8 = arith.constant 0 : index
    %get3A_9 = vector.load %arg1[%get3A_6, %get3A_7, %get3A_8] : memref<2x1000x64xf32, #tpu.memory_space<vmem>>, vector<1x1000x64xf32>
    %get3A_10 = vector.shape_cast %get3A_9 : vector<1x1000x64xf32> to vector<1000x64xf32>
    %mul3A = vector.broadcast %div3A_5 : vector<1000x1xf32> to vector<1000x64xf32>
    %mul3A_11 = arith.mulf %get3A_10, %mul3A : vector<1000x64xf32>
    %get3A_12 = arith.constant 0 : index
    %get3A_13 = arith.constant 0 : index
    %get3A_14 = vector.load %arg5[%get3A_12, %get3A_13] : memref<128x128xf32, #tpu.memory_space<vmem>>, vector<64x128xf32>
    %dot_general3A = arith.constant dense<0.000000e+00> : vector<1000x128xf32>
    %dot_general3A_15 = tpu.matmul %mul3A_11, %get3A_14, %dot_general3A {dimension_numbers = #tpu.dot_dimension_numbers<[1], [0], [0], [1], [0, 0, 1, 1], [], []>, transpose_lhs_hint = false} : vector<1000x64xf32>, vector<64x128xf32>, vector<1000x128xf32> -> vector<1000x128xf32>
    %get3A_16 = arith.constant 1 : index
    %get3A_17 = arith.constant 0 : index
    %get3A_18 = arith.constant 0 : index
    %get3A_19 = vector.load %arg1[%get3A_16, %get3A_17, %get3A_18] : memref<2x1000x64xf32, #tpu.memory_space<vmem>>, vector<1x1000x64xf32>
    %get3A_20 = vector.shape_cast %get3A_19 : vector<1x1000x64xf32> to vector<1000x64xf32>
    %mul3A_21 = vector.broadcast %div3A_5 : vector<1000x1xf32> to vector<1000x64xf32>
    %mul3A_22 = arith.mulf %get3A_20, %mul3A_21 : vector<1000x64xf32>
    %get3A_23 = arith.constant 64 : index
    %get3A_24 = arith.constant 0 : index
    %get3A_25 = vector.load %arg5[%get3A_23, %get3A_24] : memref<128x128xf32, #tpu.memory_space<vmem>>, vector<64x128xf32>
    %dot_general3A_26 = arith.constant dense<0.000000e+00> : vector<1000x128xf32>
    %dot_general3A_27 = tpu.matmul %mul3A_22, %get3A_25, %dot_general3A_26 {dimension_numbers = #tpu.dot_dimension_numbers<[1], [0], [0], [1], [0, 0, 1, 1], [], []>, transpose_lhs_hint = false} : vector<1000x64xf32>, vector<64x128xf32>, vector<1000x128xf32> -> vector<1000x128xf32>
    %add3A = arith.addf %dot_general3A_15, %dot_general3A_27 : vector<1000x128xf32>
    %get3A_28 = arith.constant 0 : index
    %get3A_29 = arith.constant 0 : index
    %get3A_30 = vector.load %arg3[%get3A_28, %get3A_29] : memref<1000x64xf32, #tpu.memory_space<vmem>>, vector<1000x64xf32>
    %get3A_31 = arith.constant 0 : index
    %get3A_32 = arith.constant 0 : index
    %get3A_33 = vector.load %arg6[%get3A_31, %get3A_32] : memref<128x128xf32, #tpu.memory_space<vmem>>, vector<64x128xf32>
    %dot_general3A_34 = arith.constant dense<0.000000e+00> : vector<1000x128xf32>
    %dot_general3A_35 = tpu.matmul %get3A_30, %get3A_33, %dot_general3A_34 {dimension_numbers = #tpu.dot_dimension_numbers<[1], [0], [0], [1], [0, 0, 1, 1], [], []>, transpose_lhs_hint = false} : vector<1000x64xf32>, vector<64x128xf32>, vector<1000x128xf32> -> vector<1000x128xf32>
    %add3A_36 = arith.addf %add3A, %dot_general3A_35 : vector<1000x128xf32>
    %get3A_37 = arith.constant 0 : index
    %get3A_38 = arith.constant 0 : index
    %get3A_39 = vector.load %arg4[%get3A_37, %get3A_38] : memref<1000x64xf32, #tpu.memory_space<vmem>>, vector<1000x64xf32>
    %get3A_40 = arith.constant 64 : index
    %get3A_41 = arith.constant 0 : index
    %get3A_42 = vector.load %arg6[%get3A_40, %get3A_41] : memref<128x128xf32, #tpu.memory_space<vmem>>, vector<64x128xf32>
    %dot_general3A_43 = arith.constant dense<0.000000e+00> : vector<1000x128xf32>
    %dot_general3A_44 = tpu.matmul %get3A_39, %get3A_42, %dot_general3A_43 {dimension_numbers = #tpu.dot_dimension_numbers<[1], [0], [0], [1], [0, 0, 1, 1], [], []>, transpose_lhs_hint = false} : vector<1000x64xf32>, vector<64x128xf32>, vector<1000x128xf32> -> vector<1000x128xf32>
    %add3A_45 = arith.addf %add3A_36, %dot_general3A_44 : vector<1000x128xf32>
    %swap3A = arith.constant 0 : index
    %swap3A_46 = arith.constant 0 : index
    %swap3A_47 = vector.load %arg10[%swap3A, %swap3A_46] : memref<1000x128xf32, #tpu.memory_space<vmem>>, vector<1000x128xf32>
    tpu.vector_store %arg10[%swap3A, %swap3A_46], %add3A_45 {strides = array<i32>} : memref<1000x128xf32, #tpu.memory_space<vmem>>, vector<1000x128xf32>,
    %eq3A = arith.constant 0 : i32
    %eq3A_48 = arith.cmpi eq, %arg0, %eq3A : i32
    %convert_element_type3A = arith.extui %eq3A_48 : i1 to i32
    %cond3A = arith.constant 0 : i32
    %cond3A_49 = arith.cmpi ne, %convert_element_type3A, %cond3A : i32
    scf.if %cond3A_49 {
      %get3A_50 = arith.constant 0 : index
      %get3A_51 = arith.constant 0 : index
      %get3A_52 = vector.load %arg7[%get3A_50, %get3A_51] : memref<32x64xf32, #tpu.memory_space<vmem>>, vector<32x64xf32>
      %get3A_53 = arith.constant 0 : index
      %get3A_54 = arith.constant 0 : index
      %get3A_55 = vector.load %arg9[%get3A_53, %get3A_54] : memref<128x128xf32, #tpu.memory_space<vmem>>, vector<64x128xf32>
      %dot_general3A_56 = arith.constant dense<0.000000e+00> : vector<32x128xf32>
      %dot_general3A_57 = tpu.matmul %get3A_52, %get3A_55, %dot_general3A_56 {dimension_numbers = #tpu.dot_dimension_numbers<[1], [0], [0], [1], [0, 0, 1, 1], [], []>, transpose_lhs_hint = false} : vector<32x64xf32>, vector<64x128xf32>, vector<32x128xf32> -> vector<32x128xf32>
      %get3A_58 = arith.constant 0 : index
      %get3A_59 = arith.constant 0 : index
      %get3A_60 = vector.load %arg8[%get3A_58, %get3A_59] : memref<32x64xf32, #tpu.memory_space<vmem>>, vector<32x64xf32>
      %get3A_61 = arith.constant 64 : index
      %get3A_62 = arith.constant 0 : index
      %get3A_63 = vector.load %arg9[%get3A_61, %get3A_62] : memref<128x128xf32, #tpu.memory_space<vmem>>, vector<64x128xf32>
      %dot_general3A_64 = arith.constant dense<0.000000e+00> : vector<32x128xf32>
      %dot_general3A_65 = tpu.matmul %get3A_60, %get3A_63, %dot_general3A_64 {dimension_numbers = #tpu.dot_dimension_numbers<[1], [0], [0], [1], [0, 0, 1, 1], [], []>, transpose_lhs_hint = false} : vector<32x64xf32>, vector<64x128xf32>, vector<32x128xf32> -> vector<32x128xf32>
      %add3A_66 = arith.addf %dot_general3A_57, %dot_general3A_65 : vector<32x128xf32>
      %swap3A_67 = arith.constant 0 : index
      %swap3A_68 = arith.constant 0 : index
      %swap3A_69 = vector.load %arg11[%swap3A_67, %swap3A_68] : memref<32x128xf32, #tpu.memory_space<vmem>>, vector<32x128xf32>
      tpu.vector_store %arg11[%swap3A_67, %swap3A_68], %add3A_66 {strides = array<i32>} : memref<32x128xf32, #tpu.memory_space<vmem>>, vector<32x128xf32>,
    } else {
    }
    return
  }
  func.func @transform_0(%arg0: i32) -> (i32, i32, i32) {
    %c0_i32 = arith.constant 0 : i32
    %c0_i32_0 = arith.constant 0 : i32
    %c0_i32_1 = arith.constant 0 : i32
    return %c0_i32, %arg0, %c0_i32_0 : i32, i32, i32
  }
  func.func @transform_1(%arg0: i32) -> (i32, i32) {
    %c0_i32 = arith.constant 0 : i32
    %c0_i32_0 = arith.constant 0 : i32
    return %arg0, %c0_i32 : i32, i32
  }
  func.func @transform_2(%arg0: i32) -> (i32, i32) {
    %c0_i32 = arith.constant 0 : i32
    %c0_i32_0 = arith.constant 0 : i32
    return %arg0, %c0_i32 : i32, i32
  }
  func.func @transform_3(%arg0: i32) -> (i32, i32) {
    %c0_i32 = arith.constant 0 : i32
    %c0_i32_0 = arith.constant 0 : i32
    return %arg0, %c0_i32 : i32, i32
  }
  func.func @transform_4(%arg0: i32) -> (i32, i32) {
    %c0_i32 = arith.constant 0 : i32
    %c0_i32_0 = arith.constant 0 : i32
    %c0_i32_1 = arith.constant 0 : i32
    return %c0_i32, %c0_i32_0 : i32, i32
  }
  func.func @transform_5(%arg0: i32) -> (i32, i32) {
    %c0_i32 = arith.constant 0 : i32
    %c0_i32_0 = arith.constant 0 : i32
    %c0_i32_1 = arith.constant 0 : i32
    return %c0_i32, %c0_i32_0 : i32, i32
  }
  func.func @transform_6(%arg0: i32) -> (i32, i32) {
    %c0_i32 = arith.constant 0 : i32
    %c0_i32_0 = arith.constant 0 : i32
    %c0_i32_1 = arith.constant 0 : i32
    return %c0_i32, %c0_i32_0 : i32, i32
  }
  func.func @transform_7(%arg0: i32) -> (i32, i32) {
    %c0_i32 = arith.constant 0 : i32
    %c0_i32_0 = arith.constant 0 : i32
    %c0_i32_1 = arith.constant 0 : i32
    return %c0_i32, %c0_i32_0 : i32, i32
  }
  func.func @transform_8(%arg0: i32) -> (i32, i32) {
    %c0_i32 = arith.constant 0 : i32
    %c0_i32_0 = arith.constant 0 : i32
    %c0_i32_1 = arith.constant 0 : i32
    return %c0_i32, %c0_i32_0 : i32, i32
  }
  func.func @transform_9(%arg0: i32) -> (i32, i32) {
    %c0_i32 = arith.constant 0 : i32
    %c0_i32_0 = arith.constant 0 : i32
    return %arg0, %c0_i32 : i32, i32
  }
  func.func @transform_10(%arg0: i32) -> (i32, i32) {
    %c0_i32 = arith.constant 0 : i32
    %c0_i32_0 = arith.constant 0 : i32
    %c0_i32_1 = arith.constant 0 : i32
    return %c0_i32, %c0_i32_0 : i32, i32
  }
}

</mosaic_0001>

<sc_bundles>
// kernel: kernel.6.cloned.1.call-start
scs
__scs_entry_jumppad:
0x0: {  	(pc) =	sbr.rel $0x88, $3  }
0x1: {  	(tag) =	ssettag $0x0;
	lr =	simm.s32 $0x1  }
0x2: {  	[smem:$0x3F97] =	sst lr;
	_ =	strace $0xD0000000  }
0x3: {  	_ = 	snop  }
0x4: {  	_ = 	snop  }
0x5: {  	_ = 	snop  }
0x6: {  	_ = 	snop  }
0x7: {  	_ = 	snop  }
__scs_overlays_trampoline_lowered:
0x8: {  	[smem:$0x3FA6] =	sst s0  }
0x9: {  	[smem:$0x3FA7] =	sst s1  }
0xa: {  	[smem:$0x3FA8] =	sst s2  }
0xb: {  	[smem:$0x3FA9] =	sst s3  }
0xc: {  	[smem:$0x3FAA] =	sst s4  }
0xd: {  	[smem:$0x3FAB] =	sst s5  }
0xe: {  	[smem:$0x3FAC] =	sst s6  }
0xf: {  	[smem:$0x3FAD] =	sst s7  }
0x10: {  	[smem:$0x3FAE] =	sst s8  }
0x11: {  	[smem:$0x3FAF] =	sst s9;
	s0 =	simm.s32 @!p0 $0x0  }
0x12: {  	s1 =	sld [smem:$0x3F95];
	s0 =	simm.s32 @p0 $0x1  }
0x13: {  	[smem:$0x3FB0] =	sst s0;
	s0 =	simm.s32 @!p1 $0x0  }
0x14: {  	s2 =	sld [smem:$0x3F94];
	s0 =	simm.s32 @p1 $0x1  }
0x15: {  	[smem:$0x3FB1] =	sst s0;
	s0 =	simm.s32 @!p2 $0x0  }
0x16: {  	s3 =	sld [smem:$0x3FDB];
	s0 =	simm.s32 @p2 $0x1  }
0x17: {  	s4 =	simm.s32 $0x1BF5;
	[smem:$0x3FB3] =	sst s0  }
0x18: {  	s0 =	sld [smem:$0x3F96];
	_ =	swait.ge [sflag:s4], $0x0  }
0x19: {  	s7 =	sld [smem:$0x3F97]  }
0x1a: {  	s8 =	sadd.s32 $0xFFFFE003, lr  }
0x1b: {  	s9 =	sadd.s32 $0xFFFFFEF7, lr;
	s5 =	simm.s32 $0xFFFFFFFF;
	p2 =	slt.u32 s8, $0xFFFFF086  }
0x1c: {  	p1 =	slt.u32 s9, $0xF7A;
	s5 =	simm.s32 @!p2 $0x0  }
0x1d: {  	s5 =	simm.s32 @p1 $0x1;
	p0 =	seq.s32 s7, s2  }
0x1e: {  	s7 =	smul.u32 @!p0 $0xF7A, s2;
	p2 =	seq.s32 @!p0 s5, $0x0  }
0x1f: {  	s9 =	smul.u32 $0xF7A, s1;
	s8 =	simm.s32 @!p0 $0x1BF5;
	p2 =	por !p2, p0  }
0x20: {  	[sflag:s8] =	ssyncset.s32 @!p0 $0xFFFFF086;
	s6 =	sadd.s32 @!p0 s3, s7;
	s7 =	simm.s32 @!p0 $0x108  }
0x21: {  	s3 =	sadd.s32 s3, s9;
	s6 =	sadd.s32 @!p0 $0x88, s6;
	s7 =	simm.s32 @p2 $0x1082  }
0x22: {  	[simem:s7], [sflag:s8] =	dma.local @!p0 [hbm:s6], $0xF7A  }
0x23: {  	s9 =	sor.u32 $0xD0000000, s2;
	s6 =	simm.s32 $0x108;
	_ =	swait.ge @!p0 [sflag:s8], $0x0  }
0x24: {  	s3 =	sadd.s32 $0x88, s3;
	s6 =	simm.s32 @!p1 $0x1082;
	[sflag:s4] =	ssyncset.s32 $0xFFFFF086  }
0x25: {  	[simem:s6], [sflag:s4] =	dma.local [hbm:s3], $0xF7A  }
0x26: {  	[smem:$0x3F97] =	sst s1;
	(tag) =	ssettag s2;
	_ =	strace s9  }
0x27: {  	s1 =	sld [smem:$0x3FA7]  }
0x28: {  	s2 =	sld [smem:$0x3FA8]  }
0x29: {  	s4 =	sld [smem:$0x3FAA]  }
0x2a: {  	p0 =	seq.s32 s5, $0x0;
	s5 =	sld [smem:$0x3FAB]  }
0x2b: {  	s6 =	sld [smem:$0x3FAC]  }
0x2c: {  	s7 =	sld [smem:$0x3FAD]  }
0x2d: {  	s3 =	simm.s32 $0x108;
	s8 =	sld [smem:$0x3FAE]  }
0x2e: {  	s3 =	simm.s32 @!p0 $0x1082;
	s9 =	sld [smem:$0x3FAF]  }
0x2f: {  	lr =	sadd.s32 s0, s3;
	s0 =	sld [smem:$0x3FA6]  }
0x30: {  	s3 =	sld [smem:$0x3FA9]  }
0x31: {  	[smem:$0x3FB2] =	sst s10  }
0x32: {  	s10 =	sld [smem:$0x3FB0];
	_ =	sdelay $0x3  }
0x33: {  	p0 =	seq.s32 s10, $0x1;
	s10 =	sld [smem:$0x3FB2];
	_ =	sdelay $0x3  }
0x34: {  	[smem:$0x3FB2] =	sst s10  }
0x35: {  	s10 =	sld [smem:$0x3FB1];
	_ =	sdelay $0x3  }
0x36: {  	p1 =	seq.s32 s10, $0x1;
	s10 =	sld [smem:$0x3FB2];
	_ =	sdelay $0x3  }
0x37: {  	[smem:$0x3FB2] =	sst s10  }
0x38: {  	s10 =	sld [smem:$0x3FB3]  }
0x39: {  	_ = 	snop;
	(pc) =	sbr.ind lr, $3  }
0x3a: {  	_ = 	snop  }
0x3b: {  	_ = 	snop  }
0x3c: {  	p2 =	seq.s32 s10, $0x1;
	s10 =	sld [smem:$0x3FB2]  }
0x3d: {  	_ =	shalt  }
0x3e: {  	_ =	shalt  }
0x3f: {  	_ =	shalt  }
0x40: {  	_ =	shalt  }
0x41: {  	_ =	shalt  }
0x42: {  	_ =	shalt  }
0x43: {  	_ =	shalt  }
0x44: {  	_ =	shalt  }
0x45: {  	_ =	shalt  }
0x46: {  	_ =	shalt  }
0x47: {  	_ =	shalt  }
0x48: {  	_ =	shalt  }
0x49: {  	_ =	shalt  }
0x4a: {  	_ =	shalt  }
0x4b: {  	_ =	shalt  }
0x4c: {  	_ =	shalt  }
0x4d: {  	_ =	shalt  }
0x4e: {  	_ =	shalt  }
0x4f: {  	_ =	shalt  }
0x50: {  	_ =	shalt  }
0x51: {  	_ =	shalt  }
0x52: {  	_ =	shalt  }
0x53: {  	_ =	shalt  }
0x54: {  	_ =	shalt  }
0x55: {  	_ =	shalt  }
0x56: {  	_ =	shalt  }
0x57: {  	_ =	shalt  }
0x58: {  	_ =	shalt  }
0x59: {  	_ =	shalt  }
0x5a: {  	_ =	shalt  }
0x5b: {  	_ =	shalt  }
0x5c: {  	_ =	shalt  }
0x5d: {  	_ =	shalt  }
0x5e: {  	_ =	shalt  }
0x5f: {  	_ =	shalt  }
0x60: {  	_ =	shalt  }
0x61: {  	_ =	shalt  }
0x62: {  	_ =	shalt  }
0x63: {  	_ =	shalt  }
0x64: {  	_ =	shalt  }
0x65: {  	_ =	shalt  }
0x66: {  	_ =	shalt  }
0x67: {  	_ =	shalt  }
0x68: {  	_ =	shalt  }
0x69: {  	_ =	shalt  }
0x6a: {  	_ =	shalt  }
0x6b: {  	_ =	shalt  }
0x6c: {  	_ =	shalt  }
0x6d: {  	_ =	shalt  }
0x6e: {  	_ =	shalt  }
0x6f: {  	_ =	shalt  }
0x70: {  	_ =	shalt  }
0x71: {  	_ =	shalt  }
0x72: {  	_ =	shalt  }
0x73: {  	_ =	shalt  }
0x74: {  	_ =	shalt  }
0x75: {  	_ =	shalt  }
0x76: {  	_ =	shalt  }
0x77: {  	_ =	shalt  }
0x78: {  	_ =	shalt  }
0x79: {  	_ =	shalt  }
0x7a: {  	_ =	shalt  }
0x7b: {  	_ =	shalt  }
0x7c: {  	_ =	shalt  }
0x7d: {  	_ =	shalt  }
0x7e: {  	_ =	shalt  }
0x7f: {  	_ =	shalt  }
0x80: {  	_ =	shalt  }
0x81: {  	_ =	shalt  }
0x82: {  	_ =	shalt  }
0x83: {  	_ =	shalt  }
0x84: {  	_ =	shalt  }
0x85: {  	_ =	shalt  }
0x86: {  	_ =	shalt  }
0x87: {  	_ =	shalt  }
.Lfunc_end0:
.L_simem_size_0:
called_computation_lowered:
.L_overlay_start_0:
0x88: {  	s2 =	sld [smem:$0x3FD9]  }
0x89: {  	s3 =	sld [smem:$0x3FFE];
	_ =	sdelay $0x1  }
0x8a: {  	s1 =	srdreg.scid  }
0x8b: {  	s0 =	sand.u32 $0x1, s1  }
0x8c: {  	s14 =	sshll.u32 s0, $0xA;
	s2 =	sadd.s32 s3, s2  }
0x8d: {  	s2 =	sadd.s32 s2, s14  }
0x8e: {  	[smem:$0x3FBE] =	sst s2  }
0x8f: {  	_ = 	snop  }
0x90: {  	s2 =	sld [smem:$0x3FD0];
	_ =	sdelay $0x2  }
0x91: {  	s15 =	simm.s32 $0xA;
	s4 =	simm.s32 $0x10  }
0x92: {  	[smem:s4], [sflag:s15] =	dma.local [hbm:s2], $0x1  }
0x93: {  	_ =	swait.eq [sflag:s15], $0x1  }
0x94: {  	[sflag:s15] =	ssyncset.done $0x0  }
0x95: {  	[sflag:s15] =	ssyncadd.s32 $0xFFFFFFFF  }
0x96: {  	s16 =	sld [smem:$0x10];
	(tm) =	ssettm $0x1  }
0x97: {  	s17 =	sld [smem:$0x3FFB];
	_ =	sdelay $0x3  }
0x98: {  	_ =	strace s17  }
0x99: {  	s3 =	sld [smem:$0x3FFC];
	_ =	sdelay $0x3  }
0x9a: {  	_ =	strace s3  }
0x9b: {  	s3 =	sld [smem:$0x3FFD];
	_ =	sdelay $0x3  }
0x9c: {  	_ =	strace s3  }
0x9d: {  	_ =	strace $0x8FFFFFFF  }
0x9e: {  	s18 =	sld [smem:$0x3FDB];
	_ =	sdelay $0x1  }
0x9f: {  	s19 =	simm.s32 $_scs_section_size  }
0xa0: {  	s5 =	simm.s32 $_size__tile_overlayer_lowered;
	s6 =	simm.s32 $_tile_overlayer_lowered  }
0xa1: {  	s22 =	simm.s32 $0x1BFF;
	s21 =	sshll.u32 s6, $0x1;
	s3 =	sadd.s32 s19, s18  }
0xa2: {  	s7 =	simm.s32 $0x0;
	s20 =	sshll.u32 s5, $0x1;
	s5 =	sadd.s32 s21, s3  }
0xa3: {  	[timem:s7], [sflag:s22] =	dma.local [hbm:s5], s20  }
0xa4: {  	_ =	swait.ge [sflag:s22], s20  }
0xa5: {  	s4 =	ssub.s32 $0x0, s20;
	[sflag:s22] =	ssyncset.done $0x0  }
0xa6: {  	[sflag:s22] =	ssyncadd.s32 s4;
	_ =	sdelay $0x1  }
0xa7: {  	s23 =	simm.s32 $0x1B8B  }
0xa8: {  	_ =	swait.ge [sflag:s23], $0x1  }
0xa9: {  	[sflag:s23] =	ssyncset.done $0x0  }
0xaa: {  	s25 =	simm.s32 $0x1B8E;
	s24 =	sld [smem:$0x3FFE];
	[sflag:s23] =	ssyncadd.s32 $0xFFFFFFFF  }
0xab: {  	s26 =	simm.s32 $execute0_lowered;
	[smem:$0x3FD2] =	sst s25  }
0xac: {  	s5 =	sshll.u32 s26, $0x1;
	_ =	strace $0x80000046;
	[dreg:$0x1] =	wrdreg $0xFFFFFFFF  }
0xad: {  	s28 =	simm.s32 $_size_execute0_lowered;
	s3 =	sadd.s32 s3, s5;
	[dreg:$0x0] =	wrdreg $0x0  }
0xae: {  	s5 =	sshll.u32 s28, $0x1;
	[dreg:$0x2] =	wrdreg s3  }
0xaf: {  	[dreg:$0x3] =	wrdreg s5  }
0xb0: {  	[dreg:$0x4] =	wrdreg $0xC0  }
0xb1: {  	_ =	task [dreg:s7], $0x5FFFF  }
0xb2: {  	[dreg:$0x1] =	wrdreg $0xFFFFFFFF  }
0xb3: {  	[dreg:$0x0] =	wrdreg $0x60  }
0xb4: {  	[dreg:$0x2] =	wrdreg s16  }
0xb5: {  	[dreg:$0x3] =	wrdreg s24  }
0xb6: {  	[dreg:$0x4] =	wrdreg $0x11D000  }
0xb7: {  	[dreg:$0x5] =	wrdreg $0x1BDA80  }
0xb8: {  	[dreg:$0x6] =	wrdreg $0x9  }
0xb9: {  	_ =	task.clear_ibuf [dreg:s7], $0x7FFFF;
	_ =	strace $0x90000046  }
0xba: {  	s29 =	simm.s32 $0x9;
	_ =	strace $0x80000048  }
0xbb: {  	_ =	swait.ge [sflag:s29], $0x1  }
0xbc: {  	[sflag:s29] =	ssyncadd.s32 $0xFFFFFFFF  }
0xbd: {  	_ =	strace $0x90000048  }
0xbe: {  	_ =	sfence  }
0xbf: {  	s30 =	sld [smem:$0x0];
	_ =	sdelay $0x2  }
0xc0: {  	s31 =	sshll.u32 s1, $0xD;
	s1 =	sshrl.u32 s1, $0x2  }
0xc1: {  	s3 =	sand.u32 $0x4000, s31;
	s1 =	sadd.s32 s1, s30  }
0xc2: {  	s0 =	sor.u32 s3, s0;
	s1 =	sshll.u32 s1, $0x11  }
0xc3: {  	s0 =	sor.u32 s1, s0  }
0xc4: {  	s0 =	sadd.s32 $0x8F2B, s0  }
0xc5: {  	[sflag:s0] =	ssyncadd.remote.s32 $0x1  }
0xc6: {  	_ =	sfence.sel $0xFFFF  }
0xc7: {  	[dreg:$0x0] =	wrdreg $0xFFFFFFFF;
	(pc) =	sbr.abs _section_cstart, $3  }
0xc8: {  	[dreg:$0x1] =	wrdreg $0xFFFFFFFF  }
0xc9: {  	_ =	task.clear_ibuf [dreg:s7], $0x2FFFF;
	_ =	strace $0x9FFFFFFF  }
0xca: {  	(tm) =	ssettm $0x7FFFFFFF  }
0xcb: {  	_ =	shalt  }
tec
execute0_lowered:
.L_overlay_start_1:
0x0: {  	(tag) =	ssettag $0x1  }
0x1: {  	s0 =	rddreg [dreg:$0x0]  }
0x2: {  	s4 =	rddreg [dreg:$0x1]  }
0x3: {  	s1 =	rddreg [dreg:$0x2]  }
0x4: {  	s2 =	rddreg [dreg:$0x3]  }
0x5: {  	s3 =	simm.s32 $0x0;
	s5 =	srdreg.scid;
	s23 =	stileid.u32  }
0x6: {  	s28 =	simm.s32 $0x180;
	[smem:$0x7FF] =	sst s3;
	s8 =	smul.u32 $0x3E8, s23  }
0x7: {  	s6 =	sand.u32 $0x1, s5;
	s9 =	sadd.s32 $0x23800, s4;
	s11 =	smul.u32 $0x9C00, s23  }
0x8: {  	p1 =	slt.u32 s23, $0xA;
	p2 =	sgt.u32 s23, $0x9;
	s7 =	sshll.u32 s6, $0xC  }
0x9: {  	s5 =	ssub.s32 $0x2, s6;
	s12 =	smul.u32 $0x9C400, s6;
	p0 =	seq.s32 s6, $0x0  }
0xa: {  	s10 =	sshrl.u32 s5, $0x1;
	s13 =	sshrl.u32 s8, $0x3;
	s14 =	sadd.s32 $0x1A00, s11  }
0xb: {  	s17 =	sadd.s32 $0x3400, s11;
	s18 =	sadd.s32 $0x4E00, s11;
	s19 =	sadd.s32 $0x6800, s11  }
0xc: {  	s20 =	sadd.s32 $0x8200, s11;
	s7 =	sadd.s32 s7, s4;
	p0 =	por !p0, !p1  }
0xd: {  	s10 =	ssub.s32 s5, s10;
	s15 =	sshrl.u32 s12, $0x3;
	s30 =	sadd.s32 s11, s12  }
0xe: {  	s16 =	sadd.s32 s12, s14;
	s21 =	sadd.s32 s12, s17;
	s22 =	sadd.s32 s12, s19  }
0xf: {  	s29 =	sadd.s32 s13, s4;
	s13 =	sadd.s32 $0x5200, s4;
	s17 =	sadd.s32 s17, s1  }
0x10: {  	s19 =	sadd.s32 s19, s1;
	p1 =	por !p0, !p0;
	p0 =	sne.s32 s23, $0x0  }
0x11: {  	s5 =	sadd.s32 s0, s15;
	s0 =	sshrl.u32 s30, $0x3;
	s16 =	sshrl.u32 s16, $0x3  }
0x12: {  	s26 =	sadd.s32 s9, s15;
	s15 =	sadd.s32 s11, s1;
	s11 =	smul.u32 $0xFA0, s23  }
0x13: {  	s0 =	sadd.s32 s9, s0;
	s31 =	sadd.s32 s9, s16;
	s16 =	sshrl.u32 s21, $0x3  }
0x14: {  	s21 =	sadd.s32 s12, s18;
	s12 =	sadd.s32 s12, s20;
	[dreg:$0x5] =	wrdreg s0  }
0x15: {  	s18 =	sadd.s32 s18, s1;
	s20 =	sadd.s32 s20, s1;
	[dreg:$0x6] =	wrdreg s31  }
0x16: {  	s0 =	sadd.s32 s9, s16;
	s16 =	sshrl.u32 s22, $0x3;
	s25 =	sshrl.u32 s12, $0x3  }
0x17: {  	[dreg:$0x7] =	wrdreg s0;
	s0 =	sshrl.u32 s21, $0x3;
	s24 =	sadd.s32 s9, s16  }
0x18: {  	s12 =	smul.u32 $0xF000, s23;
	s0 =	sadd.s32 s9, s0;
	[dreg:$0x9] =	wrdreg s24  }
0x19: {  	s4 =	sshrl.u32 s11, $0x2;
	[dreg:$0x8] =	wrdreg s0;
	s0 =	sadd.s32 s9, s25  }
0x1a: {  	s22 =	sadd.s32 $0x3200, s7;
	s4 =	sadd.s32 s4, s2;
	[dreg:$0xa] =	wrdreg s0  }
0x1b: {  	s0 =	sadd.s32 $0x13800, s26;
	_ =	strace $0x80000047;
	[dreg:$0xc] =	wrdreg s4  }
0x1c: {  	s7 =	simm.s32 $0x10300;
	s21 =	sadd.s32 s8, s2;
	[dreg:$0xd] =	wrdreg s0  }
0x1d: {  	s30 =	sshrl.u32 s12, $0x3;
	s24 =	sadd.s32 $0x23200, s29;
	[dreg:$0xe] =	wrdreg s21  }
0x1e: {  	s31 =	sadd.s32 s13, s30;
	s25 =	smax.u32 s10, $0x1;
	[dreg:$0xf] =	wrdreg s24  }
0x1f: {  	s11 =	simm.s32 $0x2;
	s26 =	sadd.s32 $0x30, s31;
	[dreg:$0x10] =	wrdreg s25  }
0x20: {  	s23 =	simm.s32 $0x1B940;
	s29 =	sadd.s32 $0x60, s31;
	[dreg:$0x11] =	wrdreg s26  }
0x21: {  	s16 =	sadd.s32 s14, s1;
	s30 =	sadd.s32 $0x90, s31;
	[dreg:$0x12] =	wrdreg s29  }
0x22: {  	s8 =	simm.s32 $0x6;
	s9 =	simm.s32 $0x1;
	[dreg:$0x13] =	wrdreg s30  }
0x23: {  	s10 =	simm.s32 $0x7D;
	[dreg:$0xb] =	wrdreg s31;
	s31 =	sadd.s32 $0xC0, s31  }
0x24: {  	s0 =	sadd.s32 $0x9C000, s1;
	s21 =	simm.s32 $0x3;
	s24 =	simm.s32 $0x4  }
0x25: {  	v0 =	vimm.f32 $0.0e+00;
	v1 =	vimm.f32 $1.000000000e+00;
	s25 =	simm.s32 $0x5;
	s26 =	simm.s32 $0x0;
	[dreg:$0x14] =	wrdreg s31  }
.LBB2_1:
0x26: {  	s4 =	rddreg [dreg:$0xb]  }
0x27: {  	[tilespmem:s3], [sflag:$0x1] =	stream.linear.gather [hbm4b:s4+s3], $0x180, $0x38;
	[tilespmem:$0x1C020] =	vst v63  }
0x28: {  	s30 =	rddreg [dreg:$0x11]  }
0x29: {  	[tilespmem:s28], [sflag:$0x1] =	stream.linear.gather [hbm4b:s30+s3], $0x180, $0x38;
	[tilespmem:$0x1C020] =	vst v63  }
0x2a: {  	s31 =	rddreg [dreg:$0x12];
	s6 =	simm.s32 $0x300  }
0x2b: {  	[tilespmem:s6], [sflag:$0x1] =	stream.linear.gather [hbm4b:s31+s3], $0x180, $0x38;
	[tilespmem:$0x1C020] =	vst v63  }
0x2c: {  	s14 =	rddreg [dreg:$0x13];
	s29 =	simm.s32 $0x480;
	s4 =	simm.s32 $0x0  }
0x2d: {  	[tilespmem:s29], [sflag:$0x1] =	stream.linear.gather [hbm4b:s14+s3], $0x180, $0x38;
	[tilespmem:$0x1C020] =	vst v63  }
0x2e: {  	s30 =	rddreg [dreg:$0x14];
	s31 =	simm.s32 $0x600;
	s6 =	simm.s32 $0x100  }
0x2f: {  	[tilespmem:s31], [sflag:$0x1] =	stream.linear.gather [hbm4b:s30+s3], $0x180, $0x38;
	[tilespmem:$0x1C020] =	vst v63  }
.LBB2_2:
0x30: {  	p3 =	sne.s32 s6, $0x6700;
	[tilespmem:s4+$0x10330] =	vst v0;
	s14 =	smov.u32 s6;
	s6 =	sadd.s32 $0x100, s6  }
.Ltmp0:
0x31: {  	[tilespmem:s4+$0x10320] =	vst v0;
	(pc) =	sbr.rel @p3 .LBB2_2-.Ltmp0, $3  }
0x32: {  	[tilespmem:s4+$0x10300] =	vst v0  }
0x33: {  	[tilespmem:s4+$0x10310] =	vst v0;
	_ =	sdelay $0x1  }
0x34: {  	s4 =	sshra.s32 s14, $0x2  }
0x35: {  	[tilespmem:s4+$0x10330] =	vst v0  }
0x36: {  	[tilespmem:s4+$0x10320] =	vst v0  }
0x37: {  	[tilespmem:s4+$0x10300] =	vst v0  }
0x38: {  	[tilespmem:s4+$0x10310] =	vst v0  }
0x39: {  	[spmem:s15] =	stream.linear.scatter [tilespmem:s7], [sflag:$0x6], $0x1A00, $0x38;
	[tilespmem:$0x1C020] =	vst v63  }
0x3a: {  	_ =	swait.ge [sflag:s8], $0x1A00  }
0x3b: {  	[sflag:s8] =	ssyncset.done $0x0  }
0x3c: {  	[sflag:s8] =	ssyncadd.s32 $0xFFFFE600  }
0x3d: {  	[spmem:s16] =	stream.linear.scatter [tilespmem:s7], [sflag:$0x6], $0x1A00, $0x38;
	[tilespmem:$0x1C020] =	vst v63  }
0x3e: {  	_ =	swait.ge [sflag:s8], $0x1A00  }
0x3f: {  	[sflag:s8] =	ssyncset.done $0x0  }
0x40: {  	[sflag:s8] =	ssyncadd.s32 $0xFFFFE600  }
0x41: {  	[spmem:s17] =	stream.linear.scatter [tilespmem:s7], [sflag:$0x6], $0x1A00, $0x38;
	[tilespmem:$0x1C020] =	vst v63  }
0x42: {  	_ =	swait.ge [sflag:s8], $0x1A00  }
0x43: {  	[sflag:s8] =	ssyncset.done $0x0  }
0x44: {  	[sflag:s8] =	ssyncadd.s32 $0xFFFFE600  }
0x45: {  	[spmem:s18] =	stream.linear.scatter [tilespmem:s7], [sflag:$0x6], $0x1A00, $0x38;
	[tilespmem:$0x1C020] =	vst v63  }
0x46: {  	_ =	swait.ge [sflag:s8], $0x1A00  }
0x47: {  	[sflag:s8] =	ssyncset.done $0x0  }
0x48: {  	[sflag:s8] =	ssyncadd.s32 $0xFFFFE600  }
0x49: {  	[spmem:s19] =	stream.linear.scatter [tilespmem:s7], [sflag:$0x6], $0x1A00, $0x38;
	[tilespmem:$0x1C020] =	vst v63  }
0x4a: {  	_ =	swait.ge [sflag:s8], $0x1A00  }
0x4b: {  	[sflag:s8] =	ssyncset.done $0x0  }
0x4c: {  	[sflag:s8] =	ssyncadd.s32 $0xFFFFE600  }
0x4d: {  	[spmem:s20] =	stream.linear.scatter [tilespmem:s7], [sflag:$0x6], $0x1A00, $0x38;
	[tilespmem:$0x1C020] =	vst v63  }
0x4e: {  	_ =	swait.ge [sflag:s8], $0x1A00  }
0x4f: {  	[sflag:s8] =	ssyncset.done $0x0  }
0x50: {  	s4 =	simm.s32 @!p0 $0x10300;
	[sflag:s8] =	ssyncadd.s32 $0xFFFFE600  }
0x51: {  	[spmem:s0] =	stream.linear.scatter @!p0 [tilespmem:s4], [sflag:$0x6], $0x400, $0x38;
	[tilespmem:$0x1C020] =	vst v63  }
0x52: {  	s4 =	simm.s32 @!p0 $0x6  }
0x53: {  	_ =	swait.ge @!p0 [sflag:s4], $0x400  }
0x54: {  	[sflag:s4] =	ssyncset.done @!p0 $0x0  }
0x55: {  	[sflag:s4] =	ssyncadd.s32 @!p0 $0xFFFFFC00  }
0x56: {  	[tilespmem:$0x1B940] =	vst v1  }
0x57: {  	[tilespmem:$0x1B950] =	vst v1  }
0x58: {  	[tilespmem:$0x1B960] =	vst v1  }
0x59: {  	[tilespmem:$0x1B970] =	vst v1  }
0x5a: {  	[tilespmem:$0x1B980] =	vst v1  }
0x5b: {  	[tilespmem:$0x1B990] =	vst v1  }
0x5c: {  	[tilespmem:$0x1B9A0] =	vst v1  }
0x5d: {  	s6 =	simm.s32 $0x0;
	s4 =	simm.s32 $0x40;
	[tilespmem:$0x1B9B0] =	vst v1  }
.LBB2_4:
0x5e: {  	p3 =	sne.s32 s4, $0xF40;
	[tilespmem:s6+$0x1B9C0] =	vst v0;
	s6 =	smov.u32 s4;
	s4 =	sadd.s32 $0x40, s4  }
.Ltmp1:
0x5f: {  	(pc) =	sbr.rel @p3 .LBB2_4-.Ltmp1, $2  }
0x60: {  	_ =	sdelay $0x2  }
0x61: {  	s6 =	sshra.s32 s6, $0x2  }
0x62: {  	[tilespmem:s6+$0x1B9C0] =	vst v0;
	s4 =	simm.s32 @!p2 $0x1B9C0;
	s6 =	rddreg [dreg:$0xc]  }
0x63: {  	[spmem:s6] =	stream.linear.scatter @!p2 [tilespmem:s4], [sflag:$0x6], $0x3E8, $0x38;
	[tilespmem:$0x1C020] =	vst v63  }
0x64: {  	s4 =	simm.s32 @!p2 $0x6  }
0x65: {  	_ =	swait.ge @!p2 [sflag:s4], $0x3E8  }
0x66: {  	[sflag:s4] =	ssyncset.done @!p2 $0x0  }
0x67: {  	[sflag:s4] =	ssyncadd.s32 @!p2 $0xFFFFFC18  }
0x68: {  	_ =	swait.ge [sflag:s9], $0x180  }
0x69: {  	[sflag:s9] =	ssyncset.done $0x0  }
0x6a: {  	s30 =	simm.s32 $0x900;
	s4 =	simm.s32 $0x0;
	[sflag:s9] =	ssyncadd.s32 $0xFFFFFE80  }
0x6b: {  	[tilespmem:s30], [sflag:$0x2] =	stream.indirect.gather [hbm4b:s5+s10], $0x40, s4, s10, $0xb8;
	[tilespmem:$0x1C020] =	vst v63  }
0x6c: {  	s31 =	simm.s32 $0x100;
	s14 =	simm.s32 $0x8600  }
0x6d: {  	[tilespmem:s14], [sflag:$0x3] =	stream.indirect.gather [hbm4b:s22+s10], $0x40, s31, s10, $0xb8;
	[tilespmem:$0x1C020] =	vst v63  }
0x6e: {  	_ =	swait.ge [sflag:s9], $0x180  }
0x6f: {  	[sflag:s9] =	ssyncset.done $0x0  }
0x70: {  	s29 =	simm.s32 $0x2840;
	[sflag:s9] =	ssyncadd.s32 $0xFFFFFE80  }
0x71: {  	[tilespmem:s29], [sflag:$0x2] =	stream.indirect.gather [hbm4b:s5+s10], $0x40, s28, s10, $0xb8;
	[tilespmem:$0x1C020] =	vst v63  }
0x72: {  	s30 =	simm.s32 $0x280;
	s31 =	simm.s32 $0xA540  }
0x73: {  	[tilespmem:s31], [sflag:$0x3] =	stream.indirect.gather [hbm4b:s22+s10], $0x40, s30, s10, $0xb8;
	[tilespmem:$0x1C020] =	vst v63  }
0x74: {  	_ =	swait.ge [sflag:s9], $0x180  }
0x75: {  	[sflag:s9] =	ssyncset.done $0x0  }
0x76: {  	s28 =	simm.s32 $0x300;
	s29 =	simm.s32 $0x4780;
	[sflag:s9] =	ssyncadd.s32 $0xFFFFFE80  }
0x77: {  	[tilespmem:s29], [sflag:$0x2] =	stream.indirect.gather [hbm4b:s5+s10], $0x40, s28, s10, $0xb8;
	[tilespmem:$0x1C020] =	vst v63  }
0x78: {  	s30 =	simm.s32 $0x400;
	s31 =	simm.s32 $0xC480  }
0x79: {  	[tilespmem:s31], [sflag:$0x3] =	stream.indirect.gather [hbm4b:s22+s10], $0x40, s30, s10, $0xb8;
	[tilespmem:$0x1C020] =	vst v63  }
0x7a: {  	s6 =	simm.s32 $0x0;
	[bflag:$0x0] =	sbarrier.arrive $0xFFFF  }
.LBB2_6:
0x7b: {  	p3 =	seq.s32 s6, $0x0  }
0x7c: {  	s14 =	simm.s32 @!p3 $0x4;
	p4 =	sgt.u32 @!p3 s6, $0x9A  }
0x7d: {  	_ =	swait.ge @!p3 [sflag:s14], $0x1F40;
	p4 =	por p3, !p4  }
.Ltmp2:
0x7e: {  	[sflag:s14] =	ssyncset.done @!p3 $0x0;
	(pc) =	sbr.rel @!p4 .LBB2_8-.Ltmp2, $4  }
0x7f: {  	[sflag:s14] =	ssyncadd.s32 @!p3 $0xFFFFE0C0;
	s14 =	simm.s32 @!p3 $0x5  }
0x80: {  	_ =	swait.ge @!p3 [sflag:s14], $0x7D  }
0x81: {  	[sflag:s14] =	ssyncset.done @!p3 $0x0  }
0x82: {  	[sflag:s14] =	ssyncadd.s32 @!p3 $0xFFFFFF83  }
0x83: {  	s14 =	sadd.s32 $0x5, s6  }
0x84: {  	s28 =	smul.u32 $0xAB, s14;
	_ =	sdelay $0x1  }
0x85: {  	s28 =	sshrl.u32 s28, $0xA  }
0x86: {  	s28 =	sand.u32 $0x3F, s28  }
0x87: {  	s28 =	smul.u32 $0x6, s28;
	_ =	sdelay $0x1  }
0x88: {  	s29 =	smul.u32 $0x180, s14;
	s14 =	ssub.s32 s14, s28  }
.Ltmp3:
0x89: {  	s14 =	sand.u32 $0xFF, s14;
	(pc) =	sbr.rel .LBB2_9-.Ltmp3, $4  }
0x8a: {  	s31 =	sadd.s32 s12, s29;
	s14 =	smul.u32 $0x600, s14  }
0x8b: {  	s28 =	sshrl.u32 s31, $0x3  }
0x8c: {  	s28 =	sadd.s32 s13, s28;
	s14 =	sshrl.u32 s14, $0x2  }
0x8d: {  	[tilespmem:s14], [sflag:$0x1] =	stream.linear.gather [hbm4b:s28+s3], $0x180, $0x38;
	[tilespmem:$0x1C020] =	vst v63  }
.LBB2_8:
0x8e: {  	p3 =	sgt.u32 s6, $0x9C  }
.Ltmp4:
0x8f: {  	_ = 	snop;
	(pc) =	sbr.rel @p3 .LBB2_10-.Ltmp4, $1  }
0x90: {  	_ =	sdelay $0x3  }
.LBB2_9:
0x91: {  	s14 =	sadd.s32 $0x3, s6  }
0x92: {  	s28 =	smul.u32 $0xAB, s14;
	_ =	sdelay $0x1  }
0x93: {  	s28 =	sshrl.u32 s28, $0xA  }
0x94: {  	s28 =	sand.u32 $0x3F, s28  }
0x95: {  	s28 =	smul.u32 $0x6, s28;
	_ =	sdelay $0x1  }
0x96: {  	s28 =	ssub.s32 s14, s28;
	s14 =	sand.u32 $0x3, s14  }
0x97: {  	s28 =	sand.u32 $0xFF, s28;
	s14 =	smul.u32 $0x1F40, s14  }
0x98: {  	_ =	swait.ge [sflag:s9], $0x180;
	s28 =	smul.u32 $0x600, s28  }
0x99: {  	[sflag:s9] =	ssyncset.done $0x0  }
0x9a: {  	[sflag:s9] =	ssyncadd.s32 $0xFFFFFE80;
	s29 =	sadd.s32 $0x900, s14;
	s28 =	sshrl.u32 s28, $0x2  }
0x9b: {  	[tilespmem:s29], [sflag:$0x2] =	stream.indirect.gather [hbm4b:s5+s10], $0x40, s28, s10, $0xb8;
	[tilespmem:$0x1C020] =	vst v63  }
0x9c: {  	s14 =	sadd.s32 $0x8600, s14;
	s28 =	sadd.s32 $0x100, s28  }
0x9d: {  	[tilespmem:s14], [sflag:$0x3] =	stream.indirect.gather [hbm4b:s22+s10], $0x40, s28, s10, $0xb8;
	[tilespmem:$0x1C020] =	vst v63  }
.LBB2_10:
0x9e: {  	_ =	swait.ge [sflag:s11], $0x1F40  }
0x9f: {  	s14 =	sand.u32 $0x3, s4;
	[sflag:s11] =	ssyncset.done $0x0  }
0xa0: {  	s14 =	smul.u32 $0x7D00, s14;
	[sflag:s11] =	ssyncadd.s32 $0xFFFFE0C0  }
0xa1: {  	_ =	swait.ge [sflag:s21], $0x1F40  }
0xa2: {  	s14 =	sshrl.u32 s14, $0x2;
	[sflag:s21] =	ssyncset.done $0x0  }
0xa3: {  	s28 =	sadd.s32 $0x9A0, s14;
	[sflag:s21] =	ssyncadd.s32 $0xFFFFE0C0  }
0xa4: {  	s29 =	sadd.s32 $0x86A0, s14;
	v2 =	vld [tilespmem:s28+$0x60]  }
0xa5: {  	v3 =	vld [tilespmem:s29+$0x60]  }
0xa6: {  	v4 =	vld [tilespmem:s29+$0xFFFFFF60]  }
0xa7: {  	v5 =	vld [tilespmem:s28+$0xFFFFFFA0]  }
0xa8: {  	v6 =	vld [tilespmem:s28+$0xFFFFFFE0]  }
0xa9: {  	v8 =	vld [tilespmem:s29+$0xFFFFFFE0]  }
0xaa: {  	v9 =	vld [tilespmem:s28+$0x20]  }
0xab: {  	v10 =	vld [tilespmem:s28+$0xFFFFFF60]  }
0xac: {  	v2 =	vmul.f32 v3, v2;
	v3 =	vld [tilespmem:s29+$0xFFFFFFA0]  }
0xad: {  	v12 =	vld [tilespmem:s28+$0x0]  }
0xae: {  	[tilespmem:s28+$0x60] =	vst v2;
	v2 =	vld [tilespmem:s28+$0x70]  }
0xaf: {  	v7 =	vld [tilespmem:s29+$0x70]  }
0xb0: {  	v6 =	vmul.f32 v8, v6;
	v8 =	vld [tilespmem:s28+$0xFFFFFFB0];
	v4 =	vmul.f32 v4, v10  }
0xb1: {  	v3 =	vmul.f32 v3, v5;
	v5 =	vld [tilespmem:s29+$0x20]  }
0xb2: {  	v10 =	vld [tilespmem:s28+$0x30];
	[tilespmem:s28+$0xFFFFFF60] =	vst v4  }
0xb3: {  	v4 =	vld [tilespmem:s29+$0xFFFFFF70];
	[tilespmem:s28+$0xFFFFFFA0] =	vst v3  }
0xb4: {  	v3 =	vld [tilespmem:s29+$0xFFFFFFB0];
	v2 =	vmul.f32 v7, v2  }
0xb5: {  	v7 =	vld [tilespmem:s28+$0xFFFFFF70]  }
0xb6: {  	[tilespmem:s28+$0x70] =	vst v2;
	v2 =	vmul.f32 v5, v9;
	v5 =	vld [tilespmem:s28+$0x80]  }
0xb7: {  	[tilespmem:s28+$0xFFFFFFE0] =	vst v6;
	v6 =	vld [tilespmem:s29+$0x80]  }
0xb8: {  	v9 =	vld [tilespmem:s29+$0xFFFFFFF0]  }
0xb9: {  	[tilespmem:s28+$0x20] =	vst v2;
	v3 =	vmul.f32 v3, v8;
	v8 =	vld [tilespmem:s28+$0xFFFFFFF0]  }
0xba: {  	v2 =	vld [tilespmem:s29+$0x30]  }
0xbb: {  	v13 =	vld [tilespmem:s28+$0xFFFFFFD0];
	v4 =	vmul.f32 v4, v7  }
0xbc: {  	[tilespmem:s28+$0xFFFFFFB0] =	vst v3;
	v5 =	vmul.f32 v6, v5;
	v6 =	vld [tilespmem:s28+$0xFFFFFF80]  }
0xbd: {  	[tilespmem:s28+$0xFFFFFF70] =	vst v4;
	v3 =	vld [tilespmem:s29+$0xFFFFFFC0]  }
0xbe: {  	[tilespmem:s28+$0x80] =	vst v5;
	v5 =	vmul.f32 v9, v8;
	v8 =	vld [tilespmem:s28+$0xFFFFFFC0]  }
0xbf: {  	v4 =	vld [tilespmem:s29+$0xFFFFFF80];
	v2 =	vmul.f32 v2, v10  }
0xc0: {  	v7 =	vld [tilespmem:s28+$0x90];
	[tilespmem:s28+$0xFFFFFFF0] =	vst v5  }
0xc1: {  	[tilespmem:s28+$0x30] =	vst v2;
	v10 =	vld [tilespmem:s29+$0x0]  }
0xc2: {  	v11 =	vld [tilespmem:s29+$0x40]  }
0xc3: {  	v3 =	vmul.f32 v3, v8;
	v8 =	vld [tilespmem:s28+$0x40]  }
0xc4: {  	v9 =	vld [tilespmem:s29+$0x90];
	v4 =	vmul.f32 v4, v6  }
0xc5: {  	v2 =	vld [tilespmem:s28+$0xFFFFFF90];
	[tilespmem:s28+$0xFFFFFFC0] =	vst v3  }
0xc6: {  	[tilespmem:s28+$0xFFFFFF80] =	vst v4;
	v14 =	vld [tilespmem:s29+$0xFFFFFFD0]  }
0xc7: {  	v5 =	vld [tilespmem:s29+$0xFFFFFF90];
	v4 =	vmul.f32 v10, v12  }
0xc8: {  	s14 =	sand.u32 $0x3, s6;
	v3 =	vld [tilespmem:s28+$0x10];
	v8 =	vmul.f32 v11, v8  }
0xc9: {  	s14 =	smul.u32 $0x1F40, s14;
	v7 =	vmul.f32 v9, v7;
	[tilespmem:s28+$0x0] =	vst v4;
	v4 =	vld [tilespmem:s28+$0x50]  }
0xca: {  	v6 =	vld [tilespmem:s29+$0x10];
	[tilespmem:s28+$0x40] =	vst v8  }
0xcb: {  	s31 =	simm.s32 $0x0;
	s30 =	sadd.s32 $0x900, s14;
	s14 =	sadd.s32 $0x140, s28;
	[tilespmem:s28+$0x90] =	vst v7;
	v8 =	vmul.f32 v14, v13;
	v7 =	vld [tilespmem:s29+$0x50]  }
.LBB2_11:
0xcc: {  	v9 =	vld [tilespmem:s14+$0x60];
	v2 =	vmul.f32 v5, v2;
	s29 =	sadd.s32 $0x140, s29  }
0xcd: {  	s31 =	sadd.s32 $0x5, s31;
	v5 =	vld [tilespmem:s29+$0x60];
	[tilespmem:s28+$0xFFFFFFD0] =	vst v8  }
0xce: {  	p3 =	slt.u32 s31, $0x78;
	v8 =	vld [tilespmem:s29+$0xFFFFFF60];
	[tilespmem:s28+$0xFFFFFF90] =	vst v2  }
0xcf: {  	v2 =	vld [tilespmem:s14+$0xFFFFFFA0];
	v3 =	vmul.f32 v6, v3  }
0xd0: {  	v6 =	vld [tilespmem:s29+$0xFFFFFFA0];
	v4 =	vmul.f32 v7, v4  }
0xd1: {  	v7 =	vld [tilespmem:s14+$0xFFFFFFE0];
	[tilespmem:s28+$0x10] =	vst v3  }
0xd2: {  	v3 =	vld [tilespmem:s29+$0xFFFFFFE0];
	v5 =	vmul.f32 v5, v9;
	[tilespmem:s28+$0x50] =	vst v4;
	s28 =	smov.u32 s14  }
0xd3: {  	v4 =	vld [tilespmem:s14+$0x20]  }
0xd4: {  	[tilespmem:s14+$0x60] =	vst v5;
	v5 =	vld [tilespmem:s14+$0x70]  }
0xd5: {  	v2 =	vmul.f32 v6, v2;
	v6 =	vld [tilespmem:s29+$0x70]  }
0xd6: {  	v9 =	vld [tilespmem:s29+$0x20]  }
0xd7: {  	v10 =	vld [tilespmem:s14+$0xFFFFFF60];
	[tilespmem:s14+$0xFFFFFFA0] =	vst v2;
	v2 =	vmul.f32 v3, v7  }
0xd8: {  	v3 =	vld [tilespmem:s29+$0xFFFFFFB0]  }
0xd9: {  	v7 =	vld [tilespmem:s14+$0xFFFFFF70];
	[tilespmem:s14+$0xFFFFFFE0] =	vst v2  }
0xda: {  	v2 =	vld [tilespmem:s29+$0xFFFFFFF0];
	v5 =	vmul.f32 v6, v5  }
0xdb: {  	v6 =	vld [tilespmem:s14+$0xFFFFFFB0];
	v4 =	vmul.f32 v9, v4  }
0xdc: {  	v8 =	vmul.f32 v8, v10;
	[tilespmem:s14+$0x70] =	vst v5;
	v5 =	vld [tilespmem:s14+$0x80]  }
0xdd: {  	[tilespmem:s14+$0x20] =	vst v4;
	v4 =	vld [tilespmem:s29+$0x80]  }
0xde: {  	[tilespmem:s14+$0xFFFFFF60] =	vst v8;
	v8 =	vld [tilespmem:s29+$0x30]  }
0xdf: {  	v9 =	vld [tilespmem:s29+$0xFFFFFF70]  }
0xe0: {  	v3 =	vmul.f32 v3, v6;
	v6 =	vld [tilespmem:s14+$0xFFFFFFF0]  }
0xe1: {  	v10 =	vld [tilespmem:s14+$0x30]  }
0xe2: {  	v11 =	vld [tilespmem:s14+$0xFFFFFF80];
	[tilespmem:s14+$0xFFFFFFB0] =	vst v3;
	v3 =	vmul.f32 v4, v5  }
0xe3: {  	v4 =	vld [tilespmem:s29+$0xFFFFFFC0]  }
0xe4: {  	v5 =	vmul.f32 v9, v7;
	[tilespmem:s14+$0x80] =	vst v3;
	v3 =	vld [tilespmem:s14+$0x90]  }
0xe5: {  	v2 =	vmul.f32 v2, v6;
	v6 =	vld [tilespmem:s29+$0x90]  }
0xe6: {  	[tilespmem:s14+$0xFFFFFF70] =	vst v5;
	v5 =	vld [tilespmem:s14+$0xFFFFFFC0];
	v7 =	vmul.f32 v8, v10  }
0xe7: {  	v8 =	vld [tilespmem:s29+$0xFFFFFF80];
	[tilespmem:s14+$0xFFFFFFF0] =	vst v2  }
0xe8: {  	v9 =	vld [tilespmem:s29+$0x0];
	[tilespmem:s14+$0x30] =	vst v7  }
0xe9: {  	v7 =	vld [tilespmem:s29+$0x40]  }
0xea: {  	v10 =	vld [tilespmem:s14+$0x0];
	v3 =	vmul.f32 v6, v3  }
0xeb: {  	v4 =	vmul.f32 v4, v5;
	v6 =	vld [tilespmem:s14+$0x40]  }
0xec: {  	v5 =	vmul.f32 v8, v11;
	v2 =	vld [tilespmem:s14+$0xFFFFFF90];
	[tilespmem:s14+$0x90] =	vst v3  }
0xed: {  	[tilespmem:s14+$0xFFFFFFC0] =	vst v4;
	v8 =	vld [tilespmem:s14+$0xFFFFFFD0]  }
0xee: {  	[tilespmem:s14+$0xFFFFFF80] =	vst v5;
	v11 =	vld [tilespmem:s29+$0xFFFFFFD0]  }
.Ltmp5:
0xef: {  	v5 =	vld [tilespmem:s29+$0xFFFFFF90];
	v4 =	vmul.f32 v9, v10;
	(pc) =	sbr.rel @p3 .LBB2_11-.Ltmp5, $4  }
0xf0: {  	v3 =	vld [tilespmem:s14+$0x10];
	v7 =	vmul.f32 v7, v6  }
0xf1: {  	[tilespmem:s14+$0x0] =	vst v4;
	v4 =	vld [tilespmem:s14+$0x50]  }
0xf2: {  	v6 =	vld [tilespmem:s29+$0x10];
	[tilespmem:s14+$0x40] =	vst v7  }
0xf3: {  	s14 =	sadd.s32 $0x140, s14;
	v8 =	vmul.f32 v11, v8;
	v7 =	vld [tilespmem:s29+$0x50]  }
0xf4: {  	s14 =	smulhi.u32 $0xAAAAAAAB, s6;
	_ =	sdelay $0x1  }
0xf5: {  	s14 =	sshrl.u32 s14, $0x2  }
0xf6: {  	s14 =	smul.u32 $0x6, s14;
	_ =	sdelay $0x1  }
0xf7: {  	v2 =	vmul.f32 v5, v2;
	s14 =	ssub.s32 s6, s14  }
0xf8: {  	[tilespmem:s28+$0xFFFFFFD0] =	vst v8;
	v3 =	vmul.f32 v6, v3;
	s6 =	sadd.s32 $0x1, s6;
	s14 =	smul.u32 $0x600, s14  }
0xf9: {  	[tilespmem:s28+$0xFFFFFF90] =	vst v2;
	v2 =	vmul.f32 v7, v4;
	p3 =	sne.s32 s6, $0xA0  }
.Ltmp6:
0xfa: {  	[tilespmem:s28+$0x10] =	vst v3;
	s14 =	sshrl.u32 s14, $0x2;
	(pc) =	sbr.rel @p3 .LBB2_6-.Ltmp6, $4  }
0xfb: {  	[tilespmem:s28+$0x50] =	vst v2;
	s14 =	sadd.s32 $0x80, s14  }
0xfc: {  	[spmem:s1] =	stream.indirect.scatter.add.f32 [tilespmem:s30], [sflag:$0x4], $0x40, s14, s10, $0xb8;
	[tilespmem:$0x1C020] =	vst v63  }
0xfd: {  	s4 =	sadd.s32 $0x1, s4  }
0xfe: {  	[spmem:s2] =	stream.indirect.scatter.add.f32 [tilespmem:s23], [sflag:$0x5], $0x1, s14, s10, $0xb8;
	[tilespmem:$0x1C020] =	vst v63  }
0xff: {  	_ =	swait.ge [sflag:s24], $0x1F40  }
0x100: {  	[sflag:s24] =	ssyncset.done $0x0  }
0x101: {  	[sflag:s24] =	ssyncadd.s32 $0xFFFFE0C0  }
0x102: {  	_ =	swait.ge [sflag:s25], $0x7D  }
0x103: {  	[sflag:s25] =	ssyncset.done $0x0  }
0x104: {  	s4 =	stileid.u32;
	[sflag:s25] =	ssyncadd.s32 $0xFFFFFF83  }
0x105: {  	s4 =	sshll.u32 s4, $0x6;
	[bflag:$0x0] =	sbarrier.arrive $0xFFFF  }
0x106: {  	s6 =	sshrl.u32 s15, $0x3;
	s4 =	sor.u32 $0x1C06, s4;
	s14 =	rddreg [dreg:$0x5]  }
0x107: {  	[hbm:s14], [sflag:s4] =	dma.local [spmem:s6], $0x340  }
0x108: {  	_ =	swait.ge [sflag:s8], $0x340  }
0x109: {  	[sflag:s8] =	ssyncset.done $0x0  }
0x10a: {  	s14 =	sshrl.u32 s16, $0x3;
	s29 =	rddreg [dreg:$0x6];
	[sflag:s8] =	ssyncadd.s32 $0xFFFFFCC0  }
0x10b: {  	[hbm:s29], [sflag:s4] =	dma.local [spmem:s14], $0x340  }
0x10c: {  	_ =	swait.ge [sflag:s8], $0x340  }
0x10d: {  	[sflag:s8] =	ssyncset.done $0x0  }
0x10e: {  	s30 =	sshrl.u32 s17, $0x3;
	s31 =	rddreg [dreg:$0x7];
	[sflag:s8] =	ssyncadd.s32 $0xFFFFFCC0  }
0x10f: {  	[hbm:s31], [sflag:s4] =	dma.local [spmem:s30], $0x340  }
0x110: {  	_ =	swait.ge [sflag:s8], $0x340  }
0x111: {  	[sflag:s8] =	ssyncset.done $0x0  }
0x112: {  	s14 =	sshrl.u32 s18, $0x3;
	s29 =	rddreg [dreg:$0x8];
	[sflag:s8] =	ssyncadd.s32 $0xFFFFFCC0  }
0x113: {  	[hbm:s29], [sflag:s4] =	dma.local [spmem:s14], $0x340  }
0x114: {  	_ =	swait.ge [sflag:s8], $0x340  }
0x115: {  	[sflag:s8] =	ssyncset.done $0x0  }
0x116: {  	s30 =	sshrl.u32 s19, $0x3;
	s31 =	rddreg [dreg:$0x9];
	[sflag:s8] =	ssyncadd.s32 $0xFFFFFCC0  }
0x117: {  	[hbm:s31], [sflag:s4] =	dma.local [spmem:s30], $0x340  }
0x118: {  	_ =	swait.ge [sflag:s8], $0x340  }
0x119: {  	[sflag:s8] =	ssyncset.done $0x0  }
0x11a: {  	s29 =	sshrl.u32 s20, $0x3;
	s30 =	rddreg [dreg:$0xa];
	[sflag:s8] =	ssyncadd.s32 $0xFFFFFCC0  }
0x11b: {  	[hbm:s30], [sflag:s4] =	dma.local [spmem:s29], $0x340  }
0x11c: {  	_ =	swait.ge [sflag:s8], $0x340  }
0x11d: {  	[sflag:s8] =	ssyncset.done $0x0  }
0x11e: {  	s6 =	sshrl.u32 @!p0 s0, $0x3;
	s14 =	rddreg [dreg:$0xd];
	[sflag:s8] =	ssyncadd.s32 $0xFFFFFCC0  }
0x11f: {  	[hbm:s14], [sflag:s4] =	dma.local @!p0 [spmem:s6], $0x80  }
0x120: {  	s4 =	simm.s32 @!p0 $0x6  }
0x121: {  	_ =	swait.ge @!p0 [sflag:s4], $0x80  }
0x122: {  	[sflag:s4] =	ssyncset.done @!p0 $0x0  }
0x123: {  	s6 =	rddreg [dreg:$0xe];
	[sflag:s4] =	ssyncadd.s32 @!p0 $0xFFFFFF80;
	s4 =	simm.s32 @p1 $0x1B9C0  }
0x124: {  	[tilespmem:s4], [sflag:$0x6] =	stream.linear.gather @p1 [spmem:s6], $0x3E8, $0x38;
	[tilespmem:$0x1C020] =	vst v63  }
0x125: {  	s6 =	simm.s32 @p1 $0x6  }
0x126: {  	_ =	swait.ge @p1 [sflag:s6], $0x3E8  }
0x127: {  	[sflag:s6] =	ssyncset.done @p1 $0x0  }
0x128: {  	s14 =	simm.s32 @p1 $0x0;
	s28 =	rddreg [dreg:$0xf];
	[sflag:s6] =	ssyncadd.s32 @p1 $0xFFFFFC18  }
0x129: {  	[hbm4b:s28+s14] =	stream.linear.scatter @p1 [tilespmem:s4], [sflag:$0x6], $0x3E8, $0x38;
	[tilespmem:$0x1C020] =	vst v63  }
0x12a: {  	_ =	swait.ge @p1 [sflag:s6], $0x3E8  }
0x12b: {  	s26 =	sadd.s32 $0x1, s26;
	s31 =	rddreg [dreg:$0x10]  }
0x12c: {  	p3 =	sne.s32 s26, s31  }
.Ltmp7:
0x12d: {  	_ = 	snop;
	(pc) =	sbr.rel @p3 .LBB2_1-.Ltmp7, $3  }
0x12e: {  	_ =	sdelay $0x1  }
0x12f: {  	[sflag:s6] =	ssyncset.done @p1 $0x0  }
0x130: {  	s28 =	simm.s32 $0x180;
	[sflag:s6] =	ssyncadd.s32 @p1 $0xFFFFFC18  }
0x131: {  	_ =	sfence.sel $0x180000  }
0x132: {  	[bflag:$0x0] =	sbarrier.arrive $0xFFFF  }
0x133: {  	_ =	strace $0x90000047  }
0x134: {  	[bflag:$0x2] =	sbarrier.arrive $0xFFFF  }
0x135: {  	s0 =	rddreg [dreg:$0x4]  }
0x136: {  	s0 =	sadd.s32 @!p0 $0x100000, s0  }
0x137: {  	[sflag:s0] =	ssyncadd.tile.s32 @!p0 $0x1;
	_ =	shalt  }
.Lfunc_end2:
_tile_overlayer_lowered:
.L_overlay_start_2:
0x138: {  	(tag) =	ssettag $0x2  }
0x139: {  	s0 =	rddreg [dreg:$0x0];
	s2 =	stileid.u32  }
0x13a: {  	s1 =	rddreg [dreg:$0x1];
	p0 =	sne.s32 s2, $0x0  }
0x13b: {  	s3 =	rddreg [dreg:$0x2];
	[bflag:$0x3] =	sbarrier.arrive $0xFFFF;
	s2 =	simm.s32 @!p0 $0x1C06  }
0x13c: {  	[timem:s3], [sflag:s2] =	dma.local @!p0 [hbm:s0], s1  }
0x13d: {  	s0 =	simm.s32 @!p0 $0x6  }
0x13e: {  	_ =	swait.ge @!p0 [sflag:s0], s1  }
0x13f: {  	s1 =	ssub.s32 @!p0 $0x0, s1;
	[sflag:s0] =	ssyncset.done @!p0 $0x0  }
0x140: {  	[sflag:s0] =	ssyncadd.s32 @!p0 s1  }
0x141: {  	[bflag:$0x3] =	sbarrier.arrive $0xFFFF  }
0x142: {  	_ =	shalt  }

// kernel: kernel.9.cloned.1.call-start
scs
__scs_entry_jumppad:
0x0: {  	(pc) =	sbr.rel $0x88, $3  }
0x1: {  	(tag) =	ssettag $0x0;
	lr =	simm.s32 $0x1  }
0x2: {  	[smem:$0x3F97] =	sst lr;
	_ =	strace $0xD0000000  }
0x3: {  	_ = 	snop  }
0x4: {  	_ = 	snop  }
0x5: {  	_ = 	snop  }
0x6: {  	_ = 	snop  }
0x7: {  	_ = 	snop  }
__scs_overlays_trampoline_lowered:
0x8: {  	[smem:$0x3FA6] =	sst s0  }
0x9: {  	[smem:$0x3FA7] =	sst s1  }
0xa: {  	[smem:$0x3FA8] =	sst s2  }
0xb: {  	[smem:$0x3FA9] =	sst s3  }
0xc: {  	[smem:$0x3FAA] =	sst s4  }
0xd: {  	[smem:$0x3FAB] =	sst s5  }
0xe: {  	[smem:$0x3FAC] =	sst s6  }
0xf: {  	[smem:$0x3FAD] =	sst s7  }
0x10: {  	[smem:$0x3FAE] =	sst s8  }
0x11: {  	[smem:$0x3FAF] =	sst s9;
	s0 =	simm.s32 @!p0 $0x0  }
0x12: {  	s1 =	sld [smem:$0x3F95];
	s0 =	simm.s32 @p0 $0x1  }
0x13: {  	[smem:$0x3FB0] =	sst s0;
	s0 =	simm.s32 @!p1 $0x0  }
0x14: {  	s2 =	sld [smem:$0x3F94];
	s0 =	simm.s32 @p1 $0x1  }
0x15: {  	[smem:$0x3FB1] =	sst s0;
	s0 =	simm.s32 @!p2 $0x0  }
0x16: {  	s3 =	sld [smem:$0x3FDB];
	s0 =	simm.s32 @p2 $0x1  }
0x17: {  	s4 =	simm.s32 $0x1BF5;
	[smem:$0x3FB3] =	sst s0  }
0x18: {  	s0 =	sld [smem:$0x3F96];
	_ =	swait.ge [sflag:s4], $0x0  }
0x19: {  	s7 =	sld [smem:$0x3F97]  }
0x1a: {  	s8 =	sadd.s32 $0xFFFFE003, lr  }
0x1b: {  	s9 =	sadd.s32 $0xFFFFFEF7, lr;
	s5 =	simm.s32 $0xFFFFFFFF;
	p2 =	slt.u32 s8, $0xFFFFF086  }
0x1c: {  	p1 =	slt.u32 s9, $0xF7A;
	s5 =	simm.s32 @!p2 $0x0  }
0x1d: {  	s5 =	simm.s32 @p1 $0x1;
	p0 =	seq.s32 s7, s2  }
0x1e: {  	s7 =	smul.u32 @!p0 $0xF7A, s2;
	p2 =	seq.s32 @!p0 s5, $0x0  }
0x1f: {  	s9 =	smul.u32 $0xF7A, s1;
	s8 =	simm.s32 @!p0 $0x1BF5;
	p2 =	por !p2, p0  }
0x20: {  	[sflag:s8] =	ssyncset.s32 @!p0 $0xFFFFF086;
	s6 =	sadd.s32 @!p0 s3, s7;
	s7 =	simm.s32 @!p0 $0x108  }
0x21: {  	s3 =	sadd.s32 s3, s9;
	s6 =	sadd.s32 @!p0 $0x88, s6;
	s7 =	simm.s32 @p2 $0x1082  }
0x22: {  	[simem:s7], [sflag:s8] =	dma.local @!p0 [hbm:s6], $0xF7A  }
0x23: {  	s9 =	sor.u32 $0xD0000000, s2;
	s6 =	simm.s32 $0x108;
	_ =	swait.ge @!p0 [sflag:s8], $0x0  }
0x24: {  	s3 =	sadd.s32 $0x88, s3;
	s6 =	simm.s32 @!p1 $0x1082;
	[sflag:s4] =	ssyncset.s32 $0xFFFFF086  }
0x25: {  	[simem:s6], [sflag:s4] =	dma.local [hbm:s3], $0xF7A  }
0x26: {  	[smem:$0x3F97] =	sst s1;
	(tag) =	ssettag s2;
	_ =	strace s9  }
0x27: {  	s1 =	sld [smem:$0x3FA7]  }
0x28: {  	s2 =	sld [smem:$0x3FA8]  }
0x29: {  	s4 =	sld [smem:$0x3FAA]  }
0x2a: {  	p0 =	seq.s32 s5, $0x0;
	s5 =	sld [smem:$0x3FAB]  }
0x2b: {  	s6 =	sld [smem:$0x3FAC]  }
0x2c: {  	s7 =	sld [smem:$0x3FAD]  }
0x2d: {  	s3 =	simm.s32 $0x108;
	s8 =	sld [smem:$0x3FAE]  }
0x2e: {  	s3 =	simm.s32 @!p0 $0x1082;
	s9 =	sld [smem:$0x3FAF]  }
0x2f: {  	lr =	sadd.s32 s0, s3;
	s0 =	sld [smem:$0x3FA6]  }
0x30: {  	s3 =	sld [smem:$0x3FA9]  }
0x31: {  	[smem:$0x3FB2] =	sst s10  }
0x32: {  	s10 =	sld [smem:$0x3FB0];
	_ =	sdelay $0x3  }
0x33: {  	p0 =	seq.s32 s10, $0x1;
	s10 =	sld [smem:$0x3FB2];
	_ =	sdelay $0x3  }
0x34: {  	[smem:$0x3FB2] =	sst s10  }
0x35: {  	s10 =	sld [smem:$0x3FB1];
	_ =	sdelay $0x3  }
0x36: {  	p1 =	seq.s32 s10, $0x1;
	s10 =	sld [smem:$0x3FB2];
	_ =	sdelay $0x3  }
0x37: {  	[smem:$0x3FB2] =	sst s10  }
0x38: {  	s10 =	sld [smem:$0x3FB3]  }
0x39: {  	_ = 	snop;
	(pc) =	sbr.ind lr, $3  }
0x3a: {  	_ = 	snop  }
0x3b: {  	_ = 	snop  }
0x3c: {  	p2 =	seq.s32 s10, $0x1;
	s10 =	sld [smem:$0x3FB2]  }
0x3d: {  	_ =	shalt  }
0x3e: {  	_ =	shalt  }
0x3f: {  	_ =	shalt  }
0x40: {  	_ =	shalt  }
0x41: {  	_ =	shalt  }
0x42: {  	_ =	shalt  }
0x43: {  	_ =	shalt  }
0x44: {  	_ =	shalt  }
0x45: {  	_ =	shalt  }
0x46: {  	_ =	shalt  }
0x47: {  	_ =	shalt  }
0x48: {  	_ =	shalt  }
0x49: {  	_ =	shalt  }
0x4a: {  	_ =	shalt  }
0x4b: {  	_ =	shalt  }
0x4c: {  	_ =	shalt  }
0x4d: {  	_ =	shalt  }
0x4e: {  	_ =	shalt  }
0x4f: {  	_ =	shalt  }
0x50: {  	_ =	shalt  }
0x51: {  	_ =	shalt  }
0x52: {  	_ =	shalt  }
0x53: {  	_ =	shalt  }
0x54: {  	_ =	shalt  }
0x55: {  	_ =	shalt  }
0x56: {  	_ =	shalt  }
0x57: {  	_ =	shalt  }
0x58: {  	_ =	shalt  }
0x59: {  	_ =	shalt  }
0x5a: {  	_ =	shalt  }
0x5b: {  	_ =	shalt  }
0x5c: {  	_ =	shalt  }
0x5d: {  	_ =	shalt  }
0x5e: {  	_ =	shalt  }
0x5f: {  	_ =	shalt  }
0x60: {  	_ =	shalt  }
0x61: {  	_ =	shalt  }
0x62: {  	_ =	shalt  }
0x63: {  	_ =	shalt  }
0x64: {  	_ =	shalt  }
0x65: {  	_ =	shalt  }
0x66: {  	_ =	shalt  }
0x67: {  	_ =	shalt  }
0x68: {  	_ =	shalt  }
0x69: {  	_ =	shalt  }
0x6a: {  	_ =	shalt  }
0x6b: {  	_ =	shalt  }
0x6c: {  	_ =	shalt  }
0x6d: {  	_ =	shalt  }
0x6e: {  	_ =	shalt  }
0x6f: {  	_ =	shalt  }
0x70: {  	_ =	shalt  }
0x71: {  	_ =	shalt  }
0x72: {  	_ =	shalt  }
0x73: {  	_ =	shalt  }
0x74: {  	_ =	shalt  }
0x75: {  	_ =	shalt  }
0x76: {  	_ =	shalt  }
0x77: {  	_ =	shalt  }
0x78: {  	_ =	shalt  }
0x79: {  	_ =	shalt  }
0x7a: {  	_ =	shalt  }
0x7b: {  	_ =	shalt  }
0x7c: {  	_ =	shalt  }
0x7d: {  	_ =	shalt  }
0x7e: {  	_ =	shalt  }
0x7f: {  	_ =	shalt  }
0x80: {  	_ =	shalt  }
0x81: {  	_ =	shalt  }
0x82: {  	_ =	shalt  }
0x83: {  	_ =	shalt  }
0x84: {  	_ =	shalt  }
0x85: {  	_ =	shalt  }
0x86: {  	_ =	shalt  }
0x87: {  	_ =	shalt  }
.Lfunc_end0:
.L_simem_size_0:
called_computation.1_lowered:
.L_overlay_start_0:
0x88: {  	s2 =	sld [smem:$0x3FD9]  }
0x89: {  	s3 =	sld [smem:$0x3FFE];
	_ =	sdelay $0x1  }
0x8a: {  	s1 =	srdreg.scid  }
0x8b: {  	s0 =	sand.u32 $0x1, s1  }
0x8c: {  	s14 =	sshll.u32 s0, $0xA;
	s2 =	sadd.s32 s3, s2  }
0x8d: {  	s2 =	sadd.s32 s2, s14  }
0x8e: {  	[smem:$0x3FBE] =	sst s2  }
0x8f: {  	_ = 	snop  }
0x90: {  	s2 =	sld [smem:$0x3FD0];
	_ =	sdelay $0x2  }
0x91: {  	s15 =	simm.s32 $0xA;
	s4 =	simm.s32 $0x10  }
0x92: {  	[smem:s4], [sflag:s15] =	dma.local [hbm:s2], $0x1  }
0x93: {  	_ =	swait.eq [sflag:s15], $0x1  }
0x94: {  	[sflag:s15] =	ssyncset.done $0x0  }
0x95: {  	[sflag:s15] =	ssyncadd.s32 $0xFFFFFFFF  }
0x96: {  	s16 =	sld [smem:$0x10];
	(tm) =	ssettm $0x1  }
0x97: {  	s17 =	sld [smem:$0x3FFB];
	_ =	sdelay $0x3  }
0x98: {  	_ =	strace s17  }
0x99: {  	s3 =	sld [smem:$0x3FFC];
	_ =	sdelay $0x3  }
0x9a: {  	_ =	strace s3  }
0x9b: {  	s3 =	sld [smem:$0x3FFD];
	_ =	sdelay $0x3  }
0x9c: {  	_ =	strace s3  }
0x9d: {  	_ =	strace $0x8FFFFFFF  }
0x9e: {  	s18 =	sld [smem:$0x3FDB];
	_ =	sdelay $0x1  }
0x9f: {  	s19 =	simm.s32 $_scs_section_size  }
0xa0: {  	s5 =	simm.s32 $_size__tile_overlayer_lowered;
	s6 =	simm.s32 $_tile_overlayer_lowered  }
0xa1: {  	s22 =	simm.s32 $0x1BFF;
	s21 =	sshll.u32 s6, $0x1;
	s3 =	sadd.s32 s19, s18  }
0xa2: {  	s7 =	simm.s32 $0x0;
	s20 =	sshll.u32 s5, $0x1;
	s5 =	sadd.s32 s21, s3  }
0xa3: {  	[timem:s7], [sflag:s22] =	dma.local [hbm:s5], s20  }
0xa4: {  	_ =	swait.ge [sflag:s22], s20  }
0xa5: {  	s4 =	ssub.s32 $0x0, s20;
	[sflag:s22] =	ssyncset.done $0x0  }
0xa6: {  	[sflag:s22] =	ssyncadd.s32 s4;
	_ =	sdelay $0x1  }
0xa7: {  	s23 =	simm.s32 $0x1B8B  }
0xa8: {  	_ =	swait.ge [sflag:s23], $0x1  }
0xa9: {  	[sflag:s23] =	ssyncset.done $0x0  }
0xaa: {  	s25 =	simm.s32 $0x1B8E;
	s24 =	sld [smem:$0x3FFE];
	[sflag:s23] =	ssyncadd.s32 $0xFFFFFFFF  }
0xab: {  	s26 =	simm.s32 $execute0_lowered;
	[smem:$0x3FD2] =	sst s25  }
0xac: {  	s5 =	sshll.u32 s26, $0x1;
	_ =	strace $0x80000049;
	[dreg:$0x1] =	wrdreg $0xFFFFFFFF  }
0xad: {  	s28 =	simm.s32 $_size_execute0_lowered;
	s3 =	sadd.s32 s3, s5;
	[dreg:$0x0] =	wrdreg $0x0  }
0xae: {  	s5 =	sshll.u32 s28, $0x1;
	[dreg:$0x2] =	wrdreg s3  }
0xaf: {  	[dreg:$0x3] =	wrdreg s5  }
0xb0: {  	[dreg:$0x4] =	wrdreg $0xC0  }
0xb1: {  	_ =	task [dreg:s7], $0x5FFFF  }
0xb2: {  	[dreg:$0x1] =	wrdreg $0xFFFFFFFF  }
0xb3: {  	[dreg:$0x0] =	wrdreg $0x60  }
0xb4: {  	[dreg:$0x2] =	wrdreg s16  }
0xb5: {  	[dreg:$0x3] =	wrdreg s24  }
0xb6: {  	[dreg:$0x4] =	wrdreg $0x11D000  }
0xb7: {  	[dreg:$0x5] =	wrdreg $0x9  }
0xb8: {  	_ =	task.clear_ibuf [dreg:s7], $0x6FFFF;
	_ =	strace $0x90000049  }
0xb9: {  	s29 =	simm.s32 $0x9;
	_ =	strace $0x8000004B  }
0xba: {  	_ =	swait.ge [sflag:s29], $0x1  }
0xbb: {  	[sflag:s29] =	ssyncadd.s32 $0xFFFFFFFF  }
0xbc: {  	_ =	strace $0x9000004B  }
0xbd: {  	_ =	sfence  }
0xbe: {  	s30 =	sld [smem:$0x0];
	_ =	sdelay $0x2  }
0xbf: {  	s31 =	sshll.u32 s1, $0xD;
	s1 =	sshrl.u32 s1, $0x2  }
0xc0: {  	s3 =	sand.u32 $0x4000, s31;
	s1 =	sadd.s32 s1, s30  }
0xc1: {  	s0 =	sor.u32 s3, s0;
	s1 =	sshll.u32 s1, $0x11  }
0xc2: {  	s0 =	sor.u32 s1, s0  }
0xc3: {  	s0 =	sadd.s32 $0x8F2B, s0  }
0xc4: {  	[sflag:s0] =	ssyncadd.remote.s32 $0x1  }
0xc5: {  	_ =	sfence.sel $0xFFFF  }
0xc6: {  	[dreg:$0x0] =	wrdreg $0xFFFFFFFF;
	(pc) =	sbr.abs _section_cstart, $3  }
0xc7: {  	[dreg:$0x1] =	wrdreg $0xFFFFFFFF  }
0xc8: {  	_ =	task.clear_ibuf [dreg:s7], $0x2FFFF;
	_ =	strace $0x9FFFFFFF  }
0xc9: {  	(tm) =	ssettm $0x7FFFFFFF  }
tec
execute0_lowered:
.L_overlay_start_1:
0x0: {  	(tag) =	ssettag $0x1  }
0x1: {  	s0 =	rddreg [dreg:$0x0]  }
0x2: {  	s3 =	rddreg [dreg:$0x1]  }
0x3: {  	s1 =	rddreg [dreg:$0x2];
	s2 =	simm.s32 $0x0;
	s4 =	srdreg.scid  }
0x4: {  	s24 =	stileid.u32;
	s31 =	simm.s32 $0x5;
	s7 =	sand.u32 $0x1, s4  }
0x5: {  	[smem:$0x7FF] =	sst s2;
	s4 =	smul.u32 $0xF000, s24;
	s5 =	sshll.u32 s7, $0xC  }
0x6: {  	p0 =	sne.s32 s24, $0x0;
	s6 =	ssub.s32 $0x2, s7;
	s8 =	sadd.s32 s5, s3  }
0x7: {  	s5 =	sadd.s32 $0x5200, s3;
	s9 =	sshrl.u32 s6, $0x1;
	s10 =	sshrl.u32 s4, $0x3  }
0x8: {  	s28 =	sadd.s32 $0x9C000, s1;
	s11 =	ssub.s32 s6, s9;
	s6 =	sadd.s32 s5, s10  }
0x9: {  	_ =	strace $0x8000004A;
	s7 =	smul.u32 $0x9C400, s7;
	s17 =	sadd.s32 $0x30, s6  }
0xa: {  	s10 =	smul.u32 $0x9C00, s24;
	s18 =	sadd.s32 $0x60, s6;
	[dreg:$0x4] =	wrdreg s17  }
0xb: {  	s3 =	sadd.s32 $0x23200, s3;
	s30 =	sadd.s32 $0x90, s6;
	[dreg:$0x5] =	wrdreg s18  }
0xc: {  	s12 =	sadd.s32 $0x1A00, s10;
	s13 =	sadd.s32 $0x3400, s10;
	s14 =	sadd.s32 $0x4E00, s10  }
0xd: {  	s15 =	sadd.s32 $0x6800, s10;
	s16 =	sadd.s32 $0x8200, s10;
	s17 =	sshrl.u32 s7, $0x3  }
0xe: {  	s19 =	sadd.s32 s10, s7;
	[dreg:$0xc] =	wrdreg s30;
	s9 =	sadd.s32 s0, s17  }
0xf: {  	s18 =	sadd.s32 s7, s12;
	s0 =	sshrl.u32 s19, $0x3;
	s19 =	sadd.s32 s7, s13  }
0x10: {  	s22 =	sadd.s32 s7, s14;
	s23 =	sadd.s32 s7, s15;
	s7 =	sadd.s32 s7, s16  }
0x11: {  	s29 =	sadd.s32 s3, s17;
	s17 =	sadd.s32 s10, s1;
	s10 =	simm.s32 $0x3  }
0x12: {  	s18 =	sshrl.u32 s18, $0x3;
	s0 =	sadd.s32 s3, s0;
	s21 =	sshrl.u32 s19, $0x3  }
0x13: {  	s26 =	sshrl.u32 s7, $0x3;
	s19 =	sadd.s32 s13, s1;
	s7 =	simm.s32 $0x7D  }
0x14: {  	[dreg:$0x6] =	wrdreg s0;
	s20 =	sadd.s32 s3, s18;
	s0 =	sadd.s32 s3, s21  }
0x15: {  	s18 =	sshrl.u32 s23, $0x3;
	s21 =	sadd.s32 s15, s1;
	[dreg:$0x7] =	wrdreg s20  }
0x16: {  	s23 =	sadd.s32 $0x3200, s8;
	s8 =	simm.s32 $0x2;
	[dreg:$0x8] =	wrdreg s0  }
0x17: {  	s0 =	sshrl.u32 s22, $0x3;
	s25 =	sadd.s32 s3, s18;
	s18 =	sadd.s32 s12, s1  }
0x18: {  	s20 =	sadd.s32 s14, s1;
	s22 =	sadd.s32 s16, s1;
	s12 =	simm.s32 $0x0  }
0x19: {  	s0 =	sadd.s32 s3, s0;
	[dreg:$0xa] =	wrdreg s25;
	s25 =	smax.u32 s11, $0x1  }
0x1a: {  	s11 =	simm.s32 $0x4;
	[dreg:$0x9] =	wrdreg s0;
	s0 =	sadd.s32 s3, s26  }
0x1b: {  	s26 =	sadd.s32 $0xC0, s6;
	[dreg:$0xb] =	wrdreg s0;
	s0 =	sadd.s32 $0x13800, s29  }
0x1c: {  	v0 =	vimm.f32 $0.0e+00;
	s3 =	simm.s32 $0x10300;
	[dreg:$0xd] =	wrdreg s0;
	s0 =	simm.s32 $0x1  }
.LBB2_1:
0x1d: {  	[tilespmem:s2], [sflag:$0x1] =	stream.linear.gather [hbm4b:s6+s2], $0x180, $0x38;
	[tilespmem:$0x1B940] =	vst v63  }
0x1e: {  	s13 =	rddreg [dreg:$0x4];
	s14 =	simm.s32 $0x180  }
0x1f: {  	[tilespmem:s14], [sflag:$0x1] =	stream.linear.gather [hbm4b:s13+s2], $0x180, $0x38;
	[tilespmem:$0x1B940] =	vst v63  }
0x20: {  	s15 =	rddreg [dreg:$0x5];
	s16 =	simm.s32 $0x300  }
0x21: {  	[tilespmem:s16], [sflag:$0x1] =	stream.linear.gather [hbm4b:s15+s2], $0x180, $0x38;
	[tilespmem:$0x1B940] =	vst v63  }
0x22: {  	s24 =	rddreg [dreg:$0xc];
	s29 =	simm.s32 $0x480  }
0x23: {  	[tilespmem:s29], [sflag:$0x1] =	stream.linear.gather [hbm4b:s24+s2], $0x180, $0x38;
	[tilespmem:$0x1B940] =	vst v63  }
0x24: {  	s30 =	simm.s32 $0x600;
	s14 =	simm.s32 $0x100;
	s13 =	simm.s32 $0x0  }
0x25: {  	[tilespmem:s30], [sflag:$0x1] =	stream.linear.gather [hbm4b:s26+s2], $0x180, $0x38;
	[tilespmem:$0x1B940] =	vst v63  }
.LBB2_2:
0x26: {  	p1 =	sne.s32 s14, $0x6700;
	[tilespmem:s13+$0x10330] =	vst v0;
	s15 =	smov.u32 s14;
	s14 =	sadd.s32 $0x100, s14  }
.Ltmp0:
0x27: {  	[tilespmem:s13+$0x10320] =	vst v0;
	(pc) =	sbr.rel @p1 .LBB2_2-.Ltmp0, $3  }
0x28: {  	[tilespmem:s13+$0x10300] =	vst v0  }
0x29: {  	[tilespmem:s13+$0x10310] =	vst v0;
	_ =	sdelay $0x1  }
0x2a: {  	s13 =	sshra.s32 s15, $0x2  }
0x2b: {  	[tilespmem:s13+$0x10330] =	vst v0  }
0x2c: {  	[tilespmem:s13+$0x10320] =	vst v0  }
0x2d: {  	[tilespmem:s13+$0x10300] =	vst v0  }
0x2e: {  	[tilespmem:s13+$0x10310] =	vst v0  }
0x2f: {  	[spmem:s17] =	stream.linear.scatter [tilespmem:s3], [sflag:$0x5], $0x1A00, $0x38;
	[tilespmem:$0x1B940] =	vst v63  }
0x30: {  	_ =	swait.ge [sflag:s31], $0x1A00  }
0x31: {  	[sflag:s31] =	ssyncset.done $0x0  }
0x32: {  	[sflag:s31] =	ssyncadd.s32 $0xFFFFE600  }
0x33: {  	[spmem:s18] =	stream.linear.scatter [tilespmem:s3], [sflag:$0x5], $0x1A00, $0x38;
	[tilespmem:$0x1B940] =	vst v63  }
0x34: {  	_ =	swait.ge [sflag:s31], $0x1A00  }
0x35: {  	[sflag:s31] =	ssyncset.done $0x0  }
0x36: {  	[sflag:s31] =	ssyncadd.s32 $0xFFFFE600  }
0x37: {  	[spmem:s19] =	stream.linear.scatter [tilespmem:s3], [sflag:$0x5], $0x1A00, $0x38;
	[tilespmem:$0x1B940] =	vst v63  }
0x38: {  	_ =	swait.ge [sflag:s31], $0x1A00  }
0x39: {  	[sflag:s31] =	ssyncset.done $0x0  }
0x3a: {  	[sflag:s31] =	ssyncadd.s32 $0xFFFFE600  }
0x3b: {  	[spmem:s20] =	stream.linear.scatter [tilespmem:s3], [sflag:$0x5], $0x1A00, $0x38;
	[tilespmem:$0x1B940] =	vst v63  }
0x3c: {  	_ =	swait.ge [sflag:s31], $0x1A00  }
0x3d: {  	[sflag:s31] =	ssyncset.done $0x0  }
0x3e: {  	[sflag:s31] =	ssyncadd.s32 $0xFFFFE600  }
0x3f: {  	[spmem:s21] =	stream.linear.scatter [tilespmem:s3], [sflag:$0x5], $0x1A00, $0x38;
	[tilespmem:$0x1B940] =	vst v63  }
0x40: {  	_ =	swait.ge [sflag:s31], $0x1A00  }
0x41: {  	[sflag:s31] =	ssyncset.done $0x0  }
0x42: {  	[sflag:s31] =	ssyncadd.s32 $0xFFFFE600  }
0x43: {  	[spmem:s22] =	stream.linear.scatter [tilespmem:s3], [sflag:$0x5], $0x1A00, $0x38;
	[tilespmem:$0x1B940] =	vst v63  }
0x44: {  	_ =	swait.ge [sflag:s31], $0x1A00  }
0x45: {  	[sflag:s31] =	ssyncset.done $0x0  }
0x46: {  	s13 =	simm.s32 @!p0 $0x10300;
	[sflag:s31] =	ssyncadd.s32 $0xFFFFE600  }
0x47: {  	[spmem:s28] =	stream.linear.scatter @!p0 [tilespmem:s13], [sflag:$0x5], $0x400, $0x38;
	[tilespmem:$0x1B940] =	vst v63  }
0x48: {  	s13 =	simm.s32 @!p0 $0x5  }
0x49: {  	_ =	swait.ge @!p0 [sflag:s13], $0x400  }
0x4a: {  	[sflag:s13] =	ssyncset.done @!p0 $0x0  }
0x4b: {  	[sflag:s13] =	ssyncadd.s32 @!p0 $0xFFFFFC00  }
0x4c: {  	_ =	swait.ge [sflag:s0], $0x180  }
0x4d: {  	[sflag:s0] =	ssyncset.done $0x0  }
0x4e: {  	s14 =	simm.s32 $0x900;
	s13 =	simm.s32 $0x0;
	[sflag:s0] =	ssyncadd.s32 $0xFFFFFE80  }
0x4f: {  	[tilespmem:s14], [sflag:$0x2] =	stream.indirect.gather [hbm4b:s9+s7], $0x40, s13, s7, $0xb8;
	[tilespmem:$0x1B940] =	vst v63  }
0x50: {  	s30 =	simm.s32 $0x100;
	s15 =	simm.s32 $0x8600  }
0x51: {  	[tilespmem:s15], [sflag:$0x3] =	stream.indirect.gather [hbm4b:s23+s7], $0x40, s30, s7, $0xb8;
	[tilespmem:$0x1B940] =	vst v63  }
0x52: {  	_ =	swait.ge [sflag:s0], $0x180  }
0x53: {  	[sflag:s0] =	ssyncset.done $0x0  }
0x54: {  	s16 =	simm.s32 $0x180;
	s24 =	simm.s32 $0x2840;
	[sflag:s0] =	ssyncadd.s32 $0xFFFFFE80  }
0x55: {  	[tilespmem:s24], [sflag:$0x2] =	stream.indirect.gather [hbm4b:s9+s7], $0x40, s16, s7, $0xb8;
	[tilespmem:$0x1B940] =	vst v63  }
0x56: {  	s29 =	simm.s32 $0x280;
	s30 =	simm.s32 $0xA540  }
0x57: {  	[tilespmem:s30], [sflag:$0x3] =	stream.indirect.gather [hbm4b:s23+s7], $0x40, s29, s7, $0xb8;
	[tilespmem:$0x1B940] =	vst v63  }
0x58: {  	_ =	swait.ge [sflag:s0], $0x180  }
0x59: {  	[sflag:s0] =	ssyncset.done $0x0  }
0x5a: {  	s16 =	simm.s32 $0x300;
	s24 =	simm.s32 $0x4780;
	[sflag:s0] =	ssyncadd.s32 $0xFFFFFE80  }
0x5b: {  	[tilespmem:s24], [sflag:$0x2] =	stream.indirect.gather [hbm4b:s9+s7], $0x40, s16, s7, $0xb8;
	[tilespmem:$0x1B940] =	vst v63  }
0x5c: {  	s29 =	simm.s32 $0x400;
	s30 =	simm.s32 $0xC480  }
0x5d: {  	[tilespmem:s30], [sflag:$0x3] =	stream.indirect.gather [hbm4b:s23+s7], $0x40, s29, s7, $0xb8;
	[tilespmem:$0x1B940] =	vst v63  }
0x5e: {  	s14 =	simm.s32 $0x0;
	[bflag:$0x0] =	sbarrier.arrive $0xFFFF  }
.LBB2_4:
0x5f: {  	p1 =	seq.s32 s14, $0x0  }
0x60: {  	p2 =	sgt.u32 @!p1 s14, $0x9A  }
0x61: {  	p2 =	por p1, !p2  }
.Ltmp1:
0x62: {  	_ = 	snop;
	(pc) =	sbr.rel @!p2 .LBB2_6-.Ltmp1, $4  }
0x63: {  	s15 =	simm.s32 @!p1 $0x4  }
0x64: {  	_ =	swait.ge @!p1 [sflag:s15], $0x1F40  }
0x65: {  	[sflag:s15] =	ssyncset.done @!p1 $0x0  }
0x66: {  	[sflag:s15] =	ssyncadd.s32 @!p1 $0xFFFFE0C0  }
0x67: {  	s15 =	sadd.s32 $0x5, s14  }
0x68: {  	s16 =	smul.u32 $0xAB, s15;
	_ =	sdelay $0x1  }
0x69: {  	s16 =	sshrl.u32 s16, $0xA  }
0x6a: {  	s16 =	sand.u32 $0x3F, s16  }
0x6b: {  	s16 =	smul.u32 $0x6, s16;
	_ =	sdelay $0x1  }
0x6c: {  	s24 =	smul.u32 $0x180, s15;
	s15 =	ssub.s32 s15, s16  }
.Ltmp2:
0x6d: {  	s15 =	sand.u32 $0xFF, s15;
	(pc) =	sbr.rel .LBB2_7-.Ltmp2, $4  }
0x6e: {  	s30 =	sadd.s32 s4, s24;
	s15 =	smul.u32 $0x600, s15  }
0x6f: {  	s16 =	sshrl.u32 s30, $0x3  }
0x70: {  	s16 =	sadd.s32 s5, s16;
	s15 =	sshrl.u32 s15, $0x2  }
0x71: {  	[tilespmem:s15], [sflag:$0x1] =	stream.linear.gather [hbm4b:s16+s2], $0x180, $0x38;
	[tilespmem:$0x1B940] =	vst v63  }
.LBB2_6:
0x72: {  	p1 =	sgt.u32 s14, $0x9C  }
.Ltmp3:
0x73: {  	_ = 	snop;
	(pc) =	sbr.rel @p1 .LBB2_8-.Ltmp3, $1  }
0x74: {  	_ =	sdelay $0x3  }
.LBB2_7:
0x75: {  	s15 =	sadd.s32 $0x3, s14  }
0x76: {  	s16 =	smul.u32 $0xAB, s15;
	_ =	sdelay $0x1  }
0x77: {  	s16 =	sshrl.u32 s16, $0xA  }
0x78: {  	s16 =	sand.u32 $0x3F, s16  }
0x79: {  	s16 =	smul.u32 $0x6, s16;
	_ =	sdelay $0x1  }
0x7a: {  	s16 =	ssub.s32 s15, s16;
	s15 =	sand.u32 $0x3, s15  }
0x7b: {  	s16 =	sand.u32 $0xFF, s16;
	s15 =	smul.u32 $0x1F40, s15  }
0x7c: {  	_ =	swait.ge [sflag:s0], $0x180;
	s16 =	smul.u32 $0x600, s16  }
0x7d: {  	[sflag:s0] =	ssyncset.done $0x0  }
0x7e: {  	[sflag:s0] =	ssyncadd.s32 $0xFFFFFE80;
	s24 =	sadd.s32 $0x900, s15;
	s16 =	sshrl.u32 s16, $0x2  }
0x7f: {  	[tilespmem:s24], [sflag:$0x2] =	stream.indirect.gather [hbm4b:s9+s7], $0x40, s16, s7, $0xb8;
	[tilespmem:$0x1B940] =	vst v63  }
0x80: {  	s15 =	sadd.s32 $0x8600, s15;
	s16 =	sadd.s32 $0x100, s16  }
0x81: {  	[tilespmem:s15], [sflag:$0x3] =	stream.indirect.gather [hbm4b:s23+s7], $0x40, s16, s7, $0xb8;
	[tilespmem:$0x1B940] =	vst v63  }
.LBB2_8:
0x82: {  	_ =	swait.ge [sflag:s8], $0x1F40  }
0x83: {  	s15 =	sand.u32 $0x3, s13;
	[sflag:s8] =	ssyncset.done $0x0  }
0x84: {  	s15 =	smul.u32 $0x7D00, s15;
	[sflag:s8] =	ssyncadd.s32 $0xFFFFE0C0  }
0x85: {  	_ =	swait.ge [sflag:s10], $0x1F40  }
0x86: {  	s16 =	sshrl.u32 s15, $0x2;
	[sflag:s10] =	ssyncset.done $0x0  }
0x87: {  	s15 =	sadd.s32 $0x9A0, s16;
	[sflag:s10] =	ssyncadd.s32 $0xFFFFE0C0  }
0x88: {  	s16 =	sadd.s32 $0x86A0, s16;
	v1 =	vld [tilespmem:s15+$0x60]  }
0x89: {  	v2 =	vld [tilespmem:s16+$0x60]  }
0x8a: {  	v3 =	vld [tilespmem:s16+$0xFFFFFF60]  }
0x8b: {  	v4 =	vld [tilespmem:s15+$0xFFFFFFA0]  }
0x8c: {  	v5 =	vld [tilespmem:s15+$0xFFFFFFE0]  }
0x8d: {  	v7 =	vld [tilespmem:s16+$0xFFFFFFE0]  }
0x8e: {  	v8 =	vld [tilespmem:s15+$0x20]  }
0x8f: {  	v9 =	vld [tilespmem:s15+$0xFFFFFF60]  }
0x90: {  	v1 =	vmul.f32 v2, v1;
	v2 =	vld [tilespmem:s16+$0xFFFFFFA0]  }
0x91: {  	v62 =	vld [tilespmem:s15+$0x30]  }
0x92: {  	[tilespmem:s15+$0x60] =	vst v1;
	v1 =	vld [tilespmem:s15+$0x70]  }
0x93: {  	v6 =	vld [tilespmem:s16+$0x70]  }
0x94: {  	v11 =	vld [tilespmem:s15+$0x0];
	v3 =	vmul.f32 v3, v9  }
0x95: {  	v2 =	vmul.f32 v2, v4;
	v4 =	vld [tilespmem:s16+$0x20]  }
0x96: {  	v5 =	vmul.f32 v7, v5;
	v7 =	vld [tilespmem:s15+$0xFFFFFFB0];
	[tilespmem:s15+$0xFFFFFF60] =	vst v3  }
0x97: {  	v3 =	vld [tilespmem:s16+$0xFFFFFF70];
	[tilespmem:s15+$0xFFFFFFA0] =	vst v2  }
0x98: {  	v2 =	vld [tilespmem:s16+$0xFFFFFFB0];
	v1 =	vmul.f32 v6, v1  }
0x99: {  	v6 =	vld [tilespmem:s15+$0xFFFFFF70]  }
0x9a: {  	[tilespmem:s15+$0x70] =	vst v1;
	v1 =	vmul.f32 v4, v8;
	v4 =	vld [tilespmem:s15+$0x80]  }
0x9b: {  	[tilespmem:s15+$0xFFFFFFE0] =	vst v5;
	v5 =	vld [tilespmem:s16+$0x80]  }
0x9c: {  	v8 =	vld [tilespmem:s16+$0xFFFFFFF0]  }
0x9d: {  	[tilespmem:s15+$0x20] =	vst v1;
	v2 =	vmul.f32 v2, v7;
	v7 =	vld [tilespmem:s15+$0xFFFFFFF0]  }
0x9e: {  	v1 =	vld [tilespmem:s16+$0x30]  }
0x9f: {  	v12 =	vld [tilespmem:s15+$0xFFFFFFD0];
	v3 =	vmul.f32 v3, v6  }
0xa0: {  	[tilespmem:s15+$0xFFFFFFB0] =	vst v2;
	v4 =	vmul.f32 v5, v4;
	v5 =	vld [tilespmem:s15+$0xFFFFFF80]  }
0xa1: {  	[tilespmem:s15+$0xFFFFFF70] =	vst v3;
	v2 =	vld [tilespmem:s16+$0xFFFFFFC0]  }
0xa2: {  	[tilespmem:s15+$0x80] =	vst v4;
	v4 =	vmul.f32 v8, v7;
	v7 =	vld [tilespmem:s15+$0xFFFFFFC0]  }
0xa3: {  	v3 =	vld [tilespmem:s16+$0xFFFFFF80];
	v1 =	vmul.f32 v1, v62  }
0xa4: {  	v6 =	vld [tilespmem:s15+$0x90];
	[tilespmem:s15+$0xFFFFFFF0] =	vst v4  }
0xa5: {  	[tilespmem:s15+$0x30] =	vst v1;
	v63 =	vld [tilespmem:s16+$0x0]  }
0xa6: {  	v10 =	vld [tilespmem:s16+$0x40]  }
0xa7: {  	v2 =	vmul.f32 v2, v7;
	v7 =	vld [tilespmem:s15+$0x40]  }
0xa8: {  	v8 =	vld [tilespmem:s16+$0x90];
	v3 =	vmul.f32 v3, v5  }
0xa9: {  	v1 =	vld [tilespmem:s15+$0xFFFFFF90];
	[tilespmem:s15+$0xFFFFFFC0] =	vst v2  }
0xaa: {  	[tilespmem:s15+$0xFFFFFF80] =	vst v3;
	v13 =	vld [tilespmem:s16+$0xFFFFFFD0]  }
0xab: {  	v4 =	vld [tilespmem:s16+$0xFFFFFF90];
	v3 =	vmul.f32 v63, v11  }
0xac: {  	s24 =	sand.u32 $0x3, s14;
	v2 =	vld [tilespmem:s15+$0x10];
	v7 =	vmul.f32 v10, v7  }
0xad: {  	s24 =	smul.u32 $0x1F40, s24;
	v6 =	vmul.f32 v8, v6;
	[tilespmem:s15+$0x0] =	vst v3;
	v3 =	vld [tilespmem:s15+$0x50]  }
0xae: {  	v5 =	vld [tilespmem:s16+$0x10];
	[tilespmem:s15+$0x40] =	vst v7  }
0xaf: {  	s30 =	simm.s32 $0x0;
	s29 =	sadd.s32 $0x900, s24;
	s24 =	sadd.s32 $0x140, s15;
	[tilespmem:s15+$0x90] =	vst v6;
	v7 =	vmul.f32 v13, v12;
	v6 =	vld [tilespmem:s16+$0x50]  }
.LBB2_9:
0xb0: {  	v8 =	vld [tilespmem:s24+$0x60];
	v1 =	vmul.f32 v4, v1;
	s16 =	sadd.s32 $0x140, s16  }
0xb1: {  	s30 =	sadd.s32 $0x5, s30;
	v4 =	vld [tilespmem:s16+$0x60];
	[tilespmem:s15+$0xFFFFFFD0] =	vst v7  }
0xb2: {  	p1 =	slt.u32 s30, $0x78;
	v7 =	vld [tilespmem:s16+$0xFFFFFF60];
	[tilespmem:s15+$0xFFFFFF90] =	vst v1  }
0xb3: {  	v1 =	vld [tilespmem:s24+$0xFFFFFFA0];
	v2 =	vmul.f32 v5, v2  }
0xb4: {  	v5 =	vld [tilespmem:s16+$0xFFFFFFA0];
	v3 =	vmul.f32 v6, v3  }
0xb5: {  	v6 =	vld [tilespmem:s24+$0xFFFFFFE0];
	[tilespmem:s15+$0x10] =	vst v2  }
0xb6: {  	v2 =	vld [tilespmem:s16+$0xFFFFFFE0];
	v4 =	vmul.f32 v4, v8;
	[tilespmem:s15+$0x50] =	vst v3;
	s15 =	smov.u32 s24  }
0xb7: {  	v3 =	vld [tilespmem:s24+$0x20]  }
0xb8: {  	[tilespmem:s24+$0x60] =	vst v4;
	v4 =	vld [tilespmem:s24+$0x70]  }
0xb9: {  	v1 =	vmul.f32 v5, v1;
	v5 =	vld [tilespmem:s16+$0x70]  }
0xba: {  	v8 =	vld [tilespmem:s16+$0x20]  }
0xbb: {  	v9 =	vld [tilespmem:s24+$0xFFFFFF60];
	[tilespmem:s24+$0xFFFFFFA0] =	vst v1;
	v1 =	vmul.f32 v2, v6  }
0xbc: {  	v2 =	vld [tilespmem:s16+$0xFFFFFFB0]  }
0xbd: {  	v6 =	vld [tilespmem:s24+$0xFFFFFF70];
	[tilespmem:s24+$0xFFFFFFE0] =	vst v1  }
0xbe: {  	v1 =	vld [tilespmem:s16+$0xFFFFFFF0];
	v4 =	vmul.f32 v5, v4  }
0xbf: {  	v5 =	vld [tilespmem:s24+$0xFFFFFFB0];
	v3 =	vmul.f32 v8, v3  }
0xc0: {  	v7 =	vmul.f32 v7, v9;
	[tilespmem:s24+$0x70] =	vst v4;
	v4 =	vld [tilespmem:s24+$0x80]  }
0xc1: {  	[tilespmem:s24+$0x20] =	vst v3;
	v3 =	vld [tilespmem:s16+$0x80]  }
0xc2: {  	[tilespmem:s24+$0xFFFFFF60] =	vst v7;
	v7 =	vld [tilespmem:s16+$0x30]  }
0xc3: {  	v8 =	vld [tilespmem:s16+$0xFFFFFF70]  }
0xc4: {  	v2 =	vmul.f32 v2, v5;
	v5 =	vld [tilespmem:s24+$0xFFFFFFF0]  }
0xc5: {  	v9 =	vld [tilespmem:s24+$0x30]  }
0xc6: {  	v10 =	vld [tilespmem:s24+$0xFFFFFF80];
	[tilespmem:s24+$0xFFFFFFB0] =	vst v2;
	v2 =	vmul.f32 v3, v4  }
0xc7: {  	v3 =	vld [tilespmem:s16+$0xFFFFFFC0]  }
0xc8: {  	v4 =	vmul.f32 v8, v6;
	[tilespmem:s24+$0x80] =	vst v2;
	v2 =	vld [tilespmem:s24+$0x90]  }
0xc9: {  	v1 =	vmul.f32 v1, v5;
	v5 =	vld [tilespmem:s16+$0x90]  }
0xca: {  	[tilespmem:s24+$0xFFFFFF70] =	vst v4;
	v4 =	vld [tilespmem:s24+$0xFFFFFFC0];
	v6 =	vmul.f32 v7, v9  }
0xcb: {  	v7 =	vld [tilespmem:s16+$0xFFFFFF80];
	[tilespmem:s24+$0xFFFFFFF0] =	vst v1  }
0xcc: {  	v8 =	vld [tilespmem:s16+$0x0];
	[tilespmem:s24+$0x30] =	vst v6  }
0xcd: {  	v6 =	vld [tilespmem:s16+$0x40]  }
0xce: {  	v9 =	vld [tilespmem:s24+$0x0];
	v2 =	vmul.f32 v5, v2  }
0xcf: {  	v3 =	vmul.f32 v3, v4;
	v5 =	vld [tilespmem:s24+$0x40]  }
0xd0: {  	v4 =	vmul.f32 v7, v10;
	v1 =	vld [tilespmem:s24+$0xFFFFFF90];
	[tilespmem:s24+$0x90] =	vst v2  }
0xd1: {  	[tilespmem:s24+$0xFFFFFFC0] =	vst v3;
	v7 =	vld [tilespmem:s24+$0xFFFFFFD0]  }
0xd2: {  	[tilespmem:s24+$0xFFFFFF80] =	vst v4;
	v10 =	vld [tilespmem:s16+$0xFFFFFFD0]  }
.Ltmp4:
0xd3: {  	v4 =	vld [tilespmem:s16+$0xFFFFFF90];
	v3 =	vmul.f32 v8, v9;
	(pc) =	sbr.rel @p1 .LBB2_9-.Ltmp4, $4  }
0xd4: {  	v2 =	vld [tilespmem:s24+$0x10];
	v6 =	vmul.f32 v6, v5  }
0xd5: {  	[tilespmem:s24+$0x0] =	vst v3;
	v3 =	vld [tilespmem:s24+$0x50]  }
0xd6: {  	v5 =	vld [tilespmem:s16+$0x10];
	[tilespmem:s24+$0x40] =	vst v6  }
0xd7: {  	s24 =	sadd.s32 $0x140, s24;
	v7 =	vmul.f32 v10, v7;
	v6 =	vld [tilespmem:s16+$0x50]  }
0xd8: {  	s16 =	smulhi.u32 $0xAAAAAAAB, s14;
	_ =	sdelay $0x1  }
0xd9: {  	s16 =	sshrl.u32 s16, $0x2  }
0xda: {  	s16 =	smul.u32 $0x6, s16;
	_ =	sdelay $0x1  }
0xdb: {  	s16 =	ssub.s32 s14, s16;
	s14 =	sadd.s32 $0x1, s14  }
0xdc: {  	v1 =	vmul.f32 v4, v1;
	s16 =	smul.u32 $0x600, s16;
	p1 =	sne.s32 s14, $0xA0  }
.Ltmp5:
0xdd: {  	[tilespmem:s15+$0xFFFFFFD0] =	vst v7;
	v2 =	vmul.f32 v5, v2;
	(pc) =	sbr.rel @p1 .LBB2_4-.Ltmp5, $4  }
0xde: {  	[tilespmem:s15+$0xFFFFFF90] =	vst v1;
	v1 =	vmul.f32 v6, v3  }
0xdf: {  	[tilespmem:s15+$0x10] =	vst v2;
	s16 =	sshrl.u32 s16, $0x2  }
0xe0: {  	s13 =	sadd.s32 $0x1, s13;
	[tilespmem:s15+$0x50] =	vst v1;
	s30 =	sadd.s32 $0x80, s16  }
0xe1: {  	[spmem:s1] =	stream.indirect.scatter.add.f32 [tilespmem:s29], [sflag:$0x4], $0x40, s30, s7, $0xb8;
	[tilespmem:$0x1B940] =	vst v63  }
0xe2: {  	_ =	swait.ge [sflag:s11], $0x1F40  }
0xe3: {  	[sflag:s11] =	ssyncset.done $0x0  }
0xe4: {  	s13 =	stileid.u32;
	[sflag:s11] =	ssyncadd.s32 $0xFFFFE0C0  }
0xe5: {  	s13 =	sshll.u32 s13, $0x6;
	[bflag:$0x0] =	sbarrier.arrive $0xFFFF  }
0xe6: {  	s14 =	sshrl.u32 s17, $0x3;
	s13 =	sor.u32 $0x1C05, s13;
	s15 =	rddreg [dreg:$0x6]  }
0xe7: {  	[hbm:s15], [sflag:s13] =	dma.local [spmem:s14], $0x340  }
0xe8: {  	_ =	swait.ge [sflag:s31], $0x340  }
0xe9: {  	[sflag:s31] =	ssyncset.done $0x0  }
0xea: {  	s29 =	sshrl.u32 s18, $0x3;
	s30 =	rddreg [dreg:$0x7];
	[sflag:s31] =	ssyncadd.s32 $0xFFFFFCC0  }
0xeb: {  	[hbm:s30], [sflag:s13] =	dma.local [spmem:s29], $0x340  }
0xec: {  	_ =	swait.ge [sflag:s31], $0x340  }
0xed: {  	[sflag:s31] =	ssyncset.done $0x0  }
0xee: {  	s16 =	sshrl.u32 s19, $0x3;
	s24 =	rddreg [dreg:$0x8];
	[sflag:s31] =	ssyncadd.s32 $0xFFFFFCC0  }
0xef: {  	[hbm:s24], [sflag:s13] =	dma.local [spmem:s16], $0x340  }
0xf0: {  	_ =	swait.ge [sflag:s31], $0x340  }
0xf1: {  	[sflag:s31] =	ssyncset.done $0x0  }
0xf2: {  	s29 =	sshrl.u32 s20, $0x3;
	s30 =	rddreg [dreg:$0x9];
	[sflag:s31] =	ssyncadd.s32 $0xFFFFFCC0  }
0xf3: {  	[hbm:s30], [sflag:s13] =	dma.local [spmem:s29], $0x340  }
0xf4: {  	_ =	swait.ge [sflag:s31], $0x340  }
0xf5: {  	[sflag:s31] =	ssyncset.done $0x0  }
0xf6: {  	s16 =	sshrl.u32 s21, $0x3;
	s24 =	rddreg [dreg:$0xa];
	[sflag:s31] =	ssyncadd.s32 $0xFFFFFCC0  }
0xf7: {  	[hbm:s24], [sflag:s13] =	dma.local [spmem:s16], $0x340  }
0xf8: {  	_ =	swait.ge [sflag:s31], $0x340  }
0xf9: {  	[sflag:s31] =	ssyncset.done $0x0  }
0xfa: {  	s29 =	sshrl.u32 s22, $0x3;
	s30 =	rddreg [dreg:$0xb];
	[sflag:s31] =	ssyncadd.s32 $0xFFFFFCC0  }
0xfb: {  	[hbm:s30], [sflag:s13] =	dma.local [spmem:s29], $0x340  }
0xfc: {  	s12 =	sadd.s32 $0x1, s12;
	_ =	swait.ge [sflag:s31], $0x340  }
0xfd: {  	p1 =	sne.s32 s12, s25;
	[sflag:s31] =	ssyncset.done $0x0  }
0xfe: {  	s14 =	sshrl.u32 @!p0 s28, $0x3;
	s15 =	rddreg [dreg:$0xd];
	[sflag:s31] =	ssyncadd.s32 $0xFFFFFCC0  }
0xff: {  	[hbm:s15], [sflag:s13] =	dma.local @!p0 [spmem:s14], $0x80  }
.Ltmp6:
0x100: {  	_ = 	snop;
	(pc) =	sbr.rel @p1 .LBB2_1-.Ltmp6, $4  }
0x101: {  	s13 =	simm.s32 @!p0 $0x5  }
0x102: {  	_ =	swait.ge @!p0 [sflag:s13], $0x80  }
0x103: {  	[sflag:s13] =	ssyncset.done @!p0 $0x0  }
0x104: {  	[sflag:s13] =	ssyncadd.s32 @!p0 $0xFFFFFF80  }
0x105: {  	_ =	sfence.sel $0x180000  }
0x106: {  	[bflag:$0x0] =	sbarrier.arrive $0xFFFF  }
0x107: {  	_ =	strace $0x9000004A  }
0x108: {  	[bflag:$0x2] =	sbarrier.arrive $0xFFFF  }
0x109: {  	s0 =	rddreg [dreg:$0x3]  }
0x10a: {  	s0 =	sadd.s32 @!p0 $0x100000, s0  }
0x10b: {  	[sflag:s0] =	ssyncadd.tile.s32 @!p0 $0x1;
	_ =	shalt  }
.Lfunc_end2:
_tile_overlayer_lowered:
.L_overlay_start_2:
0x10c: {  	(tag) =	ssettag $0x2  }
0x10d: {  	s0 =	rddreg [dreg:$0x0];
	s2 =	stileid.u32  }
0x10e: {  	s1 =	rddreg [dreg:$0x1];
	p0 =	sne.s32 s2, $0x0  }
0x10f: {  	s3 =	rddreg [dreg:$0x2];
	[bflag:$0x3] =	sbarrier.arrive $0xFFFF;
	s2 =	simm.s32 @!p0 $0x1C05  }
0x110: {  	[timem:s3], [sflag:s2] =	dma.local @!p0 [hbm:s0], s1  }
0x111: {  	s0 =	simm.s32 @!p0 $0x5  }
0x112: {  	_ =	swait.ge @!p0 [sflag:s0], s1  }
0x113: {  	s1 =	ssub.s32 @!p0 $0x0, s1;
	[sflag:s0] =	ssyncset.done @!p0 $0x0  }
0x114: {  	[sflag:s0] =	ssyncadd.s32 @!p0 s1  }
0x115: {  	[bflag:$0x3] =	sbarrier.arrive $0xFFFF  }
0x116: {  	_ =	shalt  }

</sc_bundles>
